<compile_context>
chip_gen: v7x
topology: tpu7x:2x2x1
jax: 0.10.2.dev20260603
libtpu: 0.0.44.dev20260713+nightly
codegen_flags: <defaults>
</compile_context>

<pallas_src>
import functools

import jax
import jax.numpy as jnp
from jax import lax
from jax.experimental import pallas as pl
from jax.experimental.pallas import tpu as pltpu
from jax.experimental.pallas import tpu_sc as plsc

N = 10000
E = 160000
D = 256
H = 256
S = 64

NP = 10240
NT = 16
NC = 2
ROWS_T = NP // NT
CHUNK = 128
EPT = 10112
NITER = EPT // CHUNK
EPAD = EPT * NT
PAD = EPAD - E
HB = 64
EPT_H = (EPAD // NC) // NT
NITER_H = EPT_H // HB



def _deg_body(d1, d2, d3, d4, ones_h, z1, out, idxb, ones_v, acc):
    c = lax.axis_index("c")
    s = lax.axis_index("s")
    pltpu.sync_copy(ones_h, ones_v)
    zoff = pl.multiple_of(s * ROWS_T, 8)
    tbase = c * (EPAD // NC) + s * EPT_H
    for k, dk in enumerate((d1, d2, d3, d4)):
        pltpu.sync_copy(z1, acc.at[pl.ds(zoff, ROWS_T)])
        plsc.subcore_barrier()

        def body(i, _, dk=dk):
            base = pl.multiple_of(tbase + i * HB, 8)
            pltpu.sync_copy(dk.at[pl.ds(base, HB)], idxb)
            pltpu.sync_copy(ones_v, acc.at[idxb], add=True)
            return 0

        lax.fori_loop(0, NITER_H, body, 0)
        plsc.subcore_barrier()
        ooff = pl.multiple_of((c * 4 + k) * NP + s * ROWS_T, 8)
        pltpu.sync_copy(acc.at[pl.ds(zoff, ROWS_T)], out.at[pl.ds(ooff, ROWS_T)])
        plsc.subcore_barrier()


@functools.cache
def _sc_kernels():
    mesh = plsc.VectorSubcoreMesh(core_axis_name="c", subcore_axis_name="s",
                                  num_cores=NC, num_subcores=NT)
    deg = pl.kernel(
        _deg_body,
        out_type=jax.ShapeDtypeStruct((NC * 4 * NP, 8), jnp.float32),
        mesh=mesh,
        scratch_types=[
            pltpu.VMEM((HB,), jnp.int32),
            pltpu.VMEM((HB, 8), jnp.float32),
            pltpu.VMEM_SHARED((NP, 8), jnp.float32),
        ],
    )
    scat = pl.kernel(
        _scat_body,
        out_type=jax.ShapeDtypeStruct((4 * NP, 128), jnp.float32),
        mesh=mesh,
        scratch_types=[
            pltpu.VMEM((CHUNK,), jnp.int32),
            pltpu.VMEM((CHUNK,), jnp.int32),
            pltpu.VMEM((CHUNK, 128), jnp.float32),
            pltpu.VMEM_SHARED((NP, 128), jnp.float32),
            pltpu.SemaphoreType.DMA,
        ],
    )
    return deg, scat


def _scat_body(hpre, sx1, d1, sx2, d2, z, out,
               idx_g, idx_d, rows, accum, sem):
    c = lax.axis_index("c")
    s = lax.axis_index("s")
    zoff = pl.multiple_of(s * ROWS_T, 8)
    for k, (sxk, dk) in enumerate(((sx1, d1), (sx2, d2))):
        pltpu.sync_copy(z, accum.at[pl.ds(zoff, ROWS_T)])
        plsc.subcore_barrier()

        def body(i, _, sxk=sxk, dk=dk):
            sbase = pl.multiple_of(c * EPAD + s * EPT + i * CHUNK, 8)
            dbase = pl.multiple_of(s * EPT + i * CHUNK, 8)
            pltpu.sync_copy(sxk.at[pl.ds(sbase, CHUNK)], idx_g)
            pltpu.sync_copy(dk.at[pl.ds(dbase, CHUNK)], idx_d)
            pltpu.async_copy(hpre.at[idx_g], rows, sem).wait()
            pltpu.sync_copy(rows, accum.at[idx_d], add=True)
            return 0

        lax.fori_loop(0, NITER, body, 0)
        plsc.subcore_barrier()
        ooff = pl.multiple_of((2 * k + c) * NP + s * ROWS_T, 8)
        pltpu.sync_copy(accum.at[pl.ds(zoff, ROWS_T)],
                        out.at[pl.ds(ooff, ROWS_T)])
        plsc.subcore_barrier()




def _k1_body(x_ref, w_ref, cnt_ref, hg_ref, hp_ref):
    deg = 1.0 + cnt_ref[0, :, 0] + cnt_ref[0, :, 1]
    dinv = lax.rsqrt(deg)
    h = jnp.dot(x_ref[...], w_ref[0], preferred_element_type=jnp.float32)
    hg_ref[0, 0] = h
    hp_ref[0, 0] = h * dinv[:, None]


def _k1(x, w2, cnt):
    bs = 1000
    grid = (2, 2, N // bs)
    return pl.pallas_call(
        _k1_body,
        grid=grid,
        in_specs=[
            pl.BlockSpec((bs, D), lambda e, c, i: (i, 0)),
            pl.BlockSpec((1, D, 128), lambda e, c, i: (e, 0, c)),
            pl.BlockSpec((1, bs, 2), lambda e, c, i: (e, i, 0)),
        ],
        out_specs=[
            pl.BlockSpec((1, 1, bs, 128), lambda e, c, i: (e, c, i, 0)),
            pl.BlockSpec((1, 1, bs, 128), lambda e, c, i: (e, c, i, 0)),
        ],
        out_shape=[
            jax.ShapeDtypeStruct((2, 2, N, 128), jnp.float32),
            jax.ShapeDtypeStruct((2, 2, N, 128), jnp.float32),
        ],
    )(x, w2, cnt)


def _gcn_cat(scat, hg, cnt_ref, bc_ref):
    outs = []
    for e in range(2):
        deg = 1.0 + cnt_ref[e, :, 0] + cnt_ref[e, :, 1]
        dinv = lax.rsqrt(deg)[:, None]
        sc = jnp.concatenate([scat[e, 0], scat[e, 1]], axis=1)
        hgc = jnp.concatenate([hg[e, 0], hg[e, 1]], axis=1)
        g = dinv * sc + (dinv * dinv) * hgc + bc_ref[e][None, :]
        outs.append(jnp.maximum(g, 0.0))
    return jnp.concatenate(outs, axis=1)


def _k2_body(scat_ref, hg_ref, cnt_ref, bc_ref, wa_ref, ba_ref, wb_ref,
             bb_ref, wc2_ref, hg2_ref, hp2_ref):
    cat = _gcn_cat(scat_ref[...], hg_ref[...], cnt_ref, bc_ref)
    u = jnp.maximum(
        jnp.dot(cat, wa_ref[...], preferred_element_type=jnp.float32)
        + ba_ref[0][None, :], 0.0)
    t = jnp.dot(u, wb_ref[...], preferred_element_type=jnp.float32) \
        + bb_ref[0][None, :]
    for e in range(2):
        deg = 1.0 + cnt_ref[e, :, 0] + cnt_ref[e, :, 1]
        dinv = lax.rsqrt(deg)[:, None]
        h2 = jnp.dot(t, wc2_ref[e], preferred_element_type=jnp.float32)
        hg2_ref[e, 0] = h2[:, :128]
        hg2_ref[e, 1] = h2[:, 128:]
        hp2_ref[e, 0] = dinv * h2[:, :128]
        hp2_ref[e, 1] = dinv * h2[:, 128:]


def _k2(scat, hg, cnt, bc, wa, ba, wb, bb, wc2):
    bs = 1000
    return pl.pallas_call(
        _k2_body,
        grid=(N // bs,),
        in_specs=[
            pl.BlockSpec((2, 2, bs, 128), lambda i: (0, 0, i, 0)),
            pl.BlockSpec((2, 2, bs, 128), lambda i: (0, 0, i, 0)),
            pl.BlockSpec((2, bs, 2), lambda i: (0, i, 0)),
            pl.BlockSpec((2, H), lambda i: (0, 0)),
            pl.BlockSpec((2 * H, H), lambda i: (0, 0)),
            pl.BlockSpec((1, H), lambda i: (0, 0)),
            pl.BlockSpec((H, H), lambda i: (0, 0)),
            pl.BlockSpec((1, H), lambda i: (0, 0)),
            pl.BlockSpec((2, H, H), lambda i: (0, 0, 0)),
        ],
        out_specs=[
            pl.BlockSpec((2, 2, bs, 128), lambda i: (0, 0, i, 0)),
            pl.BlockSpec((2, 2, bs, 128), lambda i: (0, 0, i, 0)),
        ],
        out_shape=[
            jax.ShapeDtypeStruct((2, 2, N, 128), jnp.float32),
            jax.ShapeDtypeStruct((2, 2, N, 128), jnp.float32),
        ],
    )(scat, hg, cnt, bc, wa, ba, wb, bb, wc2)


def _k3_body(scat_ref, hg_ref, cnt_ref, bc_ref, wa_ref, ba_ref, wb_ref,
             bb_ref, i1_ref, i2_ref, g1_ref, g2_ref, c1_ref, c2_ref):
    i = pl.program_id(0)
    cat = _gcn_cat(scat_ref[...], hg_ref[...], cnt_ref, bc_ref)
    u = jnp.maximum(
        jnp.dot(cat, wa_ref[...], preferred_element_type=jnp.float32)
        + ba_ref[0][None, :], 0.0)
    h = jnp.dot(u, wb_ref[...], preferred_element_type=jnp.float32) \
        + bb_ref[0][None, :]

    @pl.when(i == 0)
    def _():
        g1_ref[...] = jnp.zeros_like(g1_ref)
        g2_ref[...] = jnp.zeros_like(g2_ref)
        c1_ref[...] = jnp.zeros_like(c1_ref)
        c2_ref[...] = jnp.zeros_like(c2_ref)

    bs = h.shape[0]
    iota = lax.broadcasted_iota(jnp.int32, (S, bs), 0)
    for idx_ref, g_ref, c_ref in ((i1_ref, g1_ref, c1_ref),
                                  (i2_ref, g2_ref, c2_ref)):
        oh = (iota == idx_ref[0, 0][None, :]).astype(jnp.float32)
        g_ref[...] += jnp.dot(oh, h, preferred_element_type=jnp.float32)
        c_ref[...] += jnp.sum(oh, axis=1)[:, None]


def _k3(scat, hg, cnt, bc, wa, ba, wb, bb, i1, i2):
    bs = 1000
    return pl.pallas_call(
        _k3_body,
        grid=(N // bs,),
        in_specs=[
            pl.BlockSpec((2, 2, bs, 128), lambda i: (0, 0, i, 0)),
            pl.BlockSpec((2, 2, bs, 128), lambda i: (0, 0, i, 0)),
            pl.BlockSpec((2, bs, 2), lambda i: (0, i, 0)),
            pl.BlockSpec((2, H), lambda i: (0, 0)),
            pl.BlockSpec((2 * H, H), lambda i: (0, 0)),
            pl.BlockSpec((1, H), lambda i: (0, 0)),
            pl.BlockSpec((H, H), lambda i: (0, 0)),
            pl.BlockSpec((1, H), lambda i: (0, 0)),
            pl.BlockSpec((1, 1, bs), lambda i: (i, 0, 0)),
            pl.BlockSpec((1, 1, bs), lambda i: (i, 0, 0)),
        ],
        out_specs=[
            pl.BlockSpec((S, H), lambda i: (0, 0)),
            pl.BlockSpec((S, H), lambda i: (0, 0)),
            pl.BlockSpec((S, 128), lambda i: (0, 0)),
            pl.BlockSpec((S, 128), lambda i: (0, 0)),
        ],
        out_shape=[
            jax.ShapeDtypeStruct((S, H), jnp.float32),
            jax.ShapeDtypeStruct((S, H), jnp.float32),
            jax.ShapeDtypeStruct((S, 128), jnp.float32),
            jax.ShapeDtypeStruct((S, 128), jnp.float32),
        ],
    )(scat, hg, cnt, bc, wa, ba, wb, bb, i1, i2)


def _k4_body(g1a, g2a, c1a, c2a, g1b, g2b, c1b, c2b,
             wma, bma, wmb, bmb, wd1, bd1, wd2, bd2, wd3, bd3, out):
    def emb(g1, g2, c1, c2):
        m1 = g1[...] / jnp.maximum(c1[:, 0:1], 1.0)
        m2 = g2[...] / jnp.maximum(c2[:, 0:1], 1.0)
        u = jnp.maximum(
            jnp.dot(m1, wma[:H], preferred_element_type=jnp.float32)
            + jnp.dot(m2, wma[H:], preferred_element_type=jnp.float32)
            + bma[0][None, :], 0.0)
        v = jnp.dot(u, wmb[...], preferred_element_type=jnp.float32) \
            + bmb[0][None, :]
        return jnp.sum(v, axis=0, keepdims=True)

    z = emb(g1a, g2a, c1a, c2a) + emb(g1b, g2b, c1b, c2b)
    z = jnp.maximum(jnp.dot(z, wd1[...], preferred_element_type=jnp.float32)
                    + bd1[0][None, :], 0.0)
    z = jnp.maximum(jnp.dot(z, wd2[...], preferred_element_type=jnp.float32)
                    + bd2[0][None, :], 0.0)
    out[...] = jnp.dot(z, wd3[...], preferred_element_type=jnp.float32) \
        + bd3[0][None, :]


def _k4(args):
    return pl.pallas_call(
        _k4_body,
        out_shape=jax.ShapeDtypeStruct((1, 1), jnp.float32),
    )(*args)


def _pad_edges(ei):
    src = ei[0]
    dst = ei[1]
    pad_s = (jnp.arange(PAD, dtype=jnp.int32) % N)
    pad_d = N + (jnp.arange(PAD, dtype=jnp.int32) % (NP - N))
    src_p = jnp.concatenate([src, pad_s])
    dst_p = jnp.concatenate([dst, pad_d])
    return src_p, dst_p


def _srcx(src_p, k):
    return jnp.concatenate([src_p + (2 * k) * N, src_p + (2 * k + 1) * N])


def kernel(x1, x2, edge1_1, edge1_2, edge2_1, edge2_2, index1_1, index1_2,
           index2_1, index2_2, Wc11, bc11, Wc12, bc12, Wc21, bc21, Wc22,
           bc22, W_m1a, b_m1a, W_m1b, b_m1b, W_m2a, b_m2a, W_m2b, b_m2b,
           W_ma, b_ma, W_mb, b_mb, Wd1, bd1, Wd2, bd2, Wd3, bd3):
    f32 = jnp.float32
    sA1, dA1 = _pad_edges(edge1_1)
    sA2, dA2 = _pad_edges(edge1_2)
    sB1, dB1 = _pad_edges(edge2_1)
    sB2, dB2 = _pad_edges(edge2_2)

    ones_h = jnp.ones((HB, 8), f32)
    z1 = jnp.zeros((ROWS_T, 8), f32)
    z2 = jnp.zeros((ROWS_T, 128), f32)

    _deg_call, _scat_call = _sc_kernels()

    def counts(s1, d1, s2, d2):
        ones_r = jnp.ones((4 * N, 128), f32)
        raw = _scat_call(ones_r, _srcx(s1, 0), d1, _srcx(s2, 1), d2,
                         z2).reshape(4, NP, 128)
        zc = jnp.zeros((NP,), f32)
        return jnp.stack([jnp.stack([raw[0, :, 0], zc], -1),
                          jnp.stack([raw[2, :, 0], zc], -1)])

    cntA = counts(sA1, dA1, sA2, dA2)
    cntB = counts(sB1, dB1, sB2, dB2)

    wc1A = jnp.stack([Wc11, Wc12])
    wc2A = jnp.stack([Wc21, Wc22])
    bcA = jnp.stack([bc11, bc12])
    bc2A = jnp.stack([bc21, bc22])

    i1A = index1_1.reshape(10, 1, 1000)
    i2A = index1_2.reshape(10, 1, 1000)
    i1B = index2_1.reshape(10, 1, 1000)
    i2B = index2_2.reshape(10, 1, 1000)

    def branch(x, s1, d1, s2, d2, cntb, i1, i2):
        hg, hp = _k1(x, wc1A, cntb)
        scat1 = _scat_call(hp.reshape(4 * N, 128), _srcx(s1, 0), d1,
                           _srcx(s2, 1), d2, z2)
        hg2, hp2 = _k2(scat1.reshape(2, 2, NP, 128), hg, cntb, bcA,
                       W_m1a, b_m1a.reshape(1, H), W_m1b,
                       b_m1b.reshape(1, H), wc2A)
        scat2 = _scat_call(hp2.reshape(4 * N, 128), _srcx(s1, 0), d1,
                           _srcx(s2, 1), d2, z2)
        return _k3(scat2.reshape(2, 2, NP, 128), hg2, cntb, bc2A,
                   W_m2a, b_m2a.reshape(1, H), W_m2b,
                   b_m2b.reshape(1, H), i1, i2)

    g1a, g2a, c1a, c2a = branch(x1, sA1, dA1, sA2, dA2, cntA, i1A, i2A)
    g1b, g2b, c1b, c2b = branch(x2, sB1, dB1, sB2, dB2, cntB, i1B, i2B)

    out = _k4((g1a, g2a, c1a, c2a, g1b, g2b, c1b, c2b,
               W_ma, b_ma.reshape(1, H), W_mb, b_mb.reshape(1, 7),
               Wd1, bd1.reshape(1, 16), Wd2, bd2.reshape(1, 16),
               Wd3, bd3.reshape(1, 1)))
    return out.reshape((1,))

# --- scband reference (transcript-rebuilt; emitter-appended) ---
"""Pipeline reference for scband-net-32847909880074 (READ-ONLY COPY).

The authoritative reference and input builder live on the scoring server;
editing this copy changes nothing except your own understanding.
"""

import jax, jax.numpy as jnp
import numpy as np

N = 10000
E = 160000
D = 256
H = 256
S = 64


def gcn(x, ei, W, b):
    src = jnp.concatenate([ei[0], jnp.arange(N, dtype=ei.dtype)])
    dst = jnp.concatenate([ei[1], jnp.arange(N, dtype=ei.dtype)])
    deg = jax.ops.segment_sum(jnp.ones(src.shape[0], dtype=x.dtype), dst, num_segments=N)
    dinv = jnp.where(deg > 0, jax.lax.rsqrt(jnp.maximum(deg, 1e-12)), 0.0)
    norm = dinv[src] * dinv[dst]
    h = x @ W
    out = jax.ops.segment_sum(h[src] * norm[:, None], dst, num_segments=N)
    return out + b


def seg_mean(x, idx):
    s = jax.ops.segment_sum(x, idx, num_segments=S)
    c = jax.ops.segment_sum(jnp.ones(x.shape[0], dtype=x.dtype), idx, num_segments=S)
    return s / jnp.maximum(c, 1.0)[:, None]


def setup_inputs(seed: int = 0):
    key = jax.random.key(seed)
    ks = jax.random.split(key, 40)

    def lin(k, i, o):
        return jax.random.normal(k, (i, o), dtype=jnp.float32) * 0.05

    inp = {}
    inp["x1"] = jax.random.normal(ks[0], (N, D), dtype=jnp.float32)
    inp["x2"] = jax.random.normal(ks[1], (N, D), dtype=jnp.float32)
    inp["edge1_1"] = jax.random.randint(ks[2], (2, E), 0, N, dtype=jnp.int32)
    inp["edge1_2"] = jax.random.randint(ks[3], (2, E), 0, N, dtype=jnp.int32)
    inp["edge2_1"] = jax.random.randint(ks[4], (2, E), 0, N, dtype=jnp.int32)
    inp["edge2_2"] = jax.random.randint(ks[5], (2, E), 0, N, dtype=jnp.int32)
    inp["index1_1"] = jnp.sort(jax.random.randint(ks[6], (N,), 0, S, dtype=jnp.int32))
    inp["index1_2"] = jnp.sort(jax.random.randint(ks[7], (N,), 0, S, dtype=jnp.int32))
    inp["index2_1"] = jnp.sort(jax.random.randint(ks[8], (N,), 0, S, dtype=jnp.int32))
    inp["index2_2"] = jnp.sort(jax.random.randint(ks[9], (N,), 0, S, dtype=jnp.int32))
    inp["Wc11"] = lin(ks[10], D, H); inp["bc11"] = jnp.zeros((H,), jnp.float32)
    inp["Wc12"] = lin(ks[11], D, H); inp["bc12"] = jnp.zeros((H,), jnp.float32)
    inp["Wc21"] = lin(ks[12], H, H); inp["bc21"] = jnp.zeros((H,), jnp.float32)
    inp["Wc22"] = lin(ks[13], H, H); inp["bc22"] = jnp.zeros((H,), jnp.float32)
    inp["W_m1a"] = lin(ks[14], 2 * H, H); inp["b_m1a"] = jnp.zeros((H,), jnp.float32)
    inp["W_m1b"] = lin(ks[15], H, H); inp["b_m1b"] = jnp.zeros((H,), jnp.float32)
    inp["W_m2a"] = lin(ks[16], 2 * H, H); inp["b_m2a"] = jnp.zeros((H,), jnp.float32)
    inp["W_m2b"] = lin(ks[17], H, H); inp["b_m2b"] = jnp.zeros((H,), jnp.float32)
    inp["W_ma"] = lin(ks[18], 2 * H, H); inp["b_ma"] = jnp.zeros((H,), jnp.float32)
    inp["W_mb"] = lin(ks[19], H, 7); inp["b_mb"] = jnp.zeros((7,), jnp.float32)
    inp["Wd1"] = lin(ks[20], 7, 16); inp["bd1"] = jnp.zeros((16,), jnp.float32)
    inp["Wd2"] = lin(ks[21], 16, 16); inp["bd2"] = jnp.zeros((16,), jnp.float32)
    inp["Wd3"] = lin(ks[22], 16, 1); inp["bd3"] = jnp.zeros((1,), jnp.float32)
    return inp


def reference(x1, x2, edge1_1, edge1_2, edge2_1, edge2_2, index1_1, index1_2, index2_1, index2_2, Wc11, bc11, Wc12, bc12, Wc21, bc21, Wc22, bc22, W_m1a, b_m1a, W_m1b, b_m1b, W_m2a, b_m2a, W_m2b, b_m2b, W_ma, b_ma, W_mb, b_mb, Wd1, bd1, Wd2, bd2, Wd3, bd3):
    def branch(x, e1, e2, i1, i2):
        h1 = jax.nn.relu(gcn(x, e1, Wc11, bc11))
        h2 = jax.nn.relu(gcn(x, e2, Wc12, bc12))
        h = jnp.concatenate([h1, h2], axis=-1)
        h = jax.nn.relu(h @ W_m1a + b_m1a) @ W_m1b + b_m1b
        h1 = jax.nn.relu(gcn(h, e1, Wc21, bc21))
        h2 = jax.nn.relu(gcn(h, e2, Wc22, bc22))
        h = jnp.concatenate([h1, h2], axis=-1)
        h = jax.nn.relu(h @ W_m2a + b_m2a) @ W_m2b + b_m2b
        g1 = seg_mean(h, i1)
        g2 = seg_mean(h, i2)
        emb = jax.nn.relu(jnp.concatenate([g1, g2], axis=1) @ W_ma + b_ma) @ W_mb + b_mb
        return emb.sum(axis=0)

    e1 = branch(x1, edge1_1, edge1_2, index1_1, index1_2)
    e2 = branch(x2, edge2_1, edge2_2, index2_1, index2_2)
    z = e1 + e2
    z = jax.nn.relu(z @ Wd1 + bd1)
    z = jax.nn.relu(z @ Wd2 + bd2)
    return z @ Wd3 + bd3

if __name__ == "__main__":
    import jax
    _d = setup_inputs()
    print(jax.jit(kernel)(*tuple(_d.values())))

</pallas_src>

<mosaic_0001>
#map = affine_map<(d0, d1) -> (0, 0)>
#map1 = affine_map<(d0, d1) -> (0)>
module attributes {stable_mosaic.version = 14 : i64} {
  func.func @_scat_body(%arg0: i32, %arg1: i32, %arg2: memref<40000x128xf32, #tpu.memory_space<hbm>>, %arg3: memref<323584xi32, #tpu.memory_space<hbm>>, %arg4: memref<161792xi32, #tpu.memory_space<hbm>>, %arg5: memref<323584xi32, #tpu.memory_space<hbm>>, %arg6: memref<161792xi32, #tpu.memory_space<hbm>>, %arg7: memref<640x128xf32, #tpu.memory_space<hbm>>, %arg8: memref<40960x128xf32, #tpu.memory_space<hbm>>, %arg9: memref<128xi32, #tpu.memory_space<vmem>>, %arg10: memref<128xi32, #tpu.memory_space<vmem>>, %arg11: memref<128x128xf32, #tpu.memory_space<vmem>>, %arg12: memref<10240x128xf32, #tpu.memory_space<vmem_shared>>, %arg13: memref<!tpu.dma_semaphore, #tpu.memory_space<semaphore_mem>>) attributes {dimension_semantics = [#tpu.dimension_semantics<core_parallel>, #tpu.dimension_semantics<subcore_parallel>], iteration_bounds = array<i64: 2, 16>, scalar_prefetch = 0 : i64, scratch_operands = 5 : i64, tpu.core_type = #tpu.core_type<sc_vector_subcore>, window_params = [{transform_indices = #map}, {transform_indices = #map1}, {transform_indices = #map1}, {transform_indices = #map1}, {transform_indices = #map1}, {transform_indices = #map}, {transform_indices = #map}]} {
    %mul3A = arith.constant 640 : i32
    %mul3A_0 = arith.muli %arg1, %mul3A : i32
    %multiple_of3A = tpu.assume_multiple %mul3A_0, 8 : i32
    "tpu.region"() ({
      %run_scoped3A = tpu.sem_alloc : memref<!tpu.dma_semaphore, #tpu.memory_space<semaphore_mem>>
      %dma_start3A = arith.constant 0 : i32
      %dma_start3A_34 = tpu.memref_slice %arg12[%multiple_of3A, %dma_start3A] : memref<10240x128xf32, #tpu.memory_space<vmem_shared>> -> memref<640x128xf32, #tpu.memory_space<vmem_shared>>
      tpu.enqueue_dma source(%arg7 : memref<640x128xf32, #tpu.memory_space<hbm>>) target(%dma_start3A_34 : memref<640x128xf32, #tpu.memory_space<vmem_shared>>) target_semaphore(%run_scoped3A : memref<!tpu.dma_semaphore, #tpu.memory_space<semaphore_mem>>)
      %dma_wait3A = arith.constant 0 : i32
      %dma_wait3A_35 = tpu.memref_slice %arg12[%multiple_of3A, %dma_wait3A] : memref<10240x128xf32, #tpu.memory_space<vmem_shared>> -> memref<640x128xf32, #tpu.memory_space<vmem_shared>>
      tpu.wait_dma2 semaphore(%run_scoped3A : memref<!tpu.dma_semaphore, #tpu.memory_space<semaphore_mem>>) src(%arg7 : memref<640x128xf32, #tpu.memory_space<hbm>>) dst(%dma_wait3A_35 : memref<640x128xf32, #tpu.memory_space<vmem_shared>>)
      tpu.yield
    }) : () -> ()
    %barrier3A = arith.constant 0 : index
    tpu.barrier barrier_id(%barrier3A)
    %scan3A = arith.constant 0 : i32
    %scan3A_1 = arith.constant 0 : i32
    %scan3A_2 = arith.constant 79 : i32
    %scan3A_3 = arith.addi %scan3A_1, %scan3A_2 : i32
    %scan3A_4 = arith.constant 1 : i32
    %scan3A_5 = scf.for %scan3A_34 = %scan3A_1 to %scan3A_3 step %scan3A_4 iter_args(%scan3A_35 = %scan3A) -> (i32)  : i32 {
      %mul3A_36 = arith.constant 161792 : i32
      %mul3A_37 = arith.muli %arg0, %mul3A_36 : i32
      %mul3A_38 = arith.constant 10112 : i32
      %mul3A_39 = arith.muli %arg1, %mul3A_38 : i32
      %add3A_40 = arith.addi %mul3A_37, %mul3A_39 : i32
      %mul3A_41 = arith.constant 128 : i32
      %mul3A_42 = arith.muli %scan3A_34, %mul3A_41 : i32
      %add3A_43 = arith.addi %add3A_40, %mul3A_42 : i32
      %multiple_of3A_44 = tpu.assume_multiple %add3A_43, 8 : i32
      %mul3A_45 = arith.constant 10112 : i32
      %mul3A_46 = arith.muli %arg1, %mul3A_45 : i32
      %mul3A_47 = arith.constant 128 : i32
      %mul3A_48 = arith.muli %scan3A_34, %mul3A_47 : i32
      %add3A_49 = arith.addi %mul3A_46, %mul3A_48 : i32
      %multiple_of3A_50 = tpu.assume_multiple %add3A_49, 8 : i32
      "tpu.region"() ({
        %run_scoped3A = tpu.sem_alloc : memref<!tpu.dma_semaphore, #tpu.memory_space<semaphore_mem>>
        %dma_start3A_56 = tpu.memref_slice %arg3[%multiple_of3A_44] : memref<323584xi32, #tpu.memory_space<hbm>> -> memref<128xi32, #tpu.memory_space<hbm>>
        %dma_start3A_57 = tpu.memref_slice %arg3[%multiple_of3A_44] : memref<323584xi32, #tpu.memory_space<hbm>> -> memref<128xi32, #tpu.memory_space<hbm>>
        tpu.enqueue_dma source(%dma_start3A_57 : memref<128xi32, #tpu.memory_space<hbm>>) target(%arg9 : memref<128xi32, #tpu.memory_space<vmem>>) target_semaphore(%run_scoped3A : memref<!tpu.dma_semaphore, #tpu.memory_space<semaphore_mem>>)
        %dma_wait3A_58 = tpu.memref_slice %arg3[%multiple_of3A_44] : memref<323584xi32, #tpu.memory_space<hbm>> -> memref<128xi32, #tpu.memory_space<hbm>>
        %dma_wait3A_59 = tpu.memref_slice %arg3[%multiple_of3A_44] : memref<323584xi32, #tpu.memory_space<hbm>> -> memref<128xi32, #tpu.memory_space<hbm>>
        tpu.wait_dma2 semaphore(%run_scoped3A : memref<!tpu.dma_semaphore, #tpu.memory_space<semaphore_mem>>) src(%dma_wait3A_59 : memref<128xi32, #tpu.memory_space<hbm>>) dst(%arg9 : memref<128xi32, #tpu.memory_space<vmem>>)
        tpu.yield
      }) : () -> ()
      "tpu.region"() ({
        %run_scoped3A = tpu.sem_alloc : memref<!tpu.dma_semaphore, #tpu.memory_space<semaphore_mem>>
        %dma_start3A_56 = tpu.memref_slice %arg4[%multiple_of3A_50] : memref<161792xi32, #tpu.memory_space<hbm>> -> memref<128xi32, #tpu.memory_space<hbm>>
        %dma_start3A_57 = tpu.memref_slice %arg4[%multiple_of3A_50] : memref<161792xi32, #tpu.memory_space<hbm>> -> memref<128xi32, #tpu.memory_space<hbm>>
        tpu.enqueue_dma source(%dma_start3A_57 : memref<128xi32, #tpu.memory_space<hbm>>) target(%arg10 : memref<128xi32, #tpu.memory_space<vmem>>) target_semaphore(%run_scoped3A : memref<!tpu.dma_semaphore, #tpu.memory_space<semaphore_mem>>)
        %dma_wait3A_58 = tpu.memref_slice %arg4[%multiple_of3A_50] : memref<161792xi32, #tpu.memory_space<hbm>> -> memref<128xi32, #tpu.memory_space<hbm>>
        %dma_wait3A_59 = tpu.memref_slice %arg4[%multiple_of3A_50] : memref<161792xi32, #tpu.memory_space<hbm>> -> memref<128xi32, #tpu.memory_space<hbm>>
        tpu.wait_dma2 semaphore(%run_scoped3A : memref<!tpu.dma_semaphore, #tpu.memory_space<semaphore_mem>>) src(%dma_wait3A_59 : memref<128xi32, #tpu.memory_space<hbm>>) dst(%arg10 : memref<128xi32, #tpu.memory_space<vmem>>)
        tpu.yield
      }) : () -> ()
      %dma_start3A = arith.constant 0 : i32
      %dma_start3A_51 = arith.constant 0 : i32
      %dma_start3A_52 = tpu.memref_slice %arg2[%dma_start3A, %dma_start3A_51] : memref<40000x128xf32, #tpu.memory_space<hbm>> -> memref<40000x128xf32, #tpu.memory_space<hbm>>
      tpu.enqueue_indirect_dma source(%dma_start3A_52 : memref<40000x128xf32, #tpu.memory_space<hbm>>) target(%arg11 : memref<128x128xf32, #tpu.memory_space<vmem>>) offsets(%arg9 : memref<128xi32, #tpu.memory_space<vmem>>) semaphore(%arg13 : memref<!tpu.dma_semaphore, #tpu.memory_space<semaphore_mem>>)
      %dma_wait3A = arith.constant 0 : i32
      %dma_wait3A_53 = arith.constant 0 : i32
      %dma_wait3A_54 = tpu.memref_slice %arg2[%dma_wait3A, %dma_wait3A_53] : memref<40000x128xf32, #tpu.memory_space<hbm>> -> memref<40000x128xf32, #tpu.memory_space<hbm>>
      tpu.wait_indirect_dma semaphore(%arg13 : memref<!tpu.dma_semaphore, #tpu.memory_space<semaphore_mem>>) src(%dma_wait3A_54 : memref<40000x128xf32, #tpu.memory_space<hbm>>) dst(%arg11 : memref<128x128xf32, #tpu.memory_space<vmem>>)
      "tpu.region"() ({
        %run_scoped3A = tpu.sem_alloc : memref<!tpu.dma_semaphore, #tpu.memory_space<semaphore_mem>>
        %dma_start3A_56 = arith.constant 0 : i32
        %dma_start3A_57 = arith.constant 0 : i32
        %dma_start3A_58 = tpu.memref_slice %arg12[%dma_start3A_56, %dma_start3A_57] : memref<10240x128xf32, #tpu.memory_space<vmem_shared>> -> memref<10240x128xf32, #tpu.memory_space<vmem_shared>>
        tpu.enqueue_indirect_dma source(%arg11 : memref<128x128xf32, #tpu.memory_space<vmem>>) target(%dma_start3A_58 : memref<10240x128xf32, #tpu.memory_space<vmem_shared>>) offsets(%arg10 : memref<128xi32, #tpu.memory_space<vmem>>) semaphore(%run_scoped3A : memref<!tpu.dma_semaphore, #tpu.memory_space<semaphore_mem>>) {add = true}
        %dma_wait3A_59 = arith.constant 0 : i32
        %dma_wait3A_60 = arith.constant 0 : i32
        %dma_wait3A_61 = tpu.memref_slice %arg12[%dma_wait3A_59, %dma_wait3A_60] : memref<10240x128xf32, #tpu.memory_space<vmem_shared>> -> memref<10240x128xf32, #tpu.memory_space<vmem_shared>>
        tpu.wait_indirect_dma semaphore(%run_scoped3A : memref<!tpu.dma_semaphore, #tpu.memory_space<semaphore_mem>>) src(%arg11 : memref<128x128xf32, #tpu.memory_space<vmem>>) dst(%dma_wait3A_61 : memref<10240x128xf32, #tpu.memory_space<vmem_shared>>)
        tpu.yield
      }) : () -> ()
      %scan3A_55 = arith.constant 0 : i32
      scf.yield %scan3A_55 : i32
    }
    %scan3A_6 = arith.constant 79 : i32
    %barrier3A_7 = arith.constant 0 : index
    tpu.barrier barrier_id(%barrier3A_7)
    %add3A = arith.constant 0 : i32
    %add3A_8 = arith.addi %add3A, %arg0 : i32
    %mul3A_9 = arith.constant 10240 : i32
    %mul3A_10 = arith.muli %add3A_8, %mul3A_9 : i32
    %mul3A_11 = arith.constant 640 : i32
    %mul3A_12 = arith.muli %arg1, %mul3A_11 : i32
    %add3A_13 = arith.addi %mul3A_10, %mul3A_12 : i32
    %multiple_of3A_14 = tpu.assume_multiple %add3A_13, 8 : i32
    "tpu.region"() ({
      %run_scoped3A = tpu.sem_alloc : memref<!tpu.dma_semaphore, #tpu.memory_space<semaphore_mem>>
      %dma_start3A = arith.constant 0 : i32
      %dma_start3A_34 = tpu.memref_slice %arg8[%multiple_of3A_14, %dma_start3A] : memref<40960x128xf32, #tpu.memory_space<hbm>> -> memref<640x128xf32, #tpu.memory_space<hbm>>
      %dma_start3A_35 = arith.constant 0 : i32
      %dma_start3A_36 = tpu.memref_slice %arg12[%multiple_of3A, %dma_start3A_35] : memref<10240x128xf32, #tpu.memory_space<vmem_shared>> -> memref<640x128xf32, #tpu.memory_space<vmem_shared>>
      tpu.enqueue_dma source(%dma_start3A_36 : memref<640x128xf32, #tpu.memory_space<vmem_shared>>) target(%dma_start3A_34 : memref<640x128xf32, #tpu.memory_space<hbm>>) target_semaphore(%run_scoped3A : memref<!tpu.dma_semaphore, #tpu.memory_space<semaphore_mem>>)
      %dma_wait3A = arith.constant 0 : i32
      %dma_wait3A_37 = tpu.memref_slice %arg8[%multiple_of3A_14, %dma_wait3A] : memref<40960x128xf32, #tpu.memory_space<hbm>> -> memref<640x128xf32, #tpu.memory_space<hbm>>
      %dma_wait3A_38 = arith.constant 0 : i32
      %dma_wait3A_39 = tpu.memref_slice %arg12[%multiple_of3A, %dma_wait3A_38] : memref<10240x128xf32, #tpu.memory_space<vmem_shared>> -> memref<640x128xf32, #tpu.memory_space<vmem_shared>>
      tpu.wait_dma2 semaphore(%run_scoped3A : memref<!tpu.dma_semaphore, #tpu.memory_space<semaphore_mem>>) src(%dma_wait3A_39 : memref<640x128xf32, #tpu.memory_space<vmem_shared>>) dst(%dma_wait3A_37 : memref<640x128xf32, #tpu.memory_space<hbm>>)
      tpu.yield
    }) : () -> ()
    %barrier3A_15 = arith.constant 0 : index
    tpu.barrier barrier_id(%barrier3A_15)
    "tpu.region"() ({
      %run_scoped3A = tpu.sem_alloc : memref<!tpu.dma_semaphore, #tpu.memory_space<semaphore_mem>>
      %dma_start3A = arith.constant 0 : i32
      %dma_start3A_34 = tpu.memref_slice %arg12[%multiple_of3A, %dma_start3A] : memref<10240x128xf32, #tpu.memory_space<vmem_shared>> -> memref<640x128xf32, #tpu.memory_space<vmem_shared>>
      tpu.enqueue_dma source(%arg7 : memref<640x128xf32, #tpu.memory_space<hbm>>) target(%dma_start3A_34 : memref<640x128xf32, #tpu.memory_space<vmem_shared>>) target_semaphore(%run_scoped3A : memref<!tpu.dma_semaphore, #tpu.memory_space<semaphore_mem>>)
      %dma_wait3A = arith.constant 0 : i32
      %dma_wait3A_35 = tpu.memref_slice %arg12[%multiple_of3A, %dma_wait3A] : memref<10240x128xf32, #tpu.memory_space<vmem_shared>> -> memref<640x128xf32, #tpu.memory_space<vmem_shared>>
      tpu.wait_dma2 semaphore(%run_scoped3A : memref<!tpu.dma_semaphore, #tpu.memory_space<semaphore_mem>>) src(%arg7 : memref<640x128xf32, #tpu.memory_space<hbm>>) dst(%dma_wait3A_35 : memref<640x128xf32, #tpu.memory_space<vmem_shared>>)
      tpu.yield
    }) : () -> ()
    %barrier3A_16 = arith.constant 0 : index
    tpu.barrier barrier_id(%barrier3A_16)
    %scan3A_17 = arith.constant 0 : i32
    %scan3A_18 = arith.constant 0 : i32
    %scan3A_19 = arith.constant 79 : i32
    %scan3A_20 = arith.addi %scan3A_18, %scan3A_19 : i32
    %scan3A_21 = arith.constant 1 : i32
    %scan3A_22 = scf.for %scan3A_34 = %scan3A_18 to %scan3A_20 step %scan3A_21 iter_args(%scan3A_35 = %scan3A_17) -> (i32)  : i32 {
      %mul3A_36 = arith.constant 161792 : i32
      %mul3A_37 = arith.muli %arg0, %mul3A_36 : i32
      %mul3A_38 = arith.constant 10112 : i32
      %mul3A_39 = arith.muli %arg1, %mul3A_38 : i32
      %add3A_40 = arith.addi %mul3A_37, %mul3A_39 : i32
      %mul3A_41 = arith.constant 128 : i32
      %mul3A_42 = arith.muli %scan3A_34, %mul3A_41 : i32
      %add3A_43 = arith.addi %add3A_40, %mul3A_42 : i32
      %multiple_of3A_44 = tpu.assume_multiple %add3A_43, 8 : i32
      %mul3A_45 = arith.constant 10112 : i32
      %mul3A_46 = arith.muli %arg1, %mul3A_45 : i32
      %mul3A_47 = arith.constant 128 : i32
      %mul3A_48 = arith.muli %scan3A_34, %mul3A_47 : i32
      %add3A_49 = arith.addi %mul3A_46, %mul3A_48 : i32
      %multiple_of3A_50 = tpu.assume_multiple %add3A_49, 8 : i32
      "tpu.region"() ({
        %run_scoped3A = tpu.sem_alloc : memref<!tpu.dma_semaphore, #tpu.memory_space<semaphore_mem>>
        %dma_start3A_56 = tpu.memref_slice %arg5[%multiple_of3A_44] : memref<323584xi32, #tpu.memory_space<hbm>> -> memref<128xi32, #tpu.memory_space<hbm>>
        %dma_start3A_57 = tpu.memref_slice %arg5[%multiple_of3A_44] : memref<323584xi32, #tpu.memory_space<hbm>> -> memref<128xi32, #tpu.memory_space<hbm>>
        tpu.enqueue_dma source(%dma_start3A_57 : memref<128xi32, #tpu.memory_space<hbm>>) target(%arg9 : memref<128xi32, #tpu.memory_space<vmem>>) target_semaphore(%run_scoped3A : memref<!tpu.dma_semaphore, #tpu.memory_space<semaphore_mem>>)
        %dma_wait3A_58 = tpu.memref_slice %arg5[%multiple_of3A_44] : memref<323584xi32, #tpu.memory_space<hbm>> -> memref<128xi32, #tpu.memory_space<hbm>>
        %dma_wait3A_59 = tpu.memref_slice %arg5[%multiple_of3A_44] : memref<323584xi32, #tpu.memory_space<hbm>> -> memref<128xi32, #tpu.memory_space<hbm>>
        tpu.wait_dma2 semaphore(%run_scoped3A : memref<!tpu.dma_semaphore, #tpu.memory_space<semaphore_mem>>) src(%dma_wait3A_59 : memref<128xi32, #tpu.memory_space<hbm>>) dst(%arg9 : memref<128xi32, #tpu.memory_space<vmem>>)
        tpu.yield
      }) : () -> ()
      "tpu.region"() ({
        %run_scoped3A = tpu.sem_alloc : memref<!tpu.dma_semaphore, #tpu.memory_space<semaphore_mem>>
        %dma_start3A_56 = tpu.memref_slice %arg6[%multiple_of3A_50] : memref<161792xi32, #tpu.memory_space<hbm>> -> memref<128xi32, #tpu.memory_space<hbm>>
        %dma_start3A_57 = tpu.memref_slice %arg6[%multiple_of3A_50] : memref<161792xi32, #tpu.memory_space<hbm>> -> memref<128xi32, #tpu.memory_space<hbm>>
        tpu.enqueue_dma source(%dma_start3A_57 : memref<128xi32, #tpu.memory_space<hbm>>) target(%arg10 : memref<128xi32, #tpu.memory_space<vmem>>) target_semaphore(%run_scoped3A : memref<!tpu.dma_semaphore, #tpu.memory_space<semaphore_mem>>)
        %dma_wait3A_58 = tpu.memref_slice %arg6[%multiple_of3A_50] : memref<161792xi32, #tpu.memory_space<hbm>> -> memref<128xi32, #tpu.memory_space<hbm>>
        %dma_wait3A_59 = tpu.memref_slice %arg6[%multiple_of3A_50] : memref<161792xi32, #tpu.memory_space<hbm>> -> memref<128xi32, #tpu.memory_space<hbm>>
        tpu.wait_dma2 semaphore(%run_scoped3A : memref<!tpu.dma_semaphore, #tpu.memory_space<semaphore_mem>>) src(%dma_wait3A_59 : memref<128xi32, #tpu.memory_space<hbm>>) dst(%arg10 : memref<128xi32, #tpu.memory_space<vmem>>)
        tpu.yield
      }) : () -> ()
      %dma_start3A = arith.constant 0 : i32
      %dma_start3A_51 = arith.constant 0 : i32
      %dma_start3A_52 = tpu.memref_slice %arg2[%dma_start3A, %dma_start3A_51] : memref<40000x128xf32, #tpu.memory_space<hbm>> -> memref<40000x128xf32, #tpu.memory_space<hbm>>
      tpu.enqueue_indirect_dma source(%dma_start3A_52 : memref<40000x128xf32, #tpu.memory_space<hbm>>) target(%arg11 : memref<128x128xf32, #tpu.memory_space<vmem>>) offsets(%arg9 : memref<128xi32, #tpu.memory_space<vmem>>) semaphore(%arg13 : memref<!tpu.dma_semaphore, #tpu.memory_space<semaphore_mem>>)
      %dma_wait3A = arith.constant 0 : i32
      %dma_wait3A_53 = arith.constant 0 : i32
      %dma_wait3A_54 = tpu.memref_slice %arg2[%dma_wait3A, %dma_wait3A_53] : memref<40000x128xf32, #tpu.memory_space<hbm>> -> memref<40000x128xf32, #tpu.memory_space<hbm>>
      tpu.wait_indirect_dma semaphore(%arg13 : memref<!tpu.dma_semaphore, #tpu.memory_space<semaphore_mem>>) src(%dma_wait3A_54 : memref<40000x128xf32, #tpu.memory_space<hbm>>) dst(%arg11 : memref<128x128xf32, #tpu.memory_space<vmem>>)
      "tpu.region"() ({
        %run_scoped3A = tpu.sem_alloc : memref<!tpu.dma_semaphore, #tpu.memory_space<semaphore_mem>>
        %dma_start3A_56 = arith.constant 0 : i32
        %dma_start3A_57 = arith.constant 0 : i32
        %dma_start3A_58 = tpu.memref_slice %arg12[%dma_start3A_56, %dma_start3A_57] : memref<10240x128xf32, #tpu.memory_space<vmem_shared>> -> memref<10240x128xf32, #tpu.memory_space<vmem_shared>>
        tpu.enqueue_indirect_dma source(%arg11 : memref<128x128xf32, #tpu.memory_space<vmem>>) target(%dma_start3A_58 : memref<10240x128xf32, #tpu.memory_space<vmem_shared>>) offsets(%arg10 : memref<128xi32, #tpu.memory_space<vmem>>) semaphore(%run_scoped3A : memref<!tpu.dma_semaphore, #tpu.memory_space<semaphore_mem>>) {add = true}
        %dma_wait3A_59 = arith.constant 0 : i32
        %dma_wait3A_60 = arith.constant 0 : i32
        %dma_wait3A_61 = tpu.memref_slice %arg12[%dma_wait3A_59, %dma_wait3A_60] : memref<10240x128xf32, #tpu.memory_space<vmem_shared>> -> memref<10240x128xf32, #tpu.memory_space<vmem_shared>>
        tpu.wait_indirect_dma semaphore(%run_scoped3A : memref<!tpu.dma_semaphore, #tpu.memory_space<semaphore_mem>>) src(%arg11 : memref<128x128xf32, #tpu.memory_space<vmem>>) dst(%dma_wait3A_61 : memref<10240x128xf32, #tpu.memory_space<vmem_shared>>)
        tpu.yield
      }) : () -> ()
      %scan3A_55 = arith.constant 0 : i32
      scf.yield %scan3A_55 : i32
    }
    %scan3A_23 = arith.constant 79 : i32
    %barrier3A_24 = arith.constant 0 : index
    tpu.barrier barrier_id(%barrier3A_24)
    %add3A_25 = arith.constant 2 : i32
    %add3A_26 = arith.addi %add3A_25, %arg0 : i32
    %mul3A_27 = arith.constant 10240 : i32
    %mul3A_28 = arith.muli %add3A_26, %mul3A_27 : i32
    %mul3A_29 = arith.constant 640 : i32
    %mul3A_30 = arith.muli %arg1, %mul3A_29 : i32
    %add3A_31 = arith.addi %mul3A_28, %mul3A_30 : i32
    %multiple_of3A_32 = tpu.assume_multiple %add3A_31, 8 : i32
    "tpu.region"() ({
      %run_scoped3A = tpu.sem_alloc : memref<!tpu.dma_semaphore, #tpu.memory_space<semaphore_mem>>
      %dma_start3A = arith.constant 0 : i32
      %dma_start3A_34 = tpu.memref_slice %arg8[%multiple_of3A_32, %dma_start3A] : memref<40960x128xf32, #tpu.memory_space<hbm>> -> memref<640x128xf32, #tpu.memory_space<hbm>>
      %dma_start3A_35 = arith.constant 0 : i32
      %dma_start3A_36 = tpu.memref_slice %arg12[%multiple_of3A, %dma_start3A_35] : memref<10240x128xf32, #tpu.memory_space<vmem_shared>> -> memref<640x128xf32, #tpu.memory_space<vmem_shared>>
      tpu.enqueue_dma source(%dma_start3A_36 : memref<640x128xf32, #tpu.memory_space<vmem_shared>>) target(%dma_start3A_34 : memref<640x128xf32, #tpu.memory_space<hbm>>) target_semaphore(%run_scoped3A : memref<!tpu.dma_semaphore, #tpu.memory_space<semaphore_mem>>)
      %dma_wait3A = arith.constant 0 : i32
      %dma_wait3A_37 = tpu.memref_slice %arg8[%multiple_of3A_32, %dma_wait3A] : memref<40960x128xf32, #tpu.memory_space<hbm>> -> memref<640x128xf32, #tpu.memory_space<hbm>>
      %dma_wait3A_38 = arith.constant 0 : i32
      %dma_wait3A_39 = tpu.memref_slice %arg12[%multiple_of3A, %dma_wait3A_38] : memref<10240x128xf32, #tpu.memory_space<vmem_shared>> -> memref<640x128xf32, #tpu.memory_space<vmem_shared>>
      tpu.wait_dma2 semaphore(%run_scoped3A : memref<!tpu.dma_semaphore, #tpu.memory_space<semaphore_mem>>) src(%dma_wait3A_39 : memref<640x128xf32, #tpu.memory_space<vmem_shared>>) dst(%dma_wait3A_37 : memref<640x128xf32, #tpu.memory_space<hbm>>)
      tpu.yield
    }) : () -> ()
    %barrier3A_33 = arith.constant 0 : index
    tpu.barrier barrier_id(%barrier3A_33)
    return
  }
}

#map = affine_map<(d0, d1) -> (0, 0)>
#map1 = affine_map<(d0, d1) -> (0)>
module attributes {stable_mosaic.version = 14 : i64} {
  func.func @_scat_body(%arg0: i32, %arg1: i32, %arg2: memref<40000x128xf32, #tpu.memory_space<hbm>>, %arg3: memref<323584xi32, #tpu.memory_space<hbm>>, %arg4: memref<161792xi32, #tpu.memory_space<hbm>>, %arg5: memref<323584xi32, #tpu.memory_space<hbm>>, %arg6: memref<161792xi32, #tpu.memory_space<hbm>>, %arg7: memref<640x128xf32, #tpu.memory_space<hbm>>, %arg8: memref<40960x128xf32, #tpu.memory_space<hbm>>, %arg9: memref<128xi32, #tpu.memory_space<vmem>>, %arg10: memref<128xi32, #tpu.memory_space<vmem>>, %arg11: memref<128x128xf32, #tpu.memory_space<vmem>>, %arg12: memref<10240x128xf32, #tpu.memory_space<vmem_shared>>, %arg13: memref<!tpu.dma_semaphore, #tpu.memory_space<semaphore_mem>>) attributes {dimension_semantics = [#tpu.dimension_semantics<core_parallel>, #tpu.dimension_semantics<subcore_parallel>], iteration_bounds = array<i64: 2, 16>, scalar_prefetch = 0 : i64, scratch_operands = 5 : i64, tpu.core_type = #tpu.core_type<sc_vector_subcore>, window_params = [{transform_indices = #map}, {transform_indices = #map1}, {transform_indices = #map1}, {transform_indices = #map1}, {transform_indices = #map1}, {transform_indices = #map}, {transform_indices = #map}]} {
    %mul3A = arith.constant 640 : i32
    %mul3A_0 = arith.muli %arg1, %mul3A : i32
    %multiple_of3A = tpu.assume_multiple %mul3A_0, 8 : i32
    "tpu.region"() ({
      %run_scoped3A = tpu.sem_alloc : memref<!tpu.dma_semaphore, #tpu.memory_space<semaphore_mem>>
      %dma_start3A = arith.constant 0 : i32
      %dma_start3A_34 = tpu.memref_slice %arg12[%multiple_of3A, %dma_start3A] : memref<10240x128xf32, #tpu.memory_space<vmem_shared>> -> memref<640x128xf32, #tpu.memory_space<vmem_shared>>
      tpu.enqueue_dma source(%arg7 : memref<640x128xf32, #tpu.memory_space<hbm>>) target(%dma_start3A_34 : memref<640x128xf32, #tpu.memory_space<vmem_shared>>) target_semaphore(%run_scoped3A : memref<!tpu.dma_semaphore, #tpu.memory_space<semaphore_mem>>)
      %dma_wait3A = arith.constant 0 : i32
      %dma_wait3A_35 = tpu.memref_slice %arg12[%multiple_of3A, %dma_wait3A] : memref<10240x128xf32, #tpu.memory_space<vmem_shared>> -> memref<640x128xf32, #tpu.memory_space<vmem_shared>>
      tpu.wait_dma2 semaphore(%run_scoped3A : memref<!tpu.dma_semaphore, #tpu.memory_space<semaphore_mem>>) src(%arg7 : memref<640x128xf32, #tpu.memory_space<hbm>>) dst(%dma_wait3A_35 : memref<640x128xf32, #tpu.memory_space<vmem_shared>>)
      tpu.yield
    }) : () -> ()
    %barrier3A = arith.constant 0 : index
    tpu.barrier barrier_id(%barrier3A)
    %scan3A = arith.constant 0 : i32
    %scan3A_1 = arith.constant 0 : i32
    %scan3A_2 = arith.constant 79 : i32
    %scan3A_3 = arith.addi %scan3A_1, %scan3A_2 : i32
    %scan3A_4 = arith.constant 1 : i32
    %scan3A_5 = scf.for %scan3A_34 = %scan3A_1 to %scan3A_3 step %scan3A_4 iter_args(%scan3A_35 = %scan3A) -> (i32)  : i32 {
      %mul3A_36 = arith.constant 161792 : i32
      %mul3A_37 = arith.muli %arg0, %mul3A_36 : i32
      %mul3A_38 = arith.constant 10112 : i32
      %mul3A_39 = arith.muli %arg1, %mul3A_38 : i32
      %add3A_40 = arith.addi %mul3A_37, %mul3A_39 : i32
      %mul3A_41 = arith.constant 128 : i32
      %mul3A_42 = arith.muli %scan3A_34, %mul3A_41 : i32
      %add3A_43 = arith.addi %add3A_40, %mul3A_42 : i32
      %multiple_of3A_44 = tpu.assume_multiple %add3A_43, 8 : i32
      %mul3A_45 = arith.constant 10112 : i32
      %mul3A_46 = arith.muli %arg1, %mul3A_45 : i32
      %mul3A_47 = arith.constant 128 : i32
      %mul3A_48 = arith.muli %scan3A_34, %mul3A_47 : i32
      %add3A_49 = arith.addi %mul3A_46, %mul3A_48 : i32
      %multiple_of3A_50 = tpu.assume_multiple %add3A_49, 8 : i32
      "tpu.region"() ({
        %run_scoped3A = tpu.sem_alloc : memref<!tpu.dma_semaphore, #tpu.memory_space<semaphore_mem>>
        %dma_start3A_56 = tpu.memref_slice %arg3[%multiple_of3A_44] : memref<323584xi32, #tpu.memory_space<hbm>> -> memref<128xi32, #tpu.memory_space<hbm>>
        %dma_start3A_57 = tpu.memref_slice %arg3[%multiple_of3A_44] : memref<323584xi32, #tpu.memory_space<hbm>> -> memref<128xi32, #tpu.memory_space<hbm>>
        tpu.enqueue_dma source(%dma_start3A_57 : memref<128xi32, #tpu.memory_space<hbm>>) target(%arg9 : memref<128xi32, #tpu.memory_space<vmem>>) target_semaphore(%run_scoped3A : memref<!tpu.dma_semaphore, #tpu.memory_space<semaphore_mem>>)
        %dma_wait3A_58 = tpu.memref_slice %arg3[%multiple_of3A_44] : memref<323584xi32, #tpu.memory_space<hbm>> -> memref<128xi32, #tpu.memory_space<hbm>>
        %dma_wait3A_59 = tpu.memref_slice %arg3[%multiple_of3A_44] : memref<323584xi32, #tpu.memory_space<hbm>> -> memref<128xi32, #tpu.memory_space<hbm>>
        tpu.wait_dma2 semaphore(%run_scoped3A : memref<!tpu.dma_semaphore, #tpu.memory_space<semaphore_mem>>) src(%dma_wait3A_59 : memref<128xi32, #tpu.memory_space<hbm>>) dst(%arg9 : memref<128xi32, #tpu.memory_space<vmem>>)
        tpu.yield
      }) : () -> ()
      "tpu.region"() ({
        %run_scoped3A = tpu.sem_alloc : memref<!tpu.dma_semaphore, #tpu.memory_space<semaphore_mem>>
        %dma_start3A_56 = tpu.memref_slice %arg4[%multiple_of3A_50] : memref<161792xi32, #tpu.memory_space<hbm>> -> memref<128xi32, #tpu.memory_space<hbm>>
        %dma_start3A_57 = tpu.memref_slice %arg4[%multiple_of3A_50] : memref<161792xi32, #tpu.memory_space<hbm>> -> memref<128xi32, #tpu.memory_space<hbm>>
        tpu.enqueue_dma source(%dma_start3A_57 : memref<128xi32, #tpu.memory_space<hbm>>) target(%arg10 : memref<128xi32, #tpu.memory_space<vmem>>) target_semaphore(%run_scoped3A : memref<!tpu.dma_semaphore, #tpu.memory_space<semaphore_mem>>)
        %dma_wait3A_58 = tpu.memref_slice %arg4[%multiple_of3A_50] : memref<161792xi32, #tpu.memory_space<hbm>> -> memref<128xi32, #tpu.memory_space<hbm>>
        %dma_wait3A_59 = tpu.memref_slice %arg4[%multiple_of3A_50] : memref<161792xi32, #tpu.memory_space<hbm>> -> memref<128xi32, #tpu.memory_space<hbm>>
        tpu.wait_dma2 semaphore(%run_scoped3A : memref<!tpu.dma_semaphore, #tpu.memory_space<semaphore_mem>>) src(%dma_wait3A_59 : memref<128xi32, #tpu.memory_space<hbm>>) dst(%arg10 : memref<128xi32, #tpu.memory_space<vmem>>)
        tpu.yield
      }) : () -> ()
      %dma_start3A = arith.constant 0 : i32
      %dma_start3A_51 = arith.constant 0 : i32
      %dma_start3A_52 = tpu.memref_slice %arg2[%dma_start3A, %dma_start3A_51] : memref<40000x128xf32, #tpu.memory_space<hbm>> -> memref<40000x128xf32, #tpu.memory_space<hbm>>
      tpu.enqueue_indirect_dma source(%dma_start3A_52 : memref<40000x128xf32, #tpu.memory_space<hbm>>) target(%arg11 : memref<128x128xf32, #tpu.memory_space<vmem>>) offsets(%arg9 : memref<128xi32, #tpu.memory_space<vmem>>) semaphore(%arg13 : memref<!tpu.dma_semaphore, #tpu.memory_space<semaphore_mem>>)
      %dma_wait3A = arith.constant 0 : i32
      %dma_wait3A_53 = arith.constant 0 : i32
      %dma_wait3A_54 = tpu.memref_slice %arg2[%dma_wait3A, %dma_wait3A_53] : memref<40000x128xf32, #tpu.memory_space<hbm>> -> memref<40000x128xf32, #tpu.memory_space<hbm>>
      tpu.wait_indirect_dma semaphore(%arg13 : memref<!tpu.dma_semaphore, #tpu.memory_space<semaphore_mem>>) src(%dma_wait3A_54 : memref<40000x128xf32, #tpu.memory_space<hbm>>) dst(%arg11 : memref<128x128xf32, #tpu.memory_space<vmem>>)
      "tpu.region"() ({
        %run_scoped3A = tpu.sem_alloc : memref<!tpu.dma_semaphore, #tpu.memory_space<semaphore_mem>>
        %dma_start3A_56 = arith.constant 0 : i32
        %dma_start3A_57 = arith.constant 0 : i32
        %dma_start3A_58 = tpu.memref_slice %arg12[%dma_start3A_56, %dma_start3A_57] : memref<10240x128xf32, #tpu.memory_space<vmem_shared>> -> memref<10240x128xf32, #tpu.memory_space<vmem_shared>>
        tpu.enqueue_indirect_dma source(%arg11 : memref<128x128xf32, #tpu.memory_space<vmem>>) target(%dma_start3A_58 : memref<10240x128xf32, #tpu.memory_space<vmem_shared>>) offsets(%arg10 : memref<128xi32, #tpu.memory_space<vmem>>) semaphore(%run_scoped3A : memref<!tpu.dma_semaphore, #tpu.memory_space<semaphore_mem>>) {add = true}
        %dma_wait3A_59 = arith.constant 0 : i32
        %dma_wait3A_60 = arith.constant 0 : i32
        %dma_wait3A_61 = tpu.memref_slice %arg12[%dma_wait3A_59, %dma_wait3A_60] : memref<10240x128xf32, #tpu.memory_space<vmem_shared>> -> memref<10240x128xf32, #tpu.memory_space<vmem_shared>>
        tpu.wait_indirect_dma semaphore(%run_scoped3A : memref<!tpu.dma_semaphore, #tpu.memory_space<semaphore_mem>>) src(%arg11 : memref<128x128xf32, #tpu.memory_space<vmem>>) dst(%dma_wait3A_61 : memref<10240x128xf32, #tpu.memory_space<vmem_shared>>)
        tpu.yield
      }) : () -> ()
      %scan3A_55 = arith.constant 0 : i32
      scf.yield %scan3A_55 : i32
    }
    %scan3A_6 = arith.constant 79 : i32
    %barrier3A_7 = arith.constant 0 : index
    tpu.barrier barrier_id(%barrier3A_7)
    %add3A = arith.constant 0 : i32
    %add3A_8 = arith.addi %add3A, %arg0 : i32
    %mul3A_9 = arith.constant 10240 : i32
    %mul3A_10 = arith.muli %add3A_8, %mul3A_9 : i32
    %mul3A_11 = arith.constant 640 : i32
    %mul3A_12 = arith.muli %arg1, %mul3A_11 : i32
    %add3A_13 = arith.addi %mul3A_10, %mul3A_12 : i32
    %multiple_of3A_14 = tpu.assume_multiple %add3A_13, 8 : i32
    "tpu.region"() ({
      %run_scoped3A = tpu.sem_alloc : memref<!tpu.dma_semaphore, #tpu.memory_space<semaphore_mem>>
      %dma_start3A = arith.constant 0 : i32
      %dma_start3A_34 = tpu.memref_slice %arg8[%multiple_of3A_14, %dma_start3A] : memref<40960x128xf32, #tpu.memory_space<hbm>> -> memref<640x128xf32, #tpu.memory_space<hbm>>
      %dma_start3A_35 = arith.constant 0 : i32
      %dma_start3A_36 = tpu.memref_slice %arg12[%multiple_of3A, %dma_start3A_35] : memref<10240x128xf32, #tpu.memory_space<vmem_shared>> -> memref<640x128xf32, #tpu.memory_space<vmem_shared>>
      tpu.enqueue_dma source(%dma_start3A_36 : memref<640x128xf32, #tpu.memory_space<vmem_shared>>) target(%dma_start3A_34 : memref<640x128xf32, #tpu.memory_space<hbm>>) target_semaphore(%run_scoped3A : memref<!tpu.dma_semaphore, #tpu.memory_space<semaphore_mem>>)
      %dma_wait3A = arith.constant 0 : i32
      %dma_wait3A_37 = tpu.memref_slice %arg8[%multiple_of3A_14, %dma_wait3A] : memref<40960x128xf32, #tpu.memory_space<hbm>> -> memref<640x128xf32, #tpu.memory_space<hbm>>
      %dma_wait3A_38 = arith.constant 0 : i32
      %dma_wait3A_39 = tpu.memref_slice %arg12[%multiple_of3A, %dma_wait3A_38] : memref<10240x128xf32, #tpu.memory_space<vmem_shared>> -> memref<640x128xf32, #tpu.memory_space<vmem_shared>>
      tpu.wait_dma2 semaphore(%run_scoped3A : memref<!tpu.dma_semaphore, #tpu.memory_space<semaphore_mem>>) src(%dma_wait3A_39 : memref<640x128xf32, #tpu.memory_space<vmem_shared>>) dst(%dma_wait3A_37 : memref<640x128xf32, #tpu.memory_space<hbm>>)
      tpu.yield
    }) : () -> ()
    %barrier3A_15 = arith.constant 0 : index
    tpu.barrier barrier_id(%barrier3A_15)
    "tpu.region"() ({
      %run_scoped3A = tpu.sem_alloc : memref<!tpu.dma_semaphore, #tpu.memory_space<semaphore_mem>>
      %dma_start3A = arith.constant 0 : i32
      %dma_start3A_34 = tpu.memref_slice %arg12[%multiple_of3A, %dma_start3A] : memref<10240x128xf32, #tpu.memory_space<vmem_shared>> -> memref<640x128xf32, #tpu.memory_space<vmem_shared>>
      tpu.enqueue_dma source(%arg7 : memref<640x128xf32, #tpu.memory_space<hbm>>) target(%dma_start3A_34 : memref<640x128xf32, #tpu.memory_space<vmem_shared>>) target_semaphore(%run_scoped3A : memref<!tpu.dma_semaphore, #tpu.memory_space<semaphore_mem>>)
      %dma_wait3A = arith.constant 0 : i32
      %dma_wait3A_35 = tpu.memref_slice %arg12[%multiple_of3A, %dma_wait3A] : memref<10240x128xf32, #tpu.memory_space<vmem_shared>> -> memref<640x128xf32, #tpu.memory_space<vmem_shared>>
      tpu.wait_dma2 semaphore(%run_scoped3A : memref<!tpu.dma_semaphore, #tpu.memory_space<semaphore_mem>>) src(%arg7 : memref<640x128xf32, #tpu.memory_space<hbm>>) dst(%dma_wait3A_35 : memref<640x128xf32, #tpu.memory_space<vmem_shared>>)
      tpu.yield
    }) : () -> ()
    %barrier3A_16 = arith.constant 0 : index
    tpu.barrier barrier_id(%barrier3A_16)
    %scan3A_17 = arith.constant 0 : i32
    %scan3A_18 = arith.constant 0 : i32
    %scan3A_19 = arith.constant 79 : i32
    %scan3A_20 = arith.addi %scan3A_18, %scan3A_19 : i32
    %scan3A_21 = arith.constant 1 : i32
    %scan3A_22 = scf.for %scan3A_34 = %scan3A_18 to %scan3A_20 step %scan3A_21 iter_args(%scan3A_35 = %scan3A_17) -> (i32)  : i32 {
      %mul3A_36 = arith.constant 161792 : i32
      %mul3A_37 = arith.muli %arg0, %mul3A_36 : i32
      %mul3A_38 = arith.constant 10112 : i32
      %mul3A_39 = arith.muli %arg1, %mul3A_38 : i32
      %add3A_40 = arith.addi %mul3A_37, %mul3A_39 : i32
      %mul3A_41 = arith.constant 128 : i32
      %mul3A_42 = arith.muli %scan3A_34, %mul3A_41 : i32
      %add3A_43 = arith.addi %add3A_40, %mul3A_42 : i32
      %multiple_of3A_44 = tpu.assume_multiple %add3A_43, 8 : i32
      %mul3A_45 = arith.constant 10112 : i32
      %mul3A_46 = arith.muli %arg1, %mul3A_45 : i32
      %mul3A_47 = arith.constant 128 : i32
      %mul3A_48 = arith.muli %scan3A_34, %mul3A_47 : i32
      %add3A_49 = arith.addi %mul3A_46, %mul3A_48 : i32
      %multiple_of3A_50 = tpu.assume_multiple %add3A_49, 8 : i32
      "tpu.region"() ({
        %run_scoped3A = tpu.sem_alloc : memref<!tpu.dma_semaphore, #tpu.memory_space<semaphore_mem>>
        %dma_start3A_56 = tpu.memref_slice %arg5[%multiple_of3A_44] : memref<323584xi32, #tpu.memory_space<hbm>> -> memref<128xi32, #tpu.memory_space<hbm>>
        %dma_start3A_57 = tpu.memref_slice %arg5[%multiple_of3A_44] : memref<323584xi32, #tpu.memory_space<hbm>> -> memref<128xi32, #tpu.memory_space<hbm>>
        tpu.enqueue_dma source(%dma_start3A_57 : memref<128xi32, #tpu.memory_space<hbm>>) target(%arg9 : memref<128xi32, #tpu.memory_space<vmem>>) target_semaphore(%run_scoped3A : memref<!tpu.dma_semaphore, #tpu.memory_space<semaphore_mem>>)
        %dma_wait3A_58 = tpu.memref_slice %arg5[%multiple_of3A_44] : memref<323584xi32, #tpu.memory_space<hbm>> -> memref<128xi32, #tpu.memory_space<hbm>>
        %dma_wait3A_59 = tpu.memref_slice %arg5[%multiple_of3A_44] : memref<323584xi32, #tpu.memory_space<hbm>> -> memref<128xi32, #tpu.memory_space<hbm>>
        tpu.wait_dma2 semaphore(%run_scoped3A : memref<!tpu.dma_semaphore, #tpu.memory_space<semaphore_mem>>) src(%dma_wait3A_59 : memref<128xi32, #tpu.memory_space<hbm>>) dst(%arg9 : memref<128xi32, #tpu.memory_space<vmem>>)
        tpu.yield
      }) : () -> ()
      "tpu.region"() ({
        %run_scoped3A = tpu.sem_alloc : memref<!tpu.dma_semaphore, #tpu.memory_space<semaphore_mem>>
        %dma_start3A_56 = tpu.memref_slice %arg6[%multiple_of3A_50] : memref<161792xi32, #tpu.memory_space<hbm>> -> memref<128xi32, #tpu.memory_space<hbm>>
        %dma_start3A_57 = tpu.memref_slice %arg6[%multiple_of3A_50] : memref<161792xi32, #tpu.memory_space<hbm>> -> memref<128xi32, #tpu.memory_space<hbm>>
        tpu.enqueue_dma source(%dma_start3A_57 : memref<128xi32, #tpu.memory_space<hbm>>) target(%arg10 : memref<128xi32, #tpu.memory_space<vmem>>) target_semaphore(%run_scoped3A : memref<!tpu.dma_semaphore, #tpu.memory_space<semaphore_mem>>)
        %dma_wait3A_58 = tpu.memref_slice %arg6[%multiple_of3A_50] : memref<161792xi32, #tpu.memory_space<hbm>> -> memref<128xi32, #tpu.memory_space<hbm>>
        %dma_wait3A_59 = tpu.memref_slice %arg6[%multiple_of3A_50] : memref<161792xi32, #tpu.memory_space<hbm>> -> memref<128xi32, #tpu.memory_space<hbm>>
        tpu.wait_dma2 semaphore(%run_scoped3A : memref<!tpu.dma_semaphore, #tpu.memory_space<semaphore_mem>>) src(%dma_wait3A_59 : memref<128xi32, #tpu.memory_space<hbm>>) dst(%arg10 : memref<128xi32, #tpu.memory_space<vmem>>)
        tpu.yield
      }) : () -> ()
      %dma_start3A = arith.constant 0 : i32
      %dma_start3A_51 = arith.constant 0 : i32
      %dma_start3A_52 = tpu.memref_slice %arg2[%dma_start3A, %dma_start3A_51] : memref<40000x128xf32, #tpu.memory_space<hbm>> -> memref<40000x128xf32, #tpu.memory_space<hbm>>
      tpu.enqueue_indirect_dma source(%dma_start3A_52 : memref<40000x128xf32, #tpu.memory_space<hbm>>) target(%arg11 : memref<128x128xf32, #tpu.memory_space<vmem>>) offsets(%arg9 : memref<128xi32, #tpu.memory_space<vmem>>) semaphore(%arg13 : memref<!tpu.dma_semaphore, #tpu.memory_space<semaphore_mem>>)
      %dma_wait3A = arith.constant 0 : i32
      %dma_wait3A_53 = arith.constant 0 : i32
      %dma_wait3A_54 = tpu.memref_slice %arg2[%dma_wait3A, %dma_wait3A_53] : memref<40000x128xf32, #tpu.memory_space<hbm>> -> memref<40000x128xf32, #tpu.memory_space<hbm>>
      tpu.wait_indirect_dma semaphore(%arg13 : memref<!tpu.dma_semaphore, #tpu.memory_space<semaphore_mem>>) src(%dma_wait3A_54 : memref<40000x128xf32, #tpu.memory_space<hbm>>) dst(%arg11 : memref<128x128xf32, #tpu.memory_space<vmem>>)
      "tpu.region"() ({
        %run_scoped3A = tpu.sem_alloc : memref<!tpu.dma_semaphore, #tpu.memory_space<semaphore_mem>>
        %dma_start3A_56 = arith.constant 0 : i32
        %dma_start3A_57 = arith.constant 0 : i32
        %dma_start3A_58 = tpu.memref_slice %arg12[%dma_start3A_56, %dma_start3A_57] : memref<10240x128xf32, #tpu.memory_space<vmem_shared>> -> memref<10240x128xf32, #tpu.memory_space<vmem_shared>>
        tpu.enqueue_indirect_dma source(%arg11 : memref<128x128xf32, #tpu.memory_space<vmem>>) target(%dma_start3A_58 : memref<10240x128xf32, #tpu.memory_space<vmem_shared>>) offsets(%arg10 : memref<128xi32, #tpu.memory_space<vmem>>) semaphore(%run_scoped3A : memref<!tpu.dma_semaphore, #tpu.memory_space<semaphore_mem>>) {add = true}
        %dma_wait3A_59 = arith.constant 0 : i32
        %dma_wait3A_60 = arith.constant 0 : i32
        %dma_wait3A_61 = tpu.memref_slice %arg12[%dma_wait3A_59, %dma_wait3A_60] : memref<10240x128xf32, #tpu.memory_space<vmem_shared>> -> memref<10240x128xf32, #tpu.memory_space<vmem_shared>>
        tpu.wait_indirect_dma semaphore(%run_scoped3A : memref<!tpu.dma_semaphore, #tpu.memory_space<semaphore_mem>>) src(%arg11 : memref<128x128xf32, #tpu.memory_space<vmem>>) dst(%dma_wait3A_61 : memref<10240x128xf32, #tpu.memory_space<vmem_shared>>)
        tpu.yield
      }) : () -> ()
      %scan3A_55 = arith.constant 0 : i32
      scf.yield %scan3A_55 : i32
    }
    %scan3A_23 = arith.constant 79 : i32
    %barrier3A_24 = arith.constant 0 : index
    tpu.barrier barrier_id(%barrier3A_24)
    %add3A_25 = arith.constant 2 : i32
    %add3A_26 = arith.addi %add3A_25, %arg0 : i32
    %mul3A_27 = arith.constant 10240 : i32
    %mul3A_28 = arith.muli %add3A_26, %mul3A_27 : i32
    %mul3A_29 = arith.constant 640 : i32
    %mul3A_30 = arith.muli %arg1, %mul3A_29 : i32
    %add3A_31 = arith.addi %mul3A_28, %mul3A_30 : i32
    %multiple_of3A_32 = tpu.assume_multiple %add3A_31, 8 : i32
    "tpu.region"() ({
      %run_scoped3A = tpu.sem_alloc : memref<!tpu.dma_semaphore, #tpu.memory_space<semaphore_mem>>
      %dma_start3A = arith.constant 0 : i32
      %dma_start3A_34 = tpu.memref_slice %arg8[%multiple_of3A_32, %dma_start3A] : memref<40960x128xf32, #tpu.memory_space<hbm>> -> memref<640x128xf32, #tpu.memory_space<hbm>>
      %dma_start3A_35 = arith.constant 0 : i32
      %dma_start3A_36 = tpu.memref_slice %arg12[%multiple_of3A, %dma_start3A_35] : memref<10240x128xf32, #tpu.memory_space<vmem_shared>> -> memref<640x128xf32, #tpu.memory_space<vmem_shared>>
      tpu.enqueue_dma source(%dma_start3A_36 : memref<640x128xf32, #tpu.memory_space<vmem_shared>>) target(%dma_start3A_34 : memref<640x128xf32, #tpu.memory_space<hbm>>) target_semaphore(%run_scoped3A : memref<!tpu.dma_semaphore, #tpu.memory_space<semaphore_mem>>)
      %dma_wait3A = arith.constant 0 : i32
      %dma_wait3A_37 = tpu.memref_slice %arg8[%multiple_of3A_32, %dma_wait3A] : memref<40960x128xf32, #tpu.memory_space<hbm>> -> memref<640x128xf32, #tpu.memory_space<hbm>>
      %dma_wait3A_38 = arith.constant 0 : i32
      %dma_wait3A_39 = tpu.memref_slice %arg12[%multiple_of3A, %dma_wait3A_38] : memref<10240x128xf32, #tpu.memory_space<vmem_shared>> -> memref<640x128xf32, #tpu.memory_space<vmem_shared>>
      tpu.wait_dma2 semaphore(%run_scoped3A : memref<!tpu.dma_semaphore, #tpu.memory_space<semaphore_mem>>) src(%dma_wait3A_39 : memref<640x128xf32, #tpu.memory_space<vmem_shared>>) dst(%dma_wait3A_37 : memref<640x128xf32, #tpu.memory_space<hbm>>)
      tpu.yield
    }) : () -> ()
    %barrier3A_33 = arith.constant 0 : index
    tpu.barrier barrier_id(%barrier3A_33)
    return
  }
}

#map = affine_map<(d0, d1) -> (0, 0)>
#map1 = affine_map<(d0, d1) -> (0)>
module attributes {stable_mosaic.version = 14 : i64} {
  func.func @_scat_body(%arg0: i32, %arg1: i32, %arg2: memref<40000x128xf32, #tpu.memory_space<hbm>>, %arg3: memref<323584xi32, #tpu.memory_space<hbm>>, %arg4: memref<161792xi32, #tpu.memory_space<hbm>>, %arg5: memref<323584xi32, #tpu.memory_space<hbm>>, %arg6: memref<161792xi32, #tpu.memory_space<hbm>>, %arg7: memref<640x128xf32, #tpu.memory_space<hbm>>, %arg8: memref<40960x128xf32, #tpu.memory_space<hbm>>, %arg9: memref<128xi32, #tpu.memory_space<vmem>>, %arg10: memref<128xi32, #tpu.memory_space<vmem>>, %arg11: memref<128x128xf32, #tpu.memory_space<vmem>>, %arg12: memref<10240x128xf32, #tpu.memory_space<vmem_shared>>, %arg13: memref<!tpu.dma_semaphore, #tpu.memory_space<semaphore_mem>>) attributes {dimension_semantics = [#tpu.dimension_semantics<core_parallel>, #tpu.dimension_semantics<subcore_parallel>], iteration_bounds = array<i64: 2, 16>, scalar_prefetch = 0 : i64, scratch_operands = 5 : i64, tpu.core_type = #tpu.core_type<sc_vector_subcore>, window_params = [{transform_indices = #map}, {transform_indices = #map1}, {transform_indices = #map1}, {transform_indices = #map1}, {transform_indices = #map1}, {transform_indices = #map}, {transform_indices = #map}]} {
    %mul3A = arith.constant 640 : i32
    %mul3A_0 = arith.muli %arg1, %mul3A : i32
    %multiple_of3A = tpu.assume_multiple %mul3A_0, 8 : i32
    "tpu.region"() ({
      %run_scoped3A = tpu.sem_alloc : memref<!tpu.dma_semaphore, #tpu.memory_space<semaphore_mem>>
      %dma_start3A = arith.constant 0 : i32
      %dma_start3A_34 = tpu.memref_slice %arg12[%multiple_of3A, %dma_start3A] : memref<10240x128xf32, #tpu.memory_space<vmem_shared>> -> memref<640x128xf32, #tpu.memory_space<vmem_shared>>
      tpu.enqueue_dma source(%arg7 : memref<640x128xf32, #tpu.memory_space<hbm>>) target(%dma_start3A_34 : memref<640x128xf32, #tpu.memory_space<vmem_shared>>) target_semaphore(%run_scoped3A : memref<!tpu.dma_semaphore, #tpu.memory_space<semaphore_mem>>)
      %dma_wait3A = arith.constant 0 : i32
      %dma_wait3A_35 = tpu.memref_slice %arg12[%multiple_of3A, %dma_wait3A] : memref<10240x128xf32, #tpu.memory_space<vmem_shared>> -> memref<640x128xf32, #tpu.memory_space<vmem_shared>>
      tpu.wait_dma2 semaphore(%run_scoped3A : memref<!tpu.dma_semaphore, #tpu.memory_space<semaphore_mem>>) src(%arg7 : memref<640x128xf32, #tpu.memory_space<hbm>>) dst(%dma_wait3A_35 : memref<640x128xf32, #tpu.memory_space<vmem_shared>>)
      tpu.yield
    }) : () -> ()
    %barrier3A = arith.constant 0 : index
    tpu.barrier barrier_id(%barrier3A)
    %scan3A = arith.constant 0 : i32
    %scan3A_1 = arith.constant 0 : i32
    %scan3A_2 = arith.constant 79 : i32
    %scan3A_3 = arith.addi %scan3A_1, %scan3A_2 : i32
    %scan3A_4 = arith.constant 1 : i32
    %scan3A_5 = scf.for %scan3A_34 = %scan3A_1 to %scan3A_3 step %scan3A_4 iter_args(%scan3A_35 = %scan3A) -> (i32)  : i32 {
      %mul3A_36 = arith.constant 161792 : i32
      %mul3A_37 = arith.muli %arg0, %mul3A_36 : i32
      %mul3A_38 = arith.constant 10112 : i32
      %mul3A_39 = arith.muli %arg1, %mul3A_38 : i32
      %add3A_40 = arith.addi %mul3A_37, %mul3A_39 : i32
      %mul3A_41 = arith.constant 128 : i32
      %mul3A_42 = arith.muli %scan3A_34, %mul3A_41 : i32
      %add3A_43 = arith.addi %add3A_40, %mul3A_42 : i32
      %multiple_of3A_44 = tpu.assume_multiple %add3A_43, 8 : i32
      %mul3A_45 = arith.constant 10112 : i32
      %mul3A_46 = arith.muli %arg1, %mul3A_45 : i32
      %mul3A_47 = arith.constant 128 : i32
      %mul3A_48 = arith.muli %scan3A_34, %mul3A_47 : i32
      %add3A_49 = arith.addi %mul3A_46, %mul3A_48 : i32
      %multiple_of3A_50 = tpu.assume_multiple %add3A_49, 8 : i32
      "tpu.region"() ({
        %run_scoped3A = tpu.sem_alloc : memref<!tpu.dma_semaphore, #tpu.memory_space<semaphore_mem>>
        %dma_start3A_56 = tpu.memref_slice %arg3[%multiple_of3A_44] : memref<323584xi32, #tpu.memory_space<hbm>> -> memref<128xi32, #tpu.memory_space<hbm>>
        %dma_start3A_57 = tpu.memref_slice %arg3[%multiple_of3A_44] : memref<323584xi32, #tpu.memory_space<hbm>> -> memref<128xi32, #tpu.memory_space<hbm>>
        tpu.enqueue_dma source(%dma_start3A_57 : memref<128xi32, #tpu.memory_space<hbm>>) target(%arg9 : memref<128xi32, #tpu.memory_space<vmem>>) target_semaphore(%run_scoped3A : memref<!tpu.dma_semaphore, #tpu.memory_space<semaphore_mem>>)
        %dma_wait3A_58 = tpu.memref_slice %arg3[%multiple_of3A_44] : memref<323584xi32, #tpu.memory_space<hbm>> -> memref<128xi32, #tpu.memory_space<hbm>>
        %dma_wait3A_59 = tpu.memref_slice %arg3[%multiple_of3A_44] : memref<323584xi32, #tpu.memory_space<hbm>> -> memref<128xi32, #tpu.memory_space<hbm>>
        tpu.wait_dma2 semaphore(%run_scoped3A : memref<!tpu.dma_semaphore, #tpu.memory_space<semaphore_mem>>) src(%dma_wait3A_59 : memref<128xi32, #tpu.memory_space<hbm>>) dst(%arg9 : memref<128xi32, #tpu.memory_space<vmem>>)
        tpu.yield
      }) : () -> ()
      "tpu.region"() ({
        %run_scoped3A = tpu.sem_alloc : memref<!tpu.dma_semaphore, #tpu.memory_space<semaphore_mem>>
        %dma_start3A_56 = tpu.memref_slice %arg4[%multiple_of3A_50] : memref<161792xi32, #tpu.memory_space<hbm>> -> memref<128xi32, #tpu.memory_space<hbm>>
        %dma_start3A_57 = tpu.memref_slice %arg4[%multiple_of3A_50] : memref<161792xi32, #tpu.memory_space<hbm>> -> memref<128xi32, #tpu.memory_space<hbm>>
        tpu.enqueue_dma source(%dma_start3A_57 : memref<128xi32, #tpu.memory_space<hbm>>) target(%arg10 : memref<128xi32, #tpu.memory_space<vmem>>) target_semaphore(%run_scoped3A : memref<!tpu.dma_semaphore, #tpu.memory_space<semaphore_mem>>)
        %dma_wait3A_58 = tpu.memref_slice %arg4[%multiple_of3A_50] : memref<161792xi32, #tpu.memory_space<hbm>> -> memref<128xi32, #tpu.memory_space<hbm>>
        %dma_wait3A_59 = tpu.memref_slice %arg4[%multiple_of3A_50] : memref<161792xi32, #tpu.memory_space<hbm>> -> memref<128xi32, #tpu.memory_space<hbm>>
        tpu.wait_dma2 semaphore(%run_scoped3A : memref<!tpu.dma_semaphore, #tpu.memory_space<semaphore_mem>>) src(%dma_wait3A_59 : memref<128xi32, #tpu.memory_space<hbm>>) dst(%arg10 : memref<128xi32, #tpu.memory_space<vmem>>)
        tpu.yield
      }) : () -> ()
      %dma_start3A = arith.constant 0 : i32
      %dma_start3A_51 = arith.constant 0 : i32
      %dma_start3A_52 = tpu.memref_slice %arg2[%dma_start3A, %dma_start3A_51] : memref<40000x128xf32, #tpu.memory_space<hbm>> -> memref<40000x128xf32, #tpu.memory_space<hbm>>
      tpu.enqueue_indirect_dma source(%dma_start3A_52 : memref<40000x128xf32, #tpu.memory_space<hbm>>) target(%arg11 : memref<128x128xf32, #tpu.memory_space<vmem>>) offsets(%arg9 : memref<128xi32, #tpu.memory_space<vmem>>) semaphore(%arg13 : memref<!tpu.dma_semaphore, #tpu.memory_space<semaphore_mem>>)
      %dma_wait3A = arith.constant 0 : i32
      %dma_wait3A_53 = arith.constant 0 : i32
      %dma_wait3A_54 = tpu.memref_slice %arg2[%dma_wait3A, %dma_wait3A_53] : memref<40000x128xf32, #tpu.memory_space<hbm>> -> memref<40000x128xf32, #tpu.memory_space<hbm>>
      tpu.wait_indirect_dma semaphore(%arg13 : memref<!tpu.dma_semaphore, #tpu.memory_space<semaphore_mem>>) src(%dma_wait3A_54 : memref<40000x128xf32, #tpu.memory_space<hbm>>) dst(%arg11 : memref<128x128xf32, #tpu.memory_space<vmem>>)
      "tpu.region"() ({
        %run_scoped3A = tpu.sem_alloc : memref<!tpu.dma_semaphore, #tpu.memory_space<semaphore_mem>>
        %dma_start3A_56 = arith.constant 0 : i32
        %dma_start3A_57 = arith.constant 0 : i32
        %dma_start3A_58 = tpu.memref_slice %arg12[%dma_start3A_56, %dma_start3A_57] : memref<10240x128xf32, #tpu.memory_space<vmem_shared>> -> memref<10240x128xf32, #tpu.memory_space<vmem_shared>>
        tpu.enqueue_indirect_dma source(%arg11 : memref<128x128xf32, #tpu.memory_space<vmem>>) target(%dma_start3A_58 : memref<10240x128xf32, #tpu.memory_space<vmem_shared>>) offsets(%arg10 : memref<128xi32, #tpu.memory_space<vmem>>) semaphore(%run_scoped3A : memref<!tpu.dma_semaphore, #tpu.memory_space<semaphore_mem>>) {add = true}
        %dma_wait3A_59 = arith.constant 0 : i32
        %dma_wait3A_60 = arith.constant 0 : i32
        %dma_wait3A_61 = tpu.memref_slice %arg12[%dma_wait3A_59, %dma_wait3A_60] : memref<10240x128xf32, #tpu.memory_space<vmem_shared>> -> memref<10240x128xf32, #tpu.memory_space<vmem_shared>>
        tpu.wait_indirect_dma semaphore(%run_scoped3A : memref<!tpu.dma_semaphore, #tpu.memory_space<semaphore_mem>>) src(%arg11 : memref<128x128xf32, #tpu.memory_space<vmem>>) dst(%dma_wait3A_61 : memref<10240x128xf32, #tpu.memory_space<vmem_shared>>)
        tpu.yield
      }) : () -> ()
      %scan3A_55 = arith.constant 0 : i32
      scf.yield %scan3A_55 : i32
    }
    %scan3A_6 = arith.constant 79 : i32
    %barrier3A_7 = arith.constant 0 : index
    tpu.barrier barrier_id(%barrier3A_7)
    %add3A = arith.constant 0 : i32
    %add3A_8 = arith.addi %add3A, %arg0 : i32
    %mul3A_9 = arith.constant 10240 : i32
    %mul3A_10 = arith.muli %add3A_8, %mul3A_9 : i32
    %mul3A_11 = arith.constant 640 : i32
    %mul3A_12 = arith.muli %arg1, %mul3A_11 : i32
    %add3A_13 = arith.addi %mul3A_10, %mul3A_12 : i32
    %multiple_of3A_14 = tpu.assume_multiple %add3A_13, 8 : i32
    "tpu.region"() ({
      %run_scoped3A = tpu.sem_alloc : memref<!tpu.dma_semaphore, #tpu.memory_space<semaphore_mem>>
      %dma_start3A = arith.constant 0 : i32
      %dma_start3A_34 = tpu.memref_slice %arg8[%multiple_of3A_14, %dma_start3A] : memref<40960x128xf32, #tpu.memory_space<hbm>> -> memref<640x128xf32, #tpu.memory_space<hbm>>
      %dma_start3A_35 = arith.constant 0 : i32
      %dma_start3A_36 = tpu.memref_slice %arg12[%multiple_of3A, %dma_start3A_35] : memref<10240x128xf32, #tpu.memory_space<vmem_shared>> -> memref<640x128xf32, #tpu.memory_space<vmem_shared>>
      tpu.enqueue_dma source(%dma_start3A_36 : memref<640x128xf32, #tpu.memory_space<vmem_shared>>) target(%dma_start3A_34 : memref<640x128xf32, #tpu.memory_space<hbm>>) target_semaphore(%run_scoped3A : memref<!tpu.dma_semaphore, #tpu.memory_space<semaphore_mem>>)
      %dma_wait3A = arith.constant 0 : i32
      %dma_wait3A_37 = tpu.memref_slice %arg8[%multiple_of3A_14, %dma_wait3A] : memref<40960x128xf32, #tpu.memory_space<hbm>> -> memref<640x128xf32, #tpu.memory_space<hbm>>
      %dma_wait3A_38 = arith.constant 0 : i32
      %dma_wait3A_39 = tpu.memref_slice %arg12[%multiple_of3A, %dma_wait3A_38] : memref<10240x128xf32, #tpu.memory_space<vmem_shared>> -> memref<640x128xf32, #tpu.memory_space<vmem_shared>>
      tpu.wait_dma2 semaphore(%run_scoped3A : memref<!tpu.dma_semaphore, #tpu.memory_space<semaphore_mem>>) src(%dma_wait3A_39 : memref<640x128xf32, #tpu.memory_space<vmem_shared>>) dst(%dma_wait3A_37 : memref<640x128xf32, #tpu.memory_space<hbm>>)
      tpu.yield
    }) : () -> ()
    %barrier3A_15 = arith.constant 0 : index
    tpu.barrier barrier_id(%barrier3A_15)
    "tpu.region"() ({
      %run_scoped3A = tpu.sem_alloc : memref<!tpu.dma_semaphore, #tpu.memory_space<semaphore_mem>>
      %dma_start3A = arith.constant 0 : i32
      %dma_start3A_34 = tpu.memref_slice %arg12[%multiple_of3A, %dma_start3A] : memref<10240x128xf32, #tpu.memory_space<vmem_shared>> -> memref<640x128xf32, #tpu.memory_space<vmem_shared>>
      tpu.enqueue_dma source(%arg7 : memref<640x128xf32, #tpu.memory_space<hbm>>) target(%dma_start3A_34 : memref<640x128xf32, #tpu.memory_space<vmem_shared>>) target_semaphore(%run_scoped3A : memref<!tpu.dma_semaphore, #tpu.memory_space<semaphore_mem>>)
      %dma_wait3A = arith.constant 0 : i32
      %dma_wait3A_35 = tpu.memref_slice %arg12[%multiple_of3A, %dma_wait3A] : memref<10240x128xf32, #tpu.memory_space<vmem_shared>> -> memref<640x128xf32, #tpu.memory_space<vmem_shared>>
      tpu.wait_dma2 semaphore(%run_scoped3A : memref<!tpu.dma_semaphore, #tpu.memory_space<semaphore_mem>>) src(%arg7 : memref<640x128xf32, #tpu.memory_space<hbm>>) dst(%dma_wait3A_35 : memref<640x128xf32, #tpu.memory_space<vmem_shared>>)
      tpu.yield
    }) : () -> ()
    %barrier3A_16 = arith.constant 0 : index
    tpu.barrier barrier_id(%barrier3A_16)
    %scan3A_17 = arith.constant 0 : i32
    %scan3A_18 = arith.constant 0 : i32
    %scan3A_19 = arith.constant 79 : i32
    %scan3A_20 = arith.addi %scan3A_18, %scan3A_19 : i32
    %scan3A_21 = arith.constant 1 : i32
    %scan3A_22 = scf.for %scan3A_34 = %scan3A_18 to %scan3A_20 step %scan3A_21 iter_args(%scan3A_35 = %scan3A_17) -> (i32)  : i32 {
      %mul3A_36 = arith.constant 161792 : i32
      %mul3A_37 = arith.muli %arg0, %mul3A_36 : i32
      %mul3A_38 = arith.constant 10112 : i32
      %mul3A_39 = arith.muli %arg1, %mul3A_38 : i32
      %add3A_40 = arith.addi %mul3A_37, %mul3A_39 : i32
      %mul3A_41 = arith.constant 128 : i32
      %mul3A_42 = arith.muli %scan3A_34, %mul3A_41 : i32
      %add3A_43 = arith.addi %add3A_40, %mul3A_42 : i32
      %multiple_of3A_44 = tpu.assume_multiple %add3A_43, 8 : i32
      %mul3A_45 = arith.constant 10112 : i32
      %mul3A_46 = arith.muli %arg1, %mul3A_45 : i32
      %mul3A_47 = arith.constant 128 : i32
      %mul3A_48 = arith.muli %scan3A_34, %mul3A_47 : i32
      %add3A_49 = arith.addi %mul3A_46, %mul3A_48 : i32
      %multiple_of3A_50 = tpu.assume_multiple %add3A_49, 8 : i32
      "tpu.region"() ({
        %run_scoped3A = tpu.sem_alloc : memref<!tpu.dma_semaphore, #tpu.memory_space<semaphore_mem>>
        %dma_start3A_56 = tpu.memref_slice %arg5[%multiple_of3A_44] : memref<323584xi32, #tpu.memory_space<hbm>> -> memref<128xi32, #tpu.memory_space<hbm>>
        %dma_start3A_57 = tpu.memref_slice %arg5[%multiple_of3A_44] : memref<323584xi32, #tpu.memory_space<hbm>> -> memref<128xi32, #tpu.memory_space<hbm>>
        tpu.enqueue_dma source(%dma_start3A_57 : memref<128xi32, #tpu.memory_space<hbm>>) target(%arg9 : memref<128xi32, #tpu.memory_space<vmem>>) target_semaphore(%run_scoped3A : memref<!tpu.dma_semaphore, #tpu.memory_space<semaphore_mem>>)
        %dma_wait3A_58 = tpu.memref_slice %arg5[%multiple_of3A_44] : memref<323584xi32, #tpu.memory_space<hbm>> -> memref<128xi32, #tpu.memory_space<hbm>>
        %dma_wait3A_59 = tpu.memref_slice %arg5[%multiple_of3A_44] : memref<323584xi32, #tpu.memory_space<hbm>> -> memref<128xi32, #tpu.memory_space<hbm>>
        tpu.wait_dma2 semaphore(%run_scoped3A : memref<!tpu.dma_semaphore, #tpu.memory_space<semaphore_mem>>) src(%dma_wait3A_59 : memref<128xi32, #tpu.memory_space<hbm>>) dst(%arg9 : memref<128xi32, #tpu.memory_space<vmem>>)
        tpu.yield
      }) : () -> ()
      "tpu.region"() ({
        %run_scoped3A = tpu.sem_alloc : memref<!tpu.dma_semaphore, #tpu.memory_space<semaphore_mem>>
        %dma_start3A_56 = tpu.memref_slice %arg6[%multiple_of3A_50] : memref<161792xi32, #tpu.memory_space<hbm>> -> memref<128xi32, #tpu.memory_space<hbm>>
        %dma_start3A_57 = tpu.memref_slice %arg6[%multiple_of3A_50] : memref<161792xi32, #tpu.memory_space<hbm>> -> memref<128xi32, #tpu.memory_space<hbm>>
        tpu.enqueue_dma source(%dma_start3A_57 : memref<128xi32, #tpu.memory_space<hbm>>) target(%arg10 : memref<128xi32, #tpu.memory_space<vmem>>) target_semaphore(%run_scoped3A : memref<!tpu.dma_semaphore, #tpu.memory_space<semaphore_mem>>)
        %dma_wait3A_58 = tpu.memref_slice %arg6[%multiple_of3A_50] : memref<161792xi32, #tpu.memory_space<hbm>> -> memref<128xi32, #tpu.memory_space<hbm>>
        %dma_wait3A_59 = tpu.memref_slice %arg6[%multiple_of3A_50] : memref<161792xi32, #tpu.memory_space<hbm>> -> memref<128xi32, #tpu.memory_space<hbm>>
        tpu.wait_dma2 semaphore(%run_scoped3A : memref<!tpu.dma_semaphore, #tpu.memory_space<semaphore_mem>>) src(%dma_wait3A_59 : memref<128xi32, #tpu.memory_space<hbm>>) dst(%arg10 : memref<128xi32, #tpu.memory_space<vmem>>)
        tpu.yield
      }) : () -> ()
      %dma_start3A = arith.constant 0 : i32
      %dma_start3A_51 = arith.constant 0 : i32
      %dma_start3A_52 = tpu.memref_slice %arg2[%dma_start3A, %dma_start3A_51] : memref<40000x128xf32, #tpu.memory_space<hbm>> -> memref<40000x128xf32, #tpu.memory_space<hbm>>
      tpu.enqueue_indirect_dma source(%dma_start3A_52 : memref<40000x128xf32, #tpu.memory_space<hbm>>) target(%arg11 : memref<128x128xf32, #tpu.memory_space<vmem>>) offsets(%arg9 : memref<128xi32, #tpu.memory_space<vmem>>) semaphore(%arg13 : memref<!tpu.dma_semaphore, #tpu.memory_space<semaphore_mem>>)
      %dma_wait3A = arith.constant 0 : i32
      %dma_wait3A_53 = arith.constant 0 : i32
      %dma_wait3A_54 = tpu.memref_slice %arg2[%dma_wait3A, %dma_wait3A_53] : memref<40000x128xf32, #tpu.memory_space<hbm>> -> memref<40000x128xf32, #tpu.memory_space<hbm>>
      tpu.wait_indirect_dma semaphore(%arg13 : memref<!tpu.dma_semaphore, #tpu.memory_space<semaphore_mem>>) src(%dma_wait3A_54 : memref<40000x128xf32, #tpu.memory_space<hbm>>) dst(%arg11 : memref<128x128xf32, #tpu.memory_space<vmem>>)
      "tpu.region"() ({
        %run_scoped3A = tpu.sem_alloc : memref<!tpu.dma_semaphore, #tpu.memory_space<semaphore_mem>>
        %dma_start3A_56 = arith.constant 0 : i32
        %dma_start3A_57 = arith.constant 0 : i32
        %dma_start3A_58 = tpu.memref_slice %arg12[%dma_start3A_56, %dma_start3A_57] : memref<10240x128xf32, #tpu.memory_space<vmem_shared>> -> memref<10240x128xf32, #tpu.memory_space<vmem_shared>>
        tpu.enqueue_indirect_dma source(%arg11 : memref<128x128xf32, #tpu.memory_space<vmem>>) target(%dma_start3A_58 : memref<10240x128xf32, #tpu.memory_space<vmem_shared>>) offsets(%arg10 : memref<128xi32, #tpu.memory_space<vmem>>) semaphore(%run_scoped3A : memref<!tpu.dma_semaphore, #tpu.memory_space<semaphore_mem>>) {add = true}
        %dma_wait3A_59 = arith.constant 0 : i32
        %dma_wait3A_60 = arith.constant 0 : i32
        %dma_wait3A_61 = tpu.memref_slice %arg12[%dma_wait3A_59, %dma_wait3A_60] : memref<10240x128xf32, #tpu.memory_space<vmem_shared>> -> memref<10240x128xf32, #tpu.memory_space<vmem_shared>>
        tpu.wait_indirect_dma semaphore(%run_scoped3A : memref<!tpu.dma_semaphore, #tpu.memory_space<semaphore_mem>>) src(%arg11 : memref<128x128xf32, #tpu.memory_space<vmem>>) dst(%dma_wait3A_61 : memref<10240x128xf32, #tpu.memory_space<vmem_shared>>)
        tpu.yield
      }) : () -> ()
      %scan3A_55 = arith.constant 0 : i32
      scf.yield %scan3A_55 : i32
    }
    %scan3A_23 = arith.constant 79 : i32
    %barrier3A_24 = arith.constant 0 : index
    tpu.barrier barrier_id(%barrier3A_24)
    %add3A_25 = arith.constant 2 : i32
    %add3A_26 = arith.addi %add3A_25, %arg0 : i32
    %mul3A_27 = arith.constant 10240 : i32
    %mul3A_28 = arith.muli %add3A_26, %mul3A_27 : i32
    %mul3A_29 = arith.constant 640 : i32
    %mul3A_30 = arith.muli %arg1, %mul3A_29 : i32
    %add3A_31 = arith.addi %mul3A_28, %mul3A_30 : i32
    %multiple_of3A_32 = tpu.assume_multiple %add3A_31, 8 : i32
    "tpu.region"() ({
      %run_scoped3A = tpu.sem_alloc : memref<!tpu.dma_semaphore, #tpu.memory_space<semaphore_mem>>
      %dma_start3A = arith.constant 0 : i32
      %dma_start3A_34 = tpu.memref_slice %arg8[%multiple_of3A_32, %dma_start3A] : memref<40960x128xf32, #tpu.memory_space<hbm>> -> memref<640x128xf32, #tpu.memory_space<hbm>>
      %dma_start3A_35 = arith.constant 0 : i32
      %dma_start3A_36 = tpu.memref_slice %arg12[%multiple_of3A, %dma_start3A_35] : memref<10240x128xf32, #tpu.memory_space<vmem_shared>> -> memref<640x128xf32, #tpu.memory_space<vmem_shared>>
      tpu.enqueue_dma source(%dma_start3A_36 : memref<640x128xf32, #tpu.memory_space<vmem_shared>>) target(%dma_start3A_34 : memref<640x128xf32, #tpu.memory_space<hbm>>) target_semaphore(%run_scoped3A : memref<!tpu.dma_semaphore, #tpu.memory_space<semaphore_mem>>)
      %dma_wait3A = arith.constant 0 : i32
      %dma_wait3A_37 = tpu.memref_slice %arg8[%multiple_of3A_32, %dma_wait3A] : memref<40960x128xf32, #tpu.memory_space<hbm>> -> memref<640x128xf32, #tpu.memory_space<hbm>>
      %dma_wait3A_38 = arith.constant 0 : i32
      %dma_wait3A_39 = tpu.memref_slice %arg12[%multiple_of3A, %dma_wait3A_38] : memref<10240x128xf32, #tpu.memory_space<vmem_shared>> -> memref<640x128xf32, #tpu.memory_space<vmem_shared>>
      tpu.wait_dma2 semaphore(%run_scoped3A : memref<!tpu.dma_semaphore, #tpu.memory_space<semaphore_mem>>) src(%dma_wait3A_39 : memref<640x128xf32, #tpu.memory_space<vmem_shared>>) dst(%dma_wait3A_37 : memref<640x128xf32, #tpu.memory_space<hbm>>)
      tpu.yield
    }) : () -> ()
    %barrier3A_33 = arith.constant 0 : index
    tpu.barrier barrier_id(%barrier3A_33)
    return
  }
}

#map = affine_map<(d0, d1) -> (0, 0)>
#map1 = affine_map<(d0, d1) -> (0)>
module attributes {stable_mosaic.version = 14 : i64} {
  func.func @_scat_body(%arg0: i32, %arg1: i32, %arg2: memref<40000x128xf32, #tpu.memory_space<hbm>>, %arg3: memref<323584xi32, #tpu.memory_space<hbm>>, %arg4: memref<161792xi32, #tpu.memory_space<hbm>>, %arg5: memref<323584xi32, #tpu.memory_space<hbm>>, %arg6: memref<161792xi32, #tpu.memory_space<hbm>>, %arg7: memref<640x128xf32, #tpu.memory_space<hbm>>, %arg8: memref<40960x128xf32, #tpu.memory_space<hbm>>, %arg9: memref<128xi32, #tpu.memory_space<vmem>>, %arg10: memref<128xi32, #tpu.memory_space<vmem>>, %arg11: memref<128x128xf32, #tpu.memory_space<vmem>>, %arg12: memref<10240x128xf32, #tpu.memory_space<vmem_shared>>, %arg13: memref<!tpu.dma_semaphore, #tpu.memory_space<semaphore_mem>>) attributes {dimension_semantics = [#tpu.dimension_semantics<core_parallel>, #tpu.dimension_semantics<subcore_parallel>], iteration_bounds = array<i64: 2, 16>, scalar_prefetch = 0 : i64, scratch_operands = 5 : i64, tpu.core_type = #tpu.core_type<sc_vector_subcore>, window_params = [{transform_indices = #map}, {transform_indices = #map1}, {transform_indices = #map1}, {transform_indices = #map1}, {transform_indices = #map1}, {transform_indices = #map}, {transform_indices = #map}]} {
    %mul3A = arith.constant 640 : i32
    %mul3A_0 = arith.muli %arg1, %mul3A : i32
    %multiple_of3A = tpu.assume_multiple %mul3A_0, 8 : i32
    "tpu.region"() ({
      %run_scoped3A = tpu.sem_alloc : memref<!tpu.dma_semaphore, #tpu.memory_space<semaphore_mem>>
      %dma_start3A = arith.constant 0 : i32
      %dma_start3A_34 = tpu.memref_slice %arg12[%multiple_of3A, %dma_start3A] : memref<10240x128xf32, #tpu.memory_space<vmem_shared>> -> memref<640x128xf32, #tpu.memory_space<vmem_shared>>
      tpu.enqueue_dma source(%arg7 : memref<640x128xf32, #tpu.memory_space<hbm>>) target(%dma_start3A_34 : memref<640x128xf32, #tpu.memory_space<vmem_shared>>) target_semaphore(%run_scoped3A : memref<!tpu.dma_semaphore, #tpu.memory_space<semaphore_mem>>)
      %dma_wait3A = arith.constant 0 : i32
      %dma_wait3A_35 = tpu.memref_slice %arg12[%multiple_of3A, %dma_wait3A] : memref<10240x128xf32, #tpu.memory_space<vmem_shared>> -> memref<640x128xf32, #tpu.memory_space<vmem_shared>>
      tpu.wait_dma2 semaphore(%run_scoped3A : memref<!tpu.dma_semaphore, #tpu.memory_space<semaphore_mem>>) src(%arg7 : memref<640x128xf32, #tpu.memory_space<hbm>>) dst(%dma_wait3A_35 : memref<640x128xf32, #tpu.memory_space<vmem_shared>>)
      tpu.yield
    }) : () -> ()
    %barrier3A = arith.constant 0 : index
    tpu.barrier barrier_id(%barrier3A)
    %scan3A = arith.constant 0 : i32
    %scan3A_1 = arith.constant 0 : i32
    %scan3A_2 = arith.constant 79 : i32
    %scan3A_3 = arith.addi %scan3A_1, %scan3A_2 : i32
    %scan3A_4 = arith.constant 1 : i32
    %scan3A_5 = scf.for %scan3A_34 = %scan3A_1 to %scan3A_3 step %scan3A_4 iter_args(%scan3A_35 = %scan3A) -> (i32)  : i32 {
      %mul3A_36 = arith.constant 161792 : i32
      %mul3A_37 = arith.muli %arg0, %mul3A_36 : i32
      %mul3A_38 = arith.constant 10112 : i32
      %mul3A_39 = arith.muli %arg1, %mul3A_38 : i32
      %add3A_40 = arith.addi %mul3A_37, %mul3A_39 : i32
      %mul3A_41 = arith.constant 128 : i32
      %mul3A_42 = arith.muli %scan3A_34, %mul3A_41 : i32
      %add3A_43 = arith.addi %add3A_40, %mul3A_42 : i32
      %multiple_of3A_44 = tpu.assume_multiple %add3A_43, 8 : i32
      %mul3A_45 = arith.constant 10112 : i32
      %mul3A_46 = arith.muli %arg1, %mul3A_45 : i32
      %mul3A_47 = arith.constant 128 : i32
      %mul3A_48 = arith.muli %scan3A_34, %mul3A_47 : i32
      %add3A_49 = arith.addi %mul3A_46, %mul3A_48 : i32
      %multiple_of3A_50 = tpu.assume_multiple %add3A_49, 8 : i32
      "tpu.region"() ({
        %run_scoped3A = tpu.sem_alloc : memref<!tpu.dma_semaphore, #tpu.memory_space<semaphore_mem>>
        %dma_start3A_56 = tpu.memref_slice %arg3[%multiple_of3A_44] : memref<323584xi32, #tpu.memory_space<hbm>> -> memref<128xi32, #tpu.memory_space<hbm>>
        %dma_start3A_57 = tpu.memref_slice %arg3[%multiple_of3A_44] : memref<323584xi32, #tpu.memory_space<hbm>> -> memref<128xi32, #tpu.memory_space<hbm>>
        tpu.enqueue_dma source(%dma_start3A_57 : memref<128xi32, #tpu.memory_space<hbm>>) target(%arg9 : memref<128xi32, #tpu.memory_space<vmem>>) target_semaphore(%run_scoped3A : memref<!tpu.dma_semaphore, #tpu.memory_space<semaphore_mem>>)
        %dma_wait3A_58 = tpu.memref_slice %arg3[%multiple_of3A_44] : memref<323584xi32, #tpu.memory_space<hbm>> -> memref<128xi32, #tpu.memory_space<hbm>>
        %dma_wait3A_59 = tpu.memref_slice %arg3[%multiple_of3A_44] : memref<323584xi32, #tpu.memory_space<hbm>> -> memref<128xi32, #tpu.memory_space<hbm>>
        tpu.wait_dma2 semaphore(%run_scoped3A : memref<!tpu.dma_semaphore, #tpu.memory_space<semaphore_mem>>) src(%dma_wait3A_59 : memref<128xi32, #tpu.memory_space<hbm>>) dst(%arg9 : memref<128xi32, #tpu.memory_space<vmem>>)
        tpu.yield
      }) : () -> ()
      "tpu.region"() ({
        %run_scoped3A = tpu.sem_alloc : memref<!tpu.dma_semaphore, #tpu.memory_space<semaphore_mem>>
        %dma_start3A_56 = tpu.memref_slice %arg4[%multiple_of3A_50] : memref<161792xi32, #tpu.memory_space<hbm>> -> memref<128xi32, #tpu.memory_space<hbm>>
        %dma_start3A_57 = tpu.memref_slice %arg4[%multiple_of3A_50] : memref<161792xi32, #tpu.memory_space<hbm>> -> memref<128xi32, #tpu.memory_space<hbm>>
        tpu.enqueue_dma source(%dma_start3A_57 : memref<128xi32, #tpu.memory_space<hbm>>) target(%arg10 : memref<128xi32, #tpu.memory_space<vmem>>) target_semaphore(%run_scoped3A : memref<!tpu.dma_semaphore, #tpu.memory_space<semaphore_mem>>)
        %dma_wait3A_58 = tpu.memref_slice %arg4[%multiple_of3A_50] : memref<161792xi32, #tpu.memory_space<hbm>> -> memref<128xi32, #tpu.memory_space<hbm>>
        %dma_wait3A_59 = tpu.memref_slice %arg4[%multiple_of3A_50] : memref<161792xi32, #tpu.memory_space<hbm>> -> memref<128xi32, #tpu.memory_space<hbm>>
        tpu.wait_dma2 semaphore(%run_scoped3A : memref<!tpu.dma_semaphore, #tpu.memory_space<semaphore_mem>>) src(%dma_wait3A_59 : memref<128xi32, #tpu.memory_space<hbm>>) dst(%arg10 : memref<128xi32, #tpu.memory_space<vmem>>)
        tpu.yield
      }) : () -> ()
      %dma_start3A = arith.constant 0 : i32
      %dma_start3A_51 = arith.constant 0 : i32
      %dma_start3A_52 = tpu.memref_slice %arg2[%dma_start3A, %dma_start3A_51] : memref<40000x128xf32, #tpu.memory_space<hbm>> -> memref<40000x128xf32, #tpu.memory_space<hbm>>
      tpu.enqueue_indirect_dma source(%dma_start3A_52 : memref<40000x128xf32, #tpu.memory_space<hbm>>) target(%arg11 : memref<128x128xf32, #tpu.memory_space<vmem>>) offsets(%arg9 : memref<128xi32, #tpu.memory_space<vmem>>) semaphore(%arg13 : memref<!tpu.dma_semaphore, #tpu.memory_space<semaphore_mem>>)
      %dma_wait3A = arith.constant 0 : i32
      %dma_wait3A_53 = arith.constant 0 : i32
      %dma_wait3A_54 = tpu.memref_slice %arg2[%dma_wait3A, %dma_wait3A_53] : memref<40000x128xf32, #tpu.memory_space<hbm>> -> memref<40000x128xf32, #tpu.memory_space<hbm>>
      tpu.wait_indirect_dma semaphore(%arg13 : memref<!tpu.dma_semaphore, #tpu.memory_space<semaphore_mem>>) src(%dma_wait3A_54 : memref<40000x128xf32, #tpu.memory_space<hbm>>) dst(%arg11 : memref<128x128xf32, #tpu.memory_space<vmem>>)
      "tpu.region"() ({
        %run_scoped3A = tpu.sem_alloc : memref<!tpu.dma_semaphore, #tpu.memory_space<semaphore_mem>>
        %dma_start3A_56 = arith.constant 0 : i32
        %dma_start3A_57 = arith.constant 0 : i32
        %dma_start3A_58 = tpu.memref_slice %arg12[%dma_start3A_56, %dma_start3A_57] : memref<10240x128xf32, #tpu.memory_space<vmem_shared>> -> memref<10240x128xf32, #tpu.memory_space<vmem_shared>>
        tpu.enqueue_indirect_dma source(%arg11 : memref<128x128xf32, #tpu.memory_space<vmem>>) target(%dma_start3A_58 : memref<10240x128xf32, #tpu.memory_space<vmem_shared>>) offsets(%arg10 : memref<128xi32, #tpu.memory_space<vmem>>) semaphore(%run_scoped3A : memref<!tpu.dma_semaphore, #tpu.memory_space<semaphore_mem>>) {add = true}
        %dma_wait3A_59 = arith.constant 0 : i32
        %dma_wait3A_60 = arith.constant 0 : i32
        %dma_wait3A_61 = tpu.memref_slice %arg12[%dma_wait3A_59, %dma_wait3A_60] : memref<10240x128xf32, #tpu.memory_space<vmem_shared>> -> memref<10240x128xf32, #tpu.memory_space<vmem_shared>>
        tpu.wait_indirect_dma semaphore(%run_scoped3A : memref<!tpu.dma_semaphore, #tpu.memory_space<semaphore_mem>>) src(%arg11 : memref<128x128xf32, #tpu.memory_space<vmem>>) dst(%dma_wait3A_61 : memref<10240x128xf32, #tpu.memory_space<vmem_shared>>)
        tpu.yield
      }) : () -> ()
      %scan3A_55 = arith.constant 0 : i32
      scf.yield %scan3A_55 : i32
    }
    %scan3A_6 = arith.constant 79 : i32
    %barrier3A_7 = arith.constant 0 : index
    tpu.barrier barrier_id(%barrier3A_7)
    %add3A = arith.constant 0 : i32
    %add3A_8 = arith.addi %add3A, %arg0 : i32
    %mul3A_9 = arith.constant 10240 : i32
    %mul3A_10 = arith.muli %add3A_8, %mul3A_9 : i32
    %mul3A_11 = arith.constant 640 : i32
    %mul3A_12 = arith.muli %arg1, %mul3A_11 : i32
    %add3A_13 = arith.addi %mul3A_10, %mul3A_12 : i32
    %multiple_of3A_14 = tpu.assume_multiple %add3A_13, 8 : i32
    "tpu.region"() ({
      %run_scoped3A = tpu.sem_alloc : memref<!tpu.dma_semaphore, #tpu.memory_space<semaphore_mem>>
      %dma_start3A = arith.constant 0 : i32
      %dma_start3A_34 = tpu.memref_slice %arg8[%multiple_of3A_14, %dma_start3A] : memref<40960x128xf32, #tpu.memory_space<hbm>> -> memref<640x128xf32, #tpu.memory_space<hbm>>
      %dma_start3A_35 = arith.constant 0 : i32
      %dma_start3A_36 = tpu.memref_slice %arg12[%multiple_of3A, %dma_start3A_35] : memref<10240x128xf32, #tpu.memory_space<vmem_shared>> -> memref<640x128xf32, #tpu.memory_space<vmem_shared>>
      tpu.enqueue_dma source(%dma_start3A_36 : memref<640x128xf32, #tpu.memory_space<vmem_shared>>) target(%dma_start3A_34 : memref<640x128xf32, #tpu.memory_space<hbm>>) target_semaphore(%run_scoped3A : memref<!tpu.dma_semaphore, #tpu.memory_space<semaphore_mem>>)
      %dma_wait3A = arith.constant 0 : i32
      %dma_wait3A_37 = tpu.memref_slice %arg8[%multiple_of3A_14, %dma_wait3A] : memref<40960x128xf32, #tpu.memory_space<hbm>> -> memref<640x128xf32, #tpu.memory_space<hbm>>
      %dma_wait3A_38 = arith.constant 0 : i32
      %dma_wait3A_39 = tpu.memref_slice %arg12[%multiple_of3A, %dma_wait3A_38] : memref<10240x128xf32, #tpu.memory_space<vmem_shared>> -> memref<640x128xf32, #tpu.memory_space<vmem_shared>>
      tpu.wait_dma2 semaphore(%run_scoped3A : memref<!tpu.dma_semaphore, #tpu.memory_space<semaphore_mem>>) src(%dma_wait3A_39 : memref<640x128xf32, #tpu.memory_space<vmem_shared>>) dst(%dma_wait3A_37 : memref<640x128xf32, #tpu.memory_space<hbm>>)
      tpu.yield
    }) : () -> ()
    %barrier3A_15 = arith.constant 0 : index
    tpu.barrier barrier_id(%barrier3A_15)
    "tpu.region"() ({
      %run_scoped3A = tpu.sem_alloc : memref<!tpu.dma_semaphore, #tpu.memory_space<semaphore_mem>>
      %dma_start3A = arith.constant 0 : i32
      %dma_start3A_34 = tpu.memref_slice %arg12[%multiple_of3A, %dma_start3A] : memref<10240x128xf32, #tpu.memory_space<vmem_shared>> -> memref<640x128xf32, #tpu.memory_space<vmem_shared>>
      tpu.enqueue_dma source(%arg7 : memref<640x128xf32, #tpu.memory_space<hbm>>) target(%dma_start3A_34 : memref<640x128xf32, #tpu.memory_space<vmem_shared>>) target_semaphore(%run_scoped3A : memref<!tpu.dma_semaphore, #tpu.memory_space<semaphore_mem>>)
      %dma_wait3A = arith.constant 0 : i32
      %dma_wait3A_35 = tpu.memref_slice %arg12[%multiple_of3A, %dma_wait3A] : memref<10240x128xf32, #tpu.memory_space<vmem_shared>> -> memref<640x128xf32, #tpu.memory_space<vmem_shared>>
      tpu.wait_dma2 semaphore(%run_scoped3A : memref<!tpu.dma_semaphore, #tpu.memory_space<semaphore_mem>>) src(%arg7 : memref<640x128xf32, #tpu.memory_space<hbm>>) dst(%dma_wait3A_35 : memref<640x128xf32, #tpu.memory_space<vmem_shared>>)
      tpu.yield
    }) : () -> ()
    %barrier3A_16 = arith.constant 0 : index
    tpu.barrier barrier_id(%barrier3A_16)
    %scan3A_17 = arith.constant 0 : i32
    %scan3A_18 = arith.constant 0 : i32
    %scan3A_19 = arith.constant 79 : i32
    %scan3A_20 = arith.addi %scan3A_18, %scan3A_19 : i32
    %scan3A_21 = arith.constant 1 : i32
    %scan3A_22 = scf.for %scan3A_34 = %scan3A_18 to %scan3A_20 step %scan3A_21 iter_args(%scan3A_35 = %scan3A_17) -> (i32)  : i32 {
      %mul3A_36 = arith.constant 161792 : i32
      %mul3A_37 = arith.muli %arg0, %mul3A_36 : i32
      %mul3A_38 = arith.constant 10112 : i32
      %mul3A_39 = arith.muli %arg1, %mul3A_38 : i32
      %add3A_40 = arith.addi %mul3A_37, %mul3A_39 : i32
      %mul3A_41 = arith.constant 128 : i32
      %mul3A_42 = arith.muli %scan3A_34, %mul3A_41 : i32
      %add3A_43 = arith.addi %add3A_40, %mul3A_42 : i32
      %multiple_of3A_44 = tpu.assume_multiple %add3A_43, 8 : i32
      %mul3A_45 = arith.constant 10112 : i32
      %mul3A_46 = arith.muli %arg1, %mul3A_45 : i32
      %mul3A_47 = arith.constant 128 : i32
      %mul3A_48 = arith.muli %scan3A_34, %mul3A_47 : i32
      %add3A_49 = arith.addi %mul3A_46, %mul3A_48 : i32
      %multiple_of3A_50 = tpu.assume_multiple %add3A_49, 8 : i32
      "tpu.region"() ({
        %run_scoped3A = tpu.sem_alloc : memref<!tpu.dma_semaphore, #tpu.memory_space<semaphore_mem>>
        %dma_start3A_56 = tpu.memref_slice %arg5[%multiple_of3A_44] : memref<323584xi32, #tpu.memory_space<hbm>> -> memref<128xi32, #tpu.memory_space<hbm>>
        %dma_start3A_57 = tpu.memref_slice %arg5[%multiple_of3A_44] : memref<323584xi32, #tpu.memory_space<hbm>> -> memref<128xi32, #tpu.memory_space<hbm>>
        tpu.enqueue_dma source(%dma_start3A_57 : memref<128xi32, #tpu.memory_space<hbm>>) target(%arg9 : memref<128xi32, #tpu.memory_space<vmem>>) target_semaphore(%run_scoped3A : memref<!tpu.dma_semaphore, #tpu.memory_space<semaphore_mem>>)
        %dma_wait3A_58 = tpu.memref_slice %arg5[%multiple_of3A_44] : memref<323584xi32, #tpu.memory_space<hbm>> -> memref<128xi32, #tpu.memory_space<hbm>>
        %dma_wait3A_59 = tpu.memref_slice %arg5[%multiple_of3A_44] : memref<323584xi32, #tpu.memory_space<hbm>> -> memref<128xi32, #tpu.memory_space<hbm>>
        tpu.wait_dma2 semaphore(%run_scoped3A : memref<!tpu.dma_semaphore, #tpu.memory_space<semaphore_mem>>) src(%dma_wait3A_59 : memref<128xi32, #tpu.memory_space<hbm>>) dst(%arg9 : memref<128xi32, #tpu.memory_space<vmem>>)
        tpu.yield
      }) : () -> ()
      "tpu.region"() ({
        %run_scoped3A = tpu.sem_alloc : memref<!tpu.dma_semaphore, #tpu.memory_space<semaphore_mem>>
        %dma_start3A_56 = tpu.memref_slice %arg6[%multiple_of3A_50] : memref<161792xi32, #tpu.memory_space<hbm>> -> memref<128xi32, #tpu.memory_space<hbm>>
        %dma_start3A_57 = tpu.memref_slice %arg6[%multiple_of3A_50] : memref<161792xi32, #tpu.memory_space<hbm>> -> memref<128xi32, #tpu.memory_space<hbm>>
        tpu.enqueue_dma source(%dma_start3A_57 : memref<128xi32, #tpu.memory_space<hbm>>) target(%arg10 : memref<128xi32, #tpu.memory_space<vmem>>) target_semaphore(%run_scoped3A : memref<!tpu.dma_semaphore, #tpu.memory_space<semaphore_mem>>)
        %dma_wait3A_58 = tpu.memref_slice %arg6[%multiple_of3A_50] : memref<161792xi32, #tpu.memory_space<hbm>> -> memref<128xi32, #tpu.memory_space<hbm>>
        %dma_wait3A_59 = tpu.memref_slice %arg6[%multiple_of3A_50] : memref<161792xi32, #tpu.memory_space<hbm>> -> memref<128xi32, #tpu.memory_space<hbm>>
        tpu.wait_dma2 semaphore(%run_scoped3A : memref<!tpu.dma_semaphore, #tpu.memory_space<semaphore_mem>>) src(%dma_wait3A_59 : memref<128xi32, #tpu.memory_space<hbm>>) dst(%arg10 : memref<128xi32, #tpu.memory_space<vmem>>)
        tpu.yield
      }) : () -> ()
      %dma_start3A = arith.constant 0 : i32
      %dma_start3A_51 = arith.constant 0 : i32
      %dma_start3A_52 = tpu.memref_slice %arg2[%dma_start3A, %dma_start3A_51] : memref<40000x128xf32, #tpu.memory_space<hbm>> -> memref<40000x128xf32, #tpu.memory_space<hbm>>
      tpu.enqueue_indirect_dma source(%dma_start3A_52 : memref<40000x128xf32, #tpu.memory_space<hbm>>) target(%arg11 : memref<128x128xf32, #tpu.memory_space<vmem>>) offsets(%arg9 : memref<128xi32, #tpu.memory_space<vmem>>) semaphore(%arg13 : memref<!tpu.dma_semaphore, #tpu.memory_space<semaphore_mem>>)
      %dma_wait3A = arith.constant 0 : i32
      %dma_wait3A_53 = arith.constant 0 : i32
      %dma_wait3A_54 = tpu.memref_slice %arg2[%dma_wait3A, %dma_wait3A_53] : memref<40000x128xf32, #tpu.memory_space<hbm>> -> memref<40000x128xf32, #tpu.memory_space<hbm>>
      tpu.wait_indirect_dma semaphore(%arg13 : memref<!tpu.dma_semaphore, #tpu.memory_space<semaphore_mem>>) src(%dma_wait3A_54 : memref<40000x128xf32, #tpu.memory_space<hbm>>) dst(%arg11 : memref<128x128xf32, #tpu.memory_space<vmem>>)
      "tpu.region"() ({
        %run_scoped3A = tpu.sem_alloc : memref<!tpu.dma_semaphore, #tpu.memory_space<semaphore_mem>>
        %dma_start3A_56 = arith.constant 0 : i32
        %dma_start3A_57 = arith.constant 0 : i32
        %dma_start3A_58 = tpu.memref_slice %arg12[%dma_start3A_56, %dma_start3A_57] : memref<10240x128xf32, #tpu.memory_space<vmem_shared>> -> memref<10240x128xf32, #tpu.memory_space<vmem_shared>>
        tpu.enqueue_indirect_dma source(%arg11 : memref<128x128xf32, #tpu.memory_space<vmem>>) target(%dma_start3A_58 : memref<10240x128xf32, #tpu.memory_space<vmem_shared>>) offsets(%arg10 : memref<128xi32, #tpu.memory_space<vmem>>) semaphore(%run_scoped3A : memref<!tpu.dma_semaphore, #tpu.memory_space<semaphore_mem>>) {add = true}
        %dma_wait3A_59 = arith.constant 0 : i32
        %dma_wait3A_60 = arith.constant 0 : i32
        %dma_wait3A_61 = tpu.memref_slice %arg12[%dma_wait3A_59, %dma_wait3A_60] : memref<10240x128xf32, #tpu.memory_space<vmem_shared>> -> memref<10240x128xf32, #tpu.memory_space<vmem_shared>>
        tpu.wait_indirect_dma semaphore(%run_scoped3A : memref<!tpu.dma_semaphore, #tpu.memory_space<semaphore_mem>>) src(%arg11 : memref<128x128xf32, #tpu.memory_space<vmem>>) dst(%dma_wait3A_61 : memref<10240x128xf32, #tpu.memory_space<vmem_shared>>)
        tpu.yield
      }) : () -> ()
      %scan3A_55 = arith.constant 0 : i32
      scf.yield %scan3A_55 : i32
    }
    %scan3A_23 = arith.constant 79 : i32
    %barrier3A_24 = arith.constant 0 : index
    tpu.barrier barrier_id(%barrier3A_24)
    %add3A_25 = arith.constant 2 : i32
    %add3A_26 = arith.addi %add3A_25, %arg0 : i32
    %mul3A_27 = arith.constant 10240 : i32
    %mul3A_28 = arith.muli %add3A_26, %mul3A_27 : i32
    %mul3A_29 = arith.constant 640 : i32
    %mul3A_30 = arith.muli %arg1, %mul3A_29 : i32
    %add3A_31 = arith.addi %mul3A_28, %mul3A_30 : i32
    %multiple_of3A_32 = tpu.assume_multiple %add3A_31, 8 : i32
    "tpu.region"() ({
      %run_scoped3A = tpu.sem_alloc : memref<!tpu.dma_semaphore, #tpu.memory_space<semaphore_mem>>
      %dma_start3A = arith.constant 0 : i32
      %dma_start3A_34 = tpu.memref_slice %arg8[%multiple_of3A_32, %dma_start3A] : memref<40960x128xf32, #tpu.memory_space<hbm>> -> memref<640x128xf32, #tpu.memory_space<hbm>>
      %dma_start3A_35 = arith.constant 0 : i32
      %dma_start3A_36 = tpu.memref_slice %arg12[%multiple_of3A, %dma_start3A_35] : memref<10240x128xf32, #tpu.memory_space<vmem_shared>> -> memref<640x128xf32, #tpu.memory_space<vmem_shared>>
      tpu.enqueue_dma source(%dma_start3A_36 : memref<640x128xf32, #tpu.memory_space<vmem_shared>>) target(%dma_start3A_34 : memref<640x128xf32, #tpu.memory_space<hbm>>) target_semaphore(%run_scoped3A : memref<!tpu.dma_semaphore, #tpu.memory_space<semaphore_mem>>)
      %dma_wait3A = arith.constant 0 : i32
      %dma_wait3A_37 = tpu.memref_slice %arg8[%multiple_of3A_32, %dma_wait3A] : memref<40960x128xf32, #tpu.memory_space<hbm>> -> memref<640x128xf32, #tpu.memory_space<hbm>>
      %dma_wait3A_38 = arith.constant 0 : i32
      %dma_wait3A_39 = tpu.memref_slice %arg12[%multiple_of3A, %dma_wait3A_38] : memref<10240x128xf32, #tpu.memory_space<vmem_shared>> -> memref<640x128xf32, #tpu.memory_space<vmem_shared>>
      tpu.wait_dma2 semaphore(%run_scoped3A : memref<!tpu.dma_semaphore, #tpu.memory_space<semaphore_mem>>) src(%dma_wait3A_39 : memref<640x128xf32, #tpu.memory_space<vmem_shared>>) dst(%dma_wait3A_37 : memref<640x128xf32, #tpu.memory_space<hbm>>)
      tpu.yield
    }) : () -> ()
    %barrier3A_33 = arith.constant 0 : index
    tpu.barrier barrier_id(%barrier3A_33)
    return
  }
}

#map = affine_map<(d0, d1) -> (0, 0)>
#map1 = affine_map<(d0, d1) -> (0)>
module attributes {stable_mosaic.version = 14 : i64} {
  func.func @_scat_body(%arg0: i32, %arg1: i32, %arg2: memref<40000x128xf32, #tpu.memory_space<hbm>>, %arg3: memref<323584xi32, #tpu.memory_space<hbm>>, %arg4: memref<161792xi32, #tpu.memory_space<hbm>>, %arg5: memref<323584xi32, #tpu.memory_space<hbm>>, %arg6: memref<161792xi32, #tpu.memory_space<hbm>>, %arg7: memref<640x128xf32, #tpu.memory_space<hbm>>, %arg8: memref<40960x128xf32, #tpu.memory_space<hbm>>, %arg9: memref<128xi32, #tpu.memory_space<vmem>>, %arg10: memref<128xi32, #tpu.memory_space<vmem>>, %arg11: memref<128x128xf32, #tpu.memory_space<vmem>>, %arg12: memref<10240x128xf32, #tpu.memory_space<vmem_shared>>, %arg13: memref<!tpu.dma_semaphore, #tpu.memory_space<semaphore_mem>>) attributes {dimension_semantics = [#tpu.dimension_semantics<core_parallel>, #tpu.dimension_semantics<subcore_parallel>], iteration_bounds = array<i64: 2, 16>, scalar_prefetch = 0 : i64, scratch_operands = 5 : i64, tpu.core_type = #tpu.core_type<sc_vector_subcore>, window_params = [{transform_indices = #map}, {transform_indices = #map1}, {transform_indices = #map1}, {transform_indices = #map1}, {transform_indices = #map1}, {transform_indices = #map}, {transform_indices = #map}]} {
    %mul3A = arith.constant 640 : i32
    %mul3A_0 = arith.muli %arg1, %mul3A : i32
    %multiple_of3A = tpu.assume_multiple %mul3A_0, 8 : i32
    "tpu.region"() ({
      %run_scoped3A = tpu.sem_alloc : memref<!tpu.dma_semaphore, #tpu.memory_space<semaphore_mem>>
      %dma_start3A = arith.constant 0 : i32
      %dma_start3A_34 = tpu.memref_slice %arg12[%multiple_of3A, %dma_start3A] : memref<10240x128xf32, #tpu.memory_space<vmem_shared>> -> memref<640x128xf32, #tpu.memory_space<vmem_shared>>
      tpu.enqueue_dma source(%arg7 : memref<640x128xf32, #tpu.memory_space<hbm>>) target(%dma_start3A_34 : memref<640x128xf32, #tpu.memory_space<vmem_shared>>) target_semaphore(%run_scoped3A : memref<!tpu.dma_semaphore, #tpu.memory_space<semaphore_mem>>)
      %dma_wait3A = arith.constant 0 : i32
      %dma_wait3A_35 = tpu.memref_slice %arg12[%multiple_of3A, %dma_wait3A] : memref<10240x128xf32, #tpu.memory_space<vmem_shared>> -> memref<640x128xf32, #tpu.memory_space<vmem_shared>>
      tpu.wait_dma2 semaphore(%run_scoped3A : memref<!tpu.dma_semaphore, #tpu.memory_space<semaphore_mem>>) src(%arg7 : memref<640x128xf32, #tpu.memory_space<hbm>>) dst(%dma_wait3A_35 : memref<640x128xf32, #tpu.memory_space<vmem_shared>>)
      tpu.yield
    }) : () -> ()
    %barrier3A = arith.constant 0 : index
    tpu.barrier barrier_id(%barrier3A)
    %scan3A = arith.constant 0 : i32
    %scan3A_1 = arith.constant 0 : i32
    %scan3A_2 = arith.constant 79 : i32
    %scan3A_3 = arith.addi %scan3A_1, %scan3A_2 : i32
    %scan3A_4 = arith.constant 1 : i32
    %scan3A_5 = scf.for %scan3A_34 = %scan3A_1 to %scan3A_3 step %scan3A_4 iter_args(%scan3A_35 = %scan3A) -> (i32)  : i32 {
      %mul3A_36 = arith.constant 161792 : i32
      %mul3A_37 = arith.muli %arg0, %mul3A_36 : i32
      %mul3A_38 = arith.constant 10112 : i32
      %mul3A_39 = arith.muli %arg1, %mul3A_38 : i32
      %add3A_40 = arith.addi %mul3A_37, %mul3A_39 : i32
      %mul3A_41 = arith.constant 128 : i32
      %mul3A_42 = arith.muli %scan3A_34, %mul3A_41 : i32
      %add3A_43 = arith.addi %add3A_40, %mul3A_42 : i32
      %multiple_of3A_44 = tpu.assume_multiple %add3A_43, 8 : i32
      %mul3A_45 = arith.constant 10112 : i32
      %mul3A_46 = arith.muli %arg1, %mul3A_45 : i32
      %mul3A_47 = arith.constant 128 : i32
      %mul3A_48 = arith.muli %scan3A_34, %mul3A_47 : i32
      %add3A_49 = arith.addi %mul3A_46, %mul3A_48 : i32
      %multiple_of3A_50 = tpu.assume_multiple %add3A_49, 8 : i32
      "tpu.region"() ({
        %run_scoped3A = tpu.sem_alloc : memref<!tpu.dma_semaphore, #tpu.memory_space<semaphore_mem>>
        %dma_start3A_56 = tpu.memref_slice %arg3[%multiple_of3A_44] : memref<323584xi32, #tpu.memory_space<hbm>> -> memref<128xi32, #tpu.memory_space<hbm>>
        %dma_start3A_57 = tpu.memref_slice %arg3[%multiple_of3A_44] : memref<323584xi32, #tpu.memory_space<hbm>> -> memref<128xi32, #tpu.memory_space<hbm>>
        tpu.enqueue_dma source(%dma_start3A_57 : memref<128xi32, #tpu.memory_space<hbm>>) target(%arg9 : memref<128xi32, #tpu.memory_space<vmem>>) target_semaphore(%run_scoped3A : memref<!tpu.dma_semaphore, #tpu.memory_space<semaphore_mem>>)
        %dma_wait3A_58 = tpu.memref_slice %arg3[%multiple_of3A_44] : memref<323584xi32, #tpu.memory_space<hbm>> -> memref<128xi32, #tpu.memory_space<hbm>>
        %dma_wait3A_59 = tpu.memref_slice %arg3[%multiple_of3A_44] : memref<323584xi32, #tpu.memory_space<hbm>> -> memref<128xi32, #tpu.memory_space<hbm>>
        tpu.wait_dma2 semaphore(%run_scoped3A : memref<!tpu.dma_semaphore, #tpu.memory_space<semaphore_mem>>) src(%dma_wait3A_59 : memref<128xi32, #tpu.memory_space<hbm>>) dst(%arg9 : memref<128xi32, #tpu.memory_space<vmem>>)
        tpu.yield
      }) : () -> ()
      "tpu.region"() ({
        %run_scoped3A = tpu.sem_alloc : memref<!tpu.dma_semaphore, #tpu.memory_space<semaphore_mem>>
        %dma_start3A_56 = tpu.memref_slice %arg4[%multiple_of3A_50] : memref<161792xi32, #tpu.memory_space<hbm>> -> memref<128xi32, #tpu.memory_space<hbm>>
        %dma_start3A_57 = tpu.memref_slice %arg4[%multiple_of3A_50] : memref<161792xi32, #tpu.memory_space<hbm>> -> memref<128xi32, #tpu.memory_space<hbm>>
        tpu.enqueue_dma source(%dma_start3A_57 : memref<128xi32, #tpu.memory_space<hbm>>) target(%arg10 : memref<128xi32, #tpu.memory_space<vmem>>) target_semaphore(%run_scoped3A : memref<!tpu.dma_semaphore, #tpu.memory_space<semaphore_mem>>)
        %dma_wait3A_58 = tpu.memref_slice %arg4[%multiple_of3A_50] : memref<161792xi32, #tpu.memory_space<hbm>> -> memref<128xi32, #tpu.memory_space<hbm>>
        %dma_wait3A_59 = tpu.memref_slice %arg4[%multiple_of3A_50] : memref<161792xi32, #tpu.memory_space<hbm>> -> memref<128xi32, #tpu.memory_space<hbm>>
        tpu.wait_dma2 semaphore(%run_scoped3A : memref<!tpu.dma_semaphore, #tpu.memory_space<semaphore_mem>>) src(%dma_wait3A_59 : memref<128xi32, #tpu.memory_space<hbm>>) dst(%arg10 : memref<128xi32, #tpu.memory_space<vmem>>)
        tpu.yield
      }) : () -> ()
      %dma_start3A = arith.constant 0 : i32
      %dma_start3A_51 = arith.constant 0 : i32
      %dma_start3A_52 = tpu.memref_slice %arg2[%dma_start3A, %dma_start3A_51] : memref<40000x128xf32, #tpu.memory_space<hbm>> -> memref<40000x128xf32, #tpu.memory_space<hbm>>
      tpu.enqueue_indirect_dma source(%dma_start3A_52 : memref<40000x128xf32, #tpu.memory_space<hbm>>) target(%arg11 : memref<128x128xf32, #tpu.memory_space<vmem>>) offsets(%arg9 : memref<128xi32, #tpu.memory_space<vmem>>) semaphore(%arg13 : memref<!tpu.dma_semaphore, #tpu.memory_space<semaphore_mem>>)
      %dma_wait3A = arith.constant 0 : i32
      %dma_wait3A_53 = arith.constant 0 : i32
      %dma_wait3A_54 = tpu.memref_slice %arg2[%dma_wait3A, %dma_wait3A_53] : memref<40000x128xf32, #tpu.memory_space<hbm>> -> memref<40000x128xf32, #tpu.memory_space<hbm>>
      tpu.wait_indirect_dma semaphore(%arg13 : memref<!tpu.dma_semaphore, #tpu.memory_space<semaphore_mem>>) src(%dma_wait3A_54 : memref<40000x128xf32, #tpu.memory_space<hbm>>) dst(%arg11 : memref<128x128xf32, #tpu.memory_space<vmem>>)
      "tpu.region"() ({
        %run_scoped3A = tpu.sem_alloc : memref<!tpu.dma_semaphore, #tpu.memory_space<semaphore_mem>>
        %dma_start3A_56 = arith.constant 0 : i32
        %dma_start3A_57 = arith.constant 0 : i32
        %dma_start3A_58 = tpu.memref_slice %arg12[%dma_start3A_56, %dma_start3A_57] : memref<10240x128xf32, #tpu.memory_space<vmem_shared>> -> memref<10240x128xf32, #tpu.memory_space<vmem_shared>>
        tpu.enqueue_indirect_dma source(%arg11 : memref<128x128xf32, #tpu.memory_space<vmem>>) target(%dma_start3A_58 : memref<10240x128xf32, #tpu.memory_space<vmem_shared>>) offsets(%arg10 : memref<128xi32, #tpu.memory_space<vmem>>) semaphore(%run_scoped3A : memref<!tpu.dma_semaphore, #tpu.memory_space<semaphore_mem>>) {add = true}
        %dma_wait3A_59 = arith.constant 0 : i32
        %dma_wait3A_60 = arith.constant 0 : i32
        %dma_wait3A_61 = tpu.memref_slice %arg12[%dma_wait3A_59, %dma_wait3A_60] : memref<10240x128xf32, #tpu.memory_space<vmem_shared>> -> memref<10240x128xf32, #tpu.memory_space<vmem_shared>>
        tpu.wait_indirect_dma semaphore(%run_scoped3A : memref<!tpu.dma_semaphore, #tpu.memory_space<semaphore_mem>>) src(%arg11 : memref<128x128xf32, #tpu.memory_space<vmem>>) dst(%dma_wait3A_61 : memref<10240x128xf32, #tpu.memory_space<vmem_shared>>)
        tpu.yield
      }) : () -> ()
      %scan3A_55 = arith.constant 0 : i32
      scf.yield %scan3A_55 : i32
    }
    %scan3A_6 = arith.constant 79 : i32
    %barrier3A_7 = arith.constant 0 : index
    tpu.barrier barrier_id(%barrier3A_7)
    %add3A = arith.constant 0 : i32
    %add3A_8 = arith.addi %add3A, %arg0 : i32
    %mul3A_9 = arith.constant 10240 : i32
    %mul3A_10 = arith.muli %add3A_8, %mul3A_9 : i32
    %mul3A_11 = arith.constant 640 : i32
    %mul3A_12 = arith.muli %arg1, %mul3A_11 : i32
    %add3A_13 = arith.addi %mul3A_10, %mul3A_12 : i32
    %multiple_of3A_14 = tpu.assume_multiple %add3A_13, 8 : i32
    "tpu.region"() ({
      %run_scoped3A = tpu.sem_alloc : memref<!tpu.dma_semaphore, #tpu.memory_space<semaphore_mem>>
      %dma_start3A = arith.constant 0 : i32
      %dma_start3A_34 = tpu.memref_slice %arg8[%multiple_of3A_14, %dma_start3A] : memref<40960x128xf32, #tpu.memory_space<hbm>> -> memref<640x128xf32, #tpu.memory_space<hbm>>
      %dma_start3A_35 = arith.constant 0 : i32
      %dma_start3A_36 = tpu.memref_slice %arg12[%multiple_of3A, %dma_start3A_35] : memref<10240x128xf32, #tpu.memory_space<vmem_shared>> -> memref<640x128xf32, #tpu.memory_space<vmem_shared>>
      tpu.enqueue_dma source(%dma_start3A_36 : memref<640x128xf32, #tpu.memory_space<vmem_shared>>) target(%dma_start3A_34 : memref<640x128xf32, #tpu.memory_space<hbm>>) target_semaphore(%run_scoped3A : memref<!tpu.dma_semaphore, #tpu.memory_space<semaphore_mem>>)
      %dma_wait3A = arith.constant 0 : i32
      %dma_wait3A_37 = tpu.memref_slice %arg8[%multiple_of3A_14, %dma_wait3A] : memref<40960x128xf32, #tpu.memory_space<hbm>> -> memref<640x128xf32, #tpu.memory_space<hbm>>
      %dma_wait3A_38 = arith.constant 0 : i32
      %dma_wait3A_39 = tpu.memref_slice %arg12[%multiple_of3A, %dma_wait3A_38] : memref<10240x128xf32, #tpu.memory_space<vmem_shared>> -> memref<640x128xf32, #tpu.memory_space<vmem_shared>>
      tpu.wait_dma2 semaphore(%run_scoped3A : memref<!tpu.dma_semaphore, #tpu.memory_space<semaphore_mem>>) src(%dma_wait3A_39 : memref<640x128xf32, #tpu.memory_space<vmem_shared>>) dst(%dma_wait3A_37 : memref<640x128xf32, #tpu.memory_space<hbm>>)
      tpu.yield
    }) : () -> ()
    %barrier3A_15 = arith.constant 0 : index
    tpu.barrier barrier_id(%barrier3A_15)
    "tpu.region"() ({
      %run_scoped3A = tpu.sem_alloc : memref<!tpu.dma_semaphore, #tpu.memory_space<semaphore_mem>>
      %dma_start3A = arith.constant 0 : i32
      %dma_start3A_34 = tpu.memref_slice %arg12[%multiple_of3A, %dma_start3A] : memref<10240x128xf32, #tpu.memory_space<vmem_shared>> -> memref<640x128xf32, #tpu.memory_space<vmem_shared>>
      tpu.enqueue_dma source(%arg7 : memref<640x128xf32, #tpu.memory_space<hbm>>) target(%dma_start3A_34 : memref<640x128xf32, #tpu.memory_space<vmem_shared>>) target_semaphore(%run_scoped3A : memref<!tpu.dma_semaphore, #tpu.memory_space<semaphore_mem>>)
      %dma_wait3A = arith.constant 0 : i32
      %dma_wait3A_35 = tpu.memref_slice %arg12[%multiple_of3A, %dma_wait3A] : memref<10240x128xf32, #tpu.memory_space<vmem_shared>> -> memref<640x128xf32, #tpu.memory_space<vmem_shared>>
      tpu.wait_dma2 semaphore(%run_scoped3A : memref<!tpu.dma_semaphore, #tpu.memory_space<semaphore_mem>>) src(%arg7 : memref<640x128xf32, #tpu.memory_space<hbm>>) dst(%dma_wait3A_35 : memref<640x128xf32, #tpu.memory_space<vmem_shared>>)
      tpu.yield
    }) : () -> ()
    %barrier3A_16 = arith.constant 0 : index
    tpu.barrier barrier_id(%barrier3A_16)
    %scan3A_17 = arith.constant 0 : i32
    %scan3A_18 = arith.constant 0 : i32
    %scan3A_19 = arith.constant 79 : i32
    %scan3A_20 = arith.addi %scan3A_18, %scan3A_19 : i32
    %scan3A_21 = arith.constant 1 : i32
    %scan3A_22 = scf.for %scan3A_34 = %scan3A_18 to %scan3A_20 step %scan3A_21 iter_args(%scan3A_35 = %scan3A_17) -> (i32)  : i32 {
      %mul3A_36 = arith.constant 161792 : i32
      %mul3A_37 = arith.muli %arg0, %mul3A_36 : i32
      %mul3A_38 = arith.constant 10112 : i32
      %mul3A_39 = arith.muli %arg1, %mul3A_38 : i32
      %add3A_40 = arith.addi %mul3A_37, %mul3A_39 : i32
      %mul3A_41 = arith.constant 128 : i32
      %mul3A_42 = arith.muli %scan3A_34, %mul3A_41 : i32
      %add3A_43 = arith.addi %add3A_40, %mul3A_42 : i32
      %multiple_of3A_44 = tpu.assume_multiple %add3A_43, 8 : i32
      %mul3A_45 = arith.constant 10112 : i32
      %mul3A_46 = arith.muli %arg1, %mul3A_45 : i32
      %mul3A_47 = arith.constant 128 : i32
      %mul3A_48 = arith.muli %scan3A_34, %mul3A_47 : i32
      %add3A_49 = arith.addi %mul3A_46, %mul3A_48 : i32
      %multiple_of3A_50 = tpu.assume_multiple %add3A_49, 8 : i32
      "tpu.region"() ({
        %run_scoped3A = tpu.sem_alloc : memref<!tpu.dma_semaphore, #tpu.memory_space<semaphore_mem>>
        %dma_start3A_56 = tpu.memref_slice %arg5[%multiple_of3A_44] : memref<323584xi32, #tpu.memory_space<hbm>> -> memref<128xi32, #tpu.memory_space<hbm>>
        %dma_start3A_57 = tpu.memref_slice %arg5[%multiple_of3A_44] : memref<323584xi32, #tpu.memory_space<hbm>> -> memref<128xi32, #tpu.memory_space<hbm>>
        tpu.enqueue_dma source(%dma_start3A_57 : memref<128xi32, #tpu.memory_space<hbm>>) target(%arg9 : memref<128xi32, #tpu.memory_space<vmem>>) target_semaphore(%run_scoped3A : memref<!tpu.dma_semaphore, #tpu.memory_space<semaphore_mem>>)
        %dma_wait3A_58 = tpu.memref_slice %arg5[%multiple_of3A_44] : memref<323584xi32, #tpu.memory_space<hbm>> -> memref<128xi32, #tpu.memory_space<hbm>>
        %dma_wait3A_59 = tpu.memref_slice %arg5[%multiple_of3A_44] : memref<323584xi32, #tpu.memory_space<hbm>> -> memref<128xi32, #tpu.memory_space<hbm>>
        tpu.wait_dma2 semaphore(%run_scoped3A : memref<!tpu.dma_semaphore, #tpu.memory_space<semaphore_mem>>) src(%dma_wait3A_59 : memref<128xi32, #tpu.memory_space<hbm>>) dst(%arg9 : memref<128xi32, #tpu.memory_space<vmem>>)
        tpu.yield
      }) : () -> ()
      "tpu.region"() ({
        %run_scoped3A = tpu.sem_alloc : memref<!tpu.dma_semaphore, #tpu.memory_space<semaphore_mem>>
        %dma_start3A_56 = tpu.memref_slice %arg6[%multiple_of3A_50] : memref<161792xi32, #tpu.memory_space<hbm>> -> memref<128xi32, #tpu.memory_space<hbm>>
        %dma_start3A_57 = tpu.memref_slice %arg6[%multiple_of3A_50] : memref<161792xi32, #tpu.memory_space<hbm>> -> memref<128xi32, #tpu.memory_space<hbm>>
        tpu.enqueue_dma source(%dma_start3A_57 : memref<128xi32, #tpu.memory_space<hbm>>) target(%arg10 : memref<128xi32, #tpu.memory_space<vmem>>) target_semaphore(%run_scoped3A : memref<!tpu.dma_semaphore, #tpu.memory_space<semaphore_mem>>)
        %dma_wait3A_58 = tpu.memref_slice %arg6[%multiple_of3A_50] : memref<161792xi32, #tpu.memory_space<hbm>> -> memref<128xi32, #tpu.memory_space<hbm>>
        %dma_wait3A_59 = tpu.memref_slice %arg6[%multiple_of3A_50] : memref<161792xi32, #tpu.memory_space<hbm>> -> memref<128xi32, #tpu.memory_space<hbm>>
        tpu.wait_dma2 semaphore(%run_scoped3A : memref<!tpu.dma_semaphore, #tpu.memory_space<semaphore_mem>>) src(%dma_wait3A_59 : memref<128xi32, #tpu.memory_space<hbm>>) dst(%arg10 : memref<128xi32, #tpu.memory_space<vmem>>)
        tpu.yield
      }) : () -> ()
      %dma_start3A = arith.constant 0 : i32
      %dma_start3A_51 = arith.constant 0 : i32
      %dma_start3A_52 = tpu.memref_slice %arg2[%dma_start3A, %dma_start3A_51] : memref<40000x128xf32, #tpu.memory_space<hbm>> -> memref<40000x128xf32, #tpu.memory_space<hbm>>
      tpu.enqueue_indirect_dma source(%dma_start3A_52 : memref<40000x128xf32, #tpu.memory_space<hbm>>) target(%arg11 : memref<128x128xf32, #tpu.memory_space<vmem>>) offsets(%arg9 : memref<128xi32, #tpu.memory_space<vmem>>) semaphore(%arg13 : memref<!tpu.dma_semaphore, #tpu.memory_space<semaphore_mem>>)
      %dma_wait3A = arith.constant 0 : i32
      %dma_wait3A_53 = arith.constant 0 : i32
      %dma_wait3A_54 = tpu.memref_slice %arg2[%dma_wait3A, %dma_wait3A_53] : memref<40000x128xf32, #tpu.memory_space<hbm>> -> memref<40000x128xf32, #tpu.memory_space<hbm>>
      tpu.wait_indirect_dma semaphore(%arg13 : memref<!tpu.dma_semaphore, #tpu.memory_space<semaphore_mem>>) src(%dma_wait3A_54 : memref<40000x128xf32, #tpu.memory_space<hbm>>) dst(%arg11 : memref<128x128xf32, #tpu.memory_space<vmem>>)
      "tpu.region"() ({
        %run_scoped3A = tpu.sem_alloc : memref<!tpu.dma_semaphore, #tpu.memory_space<semaphore_mem>>
        %dma_start3A_56 = arith.constant 0 : i32
        %dma_start3A_57 = arith.constant 0 : i32
        %dma_start3A_58 = tpu.memref_slice %arg12[%dma_start3A_56, %dma_start3A_57] : memref<10240x128xf32, #tpu.memory_space<vmem_shared>> -> memref<10240x128xf32, #tpu.memory_space<vmem_shared>>
        tpu.enqueue_indirect_dma source(%arg11 : memref<128x128xf32, #tpu.memory_space<vmem>>) target(%dma_start3A_58 : memref<10240x128xf32, #tpu.memory_space<vmem_shared>>) offsets(%arg10 : memref<128xi32, #tpu.memory_space<vmem>>) semaphore(%run_scoped3A : memref<!tpu.dma_semaphore, #tpu.memory_space<semaphore_mem>>) {add = true}
        %dma_wait3A_59 = arith.constant 0 : i32
        %dma_wait3A_60 = arith.constant 0 : i32
        %dma_wait3A_61 = tpu.memref_slice %arg12[%dma_wait3A_59, %dma_wait3A_60] : memref<10240x128xf32, #tpu.memory_space<vmem_shared>> -> memref<10240x128xf32, #tpu.memory_space<vmem_shared>>
        tpu.wait_indirect_dma semaphore(%run_scoped3A : memref<!tpu.dma_semaphore, #tpu.memory_space<semaphore_mem>>) src(%arg11 : memref<128x128xf32, #tpu.memory_space<vmem>>) dst(%dma_wait3A_61 : memref<10240x128xf32, #tpu.memory_space<vmem_shared>>)
        tpu.yield
      }) : () -> ()
      %scan3A_55 = arith.constant 0 : i32
      scf.yield %scan3A_55 : i32
    }
    %scan3A_23 = arith.constant 79 : i32
    %barrier3A_24 = arith.constant 0 : index
    tpu.barrier barrier_id(%barrier3A_24)
    %add3A_25 = arith.constant 2 : i32
    %add3A_26 = arith.addi %add3A_25, %arg0 : i32
    %mul3A_27 = arith.constant 10240 : i32
    %mul3A_28 = arith.muli %add3A_26, %mul3A_27 : i32
    %mul3A_29 = arith.constant 640 : i32
    %mul3A_30 = arith.muli %arg1, %mul3A_29 : i32
    %add3A_31 = arith.addi %mul3A_28, %mul3A_30 : i32
    %multiple_of3A_32 = tpu.assume_multiple %add3A_31, 8 : i32
    "tpu.region"() ({
      %run_scoped3A = tpu.sem_alloc : memref<!tpu.dma_semaphore, #tpu.memory_space<semaphore_mem>>
      %dma_start3A = arith.constant 0 : i32
      %dma_start3A_34 = tpu.memref_slice %arg8[%multiple_of3A_32, %dma_start3A] : memref<40960x128xf32, #tpu.memory_space<hbm>> -> memref<640x128xf32, #tpu.memory_space<hbm>>
      %dma_start3A_35 = arith.constant 0 : i32
      %dma_start3A_36 = tpu.memref_slice %arg12[%multiple_of3A, %dma_start3A_35] : memref<10240x128xf32, #tpu.memory_space<vmem_shared>> -> memref<640x128xf32, #tpu.memory_space<vmem_shared>>
      tpu.enqueue_dma source(%dma_start3A_36 : memref<640x128xf32, #tpu.memory_space<vmem_shared>>) target(%dma_start3A_34 : memref<640x128xf32, #tpu.memory_space<hbm>>) target_semaphore(%run_scoped3A : memref<!tpu.dma_semaphore, #tpu.memory_space<semaphore_mem>>)
      %dma_wait3A = arith.constant 0 : i32
      %dma_wait3A_37 = tpu.memref_slice %arg8[%multiple_of3A_32, %dma_wait3A] : memref<40960x128xf32, #tpu.memory_space<hbm>> -> memref<640x128xf32, #tpu.memory_space<hbm>>
      %dma_wait3A_38 = arith.constant 0 : i32
      %dma_wait3A_39 = tpu.memref_slice %arg12[%multiple_of3A, %dma_wait3A_38] : memref<10240x128xf32, #tpu.memory_space<vmem_shared>> -> memref<640x128xf32, #tpu.memory_space<vmem_shared>>
      tpu.wait_dma2 semaphore(%run_scoped3A : memref<!tpu.dma_semaphore, #tpu.memory_space<semaphore_mem>>) src(%dma_wait3A_39 : memref<640x128xf32, #tpu.memory_space<vmem_shared>>) dst(%dma_wait3A_37 : memref<640x128xf32, #tpu.memory_space<hbm>>)
      tpu.yield
    }) : () -> ()
    %barrier3A_33 = arith.constant 0 : index
    tpu.barrier barrier_id(%barrier3A_33)
    return
  }
}

#map = affine_map<(d0, d1) -> (0, 0)>
#map1 = affine_map<(d0, d1) -> (0)>
module attributes {stable_mosaic.version = 14 : i64} {
  func.func @_scat_body(%arg0: i32, %arg1: i32, %arg2: memref<40000x128xf32, #tpu.memory_space<hbm>>, %arg3: memref<323584xi32, #tpu.memory_space<hbm>>, %arg4: memref<161792xi32, #tpu.memory_space<hbm>>, %arg5: memref<323584xi32, #tpu.memory_space<hbm>>, %arg6: memref<161792xi32, #tpu.memory_space<hbm>>, %arg7: memref<640x128xf32, #tpu.memory_space<hbm>>, %arg8: memref<40960x128xf32, #tpu.memory_space<hbm>>, %arg9: memref<128xi32, #tpu.memory_space<vmem>>, %arg10: memref<128xi32, #tpu.memory_space<vmem>>, %arg11: memref<128x128xf32, #tpu.memory_space<vmem>>, %arg12: memref<10240x128xf32, #tpu.memory_space<vmem_shared>>, %arg13: memref<!tpu.dma_semaphore, #tpu.memory_space<semaphore_mem>>) attributes {dimension_semantics = [#tpu.dimension_semantics<core_parallel>, #tpu.dimension_semantics<subcore_parallel>], iteration_bounds = array<i64: 2, 16>, scalar_prefetch = 0 : i64, scratch_operands = 5 : i64, tpu.core_type = #tpu.core_type<sc_vector_subcore>, window_params = [{transform_indices = #map}, {transform_indices = #map1}, {transform_indices = #map1}, {transform_indices = #map1}, {transform_indices = #map1}, {transform_indices = #map}, {transform_indices = #map}]} {
    %mul3A = arith.constant 640 : i32
    %mul3A_0 = arith.muli %arg1, %mul3A : i32
    %multiple_of3A = tpu.assume_multiple %mul3A_0, 8 : i32
    "tpu.region"() ({
      %run_scoped3A = tpu.sem_alloc : memref<!tpu.dma_semaphore, #tpu.memory_space<semaphore_mem>>
      %dma_start3A = arith.constant 0 : i32
      %dma_start3A_34 = tpu.memref_slice %arg12[%multiple_of3A, %dma_start3A] : memref<10240x128xf32, #tpu.memory_space<vmem_shared>> -> memref<640x128xf32, #tpu.memory_space<vmem_shared>>
      tpu.enqueue_dma source(%arg7 : memref<640x128xf32, #tpu.memory_space<hbm>>) target(%dma_start3A_34 : memref<640x128xf32, #tpu.memory_space<vmem_shared>>) target_semaphore(%run_scoped3A : memref<!tpu.dma_semaphore, #tpu.memory_space<semaphore_mem>>)
      %dma_wait3A = arith.constant 0 : i32
      %dma_wait3A_35 = tpu.memref_slice %arg12[%multiple_of3A, %dma_wait3A] : memref<10240x128xf32, #tpu.memory_space<vmem_shared>> -> memref<640x128xf32, #tpu.memory_space<vmem_shared>>
      tpu.wait_dma2 semaphore(%run_scoped3A : memref<!tpu.dma_semaphore, #tpu.memory_space<semaphore_mem>>) src(%arg7 : memref<640x128xf32, #tpu.memory_space<hbm>>) dst(%dma_wait3A_35 : memref<640x128xf32, #tpu.memory_space<vmem_shared>>)
      tpu.yield
    }) : () -> ()
    %barrier3A = arith.constant 0 : index
    tpu.barrier barrier_id(%barrier3A)
    %scan3A = arith.constant 0 : i32
    %scan3A_1 = arith.constant 0 : i32
    %scan3A_2 = arith.constant 79 : i32
    %scan3A_3 = arith.addi %scan3A_1, %scan3A_2 : i32
    %scan3A_4 = arith.constant 1 : i32
    %scan3A_5 = scf.for %scan3A_34 = %scan3A_1 to %scan3A_3 step %scan3A_4 iter_args(%scan3A_35 = %scan3A) -> (i32)  : i32 {
      %mul3A_36 = arith.constant 161792 : i32
      %mul3A_37 = arith.muli %arg0, %mul3A_36 : i32
      %mul3A_38 = arith.constant 10112 : i32
      %mul3A_39 = arith.muli %arg1, %mul3A_38 : i32
      %add3A_40 = arith.addi %mul3A_37, %mul3A_39 : i32
      %mul3A_41 = arith.constant 128 : i32
      %mul3A_42 = arith.muli %scan3A_34, %mul3A_41 : i32
      %add3A_43 = arith.addi %add3A_40, %mul3A_42 : i32
      %multiple_of3A_44 = tpu.assume_multiple %add3A_43, 8 : i32
      %mul3A_45 = arith.constant 10112 : i32
      %mul3A_46 = arith.muli %arg1, %mul3A_45 : i32
      %mul3A_47 = arith.constant 128 : i32
      %mul3A_48 = arith.muli %scan3A_34, %mul3A_47 : i32
      %add3A_49 = arith.addi %mul3A_46, %mul3A_48 : i32
      %multiple_of3A_50 = tpu.assume_multiple %add3A_49, 8 : i32
      "tpu.region"() ({
        %run_scoped3A = tpu.sem_alloc : memref<!tpu.dma_semaphore, #tpu.memory_space<semaphore_mem>>
        %dma_start3A_56 = tpu.memref_slice %arg3[%multiple_of3A_44] : memref<323584xi32, #tpu.memory_space<hbm>> -> memref<128xi32, #tpu.memory_space<hbm>>
        %dma_start3A_57 = tpu.memref_slice %arg3[%multiple_of3A_44] : memref<323584xi32, #tpu.memory_space<hbm>> -> memref<128xi32, #tpu.memory_space<hbm>>
        tpu.enqueue_dma source(%dma_start3A_57 : memref<128xi32, #tpu.memory_space<hbm>>) target(%arg9 : memref<128xi32, #tpu.memory_space<vmem>>) target_semaphore(%run_scoped3A : memref<!tpu.dma_semaphore, #tpu.memory_space<semaphore_mem>>)
        %dma_wait3A_58 = tpu.memref_slice %arg3[%multiple_of3A_44] : memref<323584xi32, #tpu.memory_space<hbm>> -> memref<128xi32, #tpu.memory_space<hbm>>
        %dma_wait3A_59 = tpu.memref_slice %arg3[%multiple_of3A_44] : memref<323584xi32, #tpu.memory_space<hbm>> -> memref<128xi32, #tpu.memory_space<hbm>>
        tpu.wait_dma2 semaphore(%run_scoped3A : memref<!tpu.dma_semaphore, #tpu.memory_space<semaphore_mem>>) src(%dma_wait3A_59 : memref<128xi32, #tpu.memory_space<hbm>>) dst(%arg9 : memref<128xi32, #tpu.memory_space<vmem>>)
        tpu.yield
      }) : () -> ()
      "tpu.region"() ({
        %run_scoped3A = tpu.sem_alloc : memref<!tpu.dma_semaphore, #tpu.memory_space<semaphore_mem>>
        %dma_start3A_56 = tpu.memref_slice %arg4[%multiple_of3A_50] : memref<161792xi32, #tpu.memory_space<hbm>> -> memref<128xi32, #tpu.memory_space<hbm>>
        %dma_start3A_57 = tpu.memref_slice %arg4[%multiple_of3A_50] : memref<161792xi32, #tpu.memory_space<hbm>> -> memref<128xi32, #tpu.memory_space<hbm>>
        tpu.enqueue_dma source(%dma_start3A_57 : memref<128xi32, #tpu.memory_space<hbm>>) target(%arg10 : memref<128xi32, #tpu.memory_space<vmem>>) target_semaphore(%run_scoped3A : memref<!tpu.dma_semaphore, #tpu.memory_space<semaphore_mem>>)
        %dma_wait3A_58 = tpu.memref_slice %arg4[%multiple_of3A_50] : memref<161792xi32, #tpu.memory_space<hbm>> -> memref<128xi32, #tpu.memory_space<hbm>>
        %dma_wait3A_59 = tpu.memref_slice %arg4[%multiple_of3A_50] : memref<161792xi32, #tpu.memory_space<hbm>> -> memref<128xi32, #tpu.memory_space<hbm>>
        tpu.wait_dma2 semaphore(%run_scoped3A : memref<!tpu.dma_semaphore, #tpu.memory_space<semaphore_mem>>) src(%dma_wait3A_59 : memref<128xi32, #tpu.memory_space<hbm>>) dst(%arg10 : memref<128xi32, #tpu.memory_space<vmem>>)
        tpu.yield
      }) : () -> ()
      %dma_start3A = arith.constant 0 : i32
      %dma_start3A_51 = arith.constant 0 : i32
      %dma_start3A_52 = tpu.memref_slice %arg2[%dma_start3A, %dma_start3A_51] : memref<40000x128xf32, #tpu.memory_space<hbm>> -> memref<40000x128xf32, #tpu.memory_space<hbm>>
      tpu.enqueue_indirect_dma source(%dma_start3A_52 : memref<40000x128xf32, #tpu.memory_space<hbm>>) target(%arg11 : memref<128x128xf32, #tpu.memory_space<vmem>>) offsets(%arg9 : memref<128xi32, #tpu.memory_space<vmem>>) semaphore(%arg13 : memref<!tpu.dma_semaphore, #tpu.memory_space<semaphore_mem>>)
      %dma_wait3A = arith.constant 0 : i32
      %dma_wait3A_53 = arith.constant 0 : i32
      %dma_wait3A_54 = tpu.memref_slice %arg2[%dma_wait3A, %dma_wait3A_53] : memref<40000x128xf32, #tpu.memory_space<hbm>> -> memref<40000x128xf32, #tpu.memory_space<hbm>>
      tpu.wait_indirect_dma semaphore(%arg13 : memref<!tpu.dma_semaphore, #tpu.memory_space<semaphore_mem>>) src(%dma_wait3A_54 : memref<40000x128xf32, #tpu.memory_space<hbm>>) dst(%arg11 : memref<128x128xf32, #tpu.memory_space<vmem>>)
      "tpu.region"() ({
        %run_scoped3A = tpu.sem_alloc : memref<!tpu.dma_semaphore, #tpu.memory_space<semaphore_mem>>
        %dma_start3A_56 = arith.constant 0 : i32
        %dma_start3A_57 = arith.constant 0 : i32
        %dma_start3A_58 = tpu.memref_slice %arg12[%dma_start3A_56, %dma_start3A_57] : memref<10240x128xf32, #tpu.memory_space<vmem_shared>> -> memref<10240x128xf32, #tpu.memory_space<vmem_shared>>
        tpu.enqueue_indirect_dma source(%arg11 : memref<128x128xf32, #tpu.memory_space<vmem>>) target(%dma_start3A_58 : memref<10240x128xf32, #tpu.memory_space<vmem_shared>>) offsets(%arg10 : memref<128xi32, #tpu.memory_space<vmem>>) semaphore(%run_scoped3A : memref<!tpu.dma_semaphore, #tpu.memory_space<semaphore_mem>>) {add = true}
        %dma_wait3A_59 = arith.constant 0 : i32
        %dma_wait3A_60 = arith.constant 0 : i32
        %dma_wait3A_61 = tpu.memref_slice %arg12[%dma_wait3A_59, %dma_wait3A_60] : memref<10240x128xf32, #tpu.memory_space<vmem_shared>> -> memref<10240x128xf32, #tpu.memory_space<vmem_shared>>
        tpu.wait_indirect_dma semaphore(%run_scoped3A : memref<!tpu.dma_semaphore, #tpu.memory_space<semaphore_mem>>) src(%arg11 : memref<128x128xf32, #tpu.memory_space<vmem>>) dst(%dma_wait3A_61 : memref<10240x128xf32, #tpu.memory_space<vmem_shared>>)
        tpu.yield
      }) : () -> ()
      %scan3A_55 = arith.constant 0 : i32
      scf.yield %scan3A_55 : i32
    }
    %scan3A_6 = arith.constant 79 : i32
    %barrier3A_7 = arith.constant 0 : index
    tpu.barrier barrier_id(%barrier3A_7)
    %add3A = arith.constant 0 : i32
    %add3A_8 = arith.addi %add3A, %arg0 : i32
    %mul3A_9 = arith.constant 10240 : i32
    %mul3A_10 = arith.muli %add3A_8, %mul3A_9 : i32
    %mul3A_11 = arith.constant 640 : i32
    %mul3A_12 = arith.muli %arg1, %mul3A_11 : i32
    %add3A_13 = arith.addi %mul3A_10, %mul3A_12 : i32
    %multiple_of3A_14 = tpu.assume_multiple %add3A_13, 8 : i32
    "tpu.region"() ({
      %run_scoped3A = tpu.sem_alloc : memref<!tpu.dma_semaphore, #tpu.memory_space<semaphore_mem>>
      %dma_start3A = arith.constant 0 : i32
      %dma_start3A_34 = tpu.memref_slice %arg8[%multiple_of3A_14, %dma_start3A] : memref<40960x128xf32, #tpu.memory_space<hbm>> -> memref<640x128xf32, #tpu.memory_space<hbm>>
      %dma_start3A_35 = arith.constant 0 : i32
      %dma_start3A_36 = tpu.memref_slice %arg12[%multiple_of3A, %dma_start3A_35] : memref<10240x128xf32, #tpu.memory_space<vmem_shared>> -> memref<640x128xf32, #tpu.memory_space<vmem_shared>>
      tpu.enqueue_dma source(%dma_start3A_36 : memref<640x128xf32, #tpu.memory_space<vmem_shared>>) target(%dma_start3A_34 : memref<640x128xf32, #tpu.memory_space<hbm>>) target_semaphore(%run_scoped3A : memref<!tpu.dma_semaphore, #tpu.memory_space<semaphore_mem>>)
      %dma_wait3A = arith.constant 0 : i32
      %dma_wait3A_37 = tpu.memref_slice %arg8[%multiple_of3A_14, %dma_wait3A] : memref<40960x128xf32, #tpu.memory_space<hbm>> -> memref<640x128xf32, #tpu.memory_space<hbm>>
      %dma_wait3A_38 = arith.constant 0 : i32
      %dma_wait3A_39 = tpu.memref_slice %arg12[%multiple_of3A, %dma_wait3A_38] : memref<10240x128xf32, #tpu.memory_space<vmem_shared>> -> memref<640x128xf32, #tpu.memory_space<vmem_shared>>
      tpu.wait_dma2 semaphore(%run_scoped3A : memref<!tpu.dma_semaphore, #tpu.memory_space<semaphore_mem>>) src(%dma_wait3A_39 : memref<640x128xf32, #tpu.memory_space<vmem_shared>>) dst(%dma_wait3A_37 : memref<640x128xf32, #tpu.memory_space<hbm>>)
      tpu.yield
    }) : () -> ()
    %barrier3A_15 = arith.constant 0 : index
    tpu.barrier barrier_id(%barrier3A_15)
    "tpu.region"() ({
      %run_scoped3A = tpu.sem_alloc : memref<!tpu.dma_semaphore, #tpu.memory_space<semaphore_mem>>
      %dma_start3A = arith.constant 0 : i32
      %dma_start3A_34 = tpu.memref_slice %arg12[%multiple_of3A, %dma_start3A] : memref<10240x128xf32, #tpu.memory_space<vmem_shared>> -> memref<640x128xf32, #tpu.memory_space<vmem_shared>>
      tpu.enqueue_dma source(%arg7 : memref<640x128xf32, #tpu.memory_space<hbm>>) target(%dma_start3A_34 : memref<640x128xf32, #tpu.memory_space<vmem_shared>>) target_semaphore(%run_scoped3A : memref<!tpu.dma_semaphore, #tpu.memory_space<semaphore_mem>>)
      %dma_wait3A = arith.constant 0 : i32
      %dma_wait3A_35 = tpu.memref_slice %arg12[%multiple_of3A, %dma_wait3A] : memref<10240x128xf32, #tpu.memory_space<vmem_shared>> -> memref<640x128xf32, #tpu.memory_space<vmem_shared>>
      tpu.wait_dma2 semaphore(%run_scoped3A : memref<!tpu.dma_semaphore, #tpu.memory_space<semaphore_mem>>) src(%arg7 : memref<640x128xf32, #tpu.memory_space<hbm>>) dst(%dma_wait3A_35 : memref<640x128xf32, #tpu.memory_space<vmem_shared>>)
      tpu.yield
    }) : () -> ()
    %barrier3A_16 = arith.constant 0 : index
    tpu.barrier barrier_id(%barrier3A_16)
    %scan3A_17 = arith.constant 0 : i32
    %scan3A_18 = arith.constant 0 : i32
    %scan3A_19 = arith.constant 79 : i32
    %scan3A_20 = arith.addi %scan3A_18, %scan3A_19 : i32
    %scan3A_21 = arith.constant 1 : i32
    %scan3A_22 = scf.for %scan3A_34 = %scan3A_18 to %scan3A_20 step %scan3A_21 iter_args(%scan3A_35 = %scan3A_17) -> (i32)  : i32 {
      %mul3A_36 = arith.constant 161792 : i32
      %mul3A_37 = arith.muli %arg0, %mul3A_36 : i32
      %mul3A_38 = arith.constant 10112 : i32
      %mul3A_39 = arith.muli %arg1, %mul3A_38 : i32
      %add3A_40 = arith.addi %mul3A_37, %mul3A_39 : i32
      %mul3A_41 = arith.constant 128 : i32
      %mul3A_42 = arith.muli %scan3A_34, %mul3A_41 : i32
      %add3A_43 = arith.addi %add3A_40, %mul3A_42 : i32
      %multiple_of3A_44 = tpu.assume_multiple %add3A_43, 8 : i32
      %mul3A_45 = arith.constant 10112 : i32
      %mul3A_46 = arith.muli %arg1, %mul3A_45 : i32
      %mul3A_47 = arith.constant 128 : i32
      %mul3A_48 = arith.muli %scan3A_34, %mul3A_47 : i32
      %add3A_49 = arith.addi %mul3A_46, %mul3A_48 : i32
      %multiple_of3A_50 = tpu.assume_multiple %add3A_49, 8 : i32
      "tpu.region"() ({
        %run_scoped3A = tpu.sem_alloc : memref<!tpu.dma_semaphore, #tpu.memory_space<semaphore_mem>>
        %dma_start3A_56 = tpu.memref_slice %arg5[%multiple_of3A_44] : memref<323584xi32, #tpu.memory_space<hbm>> -> memref<128xi32, #tpu.memory_space<hbm>>
        %dma_start3A_57 = tpu.memref_slice %arg5[%multiple_of3A_44] : memref<323584xi32, #tpu.memory_space<hbm>> -> memref<128xi32, #tpu.memory_space<hbm>>
        tpu.enqueue_dma source(%dma_start3A_57 : memref<128xi32, #tpu.memory_space<hbm>>) target(%arg9 : memref<128xi32, #tpu.memory_space<vmem>>) target_semaphore(%run_scoped3A : memref<!tpu.dma_semaphore, #tpu.memory_space<semaphore_mem>>)
        %dma_wait3A_58 = tpu.memref_slice %arg5[%multiple_of3A_44] : memref<323584xi32, #tpu.memory_space<hbm>> -> memref<128xi32, #tpu.memory_space<hbm>>
        %dma_wait3A_59 = tpu.memref_slice %arg5[%multiple_of3A_44] : memref<323584xi32, #tpu.memory_space<hbm>> -> memref<128xi32, #tpu.memory_space<hbm>>
        tpu.wait_dma2 semaphore(%run_scoped3A : memref<!tpu.dma_semaphore, #tpu.memory_space<semaphore_mem>>) src(%dma_wait3A_59 : memref<128xi32, #tpu.memory_space<hbm>>) dst(%arg9 : memref<128xi32, #tpu.memory_space<vmem>>)
        tpu.yield
      }) : () -> ()
      "tpu.region"() ({
        %run_scoped3A = tpu.sem_alloc : memref<!tpu.dma_semaphore, #tpu.memory_space<semaphore_mem>>
        %dma_start3A_56 = tpu.memref_slice %arg6[%multiple_of3A_50] : memref<161792xi32, #tpu.memory_space<hbm>> -> memref<128xi32, #tpu.memory_space<hbm>>
        %dma_start3A_57 = tpu.memref_slice %arg6[%multiple_of3A_50] : memref<161792xi32, #tpu.memory_space<hbm>> -> memref<128xi32, #tpu.memory_space<hbm>>
        tpu.enqueue_dma source(%dma_start3A_57 : memref<128xi32, #tpu.memory_space<hbm>>) target(%arg10 : memref<128xi32, #tpu.memory_space<vmem>>) target_semaphore(%run_scoped3A : memref<!tpu.dma_semaphore, #tpu.memory_space<semaphore_mem>>)
        %dma_wait3A_58 = tpu.memref_slice %arg6[%multiple_of3A_50] : memref<161792xi32, #tpu.memory_space<hbm>> -> memref<128xi32, #tpu.memory_space<hbm>>
        %dma_wait3A_59 = tpu.memref_slice %arg6[%multiple_of3A_50] : memref<161792xi32, #tpu.memory_space<hbm>> -> memref<128xi32, #tpu.memory_space<hbm>>
        tpu.wait_dma2 semaphore(%run_scoped3A : memref<!tpu.dma_semaphore, #tpu.memory_space<semaphore_mem>>) src(%dma_wait3A_59 : memref<128xi32, #tpu.memory_space<hbm>>) dst(%arg10 : memref<128xi32, #tpu.memory_space<vmem>>)
        tpu.yield
      }) : () -> ()
      %dma_start3A = arith.constant 0 : i32
      %dma_start3A_51 = arith.constant 0 : i32
      %dma_start3A_52 = tpu.memref_slice %arg2[%dma_start3A, %dma_start3A_51] : memref<40000x128xf32, #tpu.memory_space<hbm>> -> memref<40000x128xf32, #tpu.memory_space<hbm>>
      tpu.enqueue_indirect_dma source(%dma_start3A_52 : memref<40000x128xf32, #tpu.memory_space<hbm>>) target(%arg11 : memref<128x128xf32, #tpu.memory_space<vmem>>) offsets(%arg9 : memref<128xi32, #tpu.memory_space<vmem>>) semaphore(%arg13 : memref<!tpu.dma_semaphore, #tpu.memory_space<semaphore_mem>>)
      %dma_wait3A = arith.constant 0 : i32
      %dma_wait3A_53 = arith.constant 0 : i32
      %dma_wait3A_54 = tpu.memref_slice %arg2[%dma_wait3A, %dma_wait3A_53] : memref<40000x128xf32, #tpu.memory_space<hbm>> -> memref<40000x128xf32, #tpu.memory_space<hbm>>
      tpu.wait_indirect_dma semaphore(%arg13 : memref<!tpu.dma_semaphore, #tpu.memory_space<semaphore_mem>>) src(%dma_wait3A_54 : memref<40000x128xf32, #tpu.memory_space<hbm>>) dst(%arg11 : memref<128x128xf32, #tpu.memory_space<vmem>>)
      "tpu.region"() ({
        %run_scoped3A = tpu.sem_alloc : memref<!tpu.dma_semaphore, #tpu.memory_space<semaphore_mem>>
        %dma_start3A_56 = arith.constant 0 : i32
        %dma_start3A_57 = arith.constant 0 : i32
        %dma_start3A_58 = tpu.memref_slice %arg12[%dma_start3A_56, %dma_start3A_57] : memref<10240x128xf32, #tpu.memory_space<vmem_shared>> -> memref<10240x128xf32, #tpu.memory_space<vmem_shared>>
        tpu.enqueue_indirect_dma source(%arg11 : memref<128x128xf32, #tpu.memory_space<vmem>>) target(%dma_start3A_58 : memref<10240x128xf32, #tpu.memory_space<vmem_shared>>) offsets(%arg10 : memref<128xi32, #tpu.memory_space<vmem>>) semaphore(%run_scoped3A : memref<!tpu.dma_semaphore, #tpu.memory_space<semaphore_mem>>) {add = true}
        %dma_wait3A_59 = arith.constant 0 : i32
        %dma_wait3A_60 = arith.constant 0 : i32
        %dma_wait3A_61 = tpu.memref_slice %arg12[%dma_wait3A_59, %dma_wait3A_60] : memref<10240x128xf32, #tpu.memory_space<vmem_shared>> -> memref<10240x128xf32, #tpu.memory_space<vmem_shared>>
        tpu.wait_indirect_dma semaphore(%run_scoped3A : memref<!tpu.dma_semaphore, #tpu.memory_space<semaphore_mem>>) src(%arg11 : memref<128x128xf32, #tpu.memory_space<vmem>>) dst(%dma_wait3A_61 : memref<10240x128xf32, #tpu.memory_space<vmem_shared>>)
        tpu.yield
      }) : () -> ()
      %scan3A_55 = arith.constant 0 : i32
      scf.yield %scan3A_55 : i32
    }
    %scan3A_23 = arith.constant 79 : i32
    %barrier3A_24 = arith.constant 0 : index
    tpu.barrier barrier_id(%barrier3A_24)
    %add3A_25 = arith.constant 2 : i32
    %add3A_26 = arith.addi %add3A_25, %arg0 : i32
    %mul3A_27 = arith.constant 10240 : i32
    %mul3A_28 = arith.muli %add3A_26, %mul3A_27 : i32
    %mul3A_29 = arith.constant 640 : i32
    %mul3A_30 = arith.muli %arg1, %mul3A_29 : i32
    %add3A_31 = arith.addi %mul3A_28, %mul3A_30 : i32
    %multiple_of3A_32 = tpu.assume_multiple %add3A_31, 8 : i32
    "tpu.region"() ({
      %run_scoped3A = tpu.sem_alloc : memref<!tpu.dma_semaphore, #tpu.memory_space<semaphore_mem>>
      %dma_start3A = arith.constant 0 : i32
      %dma_start3A_34 = tpu.memref_slice %arg8[%multiple_of3A_32, %dma_start3A] : memref<40960x128xf32, #tpu.memory_space<hbm>> -> memref<640x128xf32, #tpu.memory_space<hbm>>
      %dma_start3A_35 = arith.constant 0 : i32
      %dma_start3A_36 = tpu.memref_slice %arg12[%multiple_of3A, %dma_start3A_35] : memref<10240x128xf32, #tpu.memory_space<vmem_shared>> -> memref<640x128xf32, #tpu.memory_space<vmem_shared>>
      tpu.enqueue_dma source(%dma_start3A_36 : memref<640x128xf32, #tpu.memory_space<vmem_shared>>) target(%dma_start3A_34 : memref<640x128xf32, #tpu.memory_space<hbm>>) target_semaphore(%run_scoped3A : memref<!tpu.dma_semaphore, #tpu.memory_space<semaphore_mem>>)
      %dma_wait3A = arith.constant 0 : i32
      %dma_wait3A_37 = tpu.memref_slice %arg8[%multiple_of3A_32, %dma_wait3A] : memref<40960x128xf32, #tpu.memory_space<hbm>> -> memref<640x128xf32, #tpu.memory_space<hbm>>
      %dma_wait3A_38 = arith.constant 0 : i32
      %dma_wait3A_39 = tpu.memref_slice %arg12[%multiple_of3A, %dma_wait3A_38] : memref<10240x128xf32, #tpu.memory_space<vmem_shared>> -> memref<640x128xf32, #tpu.memory_space<vmem_shared>>
      tpu.wait_dma2 semaphore(%run_scoped3A : memref<!tpu.dma_semaphore, #tpu.memory_space<semaphore_mem>>) src(%dma_wait3A_39 : memref<640x128xf32, #tpu.memory_space<vmem_shared>>) dst(%dma_wait3A_37 : memref<640x128xf32, #tpu.memory_space<hbm>>)
      tpu.yield
    }) : () -> ()
    %barrier3A_33 = arith.constant 0 : index
    tpu.barrier barrier_id(%barrier3A_33)
    return
  }
}

module attributes {stable_mosaic.version = 14 : i64} {
  func.func @_k1_body(%arg0: i32, %arg1: i32, %arg2: i32, %arg3: memref<1000x256xf32, #tpu.memory_space<vmem>>, %arg4: memref<1x256x128xf32, #tpu.memory_space<vmem>>, %arg5: memref<1x1000x2xf32, #tpu.memory_space<vmem>>, %arg6: memref<1x1x1000x128xf32, #tpu.memory_space<vmem>>, %arg7: memref<1x1x1000x128xf32, #tpu.memory_space<vmem>>) attributes {dimension_semantics = [#tpu.dimension_semantics<arbitrary>, #tpu.dimension_semantics<arbitrary>, #tpu.dimension_semantics<arbitrary>], iteration_bounds = array<i64: 2, 2, 10>, scalar_prefetch = 0 : i64, scratch_operands = 0 : i64, tpu.core_type = #tpu.core_type<tc>, window_params = [{transform_indices = @transform_0, window_bounds = array<i64: 1000, 256>}, {transform_indices = @transform_1, window_bounds = array<i64: 1, 256, 128>}, {transform_indices = @transform_2, window_bounds = array<i64: 1, 1000, 2>}, {transform_indices = @transform_3, window_bounds = array<i64: 1, 1, 1000, 128>}, {transform_indices = @transform_4, window_bounds = array<i64: 1, 1, 1000, 128>}]} {
    %get3A = arith.constant 0 : index
    %get3A_0 = arith.constant 0 : index
    %get3A_1 = arith.constant 0 : index
    %get3A_2 = vector.load %arg5[%get3A, %get3A_0, %get3A_1] : memref<1x1000x2xf32, #tpu.memory_space<vmem>>, vector<1x1000x1xf32>
    %get3A_3 = vector.shape_cast %get3A_2 : vector<1x1000x1xf32> to vector<1000xf32>
    %add3A = arith.constant 1.000000e+00 : f32
    %add3A_4 = vector.broadcast %add3A : f32 to vector<1000xf32>
    %add3A_5 = arith.addf %add3A_4, %get3A_3 : vector<1000xf32>
    %get3A_6 = arith.constant 0 : index
    %get3A_7 = arith.constant 0 : index
    %get3A_8 = arith.constant 1 : index
    %get3A_9 = vector.load %arg5[%get3A_6, %get3A_7, %get3A_8] : memref<1x1000x2xf32, #tpu.memory_space<vmem>>, vector<1x1000x1xf32>
    %get3A_10 = vector.shape_cast %get3A_9 : vector<1x1000x1xf32> to vector<1000xf32>
    %add3A_11 = arith.addf %add3A_5, %get3A_10 : vector<1000xf32>
    %rsqrt3A = math.rsqrt %add3A_11 : vector<1000xf32>
    %get3A_12 = arith.constant 0 : index
    %get3A_13 = arith.constant 0 : index
    %get3A_14 = vector.load %arg3[%get3A_12, %get3A_13] : memref<1000x256xf32, #tpu.memory_space<vmem>>, vector<1000x256xf32>
    %get3A_15 = arith.constant 0 : index
    %get3A_16 = arith.constant 0 : index
    %get3A_17 = arith.constant 0 : index
    %get3A_18 = vector.load %arg4[%get3A_15, %get3A_16, %get3A_17] : memref<1x256x128xf32, #tpu.memory_space<vmem>>, vector<1x256x128xf32>
    %get3A_19 = vector.shape_cast %get3A_18 : vector<1x256x128xf32> to vector<256x128xf32>
    %dot_general3A = arith.constant dense<0.000000e+00> : vector<1000x128xf32>
    %dot_general3A_20 = tpu.matmul %get3A_14, %get3A_19, %dot_general3A {dimension_numbers = #tpu.dot_dimension_numbers<[1], [0], [0], [1], [0, 0, 1, 1], [], []>, transpose_lhs_hint = false} : vector<1000x256xf32>, vector<256x128xf32>, vector<1000x128xf32> -> vector<1000x128xf32>
    %swap3A = arith.constant 0 : index
    %swap3A_21 = arith.constant 0 : index
    %swap3A_22 = arith.constant 0 : index
    %swap3A_23 = arith.constant 0 : index
    %swap3A_24 = vector.load %arg6[%swap3A, %swap3A_21, %swap3A_22, %swap3A_23] : memref<1x1x1000x128xf32, #tpu.memory_space<vmem>>, vector<1x1x1000x128xf32>
    %swap3A_25 = vector.shape_cast %swap3A_24 : vector<1x1x1000x128xf32> to vector<1000x128xf32>
    %swap3A_26 = vector.shape_cast %dot_general3A_20 : vector<1000x128xf32> to vector<1x1x1000x128xf32>
    tpu.vector_store %arg6[%swap3A, %swap3A_21, %swap3A_22, %swap3A_23], %swap3A_26 {strides = array<i32>} : memref<1x1x1000x128xf32, #tpu.memory_space<vmem>>, vector<1x1x1000x128xf32>,
    %broadcast_in_dim3A = vector.shape_cast %rsqrt3A : vector<1000xf32> to vector<1000x1xf32>
    %mul3A = vector.broadcast %broadcast_in_dim3A : vector<1000x1xf32> to vector<1000x128xf32>
    %mul3A_27 = arith.mulf %dot_general3A_20, %mul3A : vector<1000x128xf32>
    %swap3A_28 = arith.constant 0 : index
    %swap3A_29 = arith.constant 0 : index
    %swap3A_30 = arith.constant 0 : index
    %swap3A_31 = arith.constant 0 : index
    %swap3A_32 = vector.load %arg7[%swap3A_28, %swap3A_29, %swap3A_30, %swap3A_31] : memref<1x1x1000x128xf32, #tpu.memory_space<vmem>>, vector<1x1x1000x128xf32>
    %swap3A_33 = vector.shape_cast %swap3A_32 : vector<1x1x1000x128xf32> to vector<1000x128xf32>
    %swap3A_34 = vector.shape_cast %mul3A_27 : vector<1000x128xf32> to vector<1x1x1000x128xf32>
    tpu.vector_store %arg7[%swap3A_28, %swap3A_29, %swap3A_30, %swap3A_31], %swap3A_34 {strides = array<i32>} : memref<1x1x1000x128xf32, #tpu.memory_space<vmem>>, vector<1x1x1000x128xf32>,
    return
  }
  func.func @transform_0(%arg0: i32, %arg1: i32, %arg2: i32) -> (i32, i32) {
    %c0_i32 = arith.constant 0 : i32
    %c0_i32_0 = arith.constant 0 : i32
    return %arg2, %c0_i32 : i32, i32
  }
  func.func @transform_1(%arg0: i32, %arg1: i32, %arg2: i32) -> (i32, i32, i32) {
    %c0_i32 = arith.constant 0 : i32
    %c0_i32_0 = arith.constant 0 : i32
    return %arg0, %c0_i32, %arg1 : i32, i32, i32
  }
  func.func @transform_2(%arg0: i32, %arg1: i32, %arg2: i32) -> (i32, i32, i32) {
    %c0_i32 = arith.constant 0 : i32
    %c0_i32_0 = arith.constant 0 : i32
    return %arg0, %arg2, %c0_i32 : i32, i32, i32
  }
  func.func @transform_3(%arg0: i32, %arg1: i32, %arg2: i32) -> (i32, i32, i32, i32) {
    %c0_i32 = arith.constant 0 : i32
    %c0_i32_0 = arith.constant 0 : i32
    return %arg0, %arg1, %arg2, %c0_i32 : i32, i32, i32, i32
  }
  func.func @transform_4(%arg0: i32, %arg1: i32, %arg2: i32) -> (i32, i32, i32, i32) {
    %c0_i32 = arith.constant 0 : i32
    %c0_i32_0 = arith.constant 0 : i32
    return %arg0, %arg1, %arg2, %c0_i32 : i32, i32, i32, i32
  }
}

module attributes {stable_mosaic.version = 14 : i64} {
  func.func @_k2_body(%arg0: i32, %arg1: memref<2x2x1000x128xf32, #tpu.memory_space<vmem>>, %arg2: memref<2x2x1000x128xf32, #tpu.memory_space<vmem>>, %arg3: memref<2x1000x2xf32, #tpu.memory_space<vmem>>, %arg4: memref<2x256xf32, #tpu.memory_space<vmem>>, %arg5: memref<512x256xf32, #tpu.memory_space<vmem>>, %arg6: memref<1x256xf32, #tpu.memory_space<vmem>>, %arg7: memref<256x256xf32, #tpu.memory_space<vmem>>, %arg8: memref<1x256xf32, #tpu.memory_space<vmem>>, %arg9: memref<2x256x256xf32, #tpu.memory_space<vmem>>, %arg10: memref<2x2x1000x128xf32, #tpu.memory_space<vmem>>, %arg11: memref<2x2x1000x128xf32, #tpu.memory_space<vmem>>) attributes {dimension_semantics = [#tpu.dimension_semantics<arbitrary>], iteration_bounds = array<i64: 10>, scalar_prefetch = 0 : i64, scratch_operands = 0 : i64, tpu.core_type = #tpu.core_type<tc>, window_params = [{transform_indices = @transform_0, window_bounds = array<i64: 2, 2, 1000, 128>}, {transform_indices = @transform_1, window_bounds = array<i64: 2, 2, 1000, 128>}, {transform_indices = @transform_2, window_bounds = array<i64: 2, 1000, 2>}, {pipeline_mode = #tpu.pipeline_mode<synchronous>, transform_indices = @transform_3, window_bounds = array<i64: 2, 256>}, {pipeline_mode = #tpu.pipeline_mode<synchronous>, transform_indices = @transform_4, window_bounds = array<i64: 512, 256>}, {pipeline_mode = #tpu.pipeline_mode<synchronous>, transform_indices = @transform_5, window_bounds = array<i64: 1, 256>}, {pipeline_mode = #tpu.pipeline_mode<synchronous>, transform_indices = @transform_6, window_bounds = array<i64: 256, 256>}, {pipeline_mode = #tpu.pipeline_mode<synchronous>, transform_indices = @transform_7, window_bounds = array<i64: 1, 256>}, {pipeline_mode = #tpu.pipeline_mode<synchronous>, transform_indices = @transform_8, window_bounds = array<i64: 2, 256, 256>}, {transform_indices = @transform_9, window_bounds = array<i64: 2, 2, 1000, 128>}, {transform_indices = @transform_10, window_bounds = array<i64: 2, 2, 1000, 128>}]} {
    %get3A = arith.constant 0 : index
    %get3A_0 = arith.constant 0 : index
    %get3A_1 = arith.constant 0 : index
    %get3A_2 = arith.constant 0 : index
    %get3A_3 = vector.load %arg1[%get3A, %get3A_0, %get3A_1, %get3A_2] : memref<2x2x1000x128xf32, #tpu.memory_space<vmem>>, vector<2x2x1000x128xf32>
    %get3A_4 = arith.constant 0 : index
    %get3A_5 = arith.constant 0 : index
    %get3A_6 = arith.constant 0 : index
    %get3A_7 = arith.constant 0 : index
    %get3A_8 = vector.load %arg2[%get3A_4, %get3A_5, %get3A_6, %get3A_7] : memref<2x2x1000x128xf32, #tpu.memory_space<vmem>>, vector<2x2x1000x128xf32>
    %get3A_9 = arith.constant 0 : index
    %get3A_10 = arith.constant 0 : index
    %get3A_11 = arith.constant 0 : index
    %get3A_12 = vector.load %arg3[%get3A_9, %get3A_10, %get3A_11] : memref<2x1000x2xf32, #tpu.memory_space<vmem>>, vector<1x1000x1xf32>
    %get3A_13 = vector.shape_cast %get3A_12 : vector<1x1000x1xf32> to vector<1000xf32>
    %add3A = arith.constant 1.000000e+00 : f32
    %add3A_14 = vector.broadcast %add3A : f32 to vector<1000xf32>
    %add3A_15 = arith.addf %add3A_14, %get3A_13 : vector<1000xf32>
    %get3A_16 = arith.constant 0 : index
    %get3A_17 = arith.constant 0 : index
    %get3A_18 = arith.constant 1 : index
    %get3A_19 = vector.load %arg3[%get3A_16, %get3A_17, %get3A_18] : memref<2x1000x2xf32, #tpu.memory_space<vmem>>, vector<1x1000x1xf32>
    %get3A_20 = vector.shape_cast %get3A_19 : vector<1x1000x1xf32> to vector<1000xf32>
    %add3A_21 = arith.addf %add3A_15, %get3A_20 : vector<1000xf32>
    %rsqrt3A = math.rsqrt %add3A_21 : vector<1000xf32>
    %broadcast_in_dim3A = vector.shape_cast %rsqrt3A : vector<1000xf32> to vector<1000x1xf32>
    %slice3A = vector.extract_strided_slice %get3A_3 {offsets = [0, 0, 0, 0], sizes = [1, 1, 1000, 128], strides = [1, 1, 1, 1]} : vector<2x2x1000x128xf32> to vector<1x1x1000x128xf32>
    %squeeze3A = vector.shape_cast %slice3A : vector<1x1x1000x128xf32> to vector<1000x128xf32>
    %slice3A_22 = vector.extract_strided_slice %get3A_3 {offsets = [0, 1, 0, 0], sizes = [1, 1, 1000, 128], strides = [1, 1, 1, 1]} : vector<2x2x1000x128xf32> to vector<1x1x1000x128xf32>
    %squeeze3A_23 = vector.shape_cast %slice3A_22 : vector<1x1x1000x128xf32> to vector<1000x128xf32>
    %concatenate3A = tpu.concatenate %squeeze3A, %squeeze3A_23 in 1 : vector<1000x128xf32>, vector<1000x128xf32> -> vector<1000x256xf32>
    %slice3A_24 = vector.extract_strided_slice %get3A_8 {offsets = [0, 0, 0, 0], sizes = [1, 1, 1000, 128], strides = [1, 1, 1, 1]} : vector<2x2x1000x128xf32> to vector<1x1x1000x128xf32>
    %squeeze3A_25 = vector.shape_cast %slice3A_24 : vector<1x1x1000x128xf32> to vector<1000x128xf32>
    %slice3A_26 = vector.extract_strided_slice %get3A_8 {offsets = [0, 1, 0, 0], sizes = [1, 1, 1000, 128], strides = [1, 1, 1, 1]} : vector<2x2x1000x128xf32> to vector<1x1x1000x128xf32>
    %squeeze3A_27 = vector.shape_cast %slice3A_26 : vector<1x1x1000x128xf32> to vector<1000x128xf32>
    %concatenate3A_28 = tpu.concatenate %squeeze3A_25, %squeeze3A_27 in 1 : vector<1000x128xf32>, vector<1000x128xf32> -> vector<1000x256xf32>
    %mul3A = vector.broadcast %broadcast_in_dim3A : vector<1000x1xf32> to vector<1000x256xf32>
    %mul3A_29 = arith.mulf %mul3A, %concatenate3A : vector<1000x256xf32>
    %mul3A_30 = arith.mulf %broadcast_in_dim3A, %broadcast_in_dim3A : vector<1000x1xf32>
    %mul3A_31 = vector.broadcast %mul3A_30 : vector<1000x1xf32> to vector<1000x256xf32>
    %mul3A_32 = arith.mulf %mul3A_31, %concatenate3A_28 : vector<1000x256xf32>
    %add3A_33 = arith.addf %mul3A_29, %mul3A_32 : vector<1000x256xf32>
    %get3A_34 = arith.constant 0 : index
    %get3A_35 = arith.constant 0 : index
    %get3A_36 = vector.load %arg4[%get3A_34, %get3A_35] : memref<2x256xf32, #tpu.memory_space<vmem>>, vector<1x256xf32>
    %get3A_37 = vector.shape_cast %get3A_36 : vector<1x256xf32> to vector<256xf32>
    %broadcast_in_dim3A_38 = vector.shape_cast %get3A_37 : vector<256xf32> to vector<1x256xf32>
    %add3A_39 = vector.broadcast %broadcast_in_dim3A_38 : vector<1x256xf32> to vector<1000x256xf32>
    %add3A_40 = arith.addf %add3A_33, %add3A_39 : vector<1000x256xf32>
    %max3A = arith.constant 0.000000e+00 : f32
    %max3A_41 = vector.broadcast %max3A : f32 to vector<1000x256xf32>
    %max3A_42 = arith.maximumf %add3A_40, %max3A_41 : vector<1000x256xf32>
    %get3A_43 = arith.constant 1 : index
    %get3A_44 = arith.constant 0 : index
    %get3A_45 = arith.constant 0 : index
    %get3A_46 = vector.load %arg3[%get3A_43, %get3A_44, %get3A_45] : memref<2x1000x2xf32, #tpu.memory_space<vmem>>, vector<1x1000x1xf32>
    %get3A_47 = vector.shape_cast %get3A_46 : vector<1x1000x1xf32> to vector<1000xf32>
    %add3A_48 = arith.constant 1.000000e+00 : f32
    %add3A_49 = vector.broadcast %add3A_48 : f32 to vector<1000xf32>
    %add3A_50 = arith.addf %add3A_49, %get3A_47 : vector<1000xf32>
    %get3A_51 = arith.constant 1 : index
    %get3A_52 = arith.constant 0 : index
    %get3A_53 = arith.constant 1 : index
    %get3A_54 = vector.load %arg3[%get3A_51, %get3A_52, %get3A_53] : memref<2x1000x2xf32, #tpu.memory_space<vmem>>, vector<1x1000x1xf32>
    %get3A_55 = vector.shape_cast %get3A_54 : vector<1x1000x1xf32> to vector<1000xf32>
    %add3A_56 = arith.addf %add3A_50, %get3A_55 : vector<1000xf32>
    %rsqrt3A_57 = math.rsqrt %add3A_56 : vector<1000xf32>
    %broadcast_in_dim3A_58 = vector.shape_cast %rsqrt3A_57 : vector<1000xf32> to vector<1000x1xf32>
    %slice3A_59 = vector.extract_strided_slice %get3A_3 {offsets = [1, 0, 0, 0], sizes = [1, 1, 1000, 128], strides = [1, 1, 1, 1]} : vector<2x2x1000x128xf32> to vector<1x1x1000x128xf32>
    %squeeze3A_60 = vector.shape_cast %slice3A_59 : vector<1x1x1000x128xf32> to vector<1000x128xf32>
    %slice3A_61 = vector.extract_strided_slice %get3A_3 {offsets = [1, 1, 0, 0], sizes = [1, 1, 1000, 128], strides = [1, 1, 1, 1]} : vector<2x2x1000x128xf32> to vector<1x1x1000x128xf32>
    %squeeze3A_62 = vector.shape_cast %slice3A_61 : vector<1x1x1000x128xf32> to vector<1000x128xf32>
    %concatenate3A_63 = tpu.concatenate %squeeze3A_60, %squeeze3A_62 in 1 : vector<1000x128xf32>, vector<1000x128xf32> -> vector<1000x256xf32>
    %slice3A_64 = vector.extract_strided_slice %get3A_8 {offsets = [1, 0, 0, 0], sizes = [1, 1, 1000, 128], strides = [1, 1, 1, 1]} : vector<2x2x1000x128xf32> to vector<1x1x1000x128xf32>
    %squeeze3A_65 = vector.shape_cast %slice3A_64 : vector<1x1x1000x128xf32> to vector<1000x128xf32>
    %slice3A_66 = vector.extract_strided_slice %get3A_8 {offsets = [1, 1, 0, 0], sizes = [1, 1, 1000, 128], strides = [1, 1, 1, 1]} : vector<2x2x1000x128xf32> to vector<1x1x1000x128xf32>
    %squeeze3A_67 = vector.shape_cast %slice3A_66 : vector<1x1x1000x128xf32> to vector<1000x128xf32>
    %concatenate3A_68 = tpu.concatenate %squeeze3A_65, %squeeze3A_67 in 1 : vector<1000x128xf32>, vector<1000x128xf32> -> vector<1000x256xf32>
    %mul3A_69 = vector.broadcast %broadcast_in_dim3A_58 : vector<1000x1xf32> to vector<1000x256xf32>
    %mul3A_70 = arith.mulf %mul3A_69, %concatenate3A_63 : vector<1000x256xf32>
    %mul3A_71 = arith.mulf %broadcast_in_dim3A_58, %broadcast_in_dim3A_58 : vector<1000x1xf32>
    %mul3A_72 = vector.broadcast %mul3A_71 : vector<1000x1xf32> to vector<1000x256xf32>
    %mul3A_73 = arith.mulf %mul3A_72, %concatenate3A_68 : vector<1000x256xf32>
    %add3A_74 = arith.addf %mul3A_70, %mul3A_73 : vector<1000x256xf32>
    %get3A_75 = arith.constant 1 : index
    %get3A_76 = arith.constant 0 : index
    %get3A_77 = vector.load %arg4[%get3A_75, %get3A_76] : memref<2x256xf32, #tpu.memory_space<vmem>>, vector<1x256xf32>
    %get3A_78 = vector.shape_cast %get3A_77 : vector<1x256xf32> to vector<256xf32>
    %broadcast_in_dim3A_79 = vector.shape_cast %get3A_78 : vector<256xf32> to vector<1x256xf32>
    %add3A_80 = vector.broadcast %broadcast_in_dim3A_79 : vector<1x256xf32> to vector<1000x256xf32>
    %add3A_81 = arith.addf %add3A_74, %add3A_80 : vector<1000x256xf32>
    %max3A_82 = arith.constant 0.000000e+00 : f32
    %max3A_83 = vector.broadcast %max3A_82 : f32 to vector<1000x256xf32>
    %max3A_84 = arith.maximumf %add3A_81, %max3A_83 : vector<1000x256xf32>
    %concatenate3A_85 = tpu.concatenate %max3A_42, %max3A_84 in 1 : vector<1000x256xf32>, vector<1000x256xf32> -> vector<1000x512xf32>
    %get3A_86 = arith.constant 0 : index
    %get3A_87 = arith.constant 0 : index
    %get3A_88 = vector.load %arg5[%get3A_86, %get3A_87] : memref<512x256xf32, #tpu.memory_space<vmem>>, vector<512x256xf32>
    %dot_general3A = arith.constant dense<0.000000e+00> : vector<1000x256xf32>
    %dot_general3A_89 = tpu.matmul %concatenate3A_85, %get3A_88, %dot_general3A {dimension_numbers = #tpu.dot_dimension_numbers<[1], [0], [0], [1], [0, 0, 1, 1], [], []>, transpose_lhs_hint = false} : vector<1000x512xf32>, vector<512x256xf32>, vector<1000x256xf32> -> vector<1000x256xf32>
    %get3A_90 = arith.constant 0 : index
    %get3A_91 = arith.constant 0 : index
    %get3A_92 = vector.load %arg6[%get3A_90, %get3A_91] : memref<1x256xf32, #tpu.memory_space<vmem>>, vector<1x256xf32>
    %get3A_93 = vector.shape_cast %get3A_92 : vector<1x256xf32> to vector<256xf32>
    %broadcast_in_dim3A_94 = vector.shape_cast %get3A_93 : vector<256xf32> to vector<1x256xf32>
    %add3A_95 = vector.broadcast %broadcast_in_dim3A_94 : vector<1x256xf32> to vector<1000x256xf32>
    %add3A_96 = arith.addf %dot_general3A_89, %add3A_95 : vector<1000x256xf32>
    %max3A_97 = arith.constant 0.000000e+00 : f32
    %max3A_98 = vector.broadcast %max3A_97 : f32 to vector<1000x256xf32>
    %max3A_99 = arith.maximumf %add3A_96, %max3A_98 : vector<1000x256xf32>
    %get3A_100 = arith.constant 0 : index
    %get3A_101 = arith.constant 0 : index
    %get3A_102 = vector.load %arg7[%get3A_100, %get3A_101] : memref<256x256xf32, #tpu.memory_space<vmem>>, vector<256x256xf32>
    %dot_general3A_103 = arith.constant dense<0.000000e+00> : vector<1000x256xf32>
    %dot_general3A_104 = tpu.matmul %max3A_99, %get3A_102, %dot_general3A_103 {dimension_numbers = #tpu.dot_dimension_numbers<[1], [0], [0], [1], [0, 0, 1, 1], [], []>, transpose_lhs_hint = false} : vector<1000x256xf32>, vector<256x256xf32>, vector<1000x256xf32> -> vector<1000x256xf32>
    %get3A_105 = arith.constant 0 : index
    %get3A_106 = arith.constant 0 : index
    %get3A_107 = vector.load %arg8[%get3A_105, %get3A_106] : memref<1x256xf32, #tpu.memory_space<vmem>>, vector<1x256xf32>
    %get3A_108 = vector.shape_cast %get3A_107 : vector<1x256xf32> to vector<256xf32>
    %broadcast_in_dim3A_109 = vector.shape_cast %get3A_108 : vector<256xf32> to vector<1x256xf32>
    %add3A_110 = vector.broadcast %broadcast_in_dim3A_109 : vector<1x256xf32> to vector<1000x256xf32>
    %add3A_111 = arith.addf %dot_general3A_104, %add3A_110 : vector<1000x256xf32>
    %get3A_112 = arith.constant 0 : index
    %get3A_113 = arith.constant 0 : index
    %get3A_114 = arith.constant 0 : index
    %get3A_115 = vector.load %arg3[%get3A_112, %get3A_113, %get3A_114] : memref<2x1000x2xf32, #tpu.memory_space<vmem>>, vector<1x1000x1xf32>
    %get3A_116 = vector.shape_cast %get3A_115 : vector<1x1000x1xf32> to vector<1000xf32>
    %add3A_117 = arith.constant 1.000000e+00 : f32
    %add3A_118 = vector.broadcast %add3A_117 : f32 to vector<1000xf32>
    %add3A_119 = arith.addf %add3A_118, %get3A_116 : vector<1000xf32>
    %get3A_120 = arith.constant 0 : index
    %get3A_121 = arith.constant 0 : index
    %get3A_122 = arith.constant 1 : index
    %get3A_123 = vector.load %arg3[%get3A_120, %get3A_121, %get3A_122] : memref<2x1000x2xf32, #tpu.memory_space<vmem>>, vector<1x1000x1xf32>
    %get3A_124 = vector.shape_cast %get3A_123 : vector<1x1000x1xf32> to vector<1000xf32>
    %add3A_125 = arith.addf %add3A_119, %get3A_124 : vector<1000xf32>
    %rsqrt3A_126 = math.rsqrt %add3A_125 : vector<1000xf32>
    %broadcast_in_dim3A_127 = vector.shape_cast %rsqrt3A_126 : vector<1000xf32> to vector<1000x1xf32>
    %get3A_128 = arith.constant 0 : index
    %get3A_129 = arith.constant 0 : index
    %get3A_130 = arith.constant 0 : index
    %get3A_131 = vector.load %arg9[%get3A_128, %get3A_129, %get3A_130] : memref<2x256x256xf32, #tpu.memory_space<vmem>>, vector<1x256x256xf32>
    %get3A_132 = vector.shape_cast %get3A_131 : vector<1x256x256xf32> to vector<256x256xf32>
    %dot_general3A_133 = arith.constant dense<0.000000e+00> : vector<1000x256xf32>
    %dot_general3A_134 = tpu.matmul %add3A_111, %get3A_132, %dot_general3A_133 {dimension_numbers = #tpu.dot_dimension_numbers<[1], [0], [0], [1], [0, 0, 1, 1], [], []>, transpose_lhs_hint = false} : vector<1000x256xf32>, vector<256x256xf32>, vector<1000x256xf32> -> vector<1000x256xf32>
    %slice3A_135 = vector.extract_strided_slice %dot_general3A_134 {offsets = [0, 0], sizes = [1000, 128], strides = [1, 1]} : vector<1000x256xf32> to vector<1000x128xf32>
    %swap3A = arith.constant 0 : index
    %swap3A_136 = arith.constant 0 : index
    %swap3A_137 = arith.constant 0 : index
    %swap3A_138 = arith.constant 0 : index
    %swap3A_139 = vector.load %arg10[%swap3A, %swap3A_136, %swap3A_137, %swap3A_138] : memref<2x2x1000x128xf32, #tpu.memory_space<vmem>>, vector<1x1x1000x128xf32>
    %swap3A_140 = vector.shape_cast %swap3A_139 : vector<1x1x1000x128xf32> to vector<1000x128xf32>
    %swap3A_141 = vector.shape_cast %slice3A_135 : vector<1000x128xf32> to vector<1x1x1000x128xf32>
    tpu.vector_store %arg10[%swap3A, %swap3A_136, %swap3A_137, %swap3A_138], %swap3A_141 {strides = array<i32>} : memref<2x2x1000x128xf32, #tpu.memory_space<vmem>>, vector<1x1x1000x128xf32>,
    %slice3A_142 = vector.extract_strided_slice %dot_general3A_134 {offsets = [0, 128], sizes = [1000, 128], strides = [1, 1]} : vector<1000x256xf32> to vector<1000x128xf32>
    %swap3A_143 = arith.constant 0 : index
    %swap3A_144 = arith.constant 1 : index
    %swap3A_145 = arith.constant 0 : index
    %swap3A_146 = arith.constant 0 : index
    %swap3A_147 = vector.load %arg10[%swap3A_143, %swap3A_144, %swap3A_145, %swap3A_146] : memref<2x2x1000x128xf32, #tpu.memory_space<vmem>>, vector<1x1x1000x128xf32>
    %swap3A_148 = vector.shape_cast %swap3A_147 : vector<1x1x1000x128xf32> to vector<1000x128xf32>
    %swap3A_149 = vector.shape_cast %slice3A_142 : vector<1000x128xf32> to vector<1x1x1000x128xf32>
    tpu.vector_store %arg10[%swap3A_143, %swap3A_144, %swap3A_145, %swap3A_146], %swap3A_149 {strides = array<i32>} : memref<2x2x1000x128xf32, #tpu.memory_space<vmem>>, vector<1x1x1000x128xf32>,
    %slice3A_150 = vector.extract_strided_slice %dot_general3A_134 {offsets = [0, 0], sizes = [1000, 128], strides = [1, 1]} : vector<1000x256xf32> to vector<1000x128xf32>
    %mul3A_151 = vector.broadcast %broadcast_in_dim3A_127 : vector<1000x1xf32> to vector<1000x128xf32>
    %mul3A_152 = arith.mulf %mul3A_151, %slice3A_150 : vector<1000x128xf32>
    %swap3A_153 = arith.constant 0 : index
    %swap3A_154 = arith.constant 0 : index
    %swap3A_155 = arith.constant 0 : index
    %swap3A_156 = arith.constant 0 : index
    %swap3A_157 = vector.load %arg11[%swap3A_153, %swap3A_154, %swap3A_155, %swap3A_156] : memref<2x2x1000x128xf32, #tpu.memory_space<vmem>>, vector<1x1x1000x128xf32>
    %swap3A_158 = vector.shape_cast %swap3A_157 : vector<1x1x1000x128xf32> to vector<1000x128xf32>
    %swap3A_159 = vector.shape_cast %mul3A_152 : vector<1000x128xf32> to vector<1x1x1000x128xf32>
    tpu.vector_store %arg11[%swap3A_153, %swap3A_154, %swap3A_155, %swap3A_156], %swap3A_159 {strides = array<i32>} : memref<2x2x1000x128xf32, #tpu.memory_space<vmem>>, vector<1x1x1000x128xf32>,
    %slice3A_160 = vector.extract_strided_slice %dot_general3A_134 {offsets = [0, 128], sizes = [1000, 128], strides = [1, 1]} : vector<1000x256xf32> to vector<1000x128xf32>
    %mul3A_161 = vector.broadcast %broadcast_in_dim3A_127 : vector<1000x1xf32> to vector<1000x128xf32>
    %mul3A_162 = arith.mulf %mul3A_161, %slice3A_160 : vector<1000x128xf32>
    %swap3A_163 = arith.constant 0 : index
    %swap3A_164 = arith.constant 1 : index
    %swap3A_165 = arith.constant 0 : index
    %swap3A_166 = arith.constant 0 : index
    %swap3A_167 = vector.load %arg11[%swap3A_163, %swap3A_164, %swap3A_165, %swap3A_166] : memref<2x2x1000x128xf32, #tpu.memory_space<vmem>>, vector<1x1x1000x128xf32>
    %swap3A_168 = vector.shape_cast %swap3A_167 : vector<1x1x1000x128xf32> to vector<1000x128xf32>
    %swap3A_169 = vector.shape_cast %mul3A_162 : vector<1000x128xf32> to vector<1x1x1000x128xf32>
    tpu.vector_store %arg11[%swap3A_163, %swap3A_164, %swap3A_165, %swap3A_166], %swap3A_169 {strides = array<i32>} : memref<2x2x1000x128xf32, #tpu.memory_space<vmem>>, vector<1x1x1000x128xf32>,
    %get3A_170 = arith.constant 1 : index
    %get3A_171 = arith.constant 0 : index
    %get3A_172 = arith.constant 0 : index
    %get3A_173 = vector.load %arg3[%get3A_170, %get3A_171, %get3A_172] : memref<2x1000x2xf32, #tpu.memory_space<vmem>>, vector<1x1000x1xf32>
    %get3A_174 = vector.shape_cast %get3A_173 : vector<1x1000x1xf32> to vector<1000xf32>
    %add3A_175 = arith.constant 1.000000e+00 : f32
    %add3A_176 = vector.broadcast %add3A_175 : f32 to vector<1000xf32>
    %add3A_177 = arith.addf %add3A_176, %get3A_174 : vector<1000xf32>
    %get3A_178 = arith.constant 1 : index
    %get3A_179 = arith.constant 0 : index
    %get3A_180 = arith.constant 1 : index
    %get3A_181 = vector.load %arg3[%get3A_178, %get3A_179, %get3A_180] : memref<2x1000x2xf32, #tpu.memory_space<vmem>>, vector<1x1000x1xf32>
    %get3A_182 = vector.shape_cast %get3A_181 : vector<1x1000x1xf32> to vector<1000xf32>
    %add3A_183 = arith.addf %add3A_177, %get3A_182 : vector<1000xf32>
    %rsqrt3A_184 = math.rsqrt %add3A_183 : vector<1000xf32>
    %broadcast_in_dim3A_185 = vector.shape_cast %rsqrt3A_184 : vector<1000xf32> to vector<1000x1xf32>
    %get3A_186 = arith.constant 1 : index
    %get3A_187 = arith.constant 0 : index
    %get3A_188 = arith.constant 0 : index
    %get3A_189 = vector.load %arg9[%get3A_186, %get3A_187, %get3A_188] : memref<2x256x256xf32, #tpu.memory_space<vmem>>, vector<1x256x256xf32>
    %get3A_190 = vector.shape_cast %get3A_189 : vector<1x256x256xf32> to vector<256x256xf32>
    %dot_general3A_191 = arith.constant dense<0.000000e+00> : vector<1000x256xf32>
    %dot_general3A_192 = tpu.matmul %add3A_111, %get3A_190, %dot_general3A_191 {dimension_numbers = #tpu.dot_dimension_numbers<[1], [0], [0], [1], [0, 0, 1, 1], [], []>, transpose_lhs_hint = false} : vector<1000x256xf32>, vector<256x256xf32>, vector<1000x256xf32> -> vector<1000x256xf32>
    %slice3A_193 = vector.extract_strided_slice %dot_general3A_192 {offsets = [0, 0], sizes = [1000, 128], strides = [1, 1]} : vector<1000x256xf32> to vector<1000x128xf32>
    %swap3A_194 = arith.constant 1 : index
    %swap3A_195 = arith.constant 0 : index
    %swap3A_196 = arith.constant 0 : index
    %swap3A_197 = arith.constant 0 : index
    %swap3A_198 = vector.load %arg10[%swap3A_194, %swap3A_195, %swap3A_196, %swap3A_197] : memref<2x2x1000x128xf32, #tpu.memory_space<vmem>>, vector<1x1x1000x128xf32>
    %swap3A_199 = vector.shape_cast %swap3A_198 : vector<1x1x1000x128xf32> to vector<1000x128xf32>
    %swap3A_200 = vector.shape_cast %slice3A_193 : vector<1000x128xf32> to vector<1x1x1000x128xf32>
    tpu.vector_store %arg10[%swap3A_194, %swap3A_195, %swap3A_196, %swap3A_197], %swap3A_200 {strides = array<i32>} : memref<2x2x1000x128xf32, #tpu.memory_space<vmem>>, vector<1x1x1000x128xf32>,
    %slice3A_201 = vector.extract_strided_slice %dot_general3A_192 {offsets = [0, 128], sizes = [1000, 128], strides = [1, 1]} : vector<1000x256xf32> to vector<1000x128xf32>
    %swap3A_202 = arith.constant 1 : index
    %swap3A_203 = arith.constant 1 : index
    %swap3A_204 = arith.constant 0 : index
    %swap3A_205 = arith.constant 0 : index
    %swap3A_206 = vector.load %arg10[%swap3A_202, %swap3A_203, %swap3A_204, %swap3A_205] : memref<2x2x1000x128xf32, #tpu.memory_space<vmem>>, vector<1x1x1000x128xf32>
    %swap3A_207 = vector.shape_cast %swap3A_206 : vector<1x1x1000x128xf32> to vector<1000x128xf32>
    %swap3A_208 = vector.shape_cast %slice3A_201 : vector<1000x128xf32> to vector<1x1x1000x128xf32>
    tpu.vector_store %arg10[%swap3A_202, %swap3A_203, %swap3A_204, %swap3A_205], %swap3A_208 {strides = array<i32>} : memref<2x2x1000x128xf32, #tpu.memory_space<vmem>>, vector<1x1x1000x128xf32>,
    %slice3A_209 = vector.extract_strided_slice %dot_general3A_192 {offsets = [0, 0], sizes = [1000, 128], strides = [1, 1]} : vector<1000x256xf32> to vector<1000x128xf32>
    %mul3A_210 = vector.broadcast %broadcast_in_dim3A_185 : vector<1000x1xf32> to vector<1000x128xf32>
    %mul3A_211 = arith.mulf %mul3A_210, %slice3A_209 : vector<1000x128xf32>
    %swap3A_212 = arith.constant 1 : index
    %swap3A_213 = arith.constant 0 : index
    %swap3A_214 = arith.constant 0 : index
    %swap3A_215 = arith.constant 0 : index
    %swap3A_216 = vector.load %arg11[%swap3A_212, %swap3A_213, %swap3A_214, %swap3A_215] : memref<2x2x1000x128xf32, #tpu.memory_space<vmem>>, vector<1x1x1000x128xf32>
    %swap3A_217 = vector.shape_cast %swap3A_216 : vector<1x1x1000x128xf32> to vector<1000x128xf32>
    %swap3A_218 = vector.shape_cast %mul3A_211 : vector<1000x128xf32> to vector<1x1x1000x128xf32>
    tpu.vector_store %arg11[%swap3A_212, %swap3A_213, %swap3A_214, %swap3A_215], %swap3A_218 {strides = array<i32>} : memref<2x2x1000x128xf32, #tpu.memory_space<vmem>>, vector<1x1x1000x128xf32>,
    %slice3A_219 = vector.extract_strided_slice %dot_general3A_192 {offsets = [0, 128], sizes = [1000, 128], strides = [1, 1]} : vector<1000x256xf32> to vector<1000x128xf32>
    %mul3A_220 = vector.broadcast %broadcast_in_dim3A_185 : vector<1000x1xf32> to vector<1000x128xf32>
    %mul3A_221 = arith.mulf %mul3A_220, %slice3A_219 : vector<1000x128xf32>
    %swap3A_222 = arith.constant 1 : index
    %swap3A_223 = arith.constant 1 : index
    %swap3A_224 = arith.constant 0 : index
    %swap3A_225 = arith.constant 0 : index
    %swap3A_226 = vector.load %arg11[%swap3A_222, %swap3A_223, %swap3A_224, %swap3A_225] : memref<2x2x1000x128xf32, #tpu.memory_space<vmem>>, vector<1x1x1000x128xf32>
    %swap3A_227 = vector.shape_cast %swap3A_226 : vector<1x1x1000x128xf32> to vector<1000x128xf32>
    %swap3A_228 = vector.shape_cast %mul3A_221 : vector<1000x128xf32> to vector<1x1x1000x128xf32>
    tpu.vector_store %arg11[%swap3A_222, %swap3A_223, %swap3A_224, %swap3A_225], %swap3A_228 {strides = array<i32>} : memref<2x2x1000x128xf32, #tpu.memory_space<vmem>>, vector<1x1x1000x128xf32>,
    return
  }
  func.func @transform_0(%arg0: i32) -> (i32, i32, i32, i32) {
    %c0_i32 = arith.constant 0 : i32
    %c0_i32_0 = arith.constant 0 : i32
    %c0_i32_1 = arith.constant 0 : i32
    %c0_i32_2 = arith.constant 0 : i32
    return %c0_i32, %c0_i32_0, %arg0, %c0_i32_1 : i32, i32, i32, i32
  }
  func.func @transform_1(%arg0: i32) -> (i32, i32, i32, i32) {
    %c0_i32 = arith.constant 0 : i32
    %c0_i32_0 = arith.constant 0 : i32
    %c0_i32_1 = arith.constant 0 : i32
    %c0_i32_2 = arith.constant 0 : i32
    return %c0_i32, %c0_i32_0, %arg0, %c0_i32_1 : i32, i32, i32, i32
  }
  func.func @transform_2(%arg0: i32) -> (i32, i32, i32) {
    %c0_i32 = arith.constant 0 : i32
    %c0_i32_0 = arith.constant 0 : i32
    %c0_i32_1 = arith.constant 0 : i32
    return %c0_i32, %arg0, %c0_i32_0 : i32, i32, i32
  }
  func.func @transform_3(%arg0: i32) -> (i32, i32) {
    %c0_i32 = arith.constant 0 : i32
    %c0_i32_0 = arith.constant 0 : i32
    %c0_i32_1 = arith.constant 0 : i32
    return %c0_i32, %c0_i32_0 : i32, i32
  }
  func.func @transform_4(%arg0: i32) -> (i32, i32) {
    %c0_i32 = arith.constant 0 : i32
    %c0_i32_0 = arith.constant 0 : i32
    %c0_i32_1 = arith.constant 0 : i32
    return %c0_i32, %c0_i32_0 : i32, i32
  }
  func.func @transform_5(%arg0: i32) -> (i32, i32) {
    %c0_i32 = arith.constant 0 : i32
    %c0_i32_0 = arith.constant 0 : i32
    %c0_i32_1 = arith.constant 0 : i32
    return %c0_i32, %c0_i32_0 : i32, i32
  }
  func.func @transform_6(%arg0: i32) -> (i32, i32) {
    %c0_i32 = arith.constant 0 : i32
    %c0_i32_0 = arith.constant 0 : i32
    %c0_i32_1 = arith.constant 0 : i32
    return %c0_i32, %c0_i32_0 : i32, i32
  }
  func.func @transform_7(%arg0: i32) -> (i32, i32) {
    %c0_i32 = arith.constant 0 : i32
    %c0_i32_0 = arith.constant 0 : i32
    %c0_i32_1 = arith.constant 0 : i32
    return %c0_i32, %c0_i32_0 : i32, i32
  }
  func.func @transform_8(%arg0: i32) -> (i32, i32, i32) {
    %c0_i32 = arith.constant 0 : i32
    %c0_i32_0 = arith.constant 0 : i32
    %c0_i32_1 = arith.constant 0 : i32
    %c0_i32_2 = arith.constant 0 : i32
    return %c0_i32, %c0_i32_0, %c0_i32_1 : i32, i32, i32
  }
  func.func @transform_9(%arg0: i32) -> (i32, i32, i32, i32) {
    %c0_i32 = arith.constant 0 : i32
    %c0_i32_0 = arith.constant 0 : i32
    %c0_i32_1 = arith.constant 0 : i32
    %c0_i32_2 = arith.constant 0 : i32
    return %c0_i32, %c0_i32_0, %arg0, %c0_i32_1 : i32, i32, i32, i32
  }
  func.func @transform_10(%arg0: i32) -> (i32, i32, i32, i32) {
    %c0_i32 = arith.constant 0 : i32
    %c0_i32_0 = arith.constant 0 : i32
    %c0_i32_1 = arith.constant 0 : i32
    %c0_i32_2 = arith.constant 0 : i32
    return %c0_i32, %c0_i32_0, %arg0, %c0_i32_1 : i32, i32, i32, i32
  }
}

module attributes {stable_mosaic.version = 14 : i64} {
  func.func @_k3_body(%arg0: i32, %arg1: memref<2x2x1000x128xf32, #tpu.memory_space<vmem>>, %arg2: memref<2x2x1000x128xf32, #tpu.memory_space<vmem>>, %arg3: memref<2x1000x2xf32, #tpu.memory_space<vmem>>, %arg4: memref<2x256xf32, #tpu.memory_space<vmem>>, %arg5: memref<512x256xf32, #tpu.memory_space<vmem>>, %arg6: memref<1x256xf32, #tpu.memory_space<vmem>>, %arg7: memref<256x256xf32, #tpu.memory_space<vmem>>, %arg8: memref<1x256xf32, #tpu.memory_space<vmem>>, %arg9: memref<1x1x1000xi32, #tpu.memory_space<vmem>>, %arg10: memref<1x1x1000xi32, #tpu.memory_space<vmem>>, %arg11: memref<64x256xf32, #tpu.memory_space<vmem>>, %arg12: memref<64x256xf32, #tpu.memory_space<vmem>>, %arg13: memref<64x128xf32, #tpu.memory_space<vmem>>, %arg14: memref<64x128xf32, #tpu.memory_space<vmem>>) attributes {dimension_semantics = [#tpu.dimension_semantics<arbitrary>], iteration_bounds = array<i64: 10>, scalar_prefetch = 0 : i64, scratch_operands = 0 : i64, tpu.core_type = #tpu.core_type<tc>, window_params = [{transform_indices = @transform_0, window_bounds = array<i64: 2, 2, 1000, 128>}, {transform_indices = @transform_1, window_bounds = array<i64: 2, 2, 1000, 128>}, {transform_indices = @transform_2, window_bounds = array<i64: 2, 1000, 2>}, {pipeline_mode = #tpu.pipeline_mode<synchronous>, transform_indices = @transform_3, window_bounds = array<i64: 2, 256>}, {pipeline_mode = #tpu.pipeline_mode<synchronous>, transform_indices = @transform_4, window_bounds = array<i64: 512, 256>}, {pipeline_mode = #tpu.pipeline_mode<synchronous>, transform_indices = @transform_5, window_bounds = array<i64: 1, 256>}, {pipeline_mode = #tpu.pipeline_mode<synchronous>, transform_indices = @transform_6, window_bounds = array<i64: 256, 256>}, {pipeline_mode = #tpu.pipeline_mode<synchronous>, transform_indices = @transform_7, window_bounds = array<i64: 1, 256>}, {transform_indices = @transform_8, window_bounds = array<i64: 1, 1, 1000>}, {transform_indices = @transform_9, window_bounds = array<i64: 1, 1, 1000>}, {pipeline_mode = #tpu.pipeline_mode<synchronous>, transform_indices = @transform_10, window_bounds = array<i64: 64, 256>}, {pipeline_mode = #tpu.pipeline_mode<synchronous>, transform_indices = @transform_11, window_bounds = array<i64: 64, 256>}, {pipeline_mode = #tpu.pipeline_mode<synchronous>, transform_indices = @transform_12, window_bounds = array<i64: 64, 128>}, {pipeline_mode = #tpu.pipeline_mode<synchronous>, transform_indices = @transform_13, window_bounds = array<i64: 64, 128>}]} {
    %get3A = arith.constant 0 : index
    %get3A_0 = arith.constant 0 : index
    %get3A_1 = arith.constant 0 : index
    %get3A_2 = arith.constant 0 : index
    %get3A_3 = vector.load %arg1[%get3A, %get3A_0, %get3A_1, %get3A_2] : memref<2x2x1000x128xf32, #tpu.memory_space<vmem>>, vector<2x2x1000x128xf32>
    %get3A_4 = arith.constant 0 : index
    %get3A_5 = arith.constant 0 : index
    %get3A_6 = arith.constant 0 : index
    %get3A_7 = arith.constant 0 : index
    %get3A_8 = vector.load %arg2[%get3A_4, %get3A_5, %get3A_6, %get3A_7] : memref<2x2x1000x128xf32, #tpu.memory_space<vmem>>, vector<2x2x1000x128xf32>
    %get3A_9 = arith.constant 0 : index
    %get3A_10 = arith.constant 0 : index
    %get3A_11 = arith.constant 0 : index
    %get3A_12 = vector.load %arg3[%get3A_9, %get3A_10, %get3A_11] : memref<2x1000x2xf32, #tpu.memory_space<vmem>>, vector<1x1000x1xf32>
    %get3A_13 = vector.shape_cast %get3A_12 : vector<1x1000x1xf32> to vector<1000xf32>
    %add3A = arith.constant 1.000000e+00 : f32
    %add3A_14 = vector.broadcast %add3A : f32 to vector<1000xf32>
    %add3A_15 = arith.addf %add3A_14, %get3A_13 : vector<1000xf32>
    %get3A_16 = arith.constant 0 : index
    %get3A_17 = arith.constant 0 : index
    %get3A_18 = arith.constant 1 : index
    %get3A_19 = vector.load %arg3[%get3A_16, %get3A_17, %get3A_18] : memref<2x1000x2xf32, #tpu.memory_space<vmem>>, vector<1x1000x1xf32>
    %get3A_20 = vector.shape_cast %get3A_19 : vector<1x1000x1xf32> to vector<1000xf32>
    %add3A_21 = arith.addf %add3A_15, %get3A_20 : vector<1000xf32>
    %rsqrt3A = math.rsqrt %add3A_21 : vector<1000xf32>
    %broadcast_in_dim3A = vector.shape_cast %rsqrt3A : vector<1000xf32> to vector<1000x1xf32>
    %slice3A = vector.extract_strided_slice %get3A_3 {offsets = [0, 0, 0, 0], sizes = [1, 1, 1000, 128], strides = [1, 1, 1, 1]} : vector<2x2x1000x128xf32> to vector<1x1x1000x128xf32>
    %squeeze3A = vector.shape_cast %slice3A : vector<1x1x1000x128xf32> to vector<1000x128xf32>
    %slice3A_22 = vector.extract_strided_slice %get3A_3 {offsets = [0, 1, 0, 0], sizes = [1, 1, 1000, 128], strides = [1, 1, 1, 1]} : vector<2x2x1000x128xf32> to vector<1x1x1000x128xf32>
    %squeeze3A_23 = vector.shape_cast %slice3A_22 : vector<1x1x1000x128xf32> to vector<1000x128xf32>
    %concatenate3A = tpu.concatenate %squeeze3A, %squeeze3A_23 in 1 : vector<1000x128xf32>, vector<1000x128xf32> -> vector<1000x256xf32>
    %slice3A_24 = vector.extract_strided_slice %get3A_8 {offsets = [0, 0, 0, 0], sizes = [1, 1, 1000, 128], strides = [1, 1, 1, 1]} : vector<2x2x1000x128xf32> to vector<1x1x1000x128xf32>
    %squeeze3A_25 = vector.shape_cast %slice3A_24 : vector<1x1x1000x128xf32> to vector<1000x128xf32>
    %slice3A_26 = vector.extract_strided_slice %get3A_8 {offsets = [0, 1, 0, 0], sizes = [1, 1, 1000, 128], strides = [1, 1, 1, 1]} : vector<2x2x1000x128xf32> to vector<1x1x1000x128xf32>
    %squeeze3A_27 = vector.shape_cast %slice3A_26 : vector<1x1x1000x128xf32> to vector<1000x128xf32>
    %concatenate3A_28 = tpu.concatenate %squeeze3A_25, %squeeze3A_27 in 1 : vector<1000x128xf32>, vector<1000x128xf32> -> vector<1000x256xf32>
    %mul3A = vector.broadcast %broadcast_in_dim3A : vector<1000x1xf32> to vector<1000x256xf32>
    %mul3A_29 = arith.mulf %mul3A, %concatenate3A : vector<1000x256xf32>
    %mul3A_30 = arith.mulf %broadcast_in_dim3A, %broadcast_in_dim3A : vector<1000x1xf32>
    %mul3A_31 = vector.broadcast %mul3A_30 : vector<1000x1xf32> to vector<1000x256xf32>
    %mul3A_32 = arith.mulf %mul3A_31, %concatenate3A_28 : vector<1000x256xf32>
    %add3A_33 = arith.addf %mul3A_29, %mul3A_32 : vector<1000x256xf32>
    %get3A_34 = arith.constant 0 : index
    %get3A_35 = arith.constant 0 : index
    %get3A_36 = vector.load %arg4[%get3A_34, %get3A_35] : memref<2x256xf32, #tpu.memory_space<vmem>>, vector<1x256xf32>
    %get3A_37 = vector.shape_cast %get3A_36 : vector<1x256xf32> to vector<256xf32>
    %broadcast_in_dim3A_38 = vector.shape_cast %get3A_37 : vector<256xf32> to vector<1x256xf32>
    %add3A_39 = vector.broadcast %broadcast_in_dim3A_38 : vector<1x256xf32> to vector<1000x256xf32>
    %add3A_40 = arith.addf %add3A_33, %add3A_39 : vector<1000x256xf32>
    %max3A = arith.constant 0.000000e+00 : f32
    %max3A_41 = vector.broadcast %max3A : f32 to vector<1000x256xf32>
    %max3A_42 = arith.maximumf %add3A_40, %max3A_41 : vector<1000x256xf32>
    %get3A_43 = arith.constant 1 : index
    %get3A_44 = arith.constant 0 : index
    %get3A_45 = arith.constant 0 : index
    %get3A_46 = vector.load %arg3[%get3A_43, %get3A_44, %get3A_45] : memref<2x1000x2xf32, #tpu.memory_space<vmem>>, vector<1x1000x1xf32>
    %get3A_47 = vector.shape_cast %get3A_46 : vector<1x1000x1xf32> to vector<1000xf32>
    %add3A_48 = arith.constant 1.000000e+00 : f32
    %add3A_49 = vector.broadcast %add3A_48 : f32 to vector<1000xf32>
    %add3A_50 = arith.addf %add3A_49, %get3A_47 : vector<1000xf32>
    %get3A_51 = arith.constant 1 : index
    %get3A_52 = arith.constant 0 : index
    %get3A_53 = arith.constant 1 : index
    %get3A_54 = vector.load %arg3[%get3A_51, %get3A_52, %get3A_53] : memref<2x1000x2xf32, #tpu.memory_space<vmem>>, vector<1x1000x1xf32>
    %get3A_55 = vector.shape_cast %get3A_54 : vector<1x1000x1xf32> to vector<1000xf32>
    %add3A_56 = arith.addf %add3A_50, %get3A_55 : vector<1000xf32>
    %rsqrt3A_57 = math.rsqrt %add3A_56 : vector<1000xf32>
    %broadcast_in_dim3A_58 = vector.shape_cast %rsqrt3A_57 : vector<1000xf32> to vector<1000x1xf32>
    %slice3A_59 = vector.extract_strided_slice %get3A_3 {offsets = [1, 0, 0, 0], sizes = [1, 1, 1000, 128], strides = [1, 1, 1, 1]} : vector<2x2x1000x128xf32> to vector<1x1x1000x128xf32>
    %squeeze3A_60 = vector.shape_cast %slice3A_59 : vector<1x1x1000x128xf32> to vector<1000x128xf32>
    %slice3A_61 = vector.extract_strided_slice %get3A_3 {offsets = [1, 1, 0, 0], sizes = [1, 1, 1000, 128], strides = [1, 1, 1, 1]} : vector<2x2x1000x128xf32> to vector<1x1x1000x128xf32>
    %squeeze3A_62 = vector.shape_cast %slice3A_61 : vector<1x1x1000x128xf32> to vector<1000x128xf32>
    %concatenate3A_63 = tpu.concatenate %squeeze3A_60, %squeeze3A_62 in 1 : vector<1000x128xf32>, vector<1000x128xf32> -> vector<1000x256xf32>
    %slice3A_64 = vector.extract_strided_slice %get3A_8 {offsets = [1, 0, 0, 0], sizes = [1, 1, 1000, 128], strides = [1, 1, 1, 1]} : vector<2x2x1000x128xf32> to vector<1x1x1000x128xf32>
    %squeeze3A_65 = vector.shape_cast %slice3A_64 : vector<1x1x1000x128xf32> to vector<1000x128xf32>
    %slice3A_66 = vector.extract_strided_slice %get3A_8 {offsets = [1, 1, 0, 0], sizes = [1, 1, 1000, 128], strides = [1, 1, 1, 1]} : vector<2x2x1000x128xf32> to vector<1x1x1000x128xf32>
    %squeeze3A_67 = vector.shape_cast %slice3A_66 : vector<1x1x1000x128xf32> to vector<1000x128xf32>
    %concatenate3A_68 = tpu.concatenate %squeeze3A_65, %squeeze3A_67 in 1 : vector<1000x128xf32>, vector<1000x128xf32> -> vector<1000x256xf32>
    %mul3A_69 = vector.broadcast %broadcast_in_dim3A_58 : vector<1000x1xf32> to vector<1000x256xf32>
    %mul3A_70 = arith.mulf %mul3A_69, %concatenate3A_63 : vector<1000x256xf32>
    %mul3A_71 = arith.mulf %broadcast_in_dim3A_58, %broadcast_in_dim3A_58 : vector<1000x1xf32>
    %mul3A_72 = vector.broadcast %mul3A_71 : vector<1000x1xf32> to vector<1000x256xf32>
    %mul3A_73 = arith.mulf %mul3A_72, %concatenate3A_68 : vector<1000x256xf32>
    %add3A_74 = arith.addf %mul3A_70, %mul3A_73 : vector<1000x256xf32>
    %get3A_75 = arith.constant 1 : index
    %get3A_76 = arith.constant 0 : index
    %get3A_77 = vector.load %arg4[%get3A_75, %get3A_76] : memref<2x256xf32, #tpu.memory_space<vmem>>, vector<1x256xf32>
    %get3A_78 = vector.shape_cast %get3A_77 : vector<1x256xf32> to vector<256xf32>
    %broadcast_in_dim3A_79 = vector.shape_cast %get3A_78 : vector<256xf32> to vector<1x256xf32>
    %add3A_80 = vector.broadcast %broadcast_in_dim3A_79 : vector<1x256xf32> to vector<1000x256xf32>
    %add3A_81 = arith.addf %add3A_74, %add3A_80 : vector<1000x256xf32>
    %max3A_82 = arith.constant 0.000000e+00 : f32
    %max3A_83 = vector.broadcast %max3A_82 : f32 to vector<1000x256xf32>
    %max3A_84 = arith.maximumf %add3A_81, %max3A_83 : vector<1000x256xf32>
    %concatenate3A_85 = tpu.concatenate %max3A_42, %max3A_84 in 1 : vector<1000x256xf32>, vector<1000x256xf32> -> vector<1000x512xf32>
    %get3A_86 = arith.constant 0 : index
    %get3A_87 = arith.constant 0 : index
    %get3A_88 = vector.load %arg5[%get3A_86, %get3A_87] : memref<512x256xf32, #tpu.memory_space<vmem>>, vector<512x256xf32>
    %dot_general3A = arith.constant dense<0.000000e+00> : vector<1000x256xf32>
    %dot_general3A_89 = tpu.matmul %concatenate3A_85, %get3A_88, %dot_general3A {dimension_numbers = #tpu.dot_dimension_numbers<[1], [0], [0], [1], [0, 0, 1, 1], [], []>, transpose_lhs_hint = false} : vector<1000x512xf32>, vector<512x256xf32>, vector<1000x256xf32> -> vector<1000x256xf32>
    %get3A_90 = arith.constant 0 : index
    %get3A_91 = arith.constant 0 : index
    %get3A_92 = vector.load %arg6[%get3A_90, %get3A_91] : memref<1x256xf32, #tpu.memory_space<vmem>>, vector<1x256xf32>
    %get3A_93 = vector.shape_cast %get3A_92 : vector<1x256xf32> to vector<256xf32>
    %broadcast_in_dim3A_94 = vector.shape_cast %get3A_93 : vector<256xf32> to vector<1x256xf32>
    %add3A_95 = vector.broadcast %broadcast_in_dim3A_94 : vector<1x256xf32> to vector<1000x256xf32>
    %add3A_96 = arith.addf %dot_general3A_89, %add3A_95 : vector<1000x256xf32>
    %max3A_97 = arith.constant 0.000000e+00 : f32
    %max3A_98 = vector.broadcast %max3A_97 : f32 to vector<1000x256xf32>
    %max3A_99 = arith.maximumf %add3A_96, %max3A_98 : vector<1000x256xf32>
    %get3A_100 = arith.constant 0 : index
    %get3A_101 = arith.constant 0 : index
    %get3A_102 = vector.load %arg7[%get3A_100, %get3A_101] : memref<256x256xf32, #tpu.memory_space<vmem>>, vector<256x256xf32>
    %dot_general3A_103 = arith.constant dense<0.000000e+00> : vector<1000x256xf32>
    %dot_general3A_104 = tpu.matmul %max3A_99, %get3A_102, %dot_general3A_103 {dimension_numbers = #tpu.dot_dimension_numbers<[1], [0], [0], [1], [0, 0, 1, 1], [], []>, transpose_lhs_hint = false} : vector<1000x256xf32>, vector<256x256xf32>, vector<1000x256xf32> -> vector<1000x256xf32>
    %get3A_105 = arith.constant 0 : index
    %get3A_106 = arith.constant 0 : index
    %get3A_107 = vector.load %arg8[%get3A_105, %get3A_106] : memref<1x256xf32, #tpu.memory_space<vmem>>, vector<1x256xf32>
    %get3A_108 = vector.shape_cast %get3A_107 : vector<1x256xf32> to vector<256xf32>
    %broadcast_in_dim3A_109 = vector.shape_cast %get3A_108 : vector<256xf32> to vector<1x256xf32>
    %add3A_110 = vector.broadcast %broadcast_in_dim3A_109 : vector<1x256xf32> to vector<1000x256xf32>
    %add3A_111 = arith.addf %dot_general3A_104, %add3A_110 : vector<1000x256xf32>
    %eq3A = arith.constant 0 : i32
    %eq3A_112 = arith.cmpi eq, %arg0, %eq3A : i32
    %convert_element_type3A = arith.extui %eq3A_112 : i1 to i32
    %cond3A = arith.constant 0 : i32
    %cond3A_113 = arith.cmpi ne, %convert_element_type3A, %cond3A : i32
    scf.if %cond3A_113 {
      %broadcast_in_dim3A_172 = arith.constant 0.000000e+00 : f32
      %broadcast_in_dim3A_173 = vector.broadcast %broadcast_in_dim3A_172 : f32 to vector<64x256xf32>
      %swap3A_174 = arith.constant 0 : index
      %swap3A_175 = arith.constant 0 : index
      %swap3A_176 = vector.load %arg11[%swap3A_174, %swap3A_175] : memref<64x256xf32, #tpu.memory_space<vmem>>, vector<64x256xf32>
      tpu.vector_store %arg11[%swap3A_174, %swap3A_175], %broadcast_in_dim3A_173 {strides = array<i32>} : memref<64x256xf32, #tpu.memory_space<vmem>>, vector<64x256xf32>,
      %broadcast_in_dim3A_177 = arith.constant 0.000000e+00 : f32
      %broadcast_in_dim3A_178 = vector.broadcast %broadcast_in_dim3A_177 : f32 to vector<64x256xf32>
      %swap3A_179 = arith.constant 0 : index
      %swap3A_180 = arith.constant 0 : index
      %swap3A_181 = vector.load %arg12[%swap3A_179, %swap3A_180] : memref<64x256xf32, #tpu.memory_space<vmem>>, vector<64x256xf32>
      tpu.vector_store %arg12[%swap3A_179, %swap3A_180], %broadcast_in_dim3A_178 {strides = array<i32>} : memref<64x256xf32, #tpu.memory_space<vmem>>, vector<64x256xf32>,
      %broadcast_in_dim3A_182 = arith.constant 0.000000e+00 : f32
      %broadcast_in_dim3A_183 = vector.broadcast %broadcast_in_dim3A_182 : f32 to vector<64x128xf32>
      %swap3A_184 = arith.constant 0 : index
      %swap3A_185 = arith.constant 0 : index
      %swap3A_186 = vector.load %arg13[%swap3A_184, %swap3A_185] : memref<64x128xf32, #tpu.memory_space<vmem>>, vector<64x128xf32>
      tpu.vector_store %arg13[%swap3A_184, %swap3A_185], %broadcast_in_dim3A_183 {strides = array<i32>} : memref<64x128xf32, #tpu.memory_space<vmem>>, vector<64x128xf32>,
      %broadcast_in_dim3A_187 = arith.constant 0.000000e+00 : f32
      %broadcast_in_dim3A_188 = vector.broadcast %broadcast_in_dim3A_187 : f32 to vector<64x128xf32>
      %swap3A_189 = arith.constant 0 : index
      %swap3A_190 = arith.constant 0 : index
      %swap3A_191 = vector.load %arg14[%swap3A_189, %swap3A_190] : memref<64x128xf32, #tpu.memory_space<vmem>>, vector<64x128xf32>
      tpu.vector_store %arg14[%swap3A_189, %swap3A_190], %broadcast_in_dim3A_188 {strides = array<i32>} : memref<64x128xf32, #tpu.memory_space<vmem>>, vector<64x128xf32>,
    } else {
    }
    %iota3A = tpu.iota {dimensions = array<i32: 0>} : vector<64x1000xi32>
    %get3A_114 = arith.constant 0 : index
    %get3A_115 = arith.constant 0 : index
    %get3A_116 = arith.constant 0 : index
    %get3A_117 = vector.load %arg9[%get3A_114, %get3A_115, %get3A_116] : memref<1x1x1000xi32, #tpu.memory_space<vmem>>, vector<1x1x1000xi32>
    %get3A_118 = vector.shape_cast %get3A_117 : vector<1x1x1000xi32> to vector<1000xi32>
    %broadcast_in_dim3A_119 = vector.shape_cast %get3A_118 : vector<1000xi32> to vector<1x1000xi32>
    %eq3A_120 = vector.broadcast %broadcast_in_dim3A_119 : vector<1x1000xi32> to vector<64x1000xi32>
    %eq3A_121 = arith.cmpi eq, %iota3A, %eq3A_120 : vector<64x1000xi32>
    %convert_element_type3A_122 = arith.extui %eq3A_121 : vector<64x1000xi1> to vector<64x1000xi32>
    %convert_element_type3A_123 = arith.sitofp %convert_element_type3A_122 : vector<64x1000xi32> to vector<64x1000xf32>
    %get3A_124 = arith.constant 0 : index
    %get3A_125 = arith.constant 0 : index
    %get3A_126 = vector.load %arg11[%get3A_124, %get3A_125] : memref<64x256xf32, #tpu.memory_space<vmem>>, vector<64x256xf32>
    %dot_general3A_127 = arith.constant dense<0.000000e+00> : vector<64x256xf32>
    %dot_general3A_128 = tpu.matmul %convert_element_type3A_123, %add3A_111, %dot_general3A_127 {dimension_numbers = #tpu.dot_dimension_numbers<[1], [0], [0], [1], [0, 0, 1, 1], [], []>, transpose_lhs_hint = false} : vector<64x1000xf32>, vector<1000x256xf32>, vector<64x256xf32> -> vector<64x256xf32>
    %add3A_129 = arith.addf %get3A_126, %dot_general3A_128 : vector<64x256xf32>
    %swap3A = arith.constant 0 : index
    %swap3A_130 = arith.constant 0 : index
    %swap3A_131 = vector.load %arg11[%swap3A, %swap3A_130] : memref<64x256xf32, #tpu.memory_space<vmem>>, vector<64x256xf32>
    tpu.vector_store %arg11[%swap3A, %swap3A_130], %add3A_129 {strides = array<i32>} : memref<64x256xf32, #tpu.memory_space<vmem>>, vector<64x256xf32>,
    %get3A_132 = arith.constant 0 : index
    %get3A_133 = arith.constant 0 : index
    %get3A_134 = vector.load %arg13[%get3A_132, %get3A_133] : memref<64x128xf32, #tpu.memory_space<vmem>>, vector<64x128xf32>
    %reduce_sum3A = arith.constant dense<0.000000e+00> : vector<64xf32>
    %reduce_sum3A_135 = vector.multi_reduction <add>, %convert_element_type3A_123, %reduce_sum3A [1] : vector<64x1000xf32> to vector<64xf32>
    %broadcast_in_dim3A_136 = vector.shape_cast %reduce_sum3A_135 : vector<64xf32> to vector<64x1xf32>
    %add3A_137 = vector.broadcast %broadcast_in_dim3A_136 : vector<64x1xf32> to vector<64x128xf32>
    %add3A_138 = arith.addf %get3A_134, %add3A_137 : vector<64x128xf32>
    %swap3A_139 = arith.constant 0 : index
    %swap3A_140 = arith.constant 0 : index
    %swap3A_141 = vector.load %arg13[%swap3A_139, %swap3A_140] : memref<64x128xf32, #tpu.memory_space<vmem>>, vector<64x128xf32>
    tpu.vector_store %arg13[%swap3A_139, %swap3A_140], %add3A_138 {strides = array<i32>} : memref<64x128xf32, #tpu.memory_space<vmem>>, vector<64x128xf32>,
    %get3A_142 = arith.constant 0 : index
    %get3A_143 = arith.constant 0 : index
    %get3A_144 = arith.constant 0 : index
    %get3A_145 = vector.load %arg10[%get3A_142, %get3A_143, %get3A_144] : memref<1x1x1000xi32, #tpu.memory_space<vmem>>, vector<1x1x1000xi32>
    %get3A_146 = vector.shape_cast %get3A_145 : vector<1x1x1000xi32> to vector<1000xi32>
    %broadcast_in_dim3A_147 = vector.shape_cast %get3A_146 : vector<1000xi32> to vector<1x1000xi32>
    %eq3A_148 = vector.broadcast %broadcast_in_dim3A_147 : vector<1x1000xi32> to vector<64x1000xi32>
    %eq3A_149 = arith.cmpi eq, %iota3A, %eq3A_148 : vector<64x1000xi32>
    %convert_element_type3A_150 = arith.extui %eq3A_149 : vector<64x1000xi1> to vector<64x1000xi32>
    %convert_element_type3A_151 = arith.sitofp %convert_element_type3A_150 : vector<64x1000xi32> to vector<64x1000xf32>
    %get3A_152 = arith.constant 0 : index
    %get3A_153 = arith.constant 0 : index
    %get3A_154 = vector.load %arg12[%get3A_152, %get3A_153] : memref<64x256xf32, #tpu.memory_space<vmem>>, vector<64x256xf32>
    %dot_general3A_155 = arith.constant dense<0.000000e+00> : vector<64x256xf32>
    %dot_general3A_156 = tpu.matmul %convert_element_type3A_151, %add3A_111, %dot_general3A_155 {dimension_numbers = #tpu.dot_dimension_numbers<[1], [0], [0], [1], [0, 0, 1, 1], [], []>, transpose_lhs_hint = false} : vector<64x1000xf32>, vector<1000x256xf32>, vector<64x256xf32> -> vector<64x256xf32>
    %add3A_157 = arith.addf %get3A_154, %dot_general3A_156 : vector<64x256xf32>
    %swap3A_158 = arith.constant 0 : index
    %swap3A_159 = arith.constant 0 : index
    %swap3A_160 = vector.load %arg12[%swap3A_158, %swap3A_159] : memref<64x256xf32, #tpu.memory_space<vmem>>, vector<64x256xf32>
    tpu.vector_store %arg12[%swap3A_158, %swap3A_159], %add3A_157 {strides = array<i32>} : memref<64x256xf32, #tpu.memory_space<vmem>>, vector<64x256xf32>,
    %get3A_161 = arith.constant 0 : index
    %get3A_162 = arith.constant 0 : index
    %get3A_163 = vector.load %arg14[%get3A_161, %get3A_162] : memref<64x128xf32, #tpu.memory_space<vmem>>, vector<64x128xf32>
    %reduce_sum3A_164 = arith.constant dense<0.000000e+00> : vector<64xf32>
    %reduce_sum3A_165 = vector.multi_reduction <add>, %convert_element_type3A_151, %reduce_sum3A_164 [1] : vector<64x1000xf32> to vector<64xf32>
    %broadcast_in_dim3A_166 = vector.shape_cast %reduce_sum3A_165 : vector<64xf32> to vector<64x1xf32>
    %add3A_167 = vector.broadcast %broadcast_in_dim3A_166 : vector<64x1xf32> to vector<64x128xf32>
    %add3A_168 = arith.addf %get3A_163, %add3A_167 : vector<64x128xf32>
    %swap3A_169 = arith.constant 0 : index
    %swap3A_170 = arith.constant 0 : index
    %swap3A_171 = vector.load %arg14[%swap3A_169, %swap3A_170] : memref<64x128xf32, #tpu.memory_space<vmem>>, vector<64x128xf32>
    tpu.vector_store %arg14[%swap3A_169, %swap3A_170], %add3A_168 {strides = array<i32>} : memref<64x128xf32, #tpu.memory_space<vmem>>, vector<64x128xf32>,
    return
  }
  func.func @transform_0(%arg0: i32) -> (i32, i32, i32, i32) {
    %c0_i32 = arith.constant 0 : i32
    %c0_i32_0 = arith.constant 0 : i32
    %c0_i32_1 = arith.constant 0 : i32
    %c0_i32_2 = arith.constant 0 : i32
    return %c0_i32, %c0_i32_0, %arg0, %c0_i32_1 : i32, i32, i32, i32
  }
  func.func @transform_1(%arg0: i32) -> (i32, i32, i32, i32) {
    %c0_i32 = arith.constant 0 : i32
    %c0_i32_0 = arith.constant 0 : i32
    %c0_i32_1 = arith.constant 0 : i32
    %c0_i32_2 = arith.constant 0 : i32
    return %c0_i32, %c0_i32_0, %arg0, %c0_i32_1 : i32, i32, i32, i32
  }
  func.func @transform_2(%arg0: i32) -> (i32, i32, i32) {
    %c0_i32 = arith.constant 0 : i32
    %c0_i32_0 = arith.constant 0 : i32
    %c0_i32_1 = arith.constant 0 : i32
    return %c0_i32, %arg0, %c0_i32_0 : i32, i32, i32
  }
  func.func @transform_3(%arg0: i32) -> (i32, i32) {
    %c0_i32 = arith.constant 0 : i32
    %c0_i32_0 = arith.constant 0 : i32
    %c0_i32_1 = arith.constant 0 : i32
    return %c0_i32, %c0_i32_0 : i32, i32
  }
  func.func @transform_4(%arg0: i32) -> (i32, i32) {
    %c0_i32 = arith.constant 0 : i32
    %c0_i32_0 = arith.constant 0 : i32
    %c0_i32_1 = arith.constant 0 : i32
    return %c0_i32, %c0_i32_0 : i32, i32
  }
  func.func @transform_5(%arg0: i32) -> (i32, i32) {
    %c0_i32 = arith.constant 0 : i32
    %c0_i32_0 = arith.constant 0 : i32
    %c0_i32_1 = arith.constant 0 : i32
    return %c0_i32, %c0_i32_0 : i32, i32
  }
  func.func @transform_6(%arg0: i32) -> (i32, i32) {
    %c0_i32 = arith.constant 0 : i32
    %c0_i32_0 = arith.constant 0 : i32
    %c0_i32_1 = arith.constant 0 : i32
    return %c0_i32, %c0_i32_0 : i32, i32
  }
  func.func @transform_7(%arg0: i32) -> (i32, i32) {
    %c0_i32 = arith.constant 0 : i32
    %c0_i32_0 = arith.constant 0 : i32
    %c0_i32_1 = arith.constant 0 : i32
    return %c0_i32, %c0_i32_0 : i32, i32
  }
  func.func @transform_8(%arg0: i32) -> (i32, i32, i32) {
    %c0_i32 = arith.constant 0 : i32
    %c0_i32_0 = arith.constant 0 : i32
    %c0_i32_1 = arith.constant 0 : i32
    return %arg0, %c0_i32, %c0_i32_0 : i32, i32, i32
  }
  func.func @transform_9(%arg0: i32) -> (i32, i32, i32) {
    %c0_i32 = arith.constant 0 : i32
    %c0_i32_0 = arith.constant 0 : i32
    %c0_i32_1 = arith.constant 0 : i32
    return %arg0, %c0_i32, %c0_i32_0 : i32, i32, i32
  }
  func.func @transform_10(%arg0: i32) -> (i32, i32) {
    %c0_i32 = arith.constant 0 : i32
    %c0_i32_0 = arith.constant 0 : i32
    %c0_i32_1 = arith.constant 0 : i32
    return %c0_i32, %c0_i32_0 : i32, i32
  }
  func.func @transform_11(%arg0: i32) -> (i32, i32) {
    %c0_i32 = arith.constant 0 : i32
    %c0_i32_0 = arith.constant 0 : i32
    %c0_i32_1 = arith.constant 0 : i32
    return %c0_i32, %c0_i32_0 : i32, i32
  }
  func.func @transform_12(%arg0: i32) -> (i32, i32) {
    %c0_i32 = arith.constant 0 : i32
    %c0_i32_0 = arith.constant 0 : i32
    %c0_i32_1 = arith.constant 0 : i32
    return %c0_i32, %c0_i32_0 : i32, i32
  }
  func.func @transform_13(%arg0: i32) -> (i32, i32) {
    %c0_i32 = arith.constant 0 : i32
    %c0_i32_0 = arith.constant 0 : i32
    %c0_i32_1 = arith.constant 0 : i32
    return %c0_i32, %c0_i32_0 : i32, i32
  }
}

module attributes {stable_mosaic.version = 14 : i64} {
  func.func @_k4_body(%arg0: memref<64x256xf32, #tpu.memory_space<vmem>>, %arg1: memref<64x256xf32, #tpu.memory_space<vmem>>, %arg2: memref<64x128xf32, #tpu.memory_space<vmem>>, %arg3: memref<64x128xf32, #tpu.memory_space<vmem>>, %arg4: memref<64x256xf32, #tpu.memory_space<vmem>>, %arg5: memref<64x256xf32, #tpu.memory_space<vmem>>, %arg6: memref<64x128xf32, #tpu.memory_space<vmem>>, %arg7: memref<64x128xf32, #tpu.memory_space<vmem>>, %arg8: memref<512x256xf32, #tpu.memory_space<vmem>>, %arg9: memref<1x256xf32, #tpu.memory_space<vmem>>, %arg10: memref<256x7xf32, #tpu.memory_space<vmem>>, %arg11: memref<1x7xf32, #tpu.memory_space<vmem>>, %arg12: memref<7x16xf32, #tpu.memory_space<vmem>>, %arg13: memref<1x16xf32, #tpu.memory_space<vmem>>, %arg14: memref<16x16xf32, #tpu.memory_space<vmem>>, %arg15: memref<1x16xf32, #tpu.memory_space<vmem>>, %arg16: memref<16x1xf32, #tpu.memory_space<vmem>>, %arg17: memref<1x1xf32, #tpu.memory_space<vmem>>, %arg18: memref<1x1xf32, #tpu.memory_space<vmem>>) attributes {dimension_semantics = [], scalar_prefetch = 0 : i64, scratch_operands = 0 : i64, tpu.core_type = #tpu.core_type<tc>} {
    %get3A = arith.constant 0 : index
    %get3A_0 = arith.constant 0 : index
    %get3A_1 = vector.load %arg0[%get3A, %get3A_0] : memref<64x256xf32, #tpu.memory_space<vmem>>, vector<64x256xf32>
    %get3A_2 = arith.constant 0 : index
    %get3A_3 = arith.constant 0 : index
    %get3A_4 = vector.load %arg2[%get3A_2, %get3A_3] : memref<64x128xf32, #tpu.memory_space<vmem>>, vector<64x1xf32>
    %max3A = arith.constant 1.000000e+00 : f32
    %max3A_5 = vector.broadcast %max3A : f32 to vector<64x1xf32>
    %max3A_6 = arith.maximumf %get3A_4, %max3A_5 : vector<64x1xf32>
    %div3A = vector.broadcast %max3A_6 : vector<64x1xf32> to vector<64x256xf32>
    %div3A_7 = arith.divf %get3A_1, %div3A : vector<64x256xf32>
    %get3A_8 = arith.constant 0 : index
    %get3A_9 = arith.constant 0 : index
    %get3A_10 = vector.load %arg1[%get3A_8, %get3A_9] : memref<64x256xf32, #tpu.memory_space<vmem>>, vector<64x256xf32>
    %get3A_11 = arith.constant 0 : index
    %get3A_12 = arith.constant 0 : index
    %get3A_13 = vector.load %arg3[%get3A_11, %get3A_12] : memref<64x128xf32, #tpu.memory_space<vmem>>, vector<64x1xf32>
    %max3A_14 = arith.constant 1.000000e+00 : f32
    %max3A_15 = vector.broadcast %max3A_14 : f32 to vector<64x1xf32>
    %max3A_16 = arith.maximumf %get3A_13, %max3A_15 : vector<64x1xf32>
    %div3A_17 = vector.broadcast %max3A_16 : vector<64x1xf32> to vector<64x256xf32>
    %div3A_18 = arith.divf %get3A_10, %div3A_17 : vector<64x256xf32>
    %get3A_19 = arith.constant 0 : index
    %get3A_20 = arith.constant 0 : index
    %get3A_21 = vector.load %arg8[%get3A_19, %get3A_20] : memref<512x256xf32, #tpu.memory_space<vmem>>, vector<256x256xf32>
    %dot_general3A = arith.constant dense<0.000000e+00> : vector<64x256xf32>
    %dot_general3A_22 = tpu.matmul %div3A_7, %get3A_21, %dot_general3A {dimension_numbers = #tpu.dot_dimension_numbers<[1], [0], [0], [1], [0, 0, 1, 1], [], []>, transpose_lhs_hint = false} : vector<64x256xf32>, vector<256x256xf32>, vector<64x256xf32> -> vector<64x256xf32>
    %get3A_23 = arith.constant 256 : index
    %get3A_24 = arith.constant 0 : index
    %get3A_25 = vector.load %arg8[%get3A_23, %get3A_24] : memref<512x256xf32, #tpu.memory_space<vmem>>, vector<256x256xf32>
    %dot_general3A_26 = arith.constant dense<0.000000e+00> : vector<64x256xf32>
    %dot_general3A_27 = tpu.matmul %div3A_18, %get3A_25, %dot_general3A_26 {dimension_numbers = #tpu.dot_dimension_numbers<[1], [0], [0], [1], [0, 0, 1, 1], [], []>, transpose_lhs_hint = false} : vector<64x256xf32>, vector<256x256xf32>, vector<64x256xf32> -> vector<64x256xf32>
    %add3A = arith.addf %dot_general3A_22, %dot_general3A_27 : vector<64x256xf32>
    %get3A_28 = arith.constant 0 : index
    %get3A_29 = arith.constant 0 : index
    %get3A_30 = vector.load %arg9[%get3A_28, %get3A_29] : memref<1x256xf32, #tpu.memory_space<vmem>>, vector<1x256xf32>
    %get3A_31 = vector.shape_cast %get3A_30 : vector<1x256xf32> to vector<256xf32>
    %broadcast_in_dim3A = vector.shape_cast %get3A_31 : vector<256xf32> to vector<1x256xf32>
    %add3A_32 = vector.broadcast %broadcast_in_dim3A : vector<1x256xf32> to vector<64x256xf32>
    %add3A_33 = arith.addf %add3A, %add3A_32 : vector<64x256xf32>
    %max3A_34 = arith.constant 0.000000e+00 : f32
    %max3A_35 = vector.broadcast %max3A_34 : f32 to vector<64x256xf32>
    %max3A_36 = arith.maximumf %add3A_33, %max3A_35 : vector<64x256xf32>
    %get3A_37 = arith.constant 0 : index
    %get3A_38 = arith.constant 0 : index
    %get3A_39 = vector.load %arg10[%get3A_37, %get3A_38] : memref<256x7xf32, #tpu.memory_space<vmem>>, vector<256x7xf32>
    %dot_general3A_40 = arith.constant dense<0.000000e+00> : vector<64x7xf32>
    %dot_general3A_41 = tpu.matmul %max3A_36, %get3A_39, %dot_general3A_40 {dimension_numbers = #tpu.dot_dimension_numbers<[1], [0], [0], [1], [0, 0, 1, 1], [], []>, transpose_lhs_hint = false} : vector<64x256xf32>, vector<256x7xf32>, vector<64x7xf32> -> vector<64x7xf32>
    %get3A_42 = arith.constant 0 : index
    %get3A_43 = arith.constant 0 : index
    %get3A_44 = vector.load %arg11[%get3A_42, %get3A_43] : memref<1x7xf32, #tpu.memory_space<vmem>>, vector<1x7xf32>
    %get3A_45 = vector.shape_cast %get3A_44 : vector<1x7xf32> to vector<7xf32>
    %broadcast_in_dim3A_46 = vector.shape_cast %get3A_45 : vector<7xf32> to vector<1x7xf32>
    %add3A_47 = vector.broadcast %broadcast_in_dim3A_46 : vector<1x7xf32> to vector<64x7xf32>
    %add3A_48 = arith.addf %dot_general3A_41, %add3A_47 : vector<64x7xf32>
    %reduce_sum3A = arith.constant dense<0.000000e+00> : vector<7xf32>
    %reduce_sum3A_49 = vector.multi_reduction <add>, %add3A_48, %reduce_sum3A [0] : vector<64x7xf32> to vector<7xf32>
    %broadcast_in_dim3A_50 = vector.shape_cast %reduce_sum3A_49 : vector<7xf32> to vector<1x7xf32>
    %get3A_51 = arith.constant 0 : index
    %get3A_52 = arith.constant 0 : index
    %get3A_53 = vector.load %arg4[%get3A_51, %get3A_52] : memref<64x256xf32, #tpu.memory_space<vmem>>, vector<64x256xf32>
    %get3A_54 = arith.constant 0 : index
    %get3A_55 = arith.constant 0 : index
    %get3A_56 = vector.load %arg6[%get3A_54, %get3A_55] : memref<64x128xf32, #tpu.memory_space<vmem>>, vector<64x1xf32>
    %max3A_57 = arith.constant 1.000000e+00 : f32
    %max3A_58 = vector.broadcast %max3A_57 : f32 to vector<64x1xf32>
    %max3A_59 = arith.maximumf %get3A_56, %max3A_58 : vector<64x1xf32>
    %div3A_60 = vector.broadcast %max3A_59 : vector<64x1xf32> to vector<64x256xf32>
    %div3A_61 = arith.divf %get3A_53, %div3A_60 : vector<64x256xf32>
    %get3A_62 = arith.constant 0 : index
    %get3A_63 = arith.constant 0 : index
    %get3A_64 = vector.load %arg5[%get3A_62, %get3A_63] : memref<64x256xf32, #tpu.memory_space<vmem>>, vector<64x256xf32>
    %get3A_65 = arith.constant 0 : index
    %get3A_66 = arith.constant 0 : index
    %get3A_67 = vector.load %arg7[%get3A_65, %get3A_66] : memref<64x128xf32, #tpu.memory_space<vmem>>, vector<64x1xf32>
    %max3A_68 = arith.constant 1.000000e+00 : f32
    %max3A_69 = vector.broadcast %max3A_68 : f32 to vector<64x1xf32>
    %max3A_70 = arith.maximumf %get3A_67, %max3A_69 : vector<64x1xf32>
    %div3A_71 = vector.broadcast %max3A_70 : vector<64x1xf32> to vector<64x256xf32>
    %div3A_72 = arith.divf %get3A_64, %div3A_71 : vector<64x256xf32>
    %get3A_73 = arith.constant 0 : index
    %get3A_74 = arith.constant 0 : index
    %get3A_75 = vector.load %arg8[%get3A_73, %get3A_74] : memref<512x256xf32, #tpu.memory_space<vmem>>, vector<256x256xf32>
    %dot_general3A_76 = arith.constant dense<0.000000e+00> : vector<64x256xf32>
    %dot_general3A_77 = tpu.matmul %div3A_61, %get3A_75, %dot_general3A_76 {dimension_numbers = #tpu.dot_dimension_numbers<[1], [0], [0], [1], [0, 0, 1, 1], [], []>, transpose_lhs_hint = false} : vector<64x256xf32>, vector<256x256xf32>, vector<64x256xf32> -> vector<64x256xf32>
    %get3A_78 = arith.constant 256 : index
    %get3A_79 = arith.constant 0 : index
    %get3A_80 = vector.load %arg8[%get3A_78, %get3A_79] : memref<512x256xf32, #tpu.memory_space<vmem>>, vector<256x256xf32>
    %dot_general3A_81 = arith.constant dense<0.000000e+00> : vector<64x256xf32>
    %dot_general3A_82 = tpu.matmul %div3A_72, %get3A_80, %dot_general3A_81 {dimension_numbers = #tpu.dot_dimension_numbers<[1], [0], [0], [1], [0, 0, 1, 1], [], []>, transpose_lhs_hint = false} : vector<64x256xf32>, vector<256x256xf32>, vector<64x256xf32> -> vector<64x256xf32>
    %add3A_83 = arith.addf %dot_general3A_77, %dot_general3A_82 : vector<64x256xf32>
    %get3A_84 = arith.constant 0 : index
    %get3A_85 = arith.constant 0 : index
    %get3A_86 = vector.load %arg9[%get3A_84, %get3A_85] : memref<1x256xf32, #tpu.memory_space<vmem>>, vector<1x256xf32>
    %get3A_87 = vector.shape_cast %get3A_86 : vector<1x256xf32> to vector<256xf32>
    %broadcast_in_dim3A_88 = vector.shape_cast %get3A_87 : vector<256xf32> to vector<1x256xf32>
    %add3A_89 = vector.broadcast %broadcast_in_dim3A_88 : vector<1x256xf32> to vector<64x256xf32>
    %add3A_90 = arith.addf %add3A_83, %add3A_89 : vector<64x256xf32>
    %max3A_91 = arith.constant 0.000000e+00 : f32
    %max3A_92 = vector.broadcast %max3A_91 : f32 to vector<64x256xf32>
    %max3A_93 = arith.maximumf %add3A_90, %max3A_92 : vector<64x256xf32>
    %get3A_94 = arith.constant 0 : index
    %get3A_95 = arith.constant 0 : index
    %get3A_96 = vector.load %arg10[%get3A_94, %get3A_95] : memref<256x7xf32, #tpu.memory_space<vmem>>, vector<256x7xf32>
    %dot_general3A_97 = arith.constant dense<0.000000e+00> : vector<64x7xf32>
    %dot_general3A_98 = tpu.matmul %max3A_93, %get3A_96, %dot_general3A_97 {dimension_numbers = #tpu.dot_dimension_numbers<[1], [0], [0], [1], [0, 0, 1, 1], [], []>, transpose_lhs_hint = false} : vector<64x256xf32>, vector<256x7xf32>, vector<64x7xf32> -> vector<64x7xf32>
    %get3A_99 = arith.constant 0 : index
    %get3A_100 = arith.constant 0 : index
    %get3A_101 = vector.load %arg11[%get3A_99, %get3A_100] : memref<1x7xf32, #tpu.memory_space<vmem>>, vector<1x7xf32>
    %get3A_102 = vector.shape_cast %get3A_101 : vector<1x7xf32> to vector<7xf32>
    %broadcast_in_dim3A_103 = vector.shape_cast %get3A_102 : vector<7xf32> to vector<1x7xf32>
    %add3A_104 = vector.broadcast %broadcast_in_dim3A_103 : vector<1x7xf32> to vector<64x7xf32>
    %add3A_105 = arith.addf %dot_general3A_98, %add3A_104 : vector<64x7xf32>
    %reduce_sum3A_106 = arith.constant dense<0.000000e+00> : vector<7xf32>
    %reduce_sum3A_107 = vector.multi_reduction <add>, %add3A_105, %reduce_sum3A_106 [0] : vector<64x7xf32> to vector<7xf32>
    %broadcast_in_dim3A_108 = vector.shape_cast %reduce_sum3A_107 : vector<7xf32> to vector<1x7xf32>
    %add3A_109 = arith.addf %broadcast_in_dim3A_50, %broadcast_in_dim3A_108 : vector<1x7xf32>
    %get3A_110 = arith.constant 0 : index
    %get3A_111 = arith.constant 0 : index
    %get3A_112 = vector.load %arg12[%get3A_110, %get3A_111] : memref<7x16xf32, #tpu.memory_space<vmem>>, vector<7x16xf32>
    %dot_general3A_113 = arith.constant dense<0.000000e+00> : vector<1x16xf32>
    %dot_general3A_114 = tpu.matmul %add3A_109, %get3A_112, %dot_general3A_113 {dimension_numbers = #tpu.dot_dimension_numbers<[1], [0], [0], [1], [0, 0, 1, 1], [], []>, transpose_lhs_hint = false} : vector<1x7xf32>, vector<7x16xf32>, vector<1x16xf32> -> vector<1x16xf32>
    %get3A_115 = arith.constant 0 : index
    %get3A_116 = arith.constant 0 : index
    %get3A_117 = vector.load %arg13[%get3A_115, %get3A_116] : memref<1x16xf32, #tpu.memory_space<vmem>>, vector<1x16xf32>
    %get3A_118 = vector.shape_cast %get3A_117 : vector<1x16xf32> to vector<16xf32>
    %broadcast_in_dim3A_119 = vector.shape_cast %get3A_118 : vector<16xf32> to vector<1x16xf32>
    %add3A_120 = arith.addf %dot_general3A_114, %broadcast_in_dim3A_119 : vector<1x16xf32>
    %max3A_121 = arith.constant 0.000000e+00 : f32
    %max3A_122 = vector.broadcast %max3A_121 : f32 to vector<1x16xf32>
    %max3A_123 = arith.maximumf %add3A_120, %max3A_122 : vector<1x16xf32>
    %get3A_124 = arith.constant 0 : index
    %get3A_125 = arith.constant 0 : index
    %get3A_126 = vector.load %arg14[%get3A_124, %get3A_125] : memref<16x16xf32, #tpu.memory_space<vmem>>, vector<16x16xf32>
    %dot_general3A_127 = arith.constant dense<0.000000e+00> : vector<1x16xf32>
    %dot_general3A_128 = tpu.matmul %max3A_123, %get3A_126, %dot_general3A_127 {dimension_numbers = #tpu.dot_dimension_numbers<[1], [0], [0], [1], [0, 0, 1, 1], [], []>, transpose_lhs_hint = false} : vector<1x16xf32>, vector<16x16xf32>, vector<1x16xf32> -> vector<1x16xf32>
    %get3A_129 = arith.constant 0 : index
    %get3A_130 = arith.constant 0 : index
    %get3A_131 = vector.load %arg15[%get3A_129, %get3A_130] : memref<1x16xf32, #tpu.memory_space<vmem>>, vector<1x16xf32>
    %get3A_132 = vector.shape_cast %get3A_131 : vector<1x16xf32> to vector<16xf32>
    %broadcast_in_dim3A_133 = vector.shape_cast %get3A_132 : vector<16xf32> to vector<1x16xf32>
    %add3A_134 = arith.addf %dot_general3A_128, %broadcast_in_dim3A_133 : vector<1x16xf32>
    %max3A_135 = arith.constant 0.000000e+00 : f32
    %max3A_136 = vector.broadcast %max3A_135 : f32 to vector<1x16xf32>
    %max3A_137 = arith.maximumf %add3A_134, %max3A_136 : vector<1x16xf32>
    %get3A_138 = arith.constant 0 : index
    %get3A_139 = arith.constant 0 : index
    %get3A_140 = vector.load %arg16[%get3A_138, %get3A_139] : memref<16x1xf32, #tpu.memory_space<vmem>>, vector<16x1xf32>
    %dot_general3A_141 = arith.constant dense<0.000000e+00> : vector<1x1xf32>
    %dot_general3A_142 = tpu.matmul %max3A_137, %get3A_140, %dot_general3A_141 {dimension_numbers = #tpu.dot_dimension_numbers<[1], [0], [0], [1], [0, 0, 1, 1], [], []>, transpose_lhs_hint = false} : vector<1x16xf32>, vector<16x1xf32>, vector<1x1xf32> -> vector<1x1xf32>
    %get3A_143 = arith.constant 0 : index
    %get3A_144 = arith.constant 0 : index
    %get3A_145 = vector.load %arg17[%get3A_143, %get3A_144] : memref<1x1xf32, #tpu.memory_space<vmem>>, vector<1x1xf32>
    %get3A_146 = vector.shape_cast %get3A_145 : vector<1x1xf32> to vector<1xf32>
    %broadcast_in_dim3A_147 = vector.shape_cast %get3A_146 : vector<1xf32> to vector<1x1xf32>
    %add3A_148 = arith.addf %dot_general3A_142, %broadcast_in_dim3A_147 : vector<1x1xf32>
    %swap3A = arith.constant 0 : index
    %swap3A_149 = arith.constant 0 : index
    %swap3A_150 = vector.load %arg18[%swap3A, %swap3A_149] : memref<1x1xf32, #tpu.memory_space<vmem>>, vector<1x1xf32>
    tpu.vector_store %arg18[%swap3A, %swap3A_149], %add3A_148 {strides = array<i32>} : memref<1x1xf32, #tpu.memory_space<vmem>>, vector<1x1xf32>,
    return
  }
}

</mosaic_0001>

<sc_bundles>
// kernel: kernel.15.cloned.1.call-start
scs
__scs_entry_jumppad:
0x0: {  	(pc) =	sbr.rel $0x88, $3  }
0x1: {  	(tag) =	ssettag $0x0;
	lr =	simm.s32 $0x1  }
0x2: {  	[smem:$0x3F7D] =	sst lr;
	_ =	strace $0xD0000000  }
0x3: {  	_ = 	snop  }
0x4: {  	_ = 	snop  }
0x5: {  	_ = 	snop  }
0x6: {  	_ = 	snop  }
0x7: {  	_ = 	snop  }
__scs_overlays_trampoline_lowered:
0x8: {  	[smem:$0x3F8C] =	sst s0  }
0x9: {  	[smem:$0x3F8D] =	sst s1  }
0xa: {  	[smem:$0x3F8E] =	sst s2  }
0xb: {  	[smem:$0x3F8F] =	sst s3  }
0xc: {  	[smem:$0x3F90] =	sst s4  }
0xd: {  	[smem:$0x3F91] =	sst s5  }
0xe: {  	[smem:$0x3F92] =	sst s6  }
0xf: {  	[smem:$0x3F93] =	sst s7  }
0x10: {  	[smem:$0x3F94] =	sst s8  }
0x11: {  	[smem:$0x3F95] =	sst s9;
	s0 =	simm.s32 @!p0 $0x0  }
0x12: {  	s1 =	sld [smem:$0x3F7B];
	s0 =	simm.s32 @p0 $0x1  }
0x13: {  	[smem:$0x3F96] =	sst s0;
	s0 =	simm.s32 @!p1 $0x0  }
0x14: {  	s2 =	sld [smem:$0x3F7A];
	s0 =	simm.s32 @p1 $0x1  }
0x15: {  	[smem:$0x3F97] =	sst s0;
	s0 =	simm.s32 @!p2 $0x0  }
0x16: {  	s3 =	sld [smem:$0x3FDB];
	s0 =	simm.s32 @p2 $0x1  }
0x17: {  	s4 =	simm.s32 $0x1BF5;
	[smem:$0x3F99] =	sst s0  }
0x18: {  	s0 =	sld [smem:$0x3F7C];
	_ =	swait.ge [sflag:s4], $0x0  }
0x19: {  	s7 =	sld [smem:$0x3F7D]  }
0x1a: {  	s8 =	sadd.s32 $0xFFFFE003, lr  }
0x1b: {  	s9 =	sadd.s32 $0xFFFFFEF7, lr;
	s5 =	simm.s32 $0xFFFFFFFF;
	p2 =	slt.u32 s8, $0xFFFFF086  }
0x1c: {  	p1 =	slt.u32 s9, $0xF7A;
	s5 =	simm.s32 @!p2 $0x0  }
0x1d: {  	s5 =	simm.s32 @p1 $0x1;
	p0 =	seq.s32 s7, s2  }
0x1e: {  	s7 =	smul.u32 @!p0 $0xF7A, s2;
	p2 =	seq.s32 @!p0 s5, $0x0  }
0x1f: {  	s9 =	smul.u32 $0xF7A, s1;
	s8 =	simm.s32 @!p0 $0x1BF5;
	p2 =	por !p2, p0  }
0x20: {  	[sflag:s8] =	ssyncset.s32 @!p0 $0xFFFFF086;
	s6 =	sadd.s32 @!p0 s3, s7;
	s7 =	simm.s32 @!p0 $0x108  }
0x21: {  	s3 =	sadd.s32 s3, s9;
	s6 =	sadd.s32 @!p0 $0x88, s6;
	s7 =	simm.s32 @p2 $0x1082  }
0x22: {  	[simem:s7], [sflag:s8] =	dma.local @!p0 [hbm:s6], $0xF7A  }
0x23: {  	s9 =	sor.u32 $0xD0000000, s2;
	s6 =	simm.s32 $0x108;
	_ =	swait.ge @!p0 [sflag:s8], $0x0  }
0x24: {  	s3 =	sadd.s32 $0x88, s3;
	s6 =	simm.s32 @!p1 $0x1082;
	[sflag:s4] =	ssyncset.s32 $0xFFFFF086  }
0x25: {  	[simem:s6], [sflag:s4] =	dma.local [hbm:s3], $0xF7A  }
0x26: {  	[smem:$0x3F7D] =	sst s1;
	(tag) =	ssettag s2;
	_ =	strace s9  }
0x27: {  	s1 =	sld [smem:$0x3F8D]  }
0x28: {  	s2 =	sld [smem:$0x3F8E]  }
0x29: {  	s4 =	sld [smem:$0x3F90]  }
0x2a: {  	p0 =	seq.s32 s5, $0x0;
	s5 =	sld [smem:$0x3F91]  }
0x2b: {  	s6 =	sld [smem:$0x3F92]  }
0x2c: {  	s7 =	sld [smem:$0x3F93]  }
0x2d: {  	s3 =	simm.s32 $0x108;
	s8 =	sld [smem:$0x3F94]  }
0x2e: {  	s3 =	simm.s32 @!p0 $0x1082;
	s9 =	sld [smem:$0x3F95]  }
0x2f: {  	lr =	sadd.s32 s0, s3;
	s0 =	sld [smem:$0x3F8C]  }
0x30: {  	s3 =	sld [smem:$0x3F8F]  }
0x31: {  	[smem:$0x3F98] =	sst s10  }
0x32: {  	s10 =	sld [smem:$0x3F96];
	_ =	sdelay $0x3  }
0x33: {  	p0 =	seq.s32 s10, $0x1;
	s10 =	sld [smem:$0x3F98];
	_ =	sdelay $0x3  }
0x34: {  	[smem:$0x3F98] =	sst s10  }
0x35: {  	s10 =	sld [smem:$0x3F97];
	_ =	sdelay $0x3  }
0x36: {  	p1 =	seq.s32 s10, $0x1;
	s10 =	sld [smem:$0x3F98];
	_ =	sdelay $0x3  }
0x37: {  	[smem:$0x3F98] =	sst s10  }
0x38: {  	s10 =	sld [smem:$0x3F99]  }
0x39: {  	_ = 	snop;
	(pc) =	sbr.ind lr, $3  }
0x3a: {  	_ = 	snop  }
0x3b: {  	_ = 	snop  }
0x3c: {  	p2 =	seq.s32 s10, $0x1;
	s10 =	sld [smem:$0x3F98]  }
0x3d: {  	_ =	shalt  }
0x3e: {  	_ =	shalt  }
0x3f: {  	_ =	shalt  }
0x40: {  	_ =	shalt  }
0x41: {  	_ =	shalt  }
0x42: {  	_ =	shalt  }
0x43: {  	_ =	shalt  }
0x44: {  	_ =	shalt  }
0x45: {  	_ =	shalt  }
0x46: {  	_ =	shalt  }
0x47: {  	_ =	shalt  }
0x48: {  	_ =	shalt  }
0x49: {  	_ =	shalt  }
0x4a: {  	_ =	shalt  }
0x4b: {  	_ =	shalt  }
0x4c: {  	_ =	shalt  }
0x4d: {  	_ =	shalt  }
0x4e: {  	_ =	shalt  }
0x4f: {  	_ =	shalt  }
0x50: {  	_ =	shalt  }
0x51: {  	_ =	shalt  }
0x52: {  	_ =	shalt  }
0x53: {  	_ =	shalt  }
0x54: {  	_ =	shalt  }
0x55: {  	_ =	shalt  }
0x56: {  	_ =	shalt  }
0x57: {  	_ =	shalt  }
0x58: {  	_ =	shalt  }
0x59: {  	_ =	shalt  }
0x5a: {  	_ =	shalt  }
0x5b: {  	_ =	shalt  }
0x5c: {  	_ =	shalt  }
0x5d: {  	_ =	shalt  }
0x5e: {  	_ =	shalt  }
0x5f: {  	_ =	shalt  }
0x60: {  	_ =	shalt  }
0x61: {  	_ =	shalt  }
0x62: {  	_ =	shalt  }
0x63: {  	_ =	shalt  }
0x64: {  	_ =	shalt  }
0x65: {  	_ =	shalt  }
0x66: {  	_ =	shalt  }
0x67: {  	_ =	shalt  }
0x68: {  	_ =	shalt  }
0x69: {  	_ =	shalt  }
0x6a: {  	_ =	shalt  }
0x6b: {  	_ =	shalt  }
0x6c: {  	_ =	shalt  }
0x6d: {  	_ =	shalt  }
0x6e: {  	_ =	shalt  }
0x6f: {  	_ =	shalt  }
0x70: {  	_ =	shalt  }
0x71: {  	_ =	shalt  }
0x72: {  	_ =	shalt  }
0x73: {  	_ =	shalt  }
0x74: {  	_ =	shalt  }
0x75: {  	_ =	shalt  }
0x76: {  	_ =	shalt  }
0x77: {  	_ =	shalt  }
0x78: {  	_ =	shalt  }
0x79: {  	_ =	shalt  }
0x7a: {  	_ =	shalt  }
0x7b: {  	_ =	shalt  }
0x7c: {  	_ =	shalt  }
0x7d: {  	_ =	shalt  }
0x7e: {  	_ =	shalt  }
0x7f: {  	_ =	shalt  }
0x80: {  	_ =	shalt  }
0x81: {  	_ =	shalt  }
0x82: {  	_ =	shalt  }
0x83: {  	_ =	shalt  }
0x84: {  	_ =	shalt  }
0x85: {  	_ =	shalt  }
0x86: {  	_ =	shalt  }
0x87: {  	_ =	shalt  }
.Lfunc_end0:
.L_simem_size_0:
called_computation_lowered:
.L_overlay_start_0:
0x88: {  	s2 =	sld [smem:$0x3FD9]  }
0x89: {  	s3 =	sld [smem:$0x3FFE];
	_ =	sdelay $0x1  }
0x8a: {  	s1 =	srdreg.scid  }
0x8b: {  	s0 =	sand.u32 $0x1, s1  }
0x8c: {  	s16 =	sshll.u32 s0, $0xA;
	s2 =	sadd.s32 s3, s2  }
0x8d: {  	s2 =	sadd.s32 s2, s16  }
0x8e: {  	[smem:$0x3FA4] =	sst s2  }
0x8f: {  	_ = 	snop  }
0x90: {  	(tm) =	ssettm $0x1  }
0x91: {  	s17 =	sld [smem:$0x3FFB];
	_ =	sdelay $0x3  }
0x92: {  	_ =	strace s17  }
0x93: {  	s2 =	sld [smem:$0x3FFC];
	_ =	sdelay $0x3  }
0x94: {  	_ =	strace s2  }
0x95: {  	s2 =	sld [smem:$0x3FFD];
	_ =	sdelay $0x3  }
0x96: {  	_ =	strace s2  }
0x97: {  	_ =	strace $0x8FFFFFFF  }
0x98: {  	s18 =	sld [smem:$0x3FDB];
	_ =	sdelay $0x1  }
0x99: {  	s19 =	simm.s32 $_scs_section_size  }
0x9a: {  	s4 =	simm.s32 $_size__tile_overlayer_lowered;
	s5 =	simm.s32 $_tile_overlayer_lowered  }
0x9b: {  	s22 =	simm.s32 $0x1BFF;
	s21 =	sshll.u32 s5, $0x1;
	s2 =	sadd.s32 s19, s18  }
0x9c: {  	s6 =	simm.s32 $0x0;
	s20 =	sshll.u32 s4, $0x1;
	s4 =	sadd.s32 s21, s2  }
0x9d: {  	[timem:s6], [sflag:s22] =	dma.local [hbm:s4], s20  }
0x9e: {  	_ =	swait.ge [sflag:s22], s20  }
0x9f: {  	s3 =	ssub.s32 $0x0, s20;
	[sflag:s22] =	ssyncset.done $0x0  }
0xa0: {  	[sflag:s22] =	ssyncadd.s32 s3;
	_ =	sdelay $0x1  }
0xa1: {  	s23 =	simm.s32 $0x1B8B  }
0xa2: {  	_ =	swait.ge [sflag:s23], $0x1  }
0xa3: {  	[sflag:s23] =	ssyncset.done $0x0  }
0xa4: {  	s25 =	simm.s32 $0x1B8E;
	s24 =	sld [smem:$0x3FFE];
	[sflag:s23] =	ssyncadd.s32 $0xFFFFFFFF  }
0xa5: {  	s26 =	simm.s32 $execute0_lowered;
	[smem:$0x3FD2] =	sst s25  }
0xa6: {  	s4 =	sshll.u32 s26, $0x1;
	_ =	strace $0x80000046;
	[dreg:$0x1] =	wrdreg $0xFFFFFFFF  }
0xa7: {  	s28 =	simm.s32 $_size_execute0_lowered;
	s2 =	sadd.s32 s2, s4;
	[dreg:$0x0] =	wrdreg $0x0  }
0xa8: {  	s4 =	sshll.u32 s28, $0x1;
	[dreg:$0x2] =	wrdreg s2  }
0xa9: {  	[dreg:$0x3] =	wrdreg s4  }
0xaa: {  	[dreg:$0x4] =	wrdreg $0xC0  }
0xab: {  	_ =	task [dreg:s6], $0x5FFFF  }
0xac: {  	[dreg:$0x1] =	wrdreg $0xFFFFFFFF  }
0xad: {  	[dreg:$0x0] =	wrdreg $0x60  }
0xae: {  	[dreg:$0x2] =	wrdreg s24  }
0xaf: {  	[dreg:$0x3] =	wrdreg $0x41000  }
0xb0: {  	[dreg:$0x4] =	wrdreg $0xA  }
0xb1: {  	_ =	task.clear_ibuf [dreg:s6], $0x5FFFF;
	_ =	strace $0x90000046  }
0xb2: {  	s29 =	simm.s32 $0xA;
	_ =	strace $0x80000048  }
0xb3: {  	_ =	swait.ge [sflag:s29], $0x1  }
0xb4: {  	[sflag:s29] =	ssyncadd.s32 $0xFFFFFFFF  }
0xb5: {  	_ =	strace $0x90000048  }
0xb6: {  	_ =	sfence  }
0xb7: {  	s30 =	sld [smem:$0x0];
	_ =	sdelay $0x2  }
0xb8: {  	s31 =	sshll.u32 s1, $0xD;
	s1 =	sshrl.u32 s1, $0x2  }
0xb9: {  	s3 =	sand.u32 $0x4000, s31;
	s1 =	sadd.s32 s1, s30  }
0xba: {  	s0 =	sor.u32 s3, s0;
	s1 =	sshll.u32 s1, $0x11  }
0xbb: {  	s0 =	sor.u32 s1, s0  }
0xbc: {  	s0 =	sadd.s32 $0x8F2B, s0  }
0xbd: {  	[sflag:s0] =	ssyncadd.remote.s32 $0x1  }
0xbe: {  	_ =	sfence.sel $0xFFFF  }
0xbf: {  	[dreg:$0x0] =	wrdreg $0xFFFFFFFF;
	(pc) =	sbr.abs _section_cstart, $3  }
0xc0: {  	[dreg:$0x1] =	wrdreg $0xFFFFFFFF  }
0xc1: {  	_ =	task.clear_ibuf [dreg:s6], $0x2FFFF;
	_ =	strace $0x9FFFFFFF  }
0xc2: {  	(tm) =	ssettm $0x7FFFFFFF  }
0xc3: {  	_ =	shalt  }
tec
execute0_lowered:
.L_overlay_start_1:
0x0: {  	(tag) =	ssettag $0x1  }
0x1: {  	s1 =	srdreg.scid  }
0x2: {  	s0 =	stileid.u32;
	s6 =	rddreg [dreg:$0x0]  }
0x3: {  	s2 =	rddreg [dreg:$0x1];
	s4 =	smul.u32 $0x2780, s0  }
0x4: {  	s3 =	simm.s32 $0x0;
	s15 =	simm.s32 $0x2;
	s8 =	smul.u32 $0x4F0, s0  }
0x5: {  	s16 =	simm.s32 $0x80;
	s17 =	simm.s32 $0x100;
	s9 =	smul.u32 $0x280, s0  }
0x6: {  	s18 =	simm.s32 $0x1;
	s5 =	sand.u32 $0x1, s1;
	s26 =	smul.u32 $0x50000, s0  }
0x7: {  	s19 =	simm.s32 $0x0;
	s1 =	rddreg [dreg:$0x2];
	s7 =	smul.u32 $0x27800, s5  }
0x8: {  	[smem:$0x7FF] =	sst s3;
	s31 =	sshll.u32 s0, $0x6;
	s10 =	smul.u32 $0x2800, s5  }
0x9: {  	_ =	strace $0x80000047;
	s25 =	ssub.s32 $0x2, s5;
	s5 =	sadd.s32 $0x38600, s6  }
0xa: {  	s13 =	sadd.s32 s8, s6;
	s29 =	sshrl.u32 s25, $0x1;
	s30 =	sshrl.u32 s26, $0x2  }
0xb: {  	s7 =	sadd.s32 s7, s4;
	s4 =	sadd.s32 $0x3AE00, s6;
	s24 =	sadd.s32 s9, s10  }
0xc: {  	s11 =	ssub.s32 s25, s29;
	s14 =	sadd.s32 s30, s2;
	s7 =	sshrl.u32 s7, $0x3  }
0xd: {  	s9 =	smax.u32 s11, $0x1;
	s11 =	sadd.s32 $0x29600, s13;
	s13 =	sadd.s32 $0x24600, s13  }
0xe: {  	s14 =	sshrl.u32 s14, $0x3;
	s12 =	sadd.s32 s7, s6;
	s7 =	sshll.u32 s24, $0x4  }
0xf: {  	s28 =	sadd.s32 s7, s6;
	s6 =	sor.u32 $0x1C02, s31;
	s10 =	sadd.s32 $0x6C00, s12  }
0x10: {  	s12 =	sadd.s32 $0x10A00, s12;
	s7 =	sadd.s32 $0xD7200, s28;
	s8 =	sadd.s32 $0x127200, s28  }
.LBB2_1:
0x11: {  	[spmem:s14], [sflag:s6] =	dma.local [hbm:s5], $0x2800  }
0x12: {  	_ =	swait.ge [sflag:s15], $0x2800  }
0x13: {  	[sflag:s15] =	ssyncset.done $0x0  }
0x14: {  	[sflag:s15] =	ssyncadd.s32 $0xFFFFD800  }
0x15: {  	s20 =	sadd.s32 $0x0, s10;
	[bflag:$0x0] =	sbarrier.arrive $0xFFFF  }
0x16: {  	[tilespmem:s3], [sflag:$0x2] =	stream.linear.gather [hbm4b:s20+s3], $0x80, $0x38;
	[tilespmem:$0x18100] =	vst v63  }
0x17: {  	_ =	swait.ge [sflag:s15], $0x80  }
0x18: {  	[sflag:s15] =	ssyncset.done $0x0  }
0x19: {  	s31 =	sadd.s32 $0x0, s11;
	[sflag:s15] =	ssyncadd.s32 $0xFFFFFF80  }
0x1a: {  	[tilespmem:s16], [sflag:$0x2] =	stream.linear.gather [hbm4b:s31+s3], $0x80, $0x38;
	[tilespmem:$0x18100] =	vst v63  }
0x1b: {  	_ =	swait.ge [sflag:s15], $0x80  }
0x1c: {  	[sflag:s15] =	ssyncset.done $0x0  }
0x1d: {  	[sflag:s15] =	ssyncadd.s32 $0xFFFFFF80  }
0x1e: {  	[tilespmem:s17], [sflag:$0x1] =	stream.indirect.gather [hbm4b:s4+s16], $0x80, s3, s16, $0xb8;
	[tilespmem:$0x18100] =	vst v63  }
0x1f: {  	_ =	swait.ge [sflag:s18], $0x4000  }
0x20: {  	[sflag:s18] =	ssyncset.done $0x0  }
0x21: {  	[sflag:s18] =	ssyncadd.s32 $0xFFFFC000  }
0x22: {  	[spmem:s2] =	stream.indirect.scatter.add.f32 [tilespmem:s17], [sflag:$0x2], $0x80, s16, s16, $0xb8;
	[tilespmem:$0x18100] =	vst v63  }
0x23: {  	_ =	swait.ge [sflag:s15], $0x4000  }
0x24: {  	s21 =	simm.s32 $0x20;
	s20 =	simm.s32 $0x10;
	[sflag:s15] =	ssyncset.done $0x0  }
.LBB2_2:
0x25: {  	s22 =	sadd.s32 s20, s10  }
0x26: {  	[sflag:s15] =	ssyncadd.s32 $0xFFFFC000;
	s23 =	smov.u32 s21;
	s24 =	sadd.s32 $0x10, s21  }
0x27: {  	[tilespmem:s3], [sflag:$0x2] =	stream.linear.gather [hbm4b:s22+s3], $0x80, $0x38;
	[tilespmem:$0x18100] =	vst v63  }
0x28: {  	p0 =	sne.s32 s21, $0x4E0;
	_ =	swait.ge [sflag:s15], $0x80  }
0x29: {  	[sflag:s15] =	ssyncset.done $0x0  }
0x2a: {  	s21 =	sadd.s32 s20, s11;
	s20 =	smov.u32 s23;
	[sflag:s15] =	ssyncadd.s32 $0xFFFFFF80  }
0x2b: {  	[tilespmem:s16], [sflag:$0x2] =	stream.linear.gather [hbm4b:s21+s3], $0x80, $0x38;
	[tilespmem:$0x18100] =	vst v63  }
0x2c: {  	_ =	swait.ge [sflag:s15], $0x80  }
0x2d: {  	[sflag:s15] =	ssyncset.done $0x0  }
0x2e: {  	[sflag:s15] =	ssyncadd.s32 $0xFFFFFF80  }
0x2f: {  	[tilespmem:s17], [sflag:$0x1] =	stream.indirect.gather [hbm4b:s4+s16], $0x80, s3, s16, $0xb8;
	[tilespmem:$0x18100] =	vst v63  }
0x30: {  	_ =	swait.ge [sflag:s18], $0x4000  }
.Ltmp0:
0x31: {  	[sflag:s18] =	ssyncset.done $0x0;
	(pc) =	sbr.rel @p0 .LBB2_2-.Ltmp0, $4  }
0x32: {  	[sflag:s18] =	ssyncadd.s32 $0xFFFFC000  }
0x33: {  	[spmem:s2] =	stream.indirect.scatter.add.f32 [tilespmem:s17], [sflag:$0x2], $0x80, s16, s16, $0xb8;
	[tilespmem:$0x18100] =	vst v63  }
0x34: {  	_ =	swait.ge [sflag:s15], $0x4000  }
0x35: {  	s21 =	smov.u32 s24;
	[sflag:s15] =	ssyncset.done $0x0  }
0x36: {  	s21 =	sadd.s32 s20, s10;
	[sflag:s15] =	ssyncadd.s32 $0xFFFFC000  }
0x37: {  	[tilespmem:s3], [sflag:$0x2] =	stream.linear.gather [hbm4b:s21+s3], $0x80, $0x38;
	[tilespmem:$0x18100] =	vst v63  }
0x38: {  	_ =	swait.ge [sflag:s15], $0x80  }
0x39: {  	[sflag:s15] =	ssyncset.done $0x0  }
0x3a: {  	s29 =	sadd.s32 s20, s11;
	[sflag:s15] =	ssyncadd.s32 $0xFFFFFF80  }
0x3b: {  	[tilespmem:s16], [sflag:$0x2] =	stream.linear.gather [hbm4b:s29+s3], $0x80, $0x38;
	[tilespmem:$0x18100] =	vst v63  }
0x3c: {  	_ =	swait.ge [sflag:s15], $0x80  }
0x3d: {  	[sflag:s15] =	ssyncset.done $0x0  }
0x3e: {  	[sflag:s15] =	ssyncadd.s32 $0xFFFFFF80  }
0x3f: {  	[tilespmem:s17], [sflag:$0x1] =	stream.indirect.gather [hbm4b:s4+s16], $0x80, s3, s16, $0xb8;
	[tilespmem:$0x18100] =	vst v63  }
0x40: {  	_ =	swait.ge [sflag:s18], $0x4000  }
0x41: {  	[sflag:s18] =	ssyncset.done $0x0  }
0x42: {  	[sflag:s18] =	ssyncadd.s32 $0xFFFFC000  }
0x43: {  	[spmem:s2] =	stream.indirect.scatter.add.f32 [tilespmem:s17], [sflag:$0x2], $0x80, s16, s16, $0xb8;
	[tilespmem:$0x18100] =	vst v63  }
0x44: {  	_ =	swait.ge [sflag:s15], $0x4000  }
0x45: {  	[sflag:s15] =	ssyncset.done $0x0  }
0x46: {  	[sflag:s15] =	ssyncadd.s32 $0xFFFFC000  }
0x47: {  	[bflag:$0x0] =	sbarrier.arrive $0xFFFF  }
0x48: {  	[hbm:s7], [sflag:s6] =	dma.local [spmem:s14], $0x2800  }
0x49: {  	_ =	swait.ge [sflag:s15], $0x2800  }
0x4a: {  	[sflag:s15] =	ssyncset.done $0x0  }
0x4b: {  	[sflag:s15] =	ssyncadd.s32 $0xFFFFD800  }
0x4c: {  	[bflag:$0x0] =	sbarrier.arrive $0xFFFF  }
0x4d: {  	[spmem:s14], [sflag:s6] =	dma.local [hbm:s5], $0x2800  }
0x4e: {  	_ =	swait.ge [sflag:s15], $0x2800  }
0x4f: {  	[sflag:s15] =	ssyncset.done $0x0  }
0x50: {  	[sflag:s15] =	ssyncadd.s32 $0xFFFFD800  }
0x51: {  	s30 =	sadd.s32 $0x0, s12;
	[bflag:$0x0] =	sbarrier.arrive $0xFFFF  }
0x52: {  	[tilespmem:s3], [sflag:$0x2] =	stream.linear.gather [hbm4b:s30+s3], $0x80, $0x38;
	[tilespmem:$0x18100] =	vst v63  }
0x53: {  	_ =	swait.ge [sflag:s15], $0x80  }
0x54: {  	[sflag:s15] =	ssyncset.done $0x0  }
0x55: {  	s31 =	sadd.s32 $0x0, s13;
	[sflag:s15] =	ssyncadd.s32 $0xFFFFFF80  }
0x56: {  	[tilespmem:s16], [sflag:$0x2] =	stream.linear.gather [hbm4b:s31+s3], $0x80, $0x38;
	[tilespmem:$0x18100] =	vst v63  }
0x57: {  	_ =	swait.ge [sflag:s15], $0x80  }
0x58: {  	[sflag:s15] =	ssyncset.done $0x0  }
0x59: {  	[sflag:s15] =	ssyncadd.s32 $0xFFFFFF80  }
0x5a: {  	[tilespmem:s17], [sflag:$0x1] =	stream.indirect.gather [hbm4b:s4+s16], $0x80, s3, s16, $0xb8;
	[tilespmem:$0x18100] =	vst v63  }
0x5b: {  	_ =	swait.ge [sflag:s18], $0x4000  }
0x5c: {  	[sflag:s18] =	ssyncset.done $0x0  }
0x5d: {  	[sflag:s18] =	ssyncadd.s32 $0xFFFFC000  }
0x5e: {  	[spmem:s2] =	stream.indirect.scatter.add.f32 [tilespmem:s17], [sflag:$0x2], $0x80, s16, s16, $0xb8;
	[tilespmem:$0x18100] =	vst v63  }
0x5f: {  	_ =	swait.ge [sflag:s15], $0x4000  }
0x60: {  	s20 =	simm.s32 $0x10;
	s21 =	simm.s32 $0x20;
	[sflag:s15] =	ssyncset.done $0x0  }
.LBB2_4:
0x61: {  	s22 =	sadd.s32 s20, s12  }
0x62: {  	[sflag:s15] =	ssyncadd.s32 $0xFFFFC000;
	s23 =	smov.u32 s21;
	s24 =	sadd.s32 $0x10, s21  }
0x63: {  	[tilespmem:s3], [sflag:$0x2] =	stream.linear.gather [hbm4b:s22+s3], $0x80, $0x38;
	[tilespmem:$0x18100] =	vst v63  }
0x64: {  	p0 =	sne.s32 s21, $0x4E0;
	_ =	swait.ge [sflag:s15], $0x80  }
0x65: {  	[sflag:s15] =	ssyncset.done $0x0  }
0x66: {  	s21 =	sadd.s32 s20, s13;
	s20 =	smov.u32 s23;
	[sflag:s15] =	ssyncadd.s32 $0xFFFFFF80  }
0x67: {  	[tilespmem:s16], [sflag:$0x2] =	stream.linear.gather [hbm4b:s21+s3], $0x80, $0x38;
	[tilespmem:$0x18100] =	vst v63  }
0x68: {  	_ =	swait.ge [sflag:s15], $0x80  }
0x69: {  	[sflag:s15] =	ssyncset.done $0x0  }
0x6a: {  	[sflag:s15] =	ssyncadd.s32 $0xFFFFFF80  }
0x6b: {  	[tilespmem:s17], [sflag:$0x1] =	stream.indirect.gather [hbm4b:s4+s16], $0x80, s3, s16, $0xb8;
	[tilespmem:$0x18100] =	vst v63  }
0x6c: {  	_ =	swait.ge [sflag:s18], $0x4000  }
.Ltmp1:
0x6d: {  	[sflag:s18] =	ssyncset.done $0x0;
	(pc) =	sbr.rel @p0 .LBB2_4-.Ltmp1, $4  }
0x6e: {  	[sflag:s18] =	ssyncadd.s32 $0xFFFFC000  }
0x6f: {  	[spmem:s2] =	stream.indirect.scatter.add.f32 [tilespmem:s17], [sflag:$0x2], $0x80, s16, s16, $0xb8;
	[tilespmem:$0x18100] =	vst v63  }
0x70: {  	_ =	swait.ge [sflag:s15], $0x4000  }
0x71: {  	s21 =	smov.u32 s24;
	[sflag:s15] =	ssyncset.done $0x0  }
0x72: {  	s21 =	sadd.s32 s20, s12;
	[sflag:s15] =	ssyncadd.s32 $0xFFFFC000  }
0x73: {  	[tilespmem:s3], [sflag:$0x2] =	stream.linear.gather [hbm4b:s21+s3], $0x80, $0x38;
	[tilespmem:$0x18100] =	vst v63  }
0x74: {  	_ =	swait.ge [sflag:s15], $0x80  }
0x75: {  	[sflag:s15] =	ssyncset.done $0x0  }
0x76: {  	s31 =	sadd.s32 s20, s13;
	[sflag:s15] =	ssyncadd.s32 $0xFFFFFF80  }
0x77: {  	[tilespmem:s16], [sflag:$0x2] =	stream.linear.gather [hbm4b:s31+s3], $0x80, $0x38;
	[tilespmem:$0x18100] =	vst v63  }
0x78: {  	_ =	swait.ge [sflag:s15], $0x80  }
0x79: {  	[sflag:s15] =	ssyncset.done $0x0  }
0x7a: {  	[sflag:s15] =	ssyncadd.s32 $0xFFFFFF80  }
0x7b: {  	[tilespmem:s17], [sflag:$0x1] =	stream.indirect.gather [hbm4b:s4+s16], $0x80, s3, s16, $0xb8;
	[tilespmem:$0x18100] =	vst v63  }
0x7c: {  	_ =	swait.ge [sflag:s18], $0x4000  }
0x7d: {  	[sflag:s18] =	ssyncset.done $0x0  }
0x7e: {  	[sflag:s18] =	ssyncadd.s32 $0xFFFFC000  }
0x7f: {  	[spmem:s2] =	stream.indirect.scatter.add.f32 [tilespmem:s17], [sflag:$0x2], $0x80, s16, s16, $0xb8;
	[tilespmem:$0x18100] =	vst v63  }
0x80: {  	_ =	swait.ge [sflag:s15], $0x4000  }
0x81: {  	[sflag:s15] =	ssyncset.done $0x0  }
0x82: {  	s19 =	sadd.s32 $0x1, s19;
	[sflag:s15] =	ssyncadd.s32 $0xFFFFC000  }
0x83: {  	p0 =	sne.s32 s19, s9;
	[bflag:$0x0] =	sbarrier.arrive $0xFFFF  }
0x84: {  	[hbm:s8], [sflag:s6] =	dma.local [spmem:s14], $0x2800  }
.Ltmp2:
0x85: {  	_ =	swait.ge [sflag:s15], $0x2800;
	(pc) =	sbr.rel @p0 .LBB2_1-.Ltmp2, $3  }
0x86: {  	[sflag:s15] =	ssyncset.done $0x0  }
0x87: {  	[sflag:s15] =	ssyncadd.s32 $0xFFFFD800  }
0x88: {  	[bflag:$0x0] =	sbarrier.arrive $0xFFFF;
	_ =	sdelay $0x1  }
0x89: {  	_ =	sfence.sel $0x180000  }
0x8a: {  	[bflag:$0x0] =	sbarrier.arrive $0xFFFF  }
0x8b: {  	p0 =	sne.s32 s0, $0x0;
	_ =	strace $0x90000047  }
0x8c: {  	s0 =	sadd.s32 @!p0 $0x100000, s1;
	[bflag:$0x2] =	sbarrier.arrive $0xFFFF  }
0x8d: {  	[sflag:s0] =	ssyncadd.tile.s32 @!p0 $0x1;
	_ =	shalt  }
.Lfunc_end2:
_tile_overlayer_lowered:
.L_overlay_start_2:
0x8e: {  	(tag) =	ssettag $0x2  }
0x8f: {  	s0 =	rddreg [dreg:$0x0];
	s2 =	stileid.u32  }
0x90: {  	s1 =	rddreg [dreg:$0x1];
	p0 =	sne.s32 s2, $0x0  }
0x91: {  	s3 =	rddreg [dreg:$0x2];
	[bflag:$0x3] =	sbarrier.arrive $0xFFFF;
	s2 =	simm.s32 @!p0 $0x1C02  }
0x92: {  	[timem:s3], [sflag:s2] =	dma.local @!p0 [hbm:s0], s1  }
0x93: {  	s0 =	simm.s32 @!p0 $0x2  }
0x94: {  	_ =	swait.ge @!p0 [sflag:s0], s1  }
0x95: {  	s1 =	ssub.s32 @!p0 $0x0, s1;
	[sflag:s0] =	ssyncset.done @!p0 $0x0  }
0x96: {  	[sflag:s0] =	ssyncadd.s32 @!p0 s1  }
0x97: {  	[bflag:$0x3] =	sbarrier.arrive $0xFFFF  }
0x98: {  	_ =	shalt  }

// kernel: kernel.18.cloned.1.call-start
scs
__scs_entry_jumppad:
0x0: {  	(pc) =	sbr.rel $0x88, $3  }
0x1: {  	(tag) =	ssettag $0x0;
	lr =	simm.s32 $0x1  }
0x2: {  	[smem:$0x3F7D] =	sst lr;
	_ =	strace $0xD0000000  }
0x3: {  	_ = 	snop  }
0x4: {  	_ = 	snop  }
0x5: {  	_ = 	snop  }
0x6: {  	_ = 	snop  }
0x7: {  	_ = 	snop  }
__scs_overlays_trampoline_lowered:
0x8: {  	[smem:$0x3F8C] =	sst s0  }
0x9: {  	[smem:$0x3F8D] =	sst s1  }
0xa: {  	[smem:$0x3F8E] =	sst s2  }
0xb: {  	[smem:$0x3F8F] =	sst s3  }
0xc: {  	[smem:$0x3F90] =	sst s4  }
0xd: {  	[smem:$0x3F91] =	sst s5  }
0xe: {  	[smem:$0x3F92] =	sst s6  }
0xf: {  	[smem:$0x3F93] =	sst s7  }
0x10: {  	[smem:$0x3F94] =	sst s8  }
0x11: {  	[smem:$0x3F95] =	sst s9;
	s0 =	simm.s32 @!p0 $0x0  }
0x12: {  	s1 =	sld [smem:$0x3F7B];
	s0 =	simm.s32 @p0 $0x1  }
0x13: {  	[smem:$0x3F96] =	sst s0;
	s0 =	simm.s32 @!p1 $0x0  }
0x14: {  	s2 =	sld [smem:$0x3F7A];
	s0 =	simm.s32 @p1 $0x1  }
0x15: {  	[smem:$0x3F97] =	sst s0;
	s0 =	simm.s32 @!p2 $0x0  }
0x16: {  	s3 =	sld [smem:$0x3FDB];
	s0 =	simm.s32 @p2 $0x1  }
0x17: {  	s4 =	simm.s32 $0x1BF5;
	[smem:$0x3F99] =	sst s0  }
0x18: {  	s0 =	sld [smem:$0x3F7C];
	_ =	swait.ge [sflag:s4], $0x0  }
0x19: {  	s7 =	sld [smem:$0x3F7D]  }
0x1a: {  	s8 =	sadd.s32 $0xFFFFE003, lr  }
0x1b: {  	s9 =	sadd.s32 $0xFFFFFEF7, lr;
	s5 =	simm.s32 $0xFFFFFFFF;
	p2 =	slt.u32 s8, $0xFFFFF086  }
0x1c: {  	p1 =	slt.u32 s9, $0xF7A;
	s5 =	simm.s32 @!p2 $0x0  }
0x1d: {  	s5 =	simm.s32 @p1 $0x1;
	p0 =	seq.s32 s7, s2  }
0x1e: {  	s7 =	smul.u32 @!p0 $0xF7A, s2;
	p2 =	seq.s32 @!p0 s5, $0x0  }
0x1f: {  	s9 =	smul.u32 $0xF7A, s1;
	s8 =	simm.s32 @!p0 $0x1BF5;
	p2 =	por !p2, p0  }
0x20: {  	[sflag:s8] =	ssyncset.s32 @!p0 $0xFFFFF086;
	s6 =	sadd.s32 @!p0 s3, s7;
	s7 =	simm.s32 @!p0 $0x108  }
0x21: {  	s3 =	sadd.s32 s3, s9;
	s6 =	sadd.s32 @!p0 $0x88, s6;
	s7 =	simm.s32 @p2 $0x1082  }
0x22: {  	[simem:s7], [sflag:s8] =	dma.local @!p0 [hbm:s6], $0xF7A  }
0x23: {  	s9 =	sor.u32 $0xD0000000, s2;
	s6 =	simm.s32 $0x108;
	_ =	swait.ge @!p0 [sflag:s8], $0x0  }
0x24: {  	s3 =	sadd.s32 $0x88, s3;
	s6 =	simm.s32 @!p1 $0x1082;
	[sflag:s4] =	ssyncset.s32 $0xFFFFF086  }
0x25: {  	[simem:s6], [sflag:s4] =	dma.local [hbm:s3], $0xF7A  }
0x26: {  	[smem:$0x3F7D] =	sst s1;
	(tag) =	ssettag s2;
	_ =	strace s9  }
0x27: {  	s1 =	sld [smem:$0x3F8D]  }
0x28: {  	s2 =	sld [smem:$0x3F8E]  }
0x29: {  	s4 =	sld [smem:$0x3F90]  }
0x2a: {  	p0 =	seq.s32 s5, $0x0;
	s5 =	sld [smem:$0x3F91]  }
0x2b: {  	s6 =	sld [smem:$0x3F92]  }
0x2c: {  	s7 =	sld [smem:$0x3F93]  }
0x2d: {  	s3 =	simm.s32 $0x108;
	s8 =	sld [smem:$0x3F94]  }
0x2e: {  	s3 =	simm.s32 @!p0 $0x1082;
	s9 =	sld [smem:$0x3F95]  }
0x2f: {  	lr =	sadd.s32 s0, s3;
	s0 =	sld [smem:$0x3F8C]  }
0x30: {  	s3 =	sld [smem:$0x3F8F]  }
0x31: {  	[smem:$0x3F98] =	sst s10  }
0x32: {  	s10 =	sld [smem:$0x3F96];
	_ =	sdelay $0x3  }
0x33: {  	p0 =	seq.s32 s10, $0x1;
	s10 =	sld [smem:$0x3F98];
	_ =	sdelay $0x3  }
0x34: {  	[smem:$0x3F98] =	sst s10  }
0x35: {  	s10 =	sld [smem:$0x3F97];
	_ =	sdelay $0x3  }
0x36: {  	p1 =	seq.s32 s10, $0x1;
	s10 =	sld [smem:$0x3F98];
	_ =	sdelay $0x3  }
0x37: {  	[smem:$0x3F98] =	sst s10  }
0x38: {  	s10 =	sld [smem:$0x3F99]  }
0x39: {  	_ = 	snop;
	(pc) =	sbr.ind lr, $3  }
0x3a: {  	_ = 	snop  }
0x3b: {  	_ = 	snop  }
0x3c: {  	p2 =	seq.s32 s10, $0x1;
	s10 =	sld [smem:$0x3F98]  }
0x3d: {  	_ =	shalt  }
0x3e: {  	_ =	shalt  }
0x3f: {  	_ =	shalt  }
0x40: {  	_ =	shalt  }
0x41: {  	_ =	shalt  }
0x42: {  	_ =	shalt  }
0x43: {  	_ =	shalt  }
0x44: {  	_ =	shalt  }
0x45: {  	_ =	shalt  }
0x46: {  	_ =	shalt  }
0x47: {  	_ =	shalt  }
0x48: {  	_ =	shalt  }
0x49: {  	_ =	shalt  }
0x4a: {  	_ =	shalt  }
0x4b: {  	_ =	shalt  }
0x4c: {  	_ =	shalt  }
0x4d: {  	_ =	shalt  }
0x4e: {  	_ =	shalt  }
0x4f: {  	_ =	shalt  }
0x50: {  	_ =	shalt  }
0x51: {  	_ =	shalt  }
0x52: {  	_ =	shalt  }
0x53: {  	_ =	shalt  }
0x54: {  	_ =	shalt  }
0x55: {  	_ =	shalt  }
0x56: {  	_ =	shalt  }
0x57: {  	_ =	shalt  }
0x58: {  	_ =	shalt  }
0x59: {  	_ =	shalt  }
0x5a: {  	_ =	shalt  }
0x5b: {  	_ =	shalt  }
0x5c: {  	_ =	shalt  }
0x5d: {  	_ =	shalt  }
0x5e: {  	_ =	shalt  }
0x5f: {  	_ =	shalt  }
0x60: {  	_ =	shalt  }
0x61: {  	_ =	shalt  }
0x62: {  	_ =	shalt  }
0x63: {  	_ =	shalt  }
0x64: {  	_ =	shalt  }
0x65: {  	_ =	shalt  }
0x66: {  	_ =	shalt  }
0x67: {  	_ =	shalt  }
0x68: {  	_ =	shalt  }
0x69: {  	_ =	shalt  }
0x6a: {  	_ =	shalt  }
0x6b: {  	_ =	shalt  }
0x6c: {  	_ =	shalt  }
0x6d: {  	_ =	shalt  }
0x6e: {  	_ =	shalt  }
0x6f: {  	_ =	shalt  }
0x70: {  	_ =	shalt  }
0x71: {  	_ =	shalt  }
0x72: {  	_ =	shalt  }
0x73: {  	_ =	shalt  }
0x74: {  	_ =	shalt  }
0x75: {  	_ =	shalt  }
0x76: {  	_ =	shalt  }
0x77: {  	_ =	shalt  }
0x78: {  	_ =	shalt  }
0x79: {  	_ =	shalt  }
0x7a: {  	_ =	shalt  }
0x7b: {  	_ =	shalt  }
0x7c: {  	_ =	shalt  }
0x7d: {  	_ =	shalt  }
0x7e: {  	_ =	shalt  }
0x7f: {  	_ =	shalt  }
0x80: {  	_ =	shalt  }
0x81: {  	_ =	shalt  }
0x82: {  	_ =	shalt  }
0x83: {  	_ =	shalt  }
0x84: {  	_ =	shalt  }
0x85: {  	_ =	shalt  }
0x86: {  	_ =	shalt  }
0x87: {  	_ =	shalt  }
.Lfunc_end0:
.L_simem_size_0:
called_computation.1_lowered:
.L_overlay_start_0:
0x88: {  	s2 =	sld [smem:$0x3FD9]  }
0x89: {  	s3 =	sld [smem:$0x3FFE];
	_ =	sdelay $0x1  }
0x8a: {  	s1 =	srdreg.scid  }
0x8b: {  	s0 =	sand.u32 $0x1, s1  }
0x8c: {  	s17 =	sshll.u32 s0, $0xA;
	s2 =	sadd.s32 s3, s2  }
0x8d: {  	s2 =	sadd.s32 s2, s17  }
0x8e: {  	[smem:$0x3FA4] =	sst s2  }
0x8f: {  	_ = 	snop  }
0x90: {  	(tm) =	ssettm $0x1  }
0x91: {  	s18 =	sld [smem:$0x3FFB];
	_ =	sdelay $0x3  }
0x92: {  	_ =	strace s18  }
0x93: {  	s2 =	sld [smem:$0x3FFC];
	_ =	sdelay $0x3  }
0x94: {  	_ =	strace s2  }
0x95: {  	s2 =	sld [smem:$0x3FFD];
	_ =	sdelay $0x3  }
0x96: {  	_ =	strace s2  }
0x97: {  	_ =	strace $0x8FFFFFFF  }
0x98: {  	s19 =	sld [smem:$0x3FDB];
	_ =	sdelay $0x1  }
0x99: {  	s20 =	simm.s32 $_scs_section_size  }
0x9a: {  	s4 =	simm.s32 $_size__tile_overlayer_lowered;
	s5 =	simm.s32 $_tile_overlayer_lowered  }
0x9b: {  	s6 =	simm.s32 $0x1BFF;
	s21 =	sshll.u32 s5, $0x1;
	s3 =	sadd.s32 s20, s19  }
0x9c: {  	s22 =	simm.s32 $0x0;
	s4 =	sshll.u32 s4, $0x1;
	s5 =	sadd.s32 s21, s3  }
0x9d: {  	[timem:s22], [sflag:s6] =	dma.local [hbm:s5], s4  }
0x9e: {  	_ =	swait.ge [sflag:s6], s4  }
0x9f: {  	s4 =	ssub.s32 $0x0, s4;
	[sflag:s6] =	ssyncset.done $0x0  }
0xa0: {  	[sflag:s6] =	ssyncadd.s32 s4;
	_ =	sdelay $0x1  }
0xa1: {  	s23 =	simm.s32 $0x1B8B  }
0xa2: {  	_ =	swait.ge [sflag:s23], $0x1  }
0xa3: {  	[sflag:s23] =	ssyncset.done $0x0  }
0xa4: {  	[sflag:s23] =	ssyncadd.s32 $0xFFFFFFFF  }
0xa5: {  	s4 =	sld [smem:$0x0]  }
0xa6: {  	s5 =	sand.u32 $0xFFFFFFFE, s1  }
0xa7: {  	p0 =	sne.s32 s1, s5  }
0xa8: {  	s5 =	sshll.u32 @p0 s5, $0xE  }
0xa9: {  	s5 =	sadd.s32 @p0 $0x11B8D, s5;
	s6 =	sshll.u32 @p0 s4, $0x11  }
0xaa: {  	s5 =	sor.u32 @p0 s6, s5  }
0xab: {  	[sflag:s5] =	ssyncadd.remote.s32 @p0 $0x1;
	_ =	sdelay $0x1  }
0xac: {  	s5 =	simm.s32 @p0 $0x1B8D  }
0xad: {  	_ =	swait.eq @p0 [sflag:s5], $0x1  }
0xae: {  	[sflag:s5] =	ssyncadd.s32 @p0 $0xFFFFFFFF  }
0xaf: {  	s6 =	sshll.u32 @!p0 s1, $0xE  }
0xb0: {  	s6 =	sor.u32 @!p0 $0x4000, s6;
	s5 =	simm.s32 @!p0 $0x1B8D  }
0xb1: {  	s4 =	sshll.u32 @!p0 s4, $0x11;
	s6 =	sadd.s32 @!p0 $0x11B8D, s6;
	_ =	swait.eq @!p0 [sflag:s5], $0x1  }
0xb2: {  	s4 =	sor.u32 @!p0 s4, s6;
	[sflag:s5] =	ssyncadd.s32 @!p0 $0xFFFFFFFF  }
0xb3: {  	s25 =	simm.s32 $0x1B8E;
	s24 =	sld [smem:$0x3FFE];
	[sflag:s4] =	ssyncadd.remote.s32 @!p0 $0x1  }
0xb4: {  	s26 =	simm.s32 $execute0_lowered;
	[smem:$0x3FD2] =	sst s25  }
0xb5: {  	s5 =	sshll.u32 s26, $0x1;
	_ =	strace $0x80000049;
	[dreg:$0x1] =	wrdreg $0xFFFFFFFF  }
0xb6: {  	s28 =	simm.s32 $_size_execute0_lowered;
	s3 =	sadd.s32 s3, s5;
	[dreg:$0x0] =	wrdreg $0x0  }
0xb7: {  	s5 =	sshll.u32 s28, $0x1;
	[dreg:$0x2] =	wrdreg s3  }
0xb8: {  	[dreg:$0x3] =	wrdreg s5  }
0xb9: {  	[dreg:$0x4] =	wrdreg $0xC0  }
0xba: {  	_ =	task [dreg:s22], $0x5FFFF  }
0xbb: {  	[dreg:$0x1] =	wrdreg $0xFFFFFFFF  }
0xbc: {  	[dreg:$0x0] =	wrdreg $0x60  }
0xbd: {  	[dreg:$0x2] =	wrdreg s24  }
0xbe: {  	[dreg:$0x3] =	wrdreg $0x41000  }
0xbf: {  	[dreg:$0x4] =	wrdreg $0x9  }
0xc0: {  	_ =	task.clear_ibuf [dreg:s22], $0x5FFFF;
	_ =	strace $0x90000049  }
0xc1: {  	s29 =	simm.s32 $0x9;
	_ =	strace $0x8000004B  }
0xc2: {  	_ =	swait.ge [sflag:s29], $0x1  }
0xc3: {  	[sflag:s29] =	ssyncadd.s32 $0xFFFFFFFF  }
0xc4: {  	_ =	strace $0x9000004B  }
0xc5: {  	_ =	sfence  }
0xc6: {  	s30 =	sld [smem:$0x0];
	_ =	sdelay $0x2  }
0xc7: {  	s31 =	sshll.u32 s1, $0xD;
	s1 =	sshrl.u32 s1, $0x2  }
0xc8: {  	s4 =	sand.u32 $0x4000, s31;
	s1 =	sadd.s32 s1, s30  }
0xc9: {  	s0 =	sor.u32 s4, s0;
	s1 =	sshll.u32 s1, $0x11  }
0xca: {  	s0 =	sor.u32 s1, s0  }
0xcb: {  	s0 =	sadd.s32 $0x8F2B, s0  }
0xcc: {  	[sflag:s0] =	ssyncadd.remote.s32 $0x1  }
0xcd: {  	_ =	sfence.sel $0xFFFF  }
0xce: {  	[dreg:$0x0] =	wrdreg $0xFFFFFFFF;
	(pc) =	sbr.abs _section_cstart, $3  }
0xcf: {  	[dreg:$0x1] =	wrdreg $0xFFFFFFFF  }
0xd0: {  	_ =	task.clear_ibuf [dreg:s22], $0x2FFFF;
	_ =	strace $0x9FFFFFFF  }
0xd1: {  	(tm) =	ssettm $0x7FFFFFFF  }
tec
execute0_lowered:
.L_overlay_start_1:
0x0: {  	(tag) =	ssettag $0x1  }
0x1: {  	s1 =	srdreg.scid  }
0x2: {  	s0 =	stileid.u32;
	s6 =	rddreg [dreg:$0x0]  }
0x3: {  	s2 =	rddreg [dreg:$0x1];
	s4 =	smul.u32 $0x2780, s0  }
0x4: {  	s3 =	simm.s32 $0x0;
	s15 =	simm.s32 $0x2;
	s8 =	smul.u32 $0x4F0, s0  }
0x5: {  	s16 =	simm.s32 $0x80;
	s17 =	simm.s32 $0x100;
	s9 =	smul.u32 $0x280, s0  }
0x6: {  	s18 =	simm.s32 $0x1;
	s5 =	sand.u32 $0x1, s1;
	s26 =	smul.u32 $0x50000, s0  }
0x7: {  	s19 =	simm.s32 $0x0;
	s1 =	rddreg [dreg:$0x2];
	s7 =	smul.u32 $0x27800, s5  }
0x8: {  	[smem:$0x7FF] =	sst s3;
	s31 =	sshll.u32 s0, $0x6;
	s10 =	smul.u32 $0x2800, s5  }
0x9: {  	_ =	strace $0x8000004A;
	s25 =	ssub.s32 $0x2, s5;
	s5 =	sadd.s32 $0x38600, s6  }
0xa: {  	s13 =	sadd.s32 s8, s6;
	s29 =	sshrl.u32 s25, $0x1;
	s30 =	sshrl.u32 s26, $0x2  }
0xb: {  	s7 =	sadd.s32 s7, s4;
	s4 =	sadd.s32 $0x3AE00, s6;
	s24 =	sadd.s32 s9, s10  }
0xc: {  	s11 =	ssub.s32 s25, s29;
	s14 =	sadd.s32 s30, s2;
	s7 =	sshrl.u32 s7, $0x3  }
0xd: {  	s9 =	smax.u32 s11, $0x1;
	s11 =	sadd.s32 $0x33600, s13;
	s13 =	sadd.s32 $0x2E600, s13  }
0xe: {  	s14 =	sshrl.u32 s14, $0x3;
	s12 =	sadd.s32 s7, s6;
	s7 =	sshll.u32 s24, $0x4  }
0xf: {  	s28 =	sadd.s32 s7, s6;
	s6 =	sor.u32 $0x1C02, s31;
	s10 =	sadd.s32 $0x1A800, s12  }
0x10: {  	s12 =	sadd.s32 $0x177200, s12;
	s7 =	sadd.s32 $0x181000, s28;
	s8 =	sadd.s32 $0x1D1000, s28  }
.LBB2_1:
0x11: {  	[spmem:s14], [sflag:s6] =	dma.local [hbm:s5], $0x2800  }
0x12: {  	_ =	swait.ge [sflag:s15], $0x2800  }
0x13: {  	[sflag:s15] =	ssyncset.done $0x0  }
0x14: {  	[sflag:s15] =	ssyncadd.s32 $0xFFFFD800  }
0x15: {  	s20 =	sadd.s32 $0x0, s10;
	[bflag:$0x0] =	sbarrier.arrive $0xFFFF  }
0x16: {  	[tilespmem:s3], [sflag:$0x2] =	stream.linear.gather [hbm4b:s20+s3], $0x80, $0x38;
	[tilespmem:$0x18100] =	vst v63  }
0x17: {  	_ =	swait.ge [sflag:s15], $0x80  }
0x18: {  	[sflag:s15] =	ssyncset.done $0x0  }
0x19: {  	s31 =	sadd.s32 $0x0, s11;
	[sflag:s15] =	ssyncadd.s32 $0xFFFFFF80  }
0x1a: {  	[tilespmem:s16], [sflag:$0x2] =	stream.linear.gather [hbm4b:s31+s3], $0x80, $0x38;
	[tilespmem:$0x18100] =	vst v63  }
0x1b: {  	_ =	swait.ge [sflag:s15], $0x80  }
0x1c: {  	[sflag:s15] =	ssyncset.done $0x0  }
0x1d: {  	[sflag:s15] =	ssyncadd.s32 $0xFFFFFF80  }
0x1e: {  	[tilespmem:s17], [sflag:$0x1] =	stream.indirect.gather [hbm4b:s4+s16], $0x80, s3, s16, $0xb8;
	[tilespmem:$0x18100] =	vst v63  }
0x1f: {  	_ =	swait.ge [sflag:s18], $0x4000  }
0x20: {  	[sflag:s18] =	ssyncset.done $0x0  }
0x21: {  	[sflag:s18] =	ssyncadd.s32 $0xFFFFC000  }
0x22: {  	[spmem:s2] =	stream.indirect.scatter.add.f32 [tilespmem:s17], [sflag:$0x2], $0x80, s16, s16, $0xb8;
	[tilespmem:$0x18100] =	vst v63  }
0x23: {  	_ =	swait.ge [sflag:s15], $0x4000  }
0x24: {  	s21 =	simm.s32 $0x20;
	s20 =	simm.s32 $0x10;
	[sflag:s15] =	ssyncset.done $0x0  }
.LBB2_2:
0x25: {  	s22 =	sadd.s32 s20, s10  }
0x26: {  	[sflag:s15] =	ssyncadd.s32 $0xFFFFC000;
	s23 =	smov.u32 s21;
	s24 =	sadd.s32 $0x10, s21  }
0x27: {  	[tilespmem:s3], [sflag:$0x2] =	stream.linear.gather [hbm4b:s22+s3], $0x80, $0x38;
	[tilespmem:$0x18100] =	vst v63  }
0x28: {  	p0 =	sne.s32 s21, $0x4E0;
	_ =	swait.ge [sflag:s15], $0x80  }
0x29: {  	[sflag:s15] =	ssyncset.done $0x0  }
0x2a: {  	s21 =	sadd.s32 s20, s11;
	s20 =	smov.u32 s23;
	[sflag:s15] =	ssyncadd.s32 $0xFFFFFF80  }
0x2b: {  	[tilespmem:s16], [sflag:$0x2] =	stream.linear.gather [hbm4b:s21+s3], $0x80, $0x38;
	[tilespmem:$0x18100] =	vst v63  }
0x2c: {  	_ =	swait.ge [sflag:s15], $0x80  }
0x2d: {  	[sflag:s15] =	ssyncset.done $0x0  }
0x2e: {  	[sflag:s15] =	ssyncadd.s32 $0xFFFFFF80  }
0x2f: {  	[tilespmem:s17], [sflag:$0x1] =	stream.indirect.gather [hbm4b:s4+s16], $0x80, s3, s16, $0xb8;
	[tilespmem:$0x18100] =	vst v63  }
0x30: {  	_ =	swait.ge [sflag:s18], $0x4000  }
.Ltmp0:
0x31: {  	[sflag:s18] =	ssyncset.done $0x0;
	(pc) =	sbr.rel @p0 .LBB2_2-.Ltmp0, $4  }
0x32: {  	[sflag:s18] =	ssyncadd.s32 $0xFFFFC000  }
0x33: {  	[spmem:s2] =	stream.indirect.scatter.add.f32 [tilespmem:s17], [sflag:$0x2], $0x80, s16, s16, $0xb8;
	[tilespmem:$0x18100] =	vst v63  }
0x34: {  	_ =	swait.ge [sflag:s15], $0x4000  }
0x35: {  	s21 =	smov.u32 s24;
	[sflag:s15] =	ssyncset.done $0x0  }
0x36: {  	s21 =	sadd.s32 s20, s10;
	[sflag:s15] =	ssyncadd.s32 $0xFFFFC000  }
0x37: {  	[tilespmem:s3], [sflag:$0x2] =	stream.linear.gather [hbm4b:s21+s3], $0x80, $0x38;
	[tilespmem:$0x18100] =	vst v63  }
0x38: {  	_ =	swait.ge [sflag:s15], $0x80  }
0x39: {  	[sflag:s15] =	ssyncset.done $0x0  }
0x3a: {  	s29 =	sadd.s32 s20, s11;
	[sflag:s15] =	ssyncadd.s32 $0xFFFFFF80  }
0x3b: {  	[tilespmem:s16], [sflag:$0x2] =	stream.linear.gather [hbm4b:s29+s3], $0x80, $0x38;
	[tilespmem:$0x18100] =	vst v63  }
0x3c: {  	_ =	swait.ge [sflag:s15], $0x80  }
0x3d: {  	[sflag:s15] =	ssyncset.done $0x0  }
0x3e: {  	[sflag:s15] =	ssyncadd.s32 $0xFFFFFF80  }
0x3f: {  	[tilespmem:s17], [sflag:$0x1] =	stream.indirect.gather [hbm4b:s4+s16], $0x80, s3, s16, $0xb8;
	[tilespmem:$0x18100] =	vst v63  }
0x40: {  	_ =	swait.ge [sflag:s18], $0x4000  }
0x41: {  	[sflag:s18] =	ssyncset.done $0x0  }
0x42: {  	[sflag:s18] =	ssyncadd.s32 $0xFFFFC000  }
0x43: {  	[spmem:s2] =	stream.indirect.scatter.add.f32 [tilespmem:s17], [sflag:$0x2], $0x80, s16, s16, $0xb8;
	[tilespmem:$0x18100] =	vst v63  }
0x44: {  	_ =	swait.ge [sflag:s15], $0x4000  }
0x45: {  	[sflag:s15] =	ssyncset.done $0x0  }
0x46: {  	[sflag:s15] =	ssyncadd.s32 $0xFFFFC000  }
0x47: {  	[bflag:$0x0] =	sbarrier.arrive $0xFFFF  }
0x48: {  	[hbm:s7], [sflag:s6] =	dma.local [spmem:s14], $0x2800  }
0x49: {  	_ =	swait.ge [sflag:s15], $0x2800  }
0x4a: {  	[sflag:s15] =	ssyncset.done $0x0  }
0x4b: {  	[sflag:s15] =	ssyncadd.s32 $0xFFFFD800  }
0x4c: {  	[bflag:$0x0] =	sbarrier.arrive $0xFFFF  }
0x4d: {  	[spmem:s14], [sflag:s6] =	dma.local [hbm:s5], $0x2800  }
0x4e: {  	_ =	swait.ge [sflag:s15], $0x2800  }
0x4f: {  	[sflag:s15] =	ssyncset.done $0x0  }
0x50: {  	[sflag:s15] =	ssyncadd.s32 $0xFFFFD800  }
0x51: {  	s30 =	sadd.s32 $0x0, s12;
	[bflag:$0x0] =	sbarrier.arrive $0xFFFF  }
0x52: {  	[tilespmem:s3], [sflag:$0x2] =	stream.linear.gather [hbm4b:s30+s3], $0x80, $0x38;
	[tilespmem:$0x18100] =	vst v63  }
0x53: {  	_ =	swait.ge [sflag:s15], $0x80  }
0x54: {  	[sflag:s15] =	ssyncset.done $0x0  }
0x55: {  	s31 =	sadd.s32 $0x0, s13;
	[sflag:s15] =	ssyncadd.s32 $0xFFFFFF80  }
0x56: {  	[tilespmem:s16], [sflag:$0x2] =	stream.linear.gather [hbm4b:s31+s3], $0x80, $0x38;
	[tilespmem:$0x18100] =	vst v63  }
0x57: {  	_ =	swait.ge [sflag:s15], $0x80  }
0x58: {  	[sflag:s15] =	ssyncset.done $0x0  }
0x59: {  	[sflag:s15] =	ssyncadd.s32 $0xFFFFFF80  }
0x5a: {  	[tilespmem:s17], [sflag:$0x1] =	stream.indirect.gather [hbm4b:s4+s16], $0x80, s3, s16, $0xb8;
	[tilespmem:$0x18100] =	vst v63  }
0x5b: {  	_ =	swait.ge [sflag:s18], $0x4000  }
0x5c: {  	[sflag:s18] =	ssyncset.done $0x0  }
0x5d: {  	[sflag:s18] =	ssyncadd.s32 $0xFFFFC000  }
0x5e: {  	[spmem:s2] =	stream.indirect.scatter.add.f32 [tilespmem:s17], [sflag:$0x2], $0x80, s16, s16, $0xb8;
	[tilespmem:$0x18100] =	vst v63  }
0x5f: {  	_ =	swait.ge [sflag:s15], $0x4000  }
0x60: {  	s20 =	simm.s32 $0x10;
	s21 =	simm.s32 $0x20;
	[sflag:s15] =	ssyncset.done $0x0  }
.LBB2_4:
0x61: {  	s22 =	sadd.s32 s20, s12  }
0x62: {  	[sflag:s15] =	ssyncadd.s32 $0xFFFFC000;
	s23 =	smov.u32 s21;
	s24 =	sadd.s32 $0x10, s21  }
0x63: {  	[tilespmem:s3], [sflag:$0x2] =	stream.linear.gather [hbm4b:s22+s3], $0x80, $0x38;
	[tilespmem:$0x18100] =	vst v63  }
0x64: {  	p0 =	sne.s32 s21, $0x4E0;
	_ =	swait.ge [sflag:s15], $0x80  }
0x65: {  	[sflag:s15] =	ssyncset.done $0x0  }
0x66: {  	s21 =	sadd.s32 s20, s13;
	s20 =	smov.u32 s23;
	[sflag:s15] =	ssyncadd.s32 $0xFFFFFF80  }
0x67: {  	[tilespmem:s16], [sflag:$0x2] =	stream.linear.gather [hbm4b:s21+s3], $0x80, $0x38;
	[tilespmem:$0x18100] =	vst v63  }
0x68: {  	_ =	swait.ge [sflag:s15], $0x80  }
0x69: {  	[sflag:s15] =	ssyncset.done $0x0  }
0x6a: {  	[sflag:s15] =	ssyncadd.s32 $0xFFFFFF80  }
0x6b: {  	[tilespmem:s17], [sflag:$0x1] =	stream.indirect.gather [hbm4b:s4+s16], $0x80, s3, s16, $0xb8;
	[tilespmem:$0x18100] =	vst v63  }
0x6c: {  	_ =	swait.ge [sflag:s18], $0x4000  }
.Ltmp1:
0x6d: {  	[sflag:s18] =	ssyncset.done $0x0;
	(pc) =	sbr.rel @p0 .LBB2_4-.Ltmp1, $4  }
0x6e: {  	[sflag:s18] =	ssyncadd.s32 $0xFFFFC000  }
0x6f: {  	[spmem:s2] =	stream.indirect.scatter.add.f32 [tilespmem:s17], [sflag:$0x2], $0x80, s16, s16, $0xb8;
	[tilespmem:$0x18100] =	vst v63  }
0x70: {  	_ =	swait.ge [sflag:s15], $0x4000  }
0x71: {  	s21 =	smov.u32 s24;
	[sflag:s15] =	ssyncset.done $0x0  }
0x72: {  	s21 =	sadd.s32 s20, s12;
	[sflag:s15] =	ssyncadd.s32 $0xFFFFC000  }
0x73: {  	[tilespmem:s3], [sflag:$0x2] =	stream.linear.gather [hbm4b:s21+s3], $0x80, $0x38;
	[tilespmem:$0x18100] =	vst v63  }
0x74: {  	_ =	swait.ge [sflag:s15], $0x80  }
0x75: {  	[sflag:s15] =	ssyncset.done $0x0  }
0x76: {  	s31 =	sadd.s32 s20, s13;
	[sflag:s15] =	ssyncadd.s32 $0xFFFFFF80  }
0x77: {  	[tilespmem:s16], [sflag:$0x2] =	stream.linear.gather [hbm4b:s31+s3], $0x80, $0x38;
	[tilespmem:$0x18100] =	vst v63  }
0x78: {  	_ =	swait.ge [sflag:s15], $0x80  }
0x79: {  	[sflag:s15] =	ssyncset.done $0x0  }
0x7a: {  	[sflag:s15] =	ssyncadd.s32 $0xFFFFFF80  }
0x7b: {  	[tilespmem:s17], [sflag:$0x1] =	stream.indirect.gather [hbm4b:s4+s16], $0x80, s3, s16, $0xb8;
	[tilespmem:$0x18100] =	vst v63  }
0x7c: {  	_ =	swait.ge [sflag:s18], $0x4000  }
0x7d: {  	[sflag:s18] =	ssyncset.done $0x0  }
0x7e: {  	[sflag:s18] =	ssyncadd.s32 $0xFFFFC000  }
0x7f: {  	[spmem:s2] =	stream.indirect.scatter.add.f32 [tilespmem:s17], [sflag:$0x2], $0x80, s16, s16, $0xb8;
	[tilespmem:$0x18100] =	vst v63  }
0x80: {  	_ =	swait.ge [sflag:s15], $0x4000  }
0x81: {  	[sflag:s15] =	ssyncset.done $0x0  }
0x82: {  	s19 =	sadd.s32 $0x1, s19;
	[sflag:s15] =	ssyncadd.s32 $0xFFFFC000  }
0x83: {  	p0 =	sne.s32 s19, s9;
	[bflag:$0x0] =	sbarrier.arrive $0xFFFF  }
0x84: {  	[hbm:s8], [sflag:s6] =	dma.local [spmem:s14], $0x2800  }
.Ltmp2:
0x85: {  	_ =	swait.ge [sflag:s15], $0x2800;
	(pc) =	sbr.rel @p0 .LBB2_1-.Ltmp2, $3  }
0x86: {  	[sflag:s15] =	ssyncset.done $0x0  }
0x87: {  	[sflag:s15] =	ssyncadd.s32 $0xFFFFD800  }
0x88: {  	[bflag:$0x0] =	sbarrier.arrive $0xFFFF;
	_ =	sdelay $0x1  }
0x89: {  	_ =	sfence.sel $0x180000  }
0x8a: {  	[bflag:$0x0] =	sbarrier.arrive $0xFFFF  }
0x8b: {  	p0 =	sne.s32 s0, $0x0;
	_ =	strace $0x9000004A  }
0x8c: {  	s0 =	sadd.s32 @!p0 $0x100000, s1;
	[bflag:$0x2] =	sbarrier.arrive $0xFFFF  }
0x8d: {  	[sflag:s0] =	ssyncadd.tile.s32 @!p0 $0x1;
	_ =	shalt  }
.Lfunc_end2:
_tile_overlayer_lowered:
.L_overlay_start_2:
0x8e: {  	(tag) =	ssettag $0x2  }
0x8f: {  	s0 =	rddreg [dreg:$0x0];
	s2 =	stileid.u32  }
0x90: {  	s1 =	rddreg [dreg:$0x1];
	p0 =	sne.s32 s2, $0x0  }
0x91: {  	s3 =	rddreg [dreg:$0x2];
	[bflag:$0x3] =	sbarrier.arrive $0xFFFF;
	s2 =	simm.s32 @!p0 $0x1C02  }
0x92: {  	[timem:s3], [sflag:s2] =	dma.local @!p0 [hbm:s0], s1  }
0x93: {  	s0 =	simm.s32 @!p0 $0x2  }
0x94: {  	_ =	swait.ge @!p0 [sflag:s0], s1  }
0x95: {  	s1 =	ssub.s32 @!p0 $0x0, s1;
	[sflag:s0] =	ssyncset.done @!p0 $0x0  }
0x96: {  	[sflag:s0] =	ssyncadd.s32 @!p0 s1  }
0x97: {  	[bflag:$0x3] =	sbarrier.arrive $0xFFFF  }
0x98: {  	_ =	shalt  }

// kernel: kernel.21.cloned.1.call-start
scs
__scs_entry_jumppad:
0x0: {  	(pc) =	sbr.rel $0x88, $3  }
0x1: {  	(tag) =	ssettag $0x0;
	lr =	simm.s32 $0x1  }
0x2: {  	[smem:$0x3F7D] =	sst lr;
	_ =	strace $0xD0000000  }
0x3: {  	_ = 	snop  }
0x4: {  	_ = 	snop  }
0x5: {  	_ = 	snop  }
0x6: {  	_ = 	snop  }
0x7: {  	_ = 	snop  }
__scs_overlays_trampoline_lowered:
0x8: {  	[smem:$0x3F8C] =	sst s0  }
0x9: {  	[smem:$0x3F8D] =	sst s1  }
0xa: {  	[smem:$0x3F8E] =	sst s2  }
0xb: {  	[smem:$0x3F8F] =	sst s3  }
0xc: {  	[smem:$0x3F90] =	sst s4  }
0xd: {  	[smem:$0x3F91] =	sst s5  }
0xe: {  	[smem:$0x3F92] =	sst s6  }
0xf: {  	[smem:$0x3F93] =	sst s7  }
0x10: {  	[smem:$0x3F94] =	sst s8  }
0x11: {  	[smem:$0x3F95] =	sst s9;
	s0 =	simm.s32 @!p0 $0x0  }
0x12: {  	s1 =	sld [smem:$0x3F7B];
	s0 =	simm.s32 @p0 $0x1  }
0x13: {  	[smem:$0x3F96] =	sst s0;
	s0 =	simm.s32 @!p1 $0x0  }
0x14: {  	s2 =	sld [smem:$0x3F7A];
	s0 =	simm.s32 @p1 $0x1  }
0x15: {  	[smem:$0x3F97] =	sst s0;
	s0 =	simm.s32 @!p2 $0x0  }
0x16: {  	s3 =	sld [smem:$0x3FDB];
	s0 =	simm.s32 @p2 $0x1  }
0x17: {  	s4 =	simm.s32 $0x1BF5;
	[smem:$0x3F99] =	sst s0  }
0x18: {  	s0 =	sld [smem:$0x3F7C];
	_ =	swait.ge [sflag:s4], $0x0  }
0x19: {  	s7 =	sld [smem:$0x3F7D]  }
0x1a: {  	s8 =	sadd.s32 $0xFFFFE003, lr  }
0x1b: {  	s9 =	sadd.s32 $0xFFFFFEF7, lr;
	s5 =	simm.s32 $0xFFFFFFFF;
	p2 =	slt.u32 s8, $0xFFFFF086  }
0x1c: {  	p1 =	slt.u32 s9, $0xF7A;
	s5 =	simm.s32 @!p2 $0x0  }
0x1d: {  	s5 =	simm.s32 @p1 $0x1;
	p0 =	seq.s32 s7, s2  }
0x1e: {  	s7 =	smul.u32 @!p0 $0xF7A, s2;
	p2 =	seq.s32 @!p0 s5, $0x0  }
0x1f: {  	s9 =	smul.u32 $0xF7A, s1;
	s8 =	simm.s32 @!p0 $0x1BF5;
	p2 =	por !p2, p0  }
0x20: {  	[sflag:s8] =	ssyncset.s32 @!p0 $0xFFFFF086;
	s6 =	sadd.s32 @!p0 s3, s7;
	s7 =	simm.s32 @!p0 $0x108  }
0x21: {  	s3 =	sadd.s32 s3, s9;
	s6 =	sadd.s32 @!p0 $0x88, s6;
	s7 =	simm.s32 @p2 $0x1082  }
0x22: {  	[simem:s7], [sflag:s8] =	dma.local @!p0 [hbm:s6], $0xF7A  }
0x23: {  	s9 =	sor.u32 $0xD0000000, s2;
	s6 =	simm.s32 $0x108;
	_ =	swait.ge @!p0 [sflag:s8], $0x0  }
0x24: {  	s3 =	sadd.s32 $0x88, s3;
	s6 =	simm.s32 @!p1 $0x1082;
	[sflag:s4] =	ssyncset.s32 $0xFFFFF086  }
0x25: {  	[simem:s6], [sflag:s4] =	dma.local [hbm:s3], $0xF7A  }
0x26: {  	[smem:$0x3F7D] =	sst s1;
	(tag) =	ssettag s2;
	_ =	strace s9  }
0x27: {  	s1 =	sld [smem:$0x3F8D]  }
0x28: {  	s2 =	sld [smem:$0x3F8E]  }
0x29: {  	s4 =	sld [smem:$0x3F90]  }
0x2a: {  	p0 =	seq.s32 s5, $0x0;
	s5 =	sld [smem:$0x3F91]  }
0x2b: {  	s6 =	sld [smem:$0x3F92]  }
0x2c: {  	s7 =	sld [smem:$0x3F93]  }
0x2d: {  	s3 =	simm.s32 $0x108;
	s8 =	sld [smem:$0x3F94]  }
0x2e: {  	s3 =	simm.s32 @!p0 $0x1082;
	s9 =	sld [smem:$0x3F95]  }
0x2f: {  	lr =	sadd.s32 s0, s3;
	s0 =	sld [smem:$0x3F8C]  }
0x30: {  	s3 =	sld [smem:$0x3F8F]  }
0x31: {  	[smem:$0x3F98] =	sst s10  }
0x32: {  	s10 =	sld [smem:$0x3F96];
	_ =	sdelay $0x3  }
0x33: {  	p0 =	seq.s32 s10, $0x1;
	s10 =	sld [smem:$0x3F98];
	_ =	sdelay $0x3  }
0x34: {  	[smem:$0x3F98] =	sst s10  }
0x35: {  	s10 =	sld [smem:$0x3F97];
	_ =	sdelay $0x3  }
0x36: {  	p1 =	seq.s32 s10, $0x1;
	s10 =	sld [smem:$0x3F98];
	_ =	sdelay $0x3  }
0x37: {  	[smem:$0x3F98] =	sst s10  }
0x38: {  	s10 =	sld [smem:$0x3F99]  }
0x39: {  	_ = 	snop;
	(pc) =	sbr.ind lr, $3  }
0x3a: {  	_ = 	snop  }
0x3b: {  	_ = 	snop  }
0x3c: {  	p2 =	seq.s32 s10, $0x1;
	s10 =	sld [smem:$0x3F98]  }
0x3d: {  	_ =	shalt  }
0x3e: {  	_ =	shalt  }
0x3f: {  	_ =	shalt  }
0x40: {  	_ =	shalt  }
0x41: {  	_ =	shalt  }
0x42: {  	_ =	shalt  }
0x43: {  	_ =	shalt  }
0x44: {  	_ =	shalt  }
0x45: {  	_ =	shalt  }
0x46: {  	_ =	shalt  }
0x47: {  	_ =	shalt  }
0x48: {  	_ =	shalt  }
0x49: {  	_ =	shalt  }
0x4a: {  	_ =	shalt  }
0x4b: {  	_ =	shalt  }
0x4c: {  	_ =	shalt  }
0x4d: {  	_ =	shalt  }
0x4e: {  	_ =	shalt  }
0x4f: {  	_ =	shalt  }
0x50: {  	_ =	shalt  }
0x51: {  	_ =	shalt  }
0x52: {  	_ =	shalt  }
0x53: {  	_ =	shalt  }
0x54: {  	_ =	shalt  }
0x55: {  	_ =	shalt  }
0x56: {  	_ =	shalt  }
0x57: {  	_ =	shalt  }
0x58: {  	_ =	shalt  }
0x59: {  	_ =	shalt  }
0x5a: {  	_ =	shalt  }
0x5b: {  	_ =	shalt  }
0x5c: {  	_ =	shalt  }
0x5d: {  	_ =	shalt  }
0x5e: {  	_ =	shalt  }
0x5f: {  	_ =	shalt  }
0x60: {  	_ =	shalt  }
0x61: {  	_ =	shalt  }
0x62: {  	_ =	shalt  }
0x63: {  	_ =	shalt  }
0x64: {  	_ =	shalt  }
0x65: {  	_ =	shalt  }
0x66: {  	_ =	shalt  }
0x67: {  	_ =	shalt  }
0x68: {  	_ =	shalt  }
0x69: {  	_ =	shalt  }
0x6a: {  	_ =	shalt  }
0x6b: {  	_ =	shalt  }
0x6c: {  	_ =	shalt  }
0x6d: {  	_ =	shalt  }
0x6e: {  	_ =	shalt  }
0x6f: {  	_ =	shalt  }
0x70: {  	_ =	shalt  }
0x71: {  	_ =	shalt  }
0x72: {  	_ =	shalt  }
0x73: {  	_ =	shalt  }
0x74: {  	_ =	shalt  }
0x75: {  	_ =	shalt  }
0x76: {  	_ =	shalt  }
0x77: {  	_ =	shalt  }
0x78: {  	_ =	shalt  }
0x79: {  	_ =	shalt  }
0x7a: {  	_ =	shalt  }
0x7b: {  	_ =	shalt  }
0x7c: {  	_ =	shalt  }
0x7d: {  	_ =	shalt  }
0x7e: {  	_ =	shalt  }
0x7f: {  	_ =	shalt  }
0x80: {  	_ =	shalt  }
0x81: {  	_ =	shalt  }
0x82: {  	_ =	shalt  }
0x83: {  	_ =	shalt  }
0x84: {  	_ =	shalt  }
0x85: {  	_ =	shalt  }
0x86: {  	_ =	shalt  }
0x87: {  	_ =	shalt  }
.Lfunc_end0:
.L_simem_size_0:
called_computation.2_lowered:
.L_overlay_start_0:
0x88: {  	s2 =	sld [smem:$0x3FD9]  }
0x89: {  	s3 =	sld [smem:$0x3FFE];
	_ =	sdelay $0x1  }
0x8a: {  	s1 =	srdreg.scid  }
0x8b: {  	s0 =	sand.u32 $0x1, s1  }
0x8c: {  	s17 =	sshll.u32 s0, $0xA;
	s2 =	sadd.s32 s3, s2  }
0x8d: {  	s2 =	sadd.s32 s2, s17  }
0x8e: {  	[smem:$0x3FA4] =	sst s2  }
0x8f: {  	_ = 	snop  }
0x90: {  	(tm) =	ssettm $0x1  }
0x91: {  	s18 =	sld [smem:$0x3FFB];
	_ =	sdelay $0x3  }
0x92: {  	_ =	strace s18  }
0x93: {  	s2 =	sld [smem:$0x3FFC];
	_ =	sdelay $0x3  }
0x94: {  	_ =	strace s2  }
0x95: {  	s2 =	sld [smem:$0x3FFD];
	_ =	sdelay $0x3  }
0x96: {  	_ =	strace s2  }
0x97: {  	_ =	strace $0x8FFFFFFF  }
0x98: {  	s19 =	sld [smem:$0x3FDB];
	_ =	sdelay $0x1  }
0x99: {  	s20 =	simm.s32 $_scs_section_size  }
0x9a: {  	s4 =	simm.s32 $_size__tile_overlayer_lowered;
	s5 =	simm.s32 $_tile_overlayer_lowered  }
0x9b: {  	s6 =	simm.s32 $0x1BFF;
	s21 =	sshll.u32 s5, $0x1;
	s3 =	sadd.s32 s20, s19  }
0x9c: {  	s22 =	simm.s32 $0x0;
	s4 =	sshll.u32 s4, $0x1;
	s5 =	sadd.s32 s21, s3  }
0x9d: {  	[timem:s22], [sflag:s6] =	dma.local [hbm:s5], s4  }
0x9e: {  	_ =	swait.ge [sflag:s6], s4  }
0x9f: {  	s4 =	ssub.s32 $0x0, s4;
	[sflag:s6] =	ssyncset.done $0x0  }
0xa0: {  	[sflag:s6] =	ssyncadd.s32 s4;
	_ =	sdelay $0x1  }
0xa1: {  	s23 =	simm.s32 $0x1B8B  }
0xa2: {  	_ =	swait.ge [sflag:s23], $0x1  }
0xa3: {  	[sflag:s23] =	ssyncset.done $0x0  }
0xa4: {  	[sflag:s23] =	ssyncadd.s32 $0xFFFFFFFF  }
0xa5: {  	s4 =	sld [smem:$0x0]  }
0xa6: {  	s5 =	sand.u32 $0xFFFFFFFE, s1  }
0xa7: {  	p0 =	sne.s32 s1, s5  }
0xa8: {  	s5 =	sshll.u32 @p0 s5, $0xE  }
0xa9: {  	s5 =	sadd.s32 @p0 $0x11B8D, s5;
	s6 =	sshll.u32 @p0 s4, $0x11  }
0xaa: {  	s5 =	sor.u32 @p0 s6, s5  }
0xab: {  	[sflag:s5] =	ssyncadd.remote.s32 @p0 $0x1;
	_ =	sdelay $0x1  }
0xac: {  	s5 =	simm.s32 @p0 $0x1B8D  }
0xad: {  	_ =	swait.eq @p0 [sflag:s5], $0x1  }
0xae: {  	[sflag:s5] =	ssyncadd.s32 @p0 $0xFFFFFFFF  }
0xaf: {  	s6 =	sshll.u32 @!p0 s1, $0xE  }
0xb0: {  	s6 =	sor.u32 @!p0 $0x4000, s6;
	s5 =	simm.s32 @!p0 $0x1B8D  }
0xb1: {  	s4 =	sshll.u32 @!p0 s4, $0x11;
	s6 =	sadd.s32 @!p0 $0x11B8D, s6;
	_ =	swait.eq @!p0 [sflag:s5], $0x1  }
0xb2: {  	s4 =	sor.u32 @!p0 s4, s6;
	[sflag:s5] =	ssyncadd.s32 @!p0 $0xFFFFFFFF  }
0xb3: {  	s25 =	simm.s32 $0x1B8E;
	s24 =	sld [smem:$0x3FFE];
	[sflag:s4] =	ssyncadd.remote.s32 @!p0 $0x1  }
0xb4: {  	s26 =	simm.s32 $execute0_lowered;
	[smem:$0x3FD2] =	sst s25  }
0xb5: {  	s5 =	sshll.u32 s26, $0x1;
	_ =	strace $0x8000004C;
	[dreg:$0x1] =	wrdreg $0xFFFFFFFF  }
0xb6: {  	s28 =	simm.s32 $_size_execute0_lowered;
	s3 =	sadd.s32 s3, s5;
	[dreg:$0x0] =	wrdreg $0x0  }
0xb7: {  	s5 =	sshll.u32 s28, $0x1;
	[dreg:$0x2] =	wrdreg s3  }
0xb8: {  	[dreg:$0x3] =	wrdreg s5  }
0xb9: {  	[dreg:$0x4] =	wrdreg $0xC0  }
0xba: {  	_ =	task [dreg:s22], $0x5FFFF  }
0xbb: {  	[dreg:$0x1] =	wrdreg $0xFFFFFFFF  }
0xbc: {  	[dreg:$0x0] =	wrdreg $0x60  }
0xbd: {  	[dreg:$0x2] =	wrdreg s24  }
0xbe: {  	[dreg:$0x3] =	wrdreg $0x41000  }
0xbf: {  	[dreg:$0x4] =	wrdreg $0xA  }
0xc0: {  	_ =	task.clear_ibuf [dreg:s22], $0x5FFFF;
	_ =	strace $0x9000004C  }
0xc1: {  	s29 =	simm.s32 $0xA;
	_ =	strace $0x8000004E  }
0xc2: {  	_ =	swait.ge [sflag:s29], $0x1  }
0xc3: {  	[sflag:s29] =	ssyncadd.s32 $0xFFFFFFFF  }
0xc4: {  	_ =	strace $0x9000004E  }
0xc5: {  	_ =	sfence  }
0xc6: {  	s30 =	sld [smem:$0x0];
	_ =	sdelay $0x2  }
0xc7: {  	s31 =	sshll.u32 s1, $0xD;
	s1 =	sshrl.u32 s1, $0x2  }
0xc8: {  	s4 =	sand.u32 $0x4000, s31;
	s1 =	sadd.s32 s1, s30  }
0xc9: {  	s0 =	sor.u32 s4, s0;
	s1 =	sshll.u32 s1, $0x11  }
0xca: {  	s0 =	sor.u32 s1, s0  }
0xcb: {  	s0 =	sadd.s32 $0x8F2B, s0  }
0xcc: {  	[sflag:s0] =	ssyncadd.remote.s32 $0x1  }
0xcd: {  	_ =	sfence.sel $0xFFFF  }
0xce: {  	[dreg:$0x0] =	wrdreg $0xFFFFFFFF;
	(pc) =	sbr.abs _section_cstart, $3  }
0xcf: {  	[dreg:$0x1] =	wrdreg $0xFFFFFFFF  }
0xd0: {  	_ =	task.clear_ibuf [dreg:s22], $0x2FFFF;
	_ =	strace $0x9FFFFFFF  }
0xd1: {  	(tm) =	ssettm $0x7FFFFFFF  }
tec
execute0_lowered:
.L_overlay_start_1:
0x0: {  	(tag) =	ssettag $0x1  }
0x1: {  	s1 =	srdreg.scid  }
0x2: {  	s0 =	stileid.u32;
	s6 =	rddreg [dreg:$0x0]  }
0x3: {  	s2 =	rddreg [dreg:$0x1];
	s4 =	smul.u32 $0x2780, s0  }
0x4: {  	s3 =	simm.s32 $0x0;
	s15 =	simm.s32 $0x2;
	s8 =	smul.u32 $0x4F0, s0  }
0x5: {  	s16 =	simm.s32 $0x80;
	s17 =	simm.s32 $0x100;
	s9 =	smul.u32 $0x280, s0  }
0x6: {  	s18 =	simm.s32 $0x1;
	s5 =	sand.u32 $0x1, s1;
	s26 =	smul.u32 $0x50000, s0  }
0x7: {  	s19 =	simm.s32 $0x0;
	s1 =	rddreg [dreg:$0x2];
	s7 =	smul.u32 $0x27800, s5  }
0x8: {  	[smem:$0x7FF] =	sst s3;
	s31 =	sshll.u32 s0, $0x6;
	s10 =	smul.u32 $0x2800, s5  }
0x9: {  	_ =	strace $0x8000004D;
	s25 =	ssub.s32 $0x2, s5;
	s5 =	sadd.s32 $0x38600, s6  }
0xa: {  	s13 =	sadd.s32 s8, s6;
	s29 =	sshrl.u32 s25, $0x1;
	s30 =	sshrl.u32 s26, $0x2  }
0xb: {  	s7 =	sadd.s32 s7, s4;
	s4 =	sadd.s32 $0xD7200, s6;
	s24 =	sadd.s32 s9, s10  }
0xc: {  	s11 =	ssub.s32 s25, s29;
	s14 =	sadd.s32 s30, s2;
	s7 =	sshrl.u32 s7, $0x3  }
0xd: {  	s9 =	smax.u32 s11, $0x1;
	s12 =	sadd.s32 s7, s6;
	s7 =	sshll.u32 s24, $0x4  }
0xe: {  	s11 =	sadd.s32 $0x29600, s13;
	s13 =	sadd.s32 $0x24600, s13;
	s28 =	sadd.s32 s7, s6  }
0xf: {  	s6 =	sor.u32 $0x1C02, s31;
	s10 =	sadd.s32 $0x6C00, s12;
	s12 =	sadd.s32 $0x10A00, s12  }
0x10: {  	s14 =	sshrl.u32 s14, $0x3;
	s7 =	sadd.s32 $0x2BD400, s28;
	s8 =	sadd.s32 $0x30D400, s28  }
.LBB2_1:
0x11: {  	[spmem:s14], [sflag:s6] =	dma.local [hbm:s5], $0x2800  }
0x12: {  	_ =	swait.ge [sflag:s15], $0x2800  }
0x13: {  	[sflag:s15] =	ssyncset.done $0x0  }
0x14: {  	[sflag:s15] =	ssyncadd.s32 $0xFFFFD800  }
0x15: {  	s20 =	sadd.s32 $0x0, s10;
	[bflag:$0x0] =	sbarrier.arrive $0xFFFF  }
0x16: {  	[tilespmem:s3], [sflag:$0x2] =	stream.linear.gather [hbm4b:s20+s3], $0x80, $0x38;
	[tilespmem:$0x18100] =	vst v63  }
0x17: {  	_ =	swait.ge [sflag:s15], $0x80  }
0x18: {  	[sflag:s15] =	ssyncset.done $0x0  }
0x19: {  	s31 =	sadd.s32 $0x0, s11;
	[sflag:s15] =	ssyncadd.s32 $0xFFFFFF80  }
0x1a: {  	[tilespmem:s16], [sflag:$0x2] =	stream.linear.gather [hbm4b:s31+s3], $0x80, $0x38;
	[tilespmem:$0x18100] =	vst v63  }
0x1b: {  	_ =	swait.ge [sflag:s15], $0x80  }
0x1c: {  	[sflag:s15] =	ssyncset.done $0x0  }
0x1d: {  	[sflag:s15] =	ssyncadd.s32 $0xFFFFFF80  }
0x1e: {  	[tilespmem:s17], [sflag:$0x1] =	stream.indirect.gather [hbm4b:s4+s16], $0x80, s3, s16, $0xb8;
	[tilespmem:$0x18100] =	vst v63  }
0x1f: {  	_ =	swait.ge [sflag:s18], $0x4000  }
0x20: {  	[sflag:s18] =	ssyncset.done $0x0  }
0x21: {  	[sflag:s18] =	ssyncadd.s32 $0xFFFFC000  }
0x22: {  	[spmem:s2] =	stream.indirect.scatter.add.f32 [tilespmem:s17], [sflag:$0x2], $0x80, s16, s16, $0xb8;
	[tilespmem:$0x18100] =	vst v63  }
0x23: {  	_ =	swait.ge [sflag:s15], $0x4000  }
0x24: {  	s21 =	simm.s32 $0x20;
	s20 =	simm.s32 $0x10;
	[sflag:s15] =	ssyncset.done $0x0  }
.LBB2_2:
0x25: {  	s22 =	sadd.s32 s20, s10  }
0x26: {  	[sflag:s15] =	ssyncadd.s32 $0xFFFFC000;
	s23 =	smov.u32 s21;
	s24 =	sadd.s32 $0x10, s21  }
0x27: {  	[tilespmem:s3], [sflag:$0x2] =	stream.linear.gather [hbm4b:s22+s3], $0x80, $0x38;
	[tilespmem:$0x18100] =	vst v63  }
0x28: {  	p0 =	sne.s32 s21, $0x4E0;
	_ =	swait.ge [sflag:s15], $0x80  }
0x29: {  	[sflag:s15] =	ssyncset.done $0x0  }
0x2a: {  	s21 =	sadd.s32 s20, s11;
	s20 =	smov.u32 s23;
	[sflag:s15] =	ssyncadd.s32 $0xFFFFFF80  }
0x2b: {  	[tilespmem:s16], [sflag:$0x2] =	stream.linear.gather [hbm4b:s21+s3], $0x80, $0x38;
	[tilespmem:$0x18100] =	vst v63  }
0x2c: {  	_ =	swait.ge [sflag:s15], $0x80  }
0x2d: {  	[sflag:s15] =	ssyncset.done $0x0  }
0x2e: {  	[sflag:s15] =	ssyncadd.s32 $0xFFFFFF80  }
0x2f: {  	[tilespmem:s17], [sflag:$0x1] =	stream.indirect.gather [hbm4b:s4+s16], $0x80, s3, s16, $0xb8;
	[tilespmem:$0x18100] =	vst v63  }
0x30: {  	_ =	swait.ge [sflag:s18], $0x4000  }
.Ltmp0:
0x31: {  	[sflag:s18] =	ssyncset.done $0x0;
	(pc) =	sbr.rel @p0 .LBB2_2-.Ltmp0, $4  }
0x32: {  	[sflag:s18] =	ssyncadd.s32 $0xFFFFC000  }
0x33: {  	[spmem:s2] =	stream.indirect.scatter.add.f32 [tilespmem:s17], [sflag:$0x2], $0x80, s16, s16, $0xb8;
	[tilespmem:$0x18100] =	vst v63  }
0x34: {  	_ =	swait.ge [sflag:s15], $0x4000  }
0x35: {  	s21 =	smov.u32 s24;
	[sflag:s15] =	ssyncset.done $0x0  }
0x36: {  	s21 =	sadd.s32 s20, s10;
	[sflag:s15] =	ssyncadd.s32 $0xFFFFC000  }
0x37: {  	[tilespmem:s3], [sflag:$0x2] =	stream.linear.gather [hbm4b:s21+s3], $0x80, $0x38;
	[tilespmem:$0x18100] =	vst v63  }
0x38: {  	_ =	swait.ge [sflag:s15], $0x80  }
0x39: {  	[sflag:s15] =	ssyncset.done $0x0  }
0x3a: {  	s29 =	sadd.s32 s20, s11;
	[sflag:s15] =	ssyncadd.s32 $0xFFFFFF80  }
0x3b: {  	[tilespmem:s16], [sflag:$0x2] =	stream.linear.gather [hbm4b:s29+s3], $0x80, $0x38;
	[tilespmem:$0x18100] =	vst v63  }
0x3c: {  	_ =	swait.ge [sflag:s15], $0x80  }
0x3d: {  	[sflag:s15] =	ssyncset.done $0x0  }
0x3e: {  	[sflag:s15] =	ssyncadd.s32 $0xFFFFFF80  }
0x3f: {  	[tilespmem:s17], [sflag:$0x1] =	stream.indirect.gather [hbm4b:s4+s16], $0x80, s3, s16, $0xb8;
	[tilespmem:$0x18100] =	vst v63  }
0x40: {  	_ =	swait.ge [sflag:s18], $0x4000  }
0x41: {  	[sflag:s18] =	ssyncset.done $0x0  }
0x42: {  	[sflag:s18] =	ssyncadd.s32 $0xFFFFC000  }
0x43: {  	[spmem:s2] =	stream.indirect.scatter.add.f32 [tilespmem:s17], [sflag:$0x2], $0x80, s16, s16, $0xb8;
	[tilespmem:$0x18100] =	vst v63  }
0x44: {  	_ =	swait.ge [sflag:s15], $0x4000  }
0x45: {  	[sflag:s15] =	ssyncset.done $0x0  }
0x46: {  	[sflag:s15] =	ssyncadd.s32 $0xFFFFC000  }
0x47: {  	[bflag:$0x0] =	sbarrier.arrive $0xFFFF  }
0x48: {  	[hbm:s7], [sflag:s6] =	dma.local [spmem:s14], $0x2800  }
0x49: {  	_ =	swait.ge [sflag:s15], $0x2800  }
0x4a: {  	[sflag:s15] =	ssyncset.done $0x0  }
0x4b: {  	[sflag:s15] =	ssyncadd.s32 $0xFFFFD800  }
0x4c: {  	[bflag:$0x0] =	sbarrier.arrive $0xFFFF  }
0x4d: {  	[spmem:s14], [sflag:s6] =	dma.local [hbm:s5], $0x2800  }
0x4e: {  	_ =	swait.ge [sflag:s15], $0x2800  }
0x4f: {  	[sflag:s15] =	ssyncset.done $0x0  }
0x50: {  	[sflag:s15] =	ssyncadd.s32 $0xFFFFD800  }
0x51: {  	s30 =	sadd.s32 $0x0, s12;
	[bflag:$0x0] =	sbarrier.arrive $0xFFFF  }
0x52: {  	[tilespmem:s3], [sflag:$0x2] =	stream.linear.gather [hbm4b:s30+s3], $0x80, $0x38;
	[tilespmem:$0x18100] =	vst v63  }
0x53: {  	_ =	swait.ge [sflag:s15], $0x80  }
0x54: {  	[sflag:s15] =	ssyncset.done $0x0  }
0x55: {  	s31 =	sadd.s32 $0x0, s13;
	[sflag:s15] =	ssyncadd.s32 $0xFFFFFF80  }
0x56: {  	[tilespmem:s16], [sflag:$0x2] =	stream.linear.gather [hbm4b:s31+s3], $0x80, $0x38;
	[tilespmem:$0x18100] =	vst v63  }
0x57: {  	_ =	swait.ge [sflag:s15], $0x80  }
0x58: {  	[sflag:s15] =	ssyncset.done $0x0  }
0x59: {  	[sflag:s15] =	ssyncadd.s32 $0xFFFFFF80  }
0x5a: {  	[tilespmem:s17], [sflag:$0x1] =	stream.indirect.gather [hbm4b:s4+s16], $0x80, s3, s16, $0xb8;
	[tilespmem:$0x18100] =	vst v63  }
0x5b: {  	_ =	swait.ge [sflag:s18], $0x4000  }
0x5c: {  	[sflag:s18] =	ssyncset.done $0x0  }
0x5d: {  	[sflag:s18] =	ssyncadd.s32 $0xFFFFC000  }
0x5e: {  	[spmem:s2] =	stream.indirect.scatter.add.f32 [tilespmem:s17], [sflag:$0x2], $0x80, s16, s16, $0xb8;
	[tilespmem:$0x18100] =	vst v63  }
0x5f: {  	_ =	swait.ge [sflag:s15], $0x4000  }
0x60: {  	s20 =	simm.s32 $0x10;
	s21 =	simm.s32 $0x20;
	[sflag:s15] =	ssyncset.done $0x0  }
.LBB2_4:
0x61: {  	s22 =	sadd.s32 s20, s12  }
0x62: {  	[sflag:s15] =	ssyncadd.s32 $0xFFFFC000;
	s23 =	smov.u32 s21;
	s24 =	sadd.s32 $0x10, s21  }
0x63: {  	[tilespmem:s3], [sflag:$0x2] =	stream.linear.gather [hbm4b:s22+s3], $0x80, $0x38;
	[tilespmem:$0x18100] =	vst v63  }
0x64: {  	p0 =	sne.s32 s21, $0x4E0;
	_ =	swait.ge [sflag:s15], $0x80  }
0x65: {  	[sflag:s15] =	ssyncset.done $0x0  }
0x66: {  	s21 =	sadd.s32 s20, s13;
	s20 =	smov.u32 s23;
	[sflag:s15] =	ssyncadd.s32 $0xFFFFFF80  }
0x67: {  	[tilespmem:s16], [sflag:$0x2] =	stream.linear.gather [hbm4b:s21+s3], $0x80, $0x38;
	[tilespmem:$0x18100] =	vst v63  }
0x68: {  	_ =	swait.ge [sflag:s15], $0x80  }
0x69: {  	[sflag:s15] =	ssyncset.done $0x0  }
0x6a: {  	[sflag:s15] =	ssyncadd.s32 $0xFFFFFF80  }
0x6b: {  	[tilespmem:s17], [sflag:$0x1] =	stream.indirect.gather [hbm4b:s4+s16], $0x80, s3, s16, $0xb8;
	[tilespmem:$0x18100] =	vst v63  }
0x6c: {  	_ =	swait.ge [sflag:s18], $0x4000  }
.Ltmp1:
0x6d: {  	[sflag:s18] =	ssyncset.done $0x0;
	(pc) =	sbr.rel @p0 .LBB2_4-.Ltmp1, $4  }
0x6e: {  	[sflag:s18] =	ssyncadd.s32 $0xFFFFC000  }
0x6f: {  	[spmem:s2] =	stream.indirect.scatter.add.f32 [tilespmem:s17], [sflag:$0x2], $0x80, s16, s16, $0xb8;
	[tilespmem:$0x18100] =	vst v63  }
0x70: {  	_ =	swait.ge [sflag:s15], $0x4000  }
0x71: {  	s21 =	smov.u32 s24;
	[sflag:s15] =	ssyncset.done $0x0  }
0x72: {  	s21 =	sadd.s32 s20, s12;
	[sflag:s15] =	ssyncadd.s32 $0xFFFFC000  }
0x73: {  	[tilespmem:s3], [sflag:$0x2] =	stream.linear.gather [hbm4b:s21+s3], $0x80, $0x38;
	[tilespmem:$0x18100] =	vst v63  }
0x74: {  	_ =	swait.ge [sflag:s15], $0x80  }
0x75: {  	[sflag:s15] =	ssyncset.done $0x0  }
0x76: {  	s31 =	sadd.s32 s20, s13;
	[sflag:s15] =	ssyncadd.s32 $0xFFFFFF80  }
0x77: {  	[tilespmem:s16], [sflag:$0x2] =	stream.linear.gather [hbm4b:s31+s3], $0x80, $0x38;
	[tilespmem:$0x18100] =	vst v63  }
0x78: {  	_ =	swait.ge [sflag:s15], $0x80  }
0x79: {  	[sflag:s15] =	ssyncset.done $0x0  }
0x7a: {  	[sflag:s15] =	ssyncadd.s32 $0xFFFFFF80  }
0x7b: {  	[tilespmem:s17], [sflag:$0x1] =	stream.indirect.gather [hbm4b:s4+s16], $0x80, s3, s16, $0xb8;
	[tilespmem:$0x18100] =	vst v63  }
0x7c: {  	_ =	swait.ge [sflag:s18], $0x4000  }
0x7d: {  	[sflag:s18] =	ssyncset.done $0x0  }
0x7e: {  	[sflag:s18] =	ssyncadd.s32 $0xFFFFC000  }
0x7f: {  	[spmem:s2] =	stream.indirect.scatter.add.f32 [tilespmem:s17], [sflag:$0x2], $0x80, s16, s16, $0xb8;
	[tilespmem:$0x18100] =	vst v63  }
0x80: {  	_ =	swait.ge [sflag:s15], $0x4000  }
0x81: {  	[sflag:s15] =	ssyncset.done $0x0  }
0x82: {  	s19 =	sadd.s32 $0x1, s19;
	[sflag:s15] =	ssyncadd.s32 $0xFFFFC000  }
0x83: {  	p0 =	sne.s32 s19, s9;
	[bflag:$0x0] =	sbarrier.arrive $0xFFFF  }
0x84: {  	[hbm:s8], [sflag:s6] =	dma.local [spmem:s14], $0x2800  }
.Ltmp2:
0x85: {  	_ =	swait.ge [sflag:s15], $0x2800;
	(pc) =	sbr.rel @p0 .LBB2_1-.Ltmp2, $3  }
0x86: {  	[sflag:s15] =	ssyncset.done $0x0  }
0x87: {  	[sflag:s15] =	ssyncadd.s32 $0xFFFFD800  }
0x88: {  	[bflag:$0x0] =	sbarrier.arrive $0xFFFF;
	_ =	sdelay $0x1  }
0x89: {  	_ =	sfence.sel $0x180000  }
0x8a: {  	[bflag:$0x0] =	sbarrier.arrive $0xFFFF  }
0x8b: {  	p0 =	sne.s32 s0, $0x0;
	_ =	strace $0x9000004D  }
0x8c: {  	s0 =	sadd.s32 @!p0 $0x100000, s1;
	[bflag:$0x2] =	sbarrier.arrive $0xFFFF  }
0x8d: {  	[sflag:s0] =	ssyncadd.tile.s32 @!p0 $0x1;
	_ =	shalt  }
.Lfunc_end2:
_tile_overlayer_lowered:
.L_overlay_start_2:
0x8e: {  	(tag) =	ssettag $0x2  }
0x8f: {  	s0 =	rddreg [dreg:$0x0];
	s2 =	stileid.u32  }
0x90: {  	s1 =	rddreg [dreg:$0x1];
	p0 =	sne.s32 s2, $0x0  }
0x91: {  	s3 =	rddreg [dreg:$0x2];
	[bflag:$0x3] =	sbarrier.arrive $0xFFFF;
	s2 =	simm.s32 @!p0 $0x1C02  }
0x92: {  	[timem:s3], [sflag:s2] =	dma.local @!p0 [hbm:s0], s1  }
0x93: {  	s0 =	simm.s32 @!p0 $0x2  }
0x94: {  	_ =	swait.ge @!p0 [sflag:s0], s1  }
0x95: {  	s1 =	ssub.s32 @!p0 $0x0, s1;
	[sflag:s0] =	ssyncset.done @!p0 $0x0  }
0x96: {  	[sflag:s0] =	ssyncadd.s32 @!p0 s1  }
0x97: {  	[bflag:$0x3] =	sbarrier.arrive $0xFFFF  }
0x98: {  	_ =	shalt  }

// kernel: kernel.24.cloned.1.call-start
scs
__scs_entry_jumppad:
0x0: {  	(pc) =	sbr.rel $0x88, $3  }
0x1: {  	(tag) =	ssettag $0x0;
	lr =	simm.s32 $0x1  }
0x2: {  	[smem:$0x3F7D] =	sst lr;
	_ =	strace $0xD0000000  }
0x3: {  	_ = 	snop  }
0x4: {  	_ = 	snop  }
0x5: {  	_ = 	snop  }
0x6: {  	_ = 	snop  }
0x7: {  	_ = 	snop  }
__scs_overlays_trampoline_lowered:
0x8: {  	[smem:$0x3F8C] =	sst s0  }
0x9: {  	[smem:$0x3F8D] =	sst s1  }
0xa: {  	[smem:$0x3F8E] =	sst s2  }
0xb: {  	[smem:$0x3F8F] =	sst s3  }
0xc: {  	[smem:$0x3F90] =	sst s4  }
0xd: {  	[smem:$0x3F91] =	sst s5  }
0xe: {  	[smem:$0x3F92] =	sst s6  }
0xf: {  	[smem:$0x3F93] =	sst s7  }
0x10: {  	[smem:$0x3F94] =	sst s8  }
0x11: {  	[smem:$0x3F95] =	sst s9;
	s0 =	simm.s32 @!p0 $0x0  }
0x12: {  	s1 =	sld [smem:$0x3F7B];
	s0 =	simm.s32 @p0 $0x1  }
0x13: {  	[smem:$0x3F96] =	sst s0;
	s0 =	simm.s32 @!p1 $0x0  }
0x14: {  	s2 =	sld [smem:$0x3F7A];
	s0 =	simm.s32 @p1 $0x1  }
0x15: {  	[smem:$0x3F97] =	sst s0;
	s0 =	simm.s32 @!p2 $0x0  }
0x16: {  	s3 =	sld [smem:$0x3FDB];
	s0 =	simm.s32 @p2 $0x1  }
0x17: {  	s4 =	simm.s32 $0x1BF5;
	[smem:$0x3F99] =	sst s0  }
0x18: {  	s0 =	sld [smem:$0x3F7C];
	_ =	swait.ge [sflag:s4], $0x0  }
0x19: {  	s7 =	sld [smem:$0x3F7D]  }
0x1a: {  	s8 =	sadd.s32 $0xFFFFE003, lr  }
0x1b: {  	s9 =	sadd.s32 $0xFFFFFEF7, lr;
	s5 =	simm.s32 $0xFFFFFFFF;
	p2 =	slt.u32 s8, $0xFFFFF086  }
0x1c: {  	p1 =	slt.u32 s9, $0xF7A;
	s5 =	simm.s32 @!p2 $0x0  }
0x1d: {  	s5 =	simm.s32 @p1 $0x1;
	p0 =	seq.s32 s7, s2  }
0x1e: {  	s7 =	smul.u32 @!p0 $0xF7A, s2;
	p2 =	seq.s32 @!p0 s5, $0x0  }
0x1f: {  	s9 =	smul.u32 $0xF7A, s1;
	s8 =	simm.s32 @!p0 $0x1BF5;
	p2 =	por !p2, p0  }
0x20: {  	[sflag:s8] =	ssyncset.s32 @!p0 $0xFFFFF086;
	s6 =	sadd.s32 @!p0 s3, s7;
	s7 =	simm.s32 @!p0 $0x108  }
0x21: {  	s3 =	sadd.s32 s3, s9;
	s6 =	sadd.s32 @!p0 $0x88, s6;
	s7 =	simm.s32 @p2 $0x1082  }
0x22: {  	[simem:s7], [sflag:s8] =	dma.local @!p0 [hbm:s6], $0xF7A  }
0x23: {  	s9 =	sor.u32 $0xD0000000, s2;
	s6 =	simm.s32 $0x108;
	_ =	swait.ge @!p0 [sflag:s8], $0x0  }
0x24: {  	s3 =	sadd.s32 $0x88, s3;
	s6 =	simm.s32 @!p1 $0x1082;
	[sflag:s4] =	ssyncset.s32 $0xFFFFF086  }
0x25: {  	[simem:s6], [sflag:s4] =	dma.local [hbm:s3], $0xF7A  }
0x26: {  	[smem:$0x3F7D] =	sst s1;
	(tag) =	ssettag s2;
	_ =	strace s9  }
0x27: {  	s1 =	sld [smem:$0x3F8D]  }
0x28: {  	s2 =	sld [smem:$0x3F8E]  }
0x29: {  	s4 =	sld [smem:$0x3F90]  }
0x2a: {  	p0 =	seq.s32 s5, $0x0;
	s5 =	sld [smem:$0x3F91]  }
0x2b: {  	s6 =	sld [smem:$0x3F92]  }
0x2c: {  	s7 =	sld [smem:$0x3F93]  }
0x2d: {  	s3 =	simm.s32 $0x108;
	s8 =	sld [smem:$0x3F94]  }
0x2e: {  	s3 =	simm.s32 @!p0 $0x1082;
	s9 =	sld [smem:$0x3F95]  }
0x2f: {  	lr =	sadd.s32 s0, s3;
	s0 =	sld [smem:$0x3F8C]  }
0x30: {  	s3 =	sld [smem:$0x3F8F]  }
0x31: {  	[smem:$0x3F98] =	sst s10  }
0x32: {  	s10 =	sld [smem:$0x3F96];
	_ =	sdelay $0x3  }
0x33: {  	p0 =	seq.s32 s10, $0x1;
	s10 =	sld [smem:$0x3F98];
	_ =	sdelay $0x3  }
0x34: {  	[smem:$0x3F98] =	sst s10  }
0x35: {  	s10 =	sld [smem:$0x3F97];
	_ =	sdelay $0x3  }
0x36: {  	p1 =	seq.s32 s10, $0x1;
	s10 =	sld [smem:$0x3F98];
	_ =	sdelay $0x3  }
0x37: {  	[smem:$0x3F98] =	sst s10  }
0x38: {  	s10 =	sld [smem:$0x3F99]  }
0x39: {  	_ = 	snop;
	(pc) =	sbr.ind lr, $3  }
0x3a: {  	_ = 	snop  }
0x3b: {  	_ = 	snop  }
0x3c: {  	p2 =	seq.s32 s10, $0x1;
	s10 =	sld [smem:$0x3F98]  }
0x3d: {  	_ =	shalt  }
0x3e: {  	_ =	shalt  }
0x3f: {  	_ =	shalt  }
0x40: {  	_ =	shalt  }
0x41: {  	_ =	shalt  }
0x42: {  	_ =	shalt  }
0x43: {  	_ =	shalt  }
0x44: {  	_ =	shalt  }
0x45: {  	_ =	shalt  }
0x46: {  	_ =	shalt  }
0x47: {  	_ =	shalt  }
0x48: {  	_ =	shalt  }
0x49: {  	_ =	shalt  }
0x4a: {  	_ =	shalt  }
0x4b: {  	_ =	shalt  }
0x4c: {  	_ =	shalt  }
0x4d: {  	_ =	shalt  }
0x4e: {  	_ =	shalt  }
0x4f: {  	_ =	shalt  }
0x50: {  	_ =	shalt  }
0x51: {  	_ =	shalt  }
0x52: {  	_ =	shalt  }
0x53: {  	_ =	shalt  }
0x54: {  	_ =	shalt  }
0x55: {  	_ =	shalt  }
0x56: {  	_ =	shalt  }
0x57: {  	_ =	shalt  }
0x58: {  	_ =	shalt  }
0x59: {  	_ =	shalt  }
0x5a: {  	_ =	shalt  }
0x5b: {  	_ =	shalt  }
0x5c: {  	_ =	shalt  }
0x5d: {  	_ =	shalt  }
0x5e: {  	_ =	shalt  }
0x5f: {  	_ =	shalt  }
0x60: {  	_ =	shalt  }
0x61: {  	_ =	shalt  }
0x62: {  	_ =	shalt  }
0x63: {  	_ =	shalt  }
0x64: {  	_ =	shalt  }
0x65: {  	_ =	shalt  }
0x66: {  	_ =	shalt  }
0x67: {  	_ =	shalt  }
0x68: {  	_ =	shalt  }
0x69: {  	_ =	shalt  }
0x6a: {  	_ =	shalt  }
0x6b: {  	_ =	shalt  }
0x6c: {  	_ =	shalt  }
0x6d: {  	_ =	shalt  }
0x6e: {  	_ =	shalt  }
0x6f: {  	_ =	shalt  }
0x70: {  	_ =	shalt  }
0x71: {  	_ =	shalt  }
0x72: {  	_ =	shalt  }
0x73: {  	_ =	shalt  }
0x74: {  	_ =	shalt  }
0x75: {  	_ =	shalt  }
0x76: {  	_ =	shalt  }
0x77: {  	_ =	shalt  }
0x78: {  	_ =	shalt  }
0x79: {  	_ =	shalt  }
0x7a: {  	_ =	shalt  }
0x7b: {  	_ =	shalt  }
0x7c: {  	_ =	shalt  }
0x7d: {  	_ =	shalt  }
0x7e: {  	_ =	shalt  }
0x7f: {  	_ =	shalt  }
0x80: {  	_ =	shalt  }
0x81: {  	_ =	shalt  }
0x82: {  	_ =	shalt  }
0x83: {  	_ =	shalt  }
0x84: {  	_ =	shalt  }
0x85: {  	_ =	shalt  }
0x86: {  	_ =	shalt  }
0x87: {  	_ =	shalt  }
.Lfunc_end0:
.L_simem_size_0:
called_computation.3_lowered:
.L_overlay_start_0:
0x88: {  	s2 =	sld [smem:$0x3FD9]  }
0x89: {  	s3 =	sld [smem:$0x3FFE];
	_ =	sdelay $0x1  }
0x8a: {  	s1 =	srdreg.scid  }
0x8b: {  	s0 =	sand.u32 $0x1, s1  }
0x8c: {  	s17 =	sshll.u32 s0, $0xA;
	s2 =	sadd.s32 s3, s2  }
0x8d: {  	s2 =	sadd.s32 s2, s17  }
0x8e: {  	[smem:$0x3FA4] =	sst s2  }
0x8f: {  	_ = 	snop  }
0x90: {  	(tm) =	ssettm $0x1  }
0x91: {  	s18 =	sld [smem:$0x3FFB];
	_ =	sdelay $0x3  }
0x92: {  	_ =	strace s18  }
0x93: {  	s2 =	sld [smem:$0x3FFC];
	_ =	sdelay $0x3  }
0x94: {  	_ =	strace s2  }
0x95: {  	s2 =	sld [smem:$0x3FFD];
	_ =	sdelay $0x3  }
0x96: {  	_ =	strace s2  }
0x97: {  	_ =	strace $0x8FFFFFFF  }
0x98: {  	s19 =	sld [smem:$0x3FDB];
	_ =	sdelay $0x1  }
0x99: {  	s20 =	simm.s32 $_scs_section_size  }
0x9a: {  	s4 =	simm.s32 $_size__tile_overlayer_lowered;
	s5 =	simm.s32 $_tile_overlayer_lowered  }
0x9b: {  	s6 =	simm.s32 $0x1BFF;
	s21 =	sshll.u32 s5, $0x1;
	s3 =	sadd.s32 s20, s19  }
0x9c: {  	s22 =	simm.s32 $0x0;
	s4 =	sshll.u32 s4, $0x1;
	s5 =	sadd.s32 s21, s3  }
0x9d: {  	[timem:s22], [sflag:s6] =	dma.local [hbm:s5], s4  }
0x9e: {  	_ =	swait.ge [sflag:s6], s4  }
0x9f: {  	s4 =	ssub.s32 $0x0, s4;
	[sflag:s6] =	ssyncset.done $0x0  }
0xa0: {  	[sflag:s6] =	ssyncadd.s32 s4;
	_ =	sdelay $0x1  }
0xa1: {  	s23 =	simm.s32 $0x1B8B  }
0xa2: {  	_ =	swait.ge [sflag:s23], $0x1  }
0xa3: {  	[sflag:s23] =	ssyncset.done $0x0  }
0xa4: {  	[sflag:s23] =	ssyncadd.s32 $0xFFFFFFFF  }
0xa5: {  	s4 =	sld [smem:$0x0]  }
0xa6: {  	s5 =	sand.u32 $0xFFFFFFFE, s1  }
0xa7: {  	p0 =	sne.s32 s1, s5  }
0xa8: {  	s5 =	sshll.u32 @p0 s5, $0xE  }
0xa9: {  	s5 =	sadd.s32 @p0 $0x11B8D, s5;
	s6 =	sshll.u32 @p0 s4, $0x11  }
0xaa: {  	s5 =	sor.u32 @p0 s6, s5  }
0xab: {  	[sflag:s5] =	ssyncadd.remote.s32 @p0 $0x1;
	_ =	sdelay $0x1  }
0xac: {  	s5 =	simm.s32 @p0 $0x1B8D  }
0xad: {  	_ =	swait.eq @p0 [sflag:s5], $0x1  }
0xae: {  	[sflag:s5] =	ssyncadd.s32 @p0 $0xFFFFFFFF  }
0xaf: {  	s6 =	sshll.u32 @!p0 s1, $0xE  }
0xb0: {  	s6 =	sor.u32 @!p0 $0x4000, s6;
	s5 =	simm.s32 @!p0 $0x1B8D  }
0xb1: {  	s4 =	sshll.u32 @!p0 s4, $0x11;
	s6 =	sadd.s32 @!p0 $0x11B8D, s6;
	_ =	swait.eq @!p0 [sflag:s5], $0x1  }
0xb2: {  	s4 =	sor.u32 @!p0 s4, s6;
	[sflag:s5] =	ssyncadd.s32 @!p0 $0xFFFFFFFF  }
0xb3: {  	s25 =	simm.s32 $0x1B8E;
	s24 =	sld [smem:$0x3FFE];
	[sflag:s4] =	ssyncadd.remote.s32 @!p0 $0x1  }
0xb4: {  	s26 =	simm.s32 $execute0_lowered;
	[smem:$0x3FD2] =	sst s25  }
0xb5: {  	s5 =	sshll.u32 s26, $0x1;
	_ =	strace $0x80000052;
	[dreg:$0x1] =	wrdreg $0xFFFFFFFF  }
0xb6: {  	s28 =	simm.s32 $_size_execute0_lowered;
	s3 =	sadd.s32 s3, s5;
	[dreg:$0x0] =	wrdreg $0x0  }
0xb7: {  	s5 =	sshll.u32 s28, $0x1;
	[dreg:$0x2] =	wrdreg s3  }
0xb8: {  	[dreg:$0x3] =	wrdreg s5  }
0xb9: {  	[dreg:$0x4] =	wrdreg $0xC0  }
0xba: {  	_ =	task [dreg:s22], $0x5FFFF  }
0xbb: {  	[dreg:$0x1] =	wrdreg $0xFFFFFFFF  }
0xbc: {  	[dreg:$0x0] =	wrdreg $0x60  }
0xbd: {  	[dreg:$0x2] =	wrdreg s24  }
0xbe: {  	[dreg:$0x3] =	wrdreg $0x41000  }
0xbf: {  	[dreg:$0x4] =	wrdreg $0x9  }
0xc0: {  	_ =	task.clear_ibuf [dreg:s22], $0x5FFFF;
	_ =	strace $0x90000052  }
0xc1: {  	s29 =	simm.s32 $0x9;
	_ =	strace $0x80000054  }
0xc2: {  	_ =	swait.ge [sflag:s29], $0x1  }
0xc3: {  	[sflag:s29] =	ssyncadd.s32 $0xFFFFFFFF  }
0xc4: {  	_ =	strace $0x90000054  }
0xc5: {  	_ =	sfence  }
0xc6: {  	s30 =	sld [smem:$0x0];
	_ =	sdelay $0x2  }
0xc7: {  	s31 =	sshll.u32 s1, $0xD;
	s1 =	sshrl.u32 s1, $0x2  }
0xc8: {  	s4 =	sand.u32 $0x4000, s31;
	s1 =	sadd.s32 s1, s30  }
0xc9: {  	s0 =	sor.u32 s4, s0;
	s1 =	sshll.u32 s1, $0x11  }
0xca: {  	s0 =	sor.u32 s1, s0  }
0xcb: {  	s0 =	sadd.s32 $0x8F2B, s0  }
0xcc: {  	[sflag:s0] =	ssyncadd.remote.s32 $0x1  }
0xcd: {  	_ =	sfence.sel $0xFFFF  }
0xce: {  	[dreg:$0x0] =	wrdreg $0xFFFFFFFF;
	(pc) =	sbr.abs _section_cstart, $3  }
0xcf: {  	[dreg:$0x1] =	wrdreg $0xFFFFFFFF  }
0xd0: {  	_ =	task.clear_ibuf [dreg:s22], $0x2FFFF;
	_ =	strace $0x9FFFFFFF  }
0xd1: {  	(tm) =	ssettm $0x7FFFFFFF  }
tec
execute0_lowered:
.L_overlay_start_1:
0x0: {  	(tag) =	ssettag $0x1  }
0x1: {  	s1 =	srdreg.scid  }
0x2: {  	s0 =	stileid.u32;
	s6 =	rddreg [dreg:$0x0]  }
0x3: {  	s2 =	rddreg [dreg:$0x1];
	s4 =	smul.u32 $0x2780, s0  }
0x4: {  	s3 =	simm.s32 $0x0;
	s15 =	simm.s32 $0x2;
	s8 =	smul.u32 $0x4F0, s0  }
0x5: {  	s16 =	simm.s32 $0x80;
	s17 =	simm.s32 $0x100;
	s9 =	smul.u32 $0x280, s0  }
0x6: {  	s18 =	simm.s32 $0x1;
	s5 =	sand.u32 $0x1, s1;
	s26 =	smul.u32 $0x50000, s0  }
0x7: {  	s19 =	simm.s32 $0x0;
	s1 =	rddreg [dreg:$0x2];
	s7 =	smul.u32 $0x27800, s5  }
0x8: {  	[smem:$0x7FF] =	sst s3;
	s31 =	sshll.u32 s0, $0x6;
	s10 =	smul.u32 $0x2800, s5  }
0x9: {  	_ =	strace $0x80000053;
	s25 =	ssub.s32 $0x2, s5;
	s5 =	sadd.s32 $0x38600, s6  }
0xa: {  	s13 =	sadd.s32 s8, s6;
	s29 =	sshrl.u32 s25, $0x1;
	s30 =	sshrl.u32 s26, $0x2  }
0xb: {  	s7 =	sadd.s32 s7, s4;
	s4 =	sadd.s32 $0x8AE00, s6;
	s24 =	sadd.s32 s9, s10  }
0xc: {  	s11 =	ssub.s32 s25, s29;
	s14 =	sadd.s32 s30, s2;
	s7 =	sshrl.u32 s7, $0x3  }
0xd: {  	s9 =	smax.u32 s11, $0x1;
	s12 =	sadd.s32 s7, s6;
	s7 =	sshll.u32 s24, $0x4  }
0xe: {  	s11 =	sadd.s32 $0x29600, s13;
	s13 =	sadd.s32 $0x24600, s13;
	s28 =	sadd.s32 s7, s6  }
0xf: {  	s6 =	sor.u32 $0x1C02, s31;
	s10 =	sadd.s32 $0x6C00, s12;
	s12 =	sadd.s32 $0x10A00, s12  }
0x10: {  	s14 =	sshrl.u32 s14, $0x3;
	s7 =	sadd.s32 $0x21D400, s28;
	s8 =	sadd.s32 $0x26D400, s28  }
.LBB2_1:
0x11: {  	[spmem:s14], [sflag:s6] =	dma.local [hbm:s5], $0x2800  }
0x12: {  	_ =	swait.ge [sflag:s15], $0x2800  }
0x13: {  	[sflag:s15] =	ssyncset.done $0x0  }
0x14: {  	[sflag:s15] =	ssyncadd.s32 $0xFFFFD800  }
0x15: {  	s20 =	sadd.s32 $0x0, s10;
	[bflag:$0x0] =	sbarrier.arrive $0xFFFF  }
0x16: {  	[tilespmem:s3], [sflag:$0x2] =	stream.linear.gather [hbm4b:s20+s3], $0x80, $0x38;
	[tilespmem:$0x18100] =	vst v63  }
0x17: {  	_ =	swait.ge [sflag:s15], $0x80  }
0x18: {  	[sflag:s15] =	ssyncset.done $0x0  }
0x19: {  	s31 =	sadd.s32 $0x0, s11;
	[sflag:s15] =	ssyncadd.s32 $0xFFFFFF80  }
0x1a: {  	[tilespmem:s16], [sflag:$0x2] =	stream.linear.gather [hbm4b:s31+s3], $0x80, $0x38;
	[tilespmem:$0x18100] =	vst v63  }
0x1b: {  	_ =	swait.ge [sflag:s15], $0x80  }
0x1c: {  	[sflag:s15] =	ssyncset.done $0x0  }
0x1d: {  	[sflag:s15] =	ssyncadd.s32 $0xFFFFFF80  }
0x1e: {  	[tilespmem:s17], [sflag:$0x1] =	stream.indirect.gather [hbm4b:s4+s16], $0x80, s3, s16, $0xb8;
	[tilespmem:$0x18100] =	vst v63  }
0x1f: {  	_ =	swait.ge [sflag:s18], $0x4000  }
0x20: {  	[sflag:s18] =	ssyncset.done $0x0  }
0x21: {  	[sflag:s18] =	ssyncadd.s32 $0xFFFFC000  }
0x22: {  	[spmem:s2] =	stream.indirect.scatter.add.f32 [tilespmem:s17], [sflag:$0x2], $0x80, s16, s16, $0xb8;
	[tilespmem:$0x18100] =	vst v63  }
0x23: {  	_ =	swait.ge [sflag:s15], $0x4000  }
0x24: {  	s21 =	simm.s32 $0x20;
	s20 =	simm.s32 $0x10;
	[sflag:s15] =	ssyncset.done $0x0  }
.LBB2_2:
0x25: {  	s22 =	sadd.s32 s20, s10  }
0x26: {  	[sflag:s15] =	ssyncadd.s32 $0xFFFFC000;
	s23 =	smov.u32 s21;
	s24 =	sadd.s32 $0x10, s21  }
0x27: {  	[tilespmem:s3], [sflag:$0x2] =	stream.linear.gather [hbm4b:s22+s3], $0x80, $0x38;
	[tilespmem:$0x18100] =	vst v63  }
0x28: {  	p0 =	sne.s32 s21, $0x4E0;
	_ =	swait.ge [sflag:s15], $0x80  }
0x29: {  	[sflag:s15] =	ssyncset.done $0x0  }
0x2a: {  	s21 =	sadd.s32 s20, s11;
	s20 =	smov.u32 s23;
	[sflag:s15] =	ssyncadd.s32 $0xFFFFFF80  }
0x2b: {  	[tilespmem:s16], [sflag:$0x2] =	stream.linear.gather [hbm4b:s21+s3], $0x80, $0x38;
	[tilespmem:$0x18100] =	vst v63  }
0x2c: {  	_ =	swait.ge [sflag:s15], $0x80  }
0x2d: {  	[sflag:s15] =	ssyncset.done $0x0  }
0x2e: {  	[sflag:s15] =	ssyncadd.s32 $0xFFFFFF80  }
0x2f: {  	[tilespmem:s17], [sflag:$0x1] =	stream.indirect.gather [hbm4b:s4+s16], $0x80, s3, s16, $0xb8;
	[tilespmem:$0x18100] =	vst v63  }
0x30: {  	_ =	swait.ge [sflag:s18], $0x4000  }
.Ltmp0:
0x31: {  	[sflag:s18] =	ssyncset.done $0x0;
	(pc) =	sbr.rel @p0 .LBB2_2-.Ltmp0, $4  }
0x32: {  	[sflag:s18] =	ssyncadd.s32 $0xFFFFC000  }
0x33: {  	[spmem:s2] =	stream.indirect.scatter.add.f32 [tilespmem:s17], [sflag:$0x2], $0x80, s16, s16, $0xb8;
	[tilespmem:$0x18100] =	vst v63  }
0x34: {  	_ =	swait.ge [sflag:s15], $0x4000  }
0x35: {  	s21 =	smov.u32 s24;
	[sflag:s15] =	ssyncset.done $0x0  }
0x36: {  	s21 =	sadd.s32 s20, s10;
	[sflag:s15] =	ssyncadd.s32 $0xFFFFC000  }
0x37: {  	[tilespmem:s3], [sflag:$0x2] =	stream.linear.gather [hbm4b:s21+s3], $0x80, $0x38;
	[tilespmem:$0x18100] =	vst v63  }
0x38: {  	_ =	swait.ge [sflag:s15], $0x80  }
0x39: {  	[sflag:s15] =	ssyncset.done $0x0  }
0x3a: {  	s29 =	sadd.s32 s20, s11;
	[sflag:s15] =	ssyncadd.s32 $0xFFFFFF80  }
0x3b: {  	[tilespmem:s16], [sflag:$0x2] =	stream.linear.gather [hbm4b:s29+s3], $0x80, $0x38;
	[tilespmem:$0x18100] =	vst v63  }
0x3c: {  	_ =	swait.ge [sflag:s15], $0x80  }
0x3d: {  	[sflag:s15] =	ssyncset.done $0x0  }
0x3e: {  	[sflag:s15] =	ssyncadd.s32 $0xFFFFFF80  }
0x3f: {  	[tilespmem:s17], [sflag:$0x1] =	stream.indirect.gather [hbm4b:s4+s16], $0x80, s3, s16, $0xb8;
	[tilespmem:$0x18100] =	vst v63  }
0x40: {  	_ =	swait.ge [sflag:s18], $0x4000  }
0x41: {  	[sflag:s18] =	ssyncset.done $0x0  }
0x42: {  	[sflag:s18] =	ssyncadd.s32 $0xFFFFC000  }
0x43: {  	[spmem:s2] =	stream.indirect.scatter.add.f32 [tilespmem:s17], [sflag:$0x2], $0x80, s16, s16, $0xb8;
	[tilespmem:$0x18100] =	vst v63  }
0x44: {  	_ =	swait.ge [sflag:s15], $0x4000  }
0x45: {  	[sflag:s15] =	ssyncset.done $0x0  }
0x46: {  	[sflag:s15] =	ssyncadd.s32 $0xFFFFC000  }
0x47: {  	[bflag:$0x0] =	sbarrier.arrive $0xFFFF  }
0x48: {  	[hbm:s7], [sflag:s6] =	dma.local [spmem:s14], $0x2800  }
0x49: {  	_ =	swait.ge [sflag:s15], $0x2800  }
0x4a: {  	[sflag:s15] =	ssyncset.done $0x0  }
0x4b: {  	[sflag:s15] =	ssyncadd.s32 $0xFFFFD800  }
0x4c: {  	[bflag:$0x0] =	sbarrier.arrive $0xFFFF  }
0x4d: {  	[spmem:s14], [sflag:s6] =	dma.local [hbm:s5], $0x2800  }
0x4e: {  	_ =	swait.ge [sflag:s15], $0x2800  }
0x4f: {  	[sflag:s15] =	ssyncset.done $0x0  }
0x50: {  	[sflag:s15] =	ssyncadd.s32 $0xFFFFD800  }
0x51: {  	s30 =	sadd.s32 $0x0, s12;
	[bflag:$0x0] =	sbarrier.arrive $0xFFFF  }
0x52: {  	[tilespmem:s3], [sflag:$0x2] =	stream.linear.gather [hbm4b:s30+s3], $0x80, $0x38;
	[tilespmem:$0x18100] =	vst v63  }
0x53: {  	_ =	swait.ge [sflag:s15], $0x80  }
0x54: {  	[sflag:s15] =	ssyncset.done $0x0  }
0x55: {  	s31 =	sadd.s32 $0x0, s13;
	[sflag:s15] =	ssyncadd.s32 $0xFFFFFF80  }
0x56: {  	[tilespmem:s16], [sflag:$0x2] =	stream.linear.gather [hbm4b:s31+s3], $0x80, $0x38;
	[tilespmem:$0x18100] =	vst v63  }
0x57: {  	_ =	swait.ge [sflag:s15], $0x80  }
0x58: {  	[sflag:s15] =	ssyncset.done $0x0  }
0x59: {  	[sflag:s15] =	ssyncadd.s32 $0xFFFFFF80  }
0x5a: {  	[tilespmem:s17], [sflag:$0x1] =	stream.indirect.gather [hbm4b:s4+s16], $0x80, s3, s16, $0xb8;
	[tilespmem:$0x18100] =	vst v63  }
0x5b: {  	_ =	swait.ge [sflag:s18], $0x4000  }
0x5c: {  	[sflag:s18] =	ssyncset.done $0x0  }
0x5d: {  	[sflag:s18] =	ssyncadd.s32 $0xFFFFC000  }
0x5e: {  	[spmem:s2] =	stream.indirect.scatter.add.f32 [tilespmem:s17], [sflag:$0x2], $0x80, s16, s16, $0xb8;
	[tilespmem:$0x18100] =	vst v63  }
0x5f: {  	_ =	swait.ge [sflag:s15], $0x4000  }
0x60: {  	s20 =	simm.s32 $0x10;
	s21 =	simm.s32 $0x20;
	[sflag:s15] =	ssyncset.done $0x0  }
.LBB2_4:
0x61: {  	s22 =	sadd.s32 s20, s12  }
0x62: {  	[sflag:s15] =	ssyncadd.s32 $0xFFFFC000;
	s23 =	smov.u32 s21;
	s24 =	sadd.s32 $0x10, s21  }
0x63: {  	[tilespmem:s3], [sflag:$0x2] =	stream.linear.gather [hbm4b:s22+s3], $0x80, $0x38;
	[tilespmem:$0x18100] =	vst v63  }
0x64: {  	p0 =	sne.s32 s21, $0x4E0;
	_ =	swait.ge [sflag:s15], $0x80  }
0x65: {  	[sflag:s15] =	ssyncset.done $0x0  }
0x66: {  	s21 =	sadd.s32 s20, s13;
	s20 =	smov.u32 s23;
	[sflag:s15] =	ssyncadd.s32 $0xFFFFFF80  }
0x67: {  	[tilespmem:s16], [sflag:$0x2] =	stream.linear.gather [hbm4b:s21+s3], $0x80, $0x38;
	[tilespmem:$0x18100] =	vst v63  }
0x68: {  	_ =	swait.ge [sflag:s15], $0x80  }
0x69: {  	[sflag:s15] =	ssyncset.done $0x0  }
0x6a: {  	[sflag:s15] =	ssyncadd.s32 $0xFFFFFF80  }
0x6b: {  	[tilespmem:s17], [sflag:$0x1] =	stream.indirect.gather [hbm4b:s4+s16], $0x80, s3, s16, $0xb8;
	[tilespmem:$0x18100] =	vst v63  }
0x6c: {  	_ =	swait.ge [sflag:s18], $0x4000  }
.Ltmp1:
0x6d: {  	[sflag:s18] =	ssyncset.done $0x0;
	(pc) =	sbr.rel @p0 .LBB2_4-.Ltmp1, $4  }
0x6e: {  	[sflag:s18] =	ssyncadd.s32 $0xFFFFC000  }
0x6f: {  	[spmem:s2] =	stream.indirect.scatter.add.f32 [tilespmem:s17], [sflag:$0x2], $0x80, s16, s16, $0xb8;
	[tilespmem:$0x18100] =	vst v63  }
0x70: {  	_ =	swait.ge [sflag:s15], $0x4000  }
0x71: {  	s21 =	smov.u32 s24;
	[sflag:s15] =	ssyncset.done $0x0  }
0x72: {  	s21 =	sadd.s32 s20, s12;
	[sflag:s15] =	ssyncadd.s32 $0xFFFFC000  }
0x73: {  	[tilespmem:s3], [sflag:$0x2] =	stream.linear.gather [hbm4b:s21+s3], $0x80, $0x38;
	[tilespmem:$0x18100] =	vst v63  }
0x74: {  	_ =	swait.ge [sflag:s15], $0x80  }
0x75: {  	[sflag:s15] =	ssyncset.done $0x0  }
0x76: {  	s31 =	sadd.s32 s20, s13;
	[sflag:s15] =	ssyncadd.s32 $0xFFFFFF80  }
0x77: {  	[tilespmem:s16], [sflag:$0x2] =	stream.linear.gather [hbm4b:s31+s3], $0x80, $0x38;
	[tilespmem:$0x18100] =	vst v63  }
0x78: {  	_ =	swait.ge [sflag:s15], $0x80  }
0x79: {  	[sflag:s15] =	ssyncset.done $0x0  }
0x7a: {  	[sflag:s15] =	ssyncadd.s32 $0xFFFFFF80  }
0x7b: {  	[tilespmem:s17], [sflag:$0x1] =	stream.indirect.gather [hbm4b:s4+s16], $0x80, s3, s16, $0xb8;
	[tilespmem:$0x18100] =	vst v63  }
0x7c: {  	_ =	swait.ge [sflag:s18], $0x4000  }
0x7d: {  	[sflag:s18] =	ssyncset.done $0x0  }
0x7e: {  	[sflag:s18] =	ssyncadd.s32 $0xFFFFC000  }
0x7f: {  	[spmem:s2] =	stream.indirect.scatter.add.f32 [tilespmem:s17], [sflag:$0x2], $0x80, s16, s16, $0xb8;
	[tilespmem:$0x18100] =	vst v63  }
0x80: {  	_ =	swait.ge [sflag:s15], $0x4000  }
0x81: {  	[sflag:s15] =	ssyncset.done $0x0  }
0x82: {  	s19 =	sadd.s32 $0x1, s19;
	[sflag:s15] =	ssyncadd.s32 $0xFFFFC000  }
0x83: {  	p0 =	sne.s32 s19, s9;
	[bflag:$0x0] =	sbarrier.arrive $0xFFFF  }
0x84: {  	[hbm:s8], [sflag:s6] =	dma.local [spmem:s14], $0x2800  }
.Ltmp2:
0x85: {  	_ =	swait.ge [sflag:s15], $0x2800;
	(pc) =	sbr.rel @p0 .LBB2_1-.Ltmp2, $3  }
0x86: {  	[sflag:s15] =	ssyncset.done $0x0  }
0x87: {  	[sflag:s15] =	ssyncadd.s32 $0xFFFFD800  }
0x88: {  	[bflag:$0x0] =	sbarrier.arrive $0xFFFF;
	_ =	sdelay $0x1  }
0x89: {  	_ =	sfence.sel $0x180000  }
0x8a: {  	[bflag:$0x0] =	sbarrier.arrive $0xFFFF  }
0x8b: {  	p0 =	sne.s32 s0, $0x0;
	_ =	strace $0x90000053  }
0x8c: {  	s0 =	sadd.s32 @!p0 $0x100000, s1;
	[bflag:$0x2] =	sbarrier.arrive $0xFFFF  }
0x8d: {  	[sflag:s0] =	ssyncadd.tile.s32 @!p0 $0x1;
	_ =	shalt  }
.Lfunc_end2:
_tile_overlayer_lowered:
.L_overlay_start_2:
0x8e: {  	(tag) =	ssettag $0x2  }
0x8f: {  	s0 =	rddreg [dreg:$0x0];
	s2 =	stileid.u32  }
0x90: {  	s1 =	rddreg [dreg:$0x1];
	p0 =	sne.s32 s2, $0x0  }
0x91: {  	s3 =	rddreg [dreg:$0x2];
	[bflag:$0x3] =	sbarrier.arrive $0xFFFF;
	s2 =	simm.s32 @!p0 $0x1C02  }
0x92: {  	[timem:s3], [sflag:s2] =	dma.local @!p0 [hbm:s0], s1  }
0x93: {  	s0 =	simm.s32 @!p0 $0x2  }
0x94: {  	_ =	swait.ge @!p0 [sflag:s0], s1  }
0x95: {  	s1 =	ssub.s32 @!p0 $0x0, s1;
	[sflag:s0] =	ssyncset.done @!p0 $0x0  }
0x96: {  	[sflag:s0] =	ssyncadd.s32 @!p0 s1  }
0x97: {  	[bflag:$0x3] =	sbarrier.arrive $0xFFFF  }
0x98: {  	_ =	shalt  }

// kernel: kernel.27.cloned.1.call-start
scs
__scs_entry_jumppad:
0x0: {  	(pc) =	sbr.rel $0x88, $3  }
0x1: {  	(tag) =	ssettag $0x0;
	lr =	simm.s32 $0x1  }
0x2: {  	[smem:$0x3F7D] =	sst lr;
	_ =	strace $0xD0000000  }
0x3: {  	_ = 	snop  }
0x4: {  	_ = 	snop  }
0x5: {  	_ = 	snop  }
0x6: {  	_ = 	snop  }
0x7: {  	_ = 	snop  }
__scs_overlays_trampoline_lowered:
0x8: {  	[smem:$0x3F8C] =	sst s0  }
0x9: {  	[smem:$0x3F8D] =	sst s1  }
0xa: {  	[smem:$0x3F8E] =	sst s2  }
0xb: {  	[smem:$0x3F8F] =	sst s3  }
0xc: {  	[smem:$0x3F90] =	sst s4  }
0xd: {  	[smem:$0x3F91] =	sst s5  }
0xe: {  	[smem:$0x3F92] =	sst s6  }
0xf: {  	[smem:$0x3F93] =	sst s7  }
0x10: {  	[smem:$0x3F94] =	sst s8  }
0x11: {  	[smem:$0x3F95] =	sst s9;
	s0 =	simm.s32 @!p0 $0x0  }
0x12: {  	s1 =	sld [smem:$0x3F7B];
	s0 =	simm.s32 @p0 $0x1  }
0x13: {  	[smem:$0x3F96] =	sst s0;
	s0 =	simm.s32 @!p1 $0x0  }
0x14: {  	s2 =	sld [smem:$0x3F7A];
	s0 =	simm.s32 @p1 $0x1  }
0x15: {  	[smem:$0x3F97] =	sst s0;
	s0 =	simm.s32 @!p2 $0x0  }
0x16: {  	s3 =	sld [smem:$0x3FDB];
	s0 =	simm.s32 @p2 $0x1  }
0x17: {  	s4 =	simm.s32 $0x1BF5;
	[smem:$0x3F99] =	sst s0  }
0x18: {  	s0 =	sld [smem:$0x3F7C];
	_ =	swait.ge [sflag:s4], $0x0  }
0x19: {  	s7 =	sld [smem:$0x3F7D]  }
0x1a: {  	s8 =	sadd.s32 $0xFFFFE003, lr  }
0x1b: {  	s9 =	sadd.s32 $0xFFFFFEF7, lr;
	s5 =	simm.s32 $0xFFFFFFFF;
	p2 =	slt.u32 s8, $0xFFFFF086  }
0x1c: {  	p1 =	slt.u32 s9, $0xF7A;
	s5 =	simm.s32 @!p2 $0x0  }
0x1d: {  	s5 =	simm.s32 @p1 $0x1;
	p0 =	seq.s32 s7, s2  }
0x1e: {  	s7 =	smul.u32 @!p0 $0xF7A, s2;
	p2 =	seq.s32 @!p0 s5, $0x0  }
0x1f: {  	s9 =	smul.u32 $0xF7A, s1;
	s8 =	simm.s32 @!p0 $0x1BF5;
	p2 =	por !p2, p0  }
0x20: {  	[sflag:s8] =	ssyncset.s32 @!p0 $0xFFFFF086;
	s6 =	sadd.s32 @!p0 s3, s7;
	s7 =	simm.s32 @!p0 $0x108  }
0x21: {  	s3 =	sadd.s32 s3, s9;
	s6 =	sadd.s32 @!p0 $0x88, s6;
	s7 =	simm.s32 @p2 $0x1082  }
0x22: {  	[simem:s7], [sflag:s8] =	dma.local @!p0 [hbm:s6], $0xF7A  }
0x23: {  	s9 =	sor.u32 $0xD0000000, s2;
	s6 =	simm.s32 $0x108;
	_ =	swait.ge @!p0 [sflag:s8], $0x0  }
0x24: {  	s3 =	sadd.s32 $0x88, s3;
	s6 =	simm.s32 @!p1 $0x1082;
	[sflag:s4] =	ssyncset.s32 $0xFFFFF086  }
0x25: {  	[simem:s6], [sflag:s4] =	dma.local [hbm:s3], $0xF7A  }
0x26: {  	[smem:$0x3F7D] =	sst s1;
	(tag) =	ssettag s2;
	_ =	strace s9  }
0x27: {  	s1 =	sld [smem:$0x3F8D]  }
0x28: {  	s2 =	sld [smem:$0x3F8E]  }
0x29: {  	s4 =	sld [smem:$0x3F90]  }
0x2a: {  	p0 =	seq.s32 s5, $0x0;
	s5 =	sld [smem:$0x3F91]  }
0x2b: {  	s6 =	sld [smem:$0x3F92]  }
0x2c: {  	s7 =	sld [smem:$0x3F93]  }
0x2d: {  	s3 =	simm.s32 $0x108;
	s8 =	sld [smem:$0x3F94]  }
0x2e: {  	s3 =	simm.s32 @!p0 $0x1082;
	s9 =	sld [smem:$0x3F95]  }
0x2f: {  	lr =	sadd.s32 s0, s3;
	s0 =	sld [smem:$0x3F8C]  }
0x30: {  	s3 =	sld [smem:$0x3F8F]  }
0x31: {  	[smem:$0x3F98] =	sst s10  }
0x32: {  	s10 =	sld [smem:$0x3F96];
	_ =	sdelay $0x3  }
0x33: {  	p0 =	seq.s32 s10, $0x1;
	s10 =	sld [smem:$0x3F98];
	_ =	sdelay $0x3  }
0x34: {  	[smem:$0x3F98] =	sst s10  }
0x35: {  	s10 =	sld [smem:$0x3F97];
	_ =	sdelay $0x3  }
0x36: {  	p1 =	seq.s32 s10, $0x1;
	s10 =	sld [smem:$0x3F98];
	_ =	sdelay $0x3  }
0x37: {  	[smem:$0x3F98] =	sst s10  }
0x38: {  	s10 =	sld [smem:$0x3F99]  }
0x39: {  	_ = 	snop;
	(pc) =	sbr.ind lr, $3  }
0x3a: {  	_ = 	snop  }
0x3b: {  	_ = 	snop  }
0x3c: {  	p2 =	seq.s32 s10, $0x1;
	s10 =	sld [smem:$0x3F98]  }
0x3d: {  	_ =	shalt  }
0x3e: {  	_ =	shalt  }
0x3f: {  	_ =	shalt  }
0x40: {  	_ =	shalt  }
0x41: {  	_ =	shalt  }
0x42: {  	_ =	shalt  }
0x43: {  	_ =	shalt  }
0x44: {  	_ =	shalt  }
0x45: {  	_ =	shalt  }
0x46: {  	_ =	shalt  }
0x47: {  	_ =	shalt  }
0x48: {  	_ =	shalt  }
0x49: {  	_ =	shalt  }
0x4a: {  	_ =	shalt  }
0x4b: {  	_ =	shalt  }
0x4c: {  	_ =	shalt  }
0x4d: {  	_ =	shalt  }
0x4e: {  	_ =	shalt  }
0x4f: {  	_ =	shalt  }
0x50: {  	_ =	shalt  }
0x51: {  	_ =	shalt  }
0x52: {  	_ =	shalt  }
0x53: {  	_ =	shalt  }
0x54: {  	_ =	shalt  }
0x55: {  	_ =	shalt  }
0x56: {  	_ =	shalt  }
0x57: {  	_ =	shalt  }
0x58: {  	_ =	shalt  }
0x59: {  	_ =	shalt  }
0x5a: {  	_ =	shalt  }
0x5b: {  	_ =	shalt  }
0x5c: {  	_ =	shalt  }
0x5d: {  	_ =	shalt  }
0x5e: {  	_ =	shalt  }
0x5f: {  	_ =	shalt  }
0x60: {  	_ =	shalt  }
0x61: {  	_ =	shalt  }
0x62: {  	_ =	shalt  }
0x63: {  	_ =	shalt  }
0x64: {  	_ =	shalt  }
0x65: {  	_ =	shalt  }
0x66: {  	_ =	shalt  }
0x67: {  	_ =	shalt  }
0x68: {  	_ =	shalt  }
0x69: {  	_ =	shalt  }
0x6a: {  	_ =	shalt  }
0x6b: {  	_ =	shalt  }
0x6c: {  	_ =	shalt  }
0x6d: {  	_ =	shalt  }
0x6e: {  	_ =	shalt  }
0x6f: {  	_ =	shalt  }
0x70: {  	_ =	shalt  }
0x71: {  	_ =	shalt  }
0x72: {  	_ =	shalt  }
0x73: {  	_ =	shalt  }
0x74: {  	_ =	shalt  }
0x75: {  	_ =	shalt  }
0x76: {  	_ =	shalt  }
0x77: {  	_ =	shalt  }
0x78: {  	_ =	shalt  }
0x79: {  	_ =	shalt  }
0x7a: {  	_ =	shalt  }
0x7b: {  	_ =	shalt  }
0x7c: {  	_ =	shalt  }
0x7d: {  	_ =	shalt  }
0x7e: {  	_ =	shalt  }
0x7f: {  	_ =	shalt  }
0x80: {  	_ =	shalt  }
0x81: {  	_ =	shalt  }
0x82: {  	_ =	shalt  }
0x83: {  	_ =	shalt  }
0x84: {  	_ =	shalt  }
0x85: {  	_ =	shalt  }
0x86: {  	_ =	shalt  }
0x87: {  	_ =	shalt  }
.Lfunc_end0:
.L_simem_size_0:
called_computation.4_lowered:
.L_overlay_start_0:
0x88: {  	s2 =	sld [smem:$0x3FD9]  }
0x89: {  	s3 =	sld [smem:$0x3FFE];
	_ =	sdelay $0x1  }
0x8a: {  	s1 =	srdreg.scid  }
0x8b: {  	s0 =	sand.u32 $0x1, s1  }
0x8c: {  	s17 =	sshll.u32 s0, $0xA;
	s2 =	sadd.s32 s3, s2  }
0x8d: {  	s2 =	sadd.s32 s2, s17  }
0x8e: {  	[smem:$0x3FA4] =	sst s2  }
0x8f: {  	_ = 	snop  }
0x90: {  	(tm) =	ssettm $0x1  }
0x91: {  	s18 =	sld [smem:$0x3FFB];
	_ =	sdelay $0x3  }
0x92: {  	_ =	strace s18  }
0x93: {  	s2 =	sld [smem:$0x3FFC];
	_ =	sdelay $0x3  }
0x94: {  	_ =	strace s2  }
0x95: {  	s2 =	sld [smem:$0x3FFD];
	_ =	sdelay $0x3  }
0x96: {  	_ =	strace s2  }
0x97: {  	_ =	strace $0x8FFFFFFF  }
0x98: {  	s19 =	sld [smem:$0x3FDB];
	_ =	sdelay $0x1  }
0x99: {  	s20 =	simm.s32 $_scs_section_size  }
0x9a: {  	s4 =	simm.s32 $_size__tile_overlayer_lowered;
	s5 =	simm.s32 $_tile_overlayer_lowered  }
0x9b: {  	s6 =	simm.s32 $0x1BFF;
	s21 =	sshll.u32 s5, $0x1;
	s3 =	sadd.s32 s20, s19  }
0x9c: {  	s22 =	simm.s32 $0x0;
	s4 =	sshll.u32 s4, $0x1;
	s5 =	sadd.s32 s21, s3  }
0x9d: {  	[timem:s22], [sflag:s6] =	dma.local [hbm:s5], s4  }
0x9e: {  	_ =	swait.ge [sflag:s6], s4  }
0x9f: {  	s4 =	ssub.s32 $0x0, s4;
	[sflag:s6] =	ssyncset.done $0x0  }
0xa0: {  	[sflag:s6] =	ssyncadd.s32 s4;
	_ =	sdelay $0x1  }
0xa1: {  	s23 =	simm.s32 $0x1B8B  }
0xa2: {  	_ =	swait.ge [sflag:s23], $0x1  }
0xa3: {  	[sflag:s23] =	ssyncset.done $0x0  }
0xa4: {  	[sflag:s23] =	ssyncadd.s32 $0xFFFFFFFF  }
0xa5: {  	s4 =	sld [smem:$0x0]  }
0xa6: {  	s5 =	sand.u32 $0xFFFFFFFE, s1  }
0xa7: {  	p0 =	sne.s32 s1, s5  }
0xa8: {  	s5 =	sshll.u32 @p0 s5, $0xE  }
0xa9: {  	s5 =	sadd.s32 @p0 $0x11B8D, s5;
	s6 =	sshll.u32 @p0 s4, $0x11  }
0xaa: {  	s5 =	sor.u32 @p0 s6, s5  }
0xab: {  	[sflag:s5] =	ssyncadd.remote.s32 @p0 $0x1;
	_ =	sdelay $0x1  }
0xac: {  	s5 =	simm.s32 @p0 $0x1B8D  }
0xad: {  	_ =	swait.eq @p0 [sflag:s5], $0x1  }
0xae: {  	[sflag:s5] =	ssyncadd.s32 @p0 $0xFFFFFFFF  }
0xaf: {  	s6 =	sshll.u32 @!p0 s1, $0xE  }
0xb0: {  	s6 =	sor.u32 @!p0 $0x4000, s6;
	s5 =	simm.s32 @!p0 $0x1B8D  }
0xb1: {  	s4 =	sshll.u32 @!p0 s4, $0x11;
	s6 =	sadd.s32 @!p0 $0x11B8D, s6;
	_ =	swait.eq @!p0 [sflag:s5], $0x1  }
0xb2: {  	s4 =	sor.u32 @!p0 s4, s6;
	[sflag:s5] =	ssyncadd.s32 @!p0 $0xFFFFFFFF  }
0xb3: {  	s25 =	simm.s32 $0x1B8E;
	s24 =	sld [smem:$0x3FFE];
	[sflag:s4] =	ssyncadd.remote.s32 @!p0 $0x1  }
0xb4: {  	s26 =	simm.s32 $execute0_lowered;
	[smem:$0x3FD2] =	sst s25  }
0xb5: {  	s5 =	sshll.u32 s26, $0x1;
	_ =	strace $0x8000004F;
	[dreg:$0x1] =	wrdreg $0xFFFFFFFF  }
0xb6: {  	s28 =	simm.s32 $_size_execute0_lowered;
	s3 =	sadd.s32 s3, s5;
	[dreg:$0x0] =	wrdreg $0x0  }
0xb7: {  	s5 =	sshll.u32 s28, $0x1;
	[dreg:$0x2] =	wrdreg s3  }
0xb8: {  	[dreg:$0x3] =	wrdreg s5  }
0xb9: {  	[dreg:$0x4] =	wrdreg $0xC0  }
0xba: {  	_ =	task [dreg:s22], $0x5FFFF  }
0xbb: {  	[dreg:$0x1] =	wrdreg $0xFFFFFFFF  }
0xbc: {  	[dreg:$0x0] =	wrdreg $0x60  }
0xbd: {  	[dreg:$0x2] =	wrdreg s24  }
0xbe: {  	[dreg:$0x3] =	wrdreg $0x41000  }
0xbf: {  	[dreg:$0x4] =	wrdreg $0xB  }
0xc0: {  	_ =	task.clear_ibuf [dreg:s22], $0x5FFFF;
	_ =	strace $0x9000004F  }
0xc1: {  	s29 =	simm.s32 $0xB;
	_ =	strace $0x80000051  }
0xc2: {  	_ =	swait.ge [sflag:s29], $0x1  }
0xc3: {  	[sflag:s29] =	ssyncadd.s32 $0xFFFFFFFF  }
0xc4: {  	_ =	strace $0x90000051  }
0xc5: {  	_ =	sfence  }
0xc6: {  	s30 =	sld [smem:$0x0];
	_ =	sdelay $0x2  }
0xc7: {  	s31 =	sshll.u32 s1, $0xD;
	s1 =	sshrl.u32 s1, $0x2  }
0xc8: {  	s4 =	sand.u32 $0x4000, s31;
	s1 =	sadd.s32 s1, s30  }
0xc9: {  	s0 =	sor.u32 s4, s0;
	s1 =	sshll.u32 s1, $0x11  }
0xca: {  	s0 =	sor.u32 s1, s0  }
0xcb: {  	s0 =	sadd.s32 $0x8F2B, s0  }
0xcc: {  	[sflag:s0] =	ssyncadd.remote.s32 $0x1  }
0xcd: {  	_ =	sfence.sel $0xFFFF  }
0xce: {  	[dreg:$0x0] =	wrdreg $0xFFFFFFFF;
	(pc) =	sbr.abs _section_cstart, $3  }
0xcf: {  	[dreg:$0x1] =	wrdreg $0xFFFFFFFF  }
0xd0: {  	_ =	task.clear_ibuf [dreg:s22], $0x2FFFF;
	_ =	strace $0x9FFFFFFF  }
0xd1: {  	(tm) =	ssettm $0x7FFFFFFF  }
tec
execute0_lowered:
.L_overlay_start_1:
0x0: {  	(tag) =	ssettag $0x1  }
0x1: {  	s1 =	srdreg.scid  }
0x2: {  	s0 =	stileid.u32;
	s6 =	rddreg [dreg:$0x0]  }
0x3: {  	s2 =	rddreg [dreg:$0x1];
	s4 =	smul.u32 $0x2780, s0  }
0x4: {  	s3 =	simm.s32 $0x0;
	s15 =	simm.s32 $0x2;
	s8 =	smul.u32 $0x4F0, s0  }
0x5: {  	s16 =	simm.s32 $0x80;
	s17 =	simm.s32 $0x100;
	s9 =	smul.u32 $0x280, s0  }
0x6: {  	s18 =	simm.s32 $0x1;
	s5 =	sand.u32 $0x1, s1;
	s26 =	smul.u32 $0x50000, s0  }
0x7: {  	s19 =	simm.s32 $0x0;
	s1 =	rddreg [dreg:$0x2];
	s7 =	smul.u32 $0x27800, s5  }
0x8: {  	[smem:$0x7FF] =	sst s3;
	s31 =	sshll.u32 s0, $0x6;
	s10 =	smul.u32 $0x2800, s5  }
0x9: {  	_ =	strace $0x80000050;
	s25 =	ssub.s32 $0x2, s5;
	s5 =	sadd.s32 $0x38600, s6  }
0xa: {  	s13 =	sadd.s32 s8, s6;
	s29 =	sshrl.u32 s25, $0x1;
	s30 =	sshrl.u32 s26, $0x2  }
0xb: {  	s7 =	sadd.s32 s7, s4;
	s4 =	sadd.s32 $0x181000, s6;
	s24 =	sadd.s32 s9, s10  }
0xc: {  	s11 =	ssub.s32 s25, s29;
	s14 =	sadd.s32 s30, s2;
	s7 =	sshrl.u32 s7, $0x3  }
0xd: {  	s9 =	smax.u32 s11, $0x1;
	s12 =	sadd.s32 s7, s6;
	s7 =	sshll.u32 s24, $0x4  }
0xe: {  	s11 =	sadd.s32 $0x33600, s13;
	s13 =	sadd.s32 $0x2E600, s13;
	s28 =	sadd.s32 s7, s6  }
0xf: {  	s6 =	sor.u32 $0x1C02, s31;
	s10 =	sadd.s32 $0x1A800, s12;
	s12 =	sadd.s32 $0x177200, s12  }
0x10: {  	s14 =	sshrl.u32 s14, $0x3;
	s7 =	sadd.s32 $0x3F9800, s28;
	s8 =	sadd.s32 $0x449800, s28  }
.LBB2_1:
0x11: {  	[spmem:s14], [sflag:s6] =	dma.local [hbm:s5], $0x2800  }
0x12: {  	_ =	swait.ge [sflag:s15], $0x2800  }
0x13: {  	[sflag:s15] =	ssyncset.done $0x0  }
0x14: {  	[sflag:s15] =	ssyncadd.s32 $0xFFFFD800  }
0x15: {  	s20 =	sadd.s32 $0x0, s10;
	[bflag:$0x0] =	sbarrier.arrive $0xFFFF  }
0x16: {  	[tilespmem:s3], [sflag:$0x2] =	stream.linear.gather [hbm4b:s20+s3], $0x80, $0x38;
	[tilespmem:$0x18100] =	vst v63  }
0x17: {  	_ =	swait.ge [sflag:s15], $0x80  }
0x18: {  	[sflag:s15] =	ssyncset.done $0x0  }
0x19: {  	s31 =	sadd.s32 $0x0, s11;
	[sflag:s15] =	ssyncadd.s32 $0xFFFFFF80  }
0x1a: {  	[tilespmem:s16], [sflag:$0x2] =	stream.linear.gather [hbm4b:s31+s3], $0x80, $0x38;
	[tilespmem:$0x18100] =	vst v63  }
0x1b: {  	_ =	swait.ge [sflag:s15], $0x80  }
0x1c: {  	[sflag:s15] =	ssyncset.done $0x0  }
0x1d: {  	[sflag:s15] =	ssyncadd.s32 $0xFFFFFF80  }
0x1e: {  	[tilespmem:s17], [sflag:$0x1] =	stream.indirect.gather [hbm4b:s4+s16], $0x80, s3, s16, $0xb8;
	[tilespmem:$0x18100] =	vst v63  }
0x1f: {  	_ =	swait.ge [sflag:s18], $0x4000  }
0x20: {  	[sflag:s18] =	ssyncset.done $0x0  }
0x21: {  	[sflag:s18] =	ssyncadd.s32 $0xFFFFC000  }
0x22: {  	[spmem:s2] =	stream.indirect.scatter.add.f32 [tilespmem:s17], [sflag:$0x2], $0x80, s16, s16, $0xb8;
	[tilespmem:$0x18100] =	vst v63  }
0x23: {  	_ =	swait.ge [sflag:s15], $0x4000  }
0x24: {  	s21 =	simm.s32 $0x20;
	s20 =	simm.s32 $0x10;
	[sflag:s15] =	ssyncset.done $0x0  }
.LBB2_2:
0x25: {  	s22 =	sadd.s32 s20, s10  }
0x26: {  	[sflag:s15] =	ssyncadd.s32 $0xFFFFC000;
	s23 =	smov.u32 s21;
	s24 =	sadd.s32 $0x10, s21  }
0x27: {  	[tilespmem:s3], [sflag:$0x2] =	stream.linear.gather [hbm4b:s22+s3], $0x80, $0x38;
	[tilespmem:$0x18100] =	vst v63  }
0x28: {  	p0 =	sne.s32 s21, $0x4E0;
	_ =	swait.ge [sflag:s15], $0x80  }
0x29: {  	[sflag:s15] =	ssyncset.done $0x0  }
0x2a: {  	s21 =	sadd.s32 s20, s11;
	s20 =	smov.u32 s23;
	[sflag:s15] =	ssyncadd.s32 $0xFFFFFF80  }
0x2b: {  	[tilespmem:s16], [sflag:$0x2] =	stream.linear.gather [hbm4b:s21+s3], $0x80, $0x38;
	[tilespmem:$0x18100] =	vst v63  }
0x2c: {  	_ =	swait.ge [sflag:s15], $0x80  }
0x2d: {  	[sflag:s15] =	ssyncset.done $0x0  }
0x2e: {  	[sflag:s15] =	ssyncadd.s32 $0xFFFFFF80  }
0x2f: {  	[tilespmem:s17], [sflag:$0x1] =	stream.indirect.gather [hbm4b:s4+s16], $0x80, s3, s16, $0xb8;
	[tilespmem:$0x18100] =	vst v63  }
0x30: {  	_ =	swait.ge [sflag:s18], $0x4000  }
.Ltmp0:
0x31: {  	[sflag:s18] =	ssyncset.done $0x0;
	(pc) =	sbr.rel @p0 .LBB2_2-.Ltmp0, $4  }
0x32: {  	[sflag:s18] =	ssyncadd.s32 $0xFFFFC000  }
0x33: {  	[spmem:s2] =	stream.indirect.scatter.add.f32 [tilespmem:s17], [sflag:$0x2], $0x80, s16, s16, $0xb8;
	[tilespmem:$0x18100] =	vst v63  }
0x34: {  	_ =	swait.ge [sflag:s15], $0x4000  }
0x35: {  	s21 =	smov.u32 s24;
	[sflag:s15] =	ssyncset.done $0x0  }
0x36: {  	s21 =	sadd.s32 s20, s10;
	[sflag:s15] =	ssyncadd.s32 $0xFFFFC000  }
0x37: {  	[tilespmem:s3], [sflag:$0x2] =	stream.linear.gather [hbm4b:s21+s3], $0x80, $0x38;
	[tilespmem:$0x18100] =	vst v63  }
0x38: {  	_ =	swait.ge [sflag:s15], $0x80  }
0x39: {  	[sflag:s15] =	ssyncset.done $0x0  }
0x3a: {  	s29 =	sadd.s32 s20, s11;
	[sflag:s15] =	ssyncadd.s32 $0xFFFFFF80  }
0x3b: {  	[tilespmem:s16], [sflag:$0x2] =	stream.linear.gather [hbm4b:s29+s3], $0x80, $0x38;
	[tilespmem:$0x18100] =	vst v63  }
0x3c: {  	_ =	swait.ge [sflag:s15], $0x80  }
0x3d: {  	[sflag:s15] =	ssyncset.done $0x0  }
0x3e: {  	[sflag:s15] =	ssyncadd.s32 $0xFFFFFF80  }
0x3f: {  	[tilespmem:s17], [sflag:$0x1] =	stream.indirect.gather [hbm4b:s4+s16], $0x80, s3, s16, $0xb8;
	[tilespmem:$0x18100] =	vst v63  }
0x40: {  	_ =	swait.ge [sflag:s18], $0x4000  }
0x41: {  	[sflag:s18] =	ssyncset.done $0x0  }
0x42: {  	[sflag:s18] =	ssyncadd.s32 $0xFFFFC000  }
0x43: {  	[spmem:s2] =	stream.indirect.scatter.add.f32 [tilespmem:s17], [sflag:$0x2], $0x80, s16, s16, $0xb8;
	[tilespmem:$0x18100] =	vst v63  }
0x44: {  	_ =	swait.ge [sflag:s15], $0x4000  }
0x45: {  	[sflag:s15] =	ssyncset.done $0x0  }
0x46: {  	[sflag:s15] =	ssyncadd.s32 $0xFFFFC000  }
0x47: {  	[bflag:$0x0] =	sbarrier.arrive $0xFFFF  }
0x48: {  	[hbm:s7], [sflag:s6] =	dma.local [spmem:s14], $0x2800  }
0x49: {  	_ =	swait.ge [sflag:s15], $0x2800  }
0x4a: {  	[sflag:s15] =	ssyncset.done $0x0  }
0x4b: {  	[sflag:s15] =	ssyncadd.s32 $0xFFFFD800  }
0x4c: {  	[bflag:$0x0] =	sbarrier.arrive $0xFFFF  }
0x4d: {  	[spmem:s14], [sflag:s6] =	dma.local [hbm:s5], $0x2800  }
0x4e: {  	_ =	swait.ge [sflag:s15], $0x2800  }
0x4f: {  	[sflag:s15] =	ssyncset.done $0x0  }
0x50: {  	[sflag:s15] =	ssyncadd.s32 $0xFFFFD800  }
0x51: {  	s30 =	sadd.s32 $0x0, s12;
	[bflag:$0x0] =	sbarrier.arrive $0xFFFF  }
0x52: {  	[tilespmem:s3], [sflag:$0x2] =	stream.linear.gather [hbm4b:s30+s3], $0x80, $0x38;
	[tilespmem:$0x18100] =	vst v63  }
0x53: {  	_ =	swait.ge [sflag:s15], $0x80  }
0x54: {  	[sflag:s15] =	ssyncset.done $0x0  }
0x55: {  	s31 =	sadd.s32 $0x0, s13;
	[sflag:s15] =	ssyncadd.s32 $0xFFFFFF80  }
0x56: {  	[tilespmem:s16], [sflag:$0x2] =	stream.linear.gather [hbm4b:s31+s3], $0x80, $0x38;
	[tilespmem:$0x18100] =	vst v63  }
0x57: {  	_ =	swait.ge [sflag:s15], $0x80  }
0x58: {  	[sflag:s15] =	ssyncset.done $0x0  }
0x59: {  	[sflag:s15] =	ssyncadd.s32 $0xFFFFFF80  }
0x5a: {  	[tilespmem:s17], [sflag:$0x1] =	stream.indirect.gather [hbm4b:s4+s16], $0x80, s3, s16, $0xb8;
	[tilespmem:$0x18100] =	vst v63  }
0x5b: {  	_ =	swait.ge [sflag:s18], $0x4000  }
0x5c: {  	[sflag:s18] =	ssyncset.done $0x0  }
0x5d: {  	[sflag:s18] =	ssyncadd.s32 $0xFFFFC000  }
0x5e: {  	[spmem:s2] =	stream.indirect.scatter.add.f32 [tilespmem:s17], [sflag:$0x2], $0x80, s16, s16, $0xb8;
	[tilespmem:$0x18100] =	vst v63  }
0x5f: {  	_ =	swait.ge [sflag:s15], $0x4000  }
0x60: {  	s20 =	simm.s32 $0x10;
	s21 =	simm.s32 $0x20;
	[sflag:s15] =	ssyncset.done $0x0  }
.LBB2_4:
0x61: {  	s22 =	sadd.s32 s20, s12  }
0x62: {  	[sflag:s15] =	ssyncadd.s32 $0xFFFFC000;
	s23 =	smov.u32 s21;
	s24 =	sadd.s32 $0x10, s21  }
0x63: {  	[tilespmem:s3], [sflag:$0x2] =	stream.linear.gather [hbm4b:s22+s3], $0x80, $0x38;
	[tilespmem:$0x18100] =	vst v63  }
0x64: {  	p0 =	sne.s32 s21, $0x4E0;
	_ =	swait.ge [sflag:s15], $0x80  }
0x65: {  	[sflag:s15] =	ssyncset.done $0x0  }
0x66: {  	s21 =	sadd.s32 s20, s13;
	s20 =	smov.u32 s23;
	[sflag:s15] =	ssyncadd.s32 $0xFFFFFF80  }
0x67: {  	[tilespmem:s16], [sflag:$0x2] =	stream.linear.gather [hbm4b:s21+s3], $0x80, $0x38;
	[tilespmem:$0x18100] =	vst v63  }
0x68: {  	_ =	swait.ge [sflag:s15], $0x80  }
0x69: {  	[sflag:s15] =	ssyncset.done $0x0  }
0x6a: {  	[sflag:s15] =	ssyncadd.s32 $0xFFFFFF80  }
0x6b: {  	[tilespmem:s17], [sflag:$0x1] =	stream.indirect.gather [hbm4b:s4+s16], $0x80, s3, s16, $0xb8;
	[tilespmem:$0x18100] =	vst v63  }
0x6c: {  	_ =	swait.ge [sflag:s18], $0x4000  }
.Ltmp1:
0x6d: {  	[sflag:s18] =	ssyncset.done $0x0;
	(pc) =	sbr.rel @p0 .LBB2_4-.Ltmp1, $4  }
0x6e: {  	[sflag:s18] =	ssyncadd.s32 $0xFFFFC000  }
0x6f: {  	[spmem:s2] =	stream.indirect.scatter.add.f32 [tilespmem:s17], [sflag:$0x2], $0x80, s16, s16, $0xb8;
	[tilespmem:$0x18100] =	vst v63  }
0x70: {  	_ =	swait.ge [sflag:s15], $0x4000  }
0x71: {  	s21 =	smov.u32 s24;
	[sflag:s15] =	ssyncset.done $0x0  }
0x72: {  	s21 =	sadd.s32 s20, s12;
	[sflag:s15] =	ssyncadd.s32 $0xFFFFC000  }
0x73: {  	[tilespmem:s3], [sflag:$0x2] =	stream.linear.gather [hbm4b:s21+s3], $0x80, $0x38;
	[tilespmem:$0x18100] =	vst v63  }
0x74: {  	_ =	swait.ge [sflag:s15], $0x80  }
0x75: {  	[sflag:s15] =	ssyncset.done $0x0  }
0x76: {  	s31 =	sadd.s32 s20, s13;
	[sflag:s15] =	ssyncadd.s32 $0xFFFFFF80  }
0x77: {  	[tilespmem:s16], [sflag:$0x2] =	stream.linear.gather [hbm4b:s31+s3], $0x80, $0x38;
	[tilespmem:$0x18100] =	vst v63  }
0x78: {  	_ =	swait.ge [sflag:s15], $0x80  }
0x79: {  	[sflag:s15] =	ssyncset.done $0x0  }
0x7a: {  	[sflag:s15] =	ssyncadd.s32 $0xFFFFFF80  }
0x7b: {  	[tilespmem:s17], [sflag:$0x1] =	stream.indirect.gather [hbm4b:s4+s16], $0x80, s3, s16, $0xb8;
	[tilespmem:$0x18100] =	vst v63  }
0x7c: {  	_ =	swait.ge [sflag:s18], $0x4000  }
0x7d: {  	[sflag:s18] =	ssyncset.done $0x0  }
0x7e: {  	[sflag:s18] =	ssyncadd.s32 $0xFFFFC000  }
0x7f: {  	[spmem:s2] =	stream.indirect.scatter.add.f32 [tilespmem:s17], [sflag:$0x2], $0x80, s16, s16, $0xb8;
	[tilespmem:$0x18100] =	vst v63  }
0x80: {  	_ =	swait.ge [sflag:s15], $0x4000  }
0x81: {  	[sflag:s15] =	ssyncset.done $0x0  }
0x82: {  	s19 =	sadd.s32 $0x1, s19;
	[sflag:s15] =	ssyncadd.s32 $0xFFFFC000  }
0x83: {  	p0 =	sne.s32 s19, s9;
	[bflag:$0x0] =	sbarrier.arrive $0xFFFF  }
0x84: {  	[hbm:s8], [sflag:s6] =	dma.local [spmem:s14], $0x2800  }
.Ltmp2:
0x85: {  	_ =	swait.ge [sflag:s15], $0x2800;
	(pc) =	sbr.rel @p0 .LBB2_1-.Ltmp2, $3  }
0x86: {  	[sflag:s15] =	ssyncset.done $0x0  }
0x87: {  	[sflag:s15] =	ssyncadd.s32 $0xFFFFD800  }
0x88: {  	[bflag:$0x0] =	sbarrier.arrive $0xFFFF;
	_ =	sdelay $0x1  }
0x89: {  	_ =	sfence.sel $0x180000  }
0x8a: {  	[bflag:$0x0] =	sbarrier.arrive $0xFFFF  }
0x8b: {  	p0 =	sne.s32 s0, $0x0;
	_ =	strace $0x90000050  }
0x8c: {  	s0 =	sadd.s32 @!p0 $0x100000, s1;
	[bflag:$0x2] =	sbarrier.arrive $0xFFFF  }
0x8d: {  	[sflag:s0] =	ssyncadd.tile.s32 @!p0 $0x1;
	_ =	shalt  }
.Lfunc_end2:
_tile_overlayer_lowered:
.L_overlay_start_2:
0x8e: {  	(tag) =	ssettag $0x2  }
0x8f: {  	s0 =	rddreg [dreg:$0x0];
	s2 =	stileid.u32  }
0x90: {  	s1 =	rddreg [dreg:$0x1];
	p0 =	sne.s32 s2, $0x0  }
0x91: {  	s3 =	rddreg [dreg:$0x2];
	[bflag:$0x3] =	sbarrier.arrive $0xFFFF;
	s2 =	simm.s32 @!p0 $0x1C02  }
0x92: {  	[timem:s3], [sflag:s2] =	dma.local @!p0 [hbm:s0], s1  }
0x93: {  	s0 =	simm.s32 @!p0 $0x2  }
0x94: {  	_ =	swait.ge @!p0 [sflag:s0], s1  }
0x95: {  	s1 =	ssub.s32 @!p0 $0x0, s1;
	[sflag:s0] =	ssyncset.done @!p0 $0x0  }
0x96: {  	[sflag:s0] =	ssyncadd.s32 @!p0 s1  }
0x97: {  	[bflag:$0x3] =	sbarrier.arrive $0xFFFF  }
0x98: {  	_ =	shalt  }

// kernel: kernel.30.cloned.1.call-start
scs
__scs_entry_jumppad:
0x0: {  	(pc) =	sbr.rel $0x88, $3  }
0x1: {  	(tag) =	ssettag $0x0;
	lr =	simm.s32 $0x1  }
0x2: {  	[smem:$0x3F7D] =	sst lr;
	_ =	strace $0xD0000000  }
0x3: {  	_ = 	snop  }
0x4: {  	_ = 	snop  }
0x5: {  	_ = 	snop  }
0x6: {  	_ = 	snop  }
0x7: {  	_ = 	snop  }
__scs_overlays_trampoline_lowered:
0x8: {  	[smem:$0x3F8C] =	sst s0  }
0x9: {  	[smem:$0x3F8D] =	sst s1  }
0xa: {  	[smem:$0x3F8E] =	sst s2  }
0xb: {  	[smem:$0x3F8F] =	sst s3  }
0xc: {  	[smem:$0x3F90] =	sst s4  }
0xd: {  	[smem:$0x3F91] =	sst s5  }
0xe: {  	[smem:$0x3F92] =	sst s6  }
0xf: {  	[smem:$0x3F93] =	sst s7  }
0x10: {  	[smem:$0x3F94] =	sst s8  }
0x11: {  	[smem:$0x3F95] =	sst s9;
	s0 =	simm.s32 @!p0 $0x0  }
0x12: {  	s1 =	sld [smem:$0x3F7B];
	s0 =	simm.s32 @p0 $0x1  }
0x13: {  	[smem:$0x3F96] =	sst s0;
	s0 =	simm.s32 @!p1 $0x0  }
0x14: {  	s2 =	sld [smem:$0x3F7A];
	s0 =	simm.s32 @p1 $0x1  }
0x15: {  	[smem:$0x3F97] =	sst s0;
	s0 =	simm.s32 @!p2 $0x0  }
0x16: {  	s3 =	sld [smem:$0x3FDB];
	s0 =	simm.s32 @p2 $0x1  }
0x17: {  	s4 =	simm.s32 $0x1BF5;
	[smem:$0x3F99] =	sst s0  }
0x18: {  	s0 =	sld [smem:$0x3F7C];
	_ =	swait.ge [sflag:s4], $0x0  }
0x19: {  	s7 =	sld [smem:$0x3F7D]  }
0x1a: {  	s8 =	sadd.s32 $0xFFFFE003, lr  }
0x1b: {  	s9 =	sadd.s32 $0xFFFFFEF7, lr;
	s5 =	simm.s32 $0xFFFFFFFF;
	p2 =	slt.u32 s8, $0xFFFFF086  }
0x1c: {  	p1 =	slt.u32 s9, $0xF7A;
	s5 =	simm.s32 @!p2 $0x0  }
0x1d: {  	s5 =	simm.s32 @p1 $0x1;
	p0 =	seq.s32 s7, s2  }
0x1e: {  	s7 =	smul.u32 @!p0 $0xF7A, s2;
	p2 =	seq.s32 @!p0 s5, $0x0  }
0x1f: {  	s9 =	smul.u32 $0xF7A, s1;
	s8 =	simm.s32 @!p0 $0x1BF5;
	p2 =	por !p2, p0  }
0x20: {  	[sflag:s8] =	ssyncset.s32 @!p0 $0xFFFFF086;
	s6 =	sadd.s32 @!p0 s3, s7;
	s7 =	simm.s32 @!p0 $0x108  }
0x21: {  	s3 =	sadd.s32 s3, s9;
	s6 =	sadd.s32 @!p0 $0x88, s6;
	s7 =	simm.s32 @p2 $0x1082  }
0x22: {  	[simem:s7], [sflag:s8] =	dma.local @!p0 [hbm:s6], $0xF7A  }
0x23: {  	s9 =	sor.u32 $0xD0000000, s2;
	s6 =	simm.s32 $0x108;
	_ =	swait.ge @!p0 [sflag:s8], $0x0  }
0x24: {  	s3 =	sadd.s32 $0x88, s3;
	s6 =	simm.s32 @!p1 $0x1082;
	[sflag:s4] =	ssyncset.s32 $0xFFFFF086  }
0x25: {  	[simem:s6], [sflag:s4] =	dma.local [hbm:s3], $0xF7A  }
0x26: {  	[smem:$0x3F7D] =	sst s1;
	(tag) =	ssettag s2;
	_ =	strace s9  }
0x27: {  	s1 =	sld [smem:$0x3F8D]  }
0x28: {  	s2 =	sld [smem:$0x3F8E]  }
0x29: {  	s4 =	sld [smem:$0x3F90]  }
0x2a: {  	p0 =	seq.s32 s5, $0x0;
	s5 =	sld [smem:$0x3F91]  }
0x2b: {  	s6 =	sld [smem:$0x3F92]  }
0x2c: {  	s7 =	sld [smem:$0x3F93]  }
0x2d: {  	s3 =	simm.s32 $0x108;
	s8 =	sld [smem:$0x3F94]  }
0x2e: {  	s3 =	simm.s32 @!p0 $0x1082;
	s9 =	sld [smem:$0x3F95]  }
0x2f: {  	lr =	sadd.s32 s0, s3;
	s0 =	sld [smem:$0x3F8C]  }
0x30: {  	s3 =	sld [smem:$0x3F8F]  }
0x31: {  	[smem:$0x3F98] =	sst s10  }
0x32: {  	s10 =	sld [smem:$0x3F96];
	_ =	sdelay $0x3  }
0x33: {  	p0 =	seq.s32 s10, $0x1;
	s10 =	sld [smem:$0x3F98];
	_ =	sdelay $0x3  }
0x34: {  	[smem:$0x3F98] =	sst s10  }
0x35: {  	s10 =	sld [smem:$0x3F97];
	_ =	sdelay $0x3  }
0x36: {  	p1 =	seq.s32 s10, $0x1;
	s10 =	sld [smem:$0x3F98];
	_ =	sdelay $0x3  }
0x37: {  	[smem:$0x3F98] =	sst s10  }
0x38: {  	s10 =	sld [smem:$0x3F99]  }
0x39: {  	_ = 	snop;
	(pc) =	sbr.ind lr, $3  }
0x3a: {  	_ = 	snop  }
0x3b: {  	_ = 	snop  }
0x3c: {  	p2 =	seq.s32 s10, $0x1;
	s10 =	sld [smem:$0x3F98]  }
0x3d: {  	_ =	shalt  }
0x3e: {  	_ =	shalt  }
0x3f: {  	_ =	shalt  }
0x40: {  	_ =	shalt  }
0x41: {  	_ =	shalt  }
0x42: {  	_ =	shalt  }
0x43: {  	_ =	shalt  }
0x44: {  	_ =	shalt  }
0x45: {  	_ =	shalt  }
0x46: {  	_ =	shalt  }
0x47: {  	_ =	shalt  }
0x48: {  	_ =	shalt  }
0x49: {  	_ =	shalt  }
0x4a: {  	_ =	shalt  }
0x4b: {  	_ =	shalt  }
0x4c: {  	_ =	shalt  }
0x4d: {  	_ =	shalt  }
0x4e: {  	_ =	shalt  }
0x4f: {  	_ =	shalt  }
0x50: {  	_ =	shalt  }
0x51: {  	_ =	shalt  }
0x52: {  	_ =	shalt  }
0x53: {  	_ =	shalt  }
0x54: {  	_ =	shalt  }
0x55: {  	_ =	shalt  }
0x56: {  	_ =	shalt  }
0x57: {  	_ =	shalt  }
0x58: {  	_ =	shalt  }
0x59: {  	_ =	shalt  }
0x5a: {  	_ =	shalt  }
0x5b: {  	_ =	shalt  }
0x5c: {  	_ =	shalt  }
0x5d: {  	_ =	shalt  }
0x5e: {  	_ =	shalt  }
0x5f: {  	_ =	shalt  }
0x60: {  	_ =	shalt  }
0x61: {  	_ =	shalt  }
0x62: {  	_ =	shalt  }
0x63: {  	_ =	shalt  }
0x64: {  	_ =	shalt  }
0x65: {  	_ =	shalt  }
0x66: {  	_ =	shalt  }
0x67: {  	_ =	shalt  }
0x68: {  	_ =	shalt  }
0x69: {  	_ =	shalt  }
0x6a: {  	_ =	shalt  }
0x6b: {  	_ =	shalt  }
0x6c: {  	_ =	shalt  }
0x6d: {  	_ =	shalt  }
0x6e: {  	_ =	shalt  }
0x6f: {  	_ =	shalt  }
0x70: {  	_ =	shalt  }
0x71: {  	_ =	shalt  }
0x72: {  	_ =	shalt  }
0x73: {  	_ =	shalt  }
0x74: {  	_ =	shalt  }
0x75: {  	_ =	shalt  }
0x76: {  	_ =	shalt  }
0x77: {  	_ =	shalt  }
0x78: {  	_ =	shalt  }
0x79: {  	_ =	shalt  }
0x7a: {  	_ =	shalt  }
0x7b: {  	_ =	shalt  }
0x7c: {  	_ =	shalt  }
0x7d: {  	_ =	shalt  }
0x7e: {  	_ =	shalt  }
0x7f: {  	_ =	shalt  }
0x80: {  	_ =	shalt  }
0x81: {  	_ =	shalt  }
0x82: {  	_ =	shalt  }
0x83: {  	_ =	shalt  }
0x84: {  	_ =	shalt  }
0x85: {  	_ =	shalt  }
0x86: {  	_ =	shalt  }
0x87: {  	_ =	shalt  }
.Lfunc_end0:
.L_simem_size_0:
called_computation.5_lowered:
.L_overlay_start_0:
0x88: {  	s2 =	sld [smem:$0x3FD9]  }
0x89: {  	s3 =	sld [smem:$0x3FFE];
	_ =	sdelay $0x1  }
0x8a: {  	s1 =	srdreg.scid  }
0x8b: {  	s0 =	sand.u32 $0x1, s1  }
0x8c: {  	s17 =	sshll.u32 s0, $0xA;
	s2 =	sadd.s32 s3, s2  }
0x8d: {  	s2 =	sadd.s32 s2, s17  }
0x8e: {  	[smem:$0x3FA4] =	sst s2  }
0x8f: {  	_ = 	snop  }
0x90: {  	(tm) =	ssettm $0x1  }
0x91: {  	s18 =	sld [smem:$0x3FFB];
	_ =	sdelay $0x3  }
0x92: {  	_ =	strace s18  }
0x93: {  	s2 =	sld [smem:$0x3FFC];
	_ =	sdelay $0x3  }
0x94: {  	_ =	strace s2  }
0x95: {  	s2 =	sld [smem:$0x3FFD];
	_ =	sdelay $0x3  }
0x96: {  	_ =	strace s2  }
0x97: {  	_ =	strace $0x8FFFFFFF  }
0x98: {  	s19 =	sld [smem:$0x3FDB];
	_ =	sdelay $0x1  }
0x99: {  	s20 =	simm.s32 $_scs_section_size  }
0x9a: {  	s4 =	simm.s32 $_size__tile_overlayer_lowered;
	s5 =	simm.s32 $_tile_overlayer_lowered  }
0x9b: {  	s6 =	simm.s32 $0x1BFF;
	s21 =	sshll.u32 s5, $0x1;
	s3 =	sadd.s32 s20, s19  }
0x9c: {  	s22 =	simm.s32 $0x0;
	s4 =	sshll.u32 s4, $0x1;
	s5 =	sadd.s32 s21, s3  }
0x9d: {  	[timem:s22], [sflag:s6] =	dma.local [hbm:s5], s4  }
0x9e: {  	_ =	swait.ge [sflag:s6], s4  }
0x9f: {  	s4 =	ssub.s32 $0x0, s4;
	[sflag:s6] =	ssyncset.done $0x0  }
0xa0: {  	[sflag:s6] =	ssyncadd.s32 s4;
	_ =	sdelay $0x1  }
0xa1: {  	s23 =	simm.s32 $0x1B8B  }
0xa2: {  	_ =	swait.ge [sflag:s23], $0x1  }
0xa3: {  	[sflag:s23] =	ssyncset.done $0x0  }
0xa4: {  	[sflag:s23] =	ssyncadd.s32 $0xFFFFFFFF  }
0xa5: {  	s4 =	sld [smem:$0x0]  }
0xa6: {  	s5 =	sand.u32 $0xFFFFFFFE, s1  }
0xa7: {  	p0 =	sne.s32 s1, s5  }
0xa8: {  	s5 =	sshll.u32 @p0 s5, $0xE  }
0xa9: {  	s5 =	sadd.s32 @p0 $0x11B8D, s5;
	s6 =	sshll.u32 @p0 s4, $0x11  }
0xaa: {  	s5 =	sor.u32 @p0 s6, s5  }
0xab: {  	[sflag:s5] =	ssyncadd.remote.s32 @p0 $0x1;
	_ =	sdelay $0x1  }
0xac: {  	s5 =	simm.s32 @p0 $0x1B8D  }
0xad: {  	_ =	swait.eq @p0 [sflag:s5], $0x1  }
0xae: {  	[sflag:s5] =	ssyncadd.s32 @p0 $0xFFFFFFFF  }
0xaf: {  	s6 =	sshll.u32 @!p0 s1, $0xE  }
0xb0: {  	s6 =	sor.u32 @!p0 $0x4000, s6;
	s5 =	simm.s32 @!p0 $0x1B8D  }
0xb1: {  	s4 =	sshll.u32 @!p0 s4, $0x11;
	s6 =	sadd.s32 @!p0 $0x11B8D, s6;
	_ =	swait.eq @!p0 [sflag:s5], $0x1  }
0xb2: {  	s4 =	sor.u32 @!p0 s4, s6;
	[sflag:s5] =	ssyncadd.s32 @!p0 $0xFFFFFFFF  }
0xb3: {  	s25 =	simm.s32 $0x1B8E;
	s24 =	sld [smem:$0x3FFE];
	[sflag:s4] =	ssyncadd.remote.s32 @!p0 $0x1  }
0xb4: {  	s26 =	simm.s32 $execute0_lowered;
	[smem:$0x3FD2] =	sst s25  }
0xb5: {  	s5 =	sshll.u32 s26, $0x1;
	_ =	strace $0x80000055;
	[dreg:$0x1] =	wrdreg $0xFFFFFFFF  }
0xb6: {  	s28 =	simm.s32 $_size_execute0_lowered;
	s3 =	sadd.s32 s3, s5;
	[dreg:$0x0] =	wrdreg $0x0  }
0xb7: {  	s5 =	sshll.u32 s28, $0x1;
	[dreg:$0x2] =	wrdreg s3  }
0xb8: {  	[dreg:$0x3] =	wrdreg s5  }
0xb9: {  	[dreg:$0x4] =	wrdreg $0xC0  }
0xba: {  	_ =	task [dreg:s22], $0x5FFFF  }
0xbb: {  	[dreg:$0x1] =	wrdreg $0xFFFFFFFF  }
0xbc: {  	[dreg:$0x0] =	wrdreg $0x60  }
0xbd: {  	[dreg:$0x2] =	wrdreg s24  }
0xbe: {  	[dreg:$0x3] =	wrdreg $0x41000  }
0xbf: {  	[dreg:$0x4] =	wrdreg $0xA  }
0xc0: {  	_ =	task.clear_ibuf [dreg:s22], $0x5FFFF;
	_ =	strace $0x90000055  }
0xc1: {  	s29 =	simm.s32 $0xA;
	_ =	strace $0x80000057  }
0xc2: {  	_ =	swait.ge [sflag:s29], $0x1  }
0xc3: {  	[sflag:s29] =	ssyncadd.s32 $0xFFFFFFFF  }
0xc4: {  	_ =	strace $0x90000057  }
0xc5: {  	_ =	sfence  }
0xc6: {  	s30 =	sld [smem:$0x0];
	_ =	sdelay $0x2  }
0xc7: {  	s31 =	sshll.u32 s1, $0xD;
	s1 =	sshrl.u32 s1, $0x2  }
0xc8: {  	s4 =	sand.u32 $0x4000, s31;
	s1 =	sadd.s32 s1, s30  }
0xc9: {  	s0 =	sor.u32 s4, s0;
	s1 =	sshll.u32 s1, $0x11  }
0xca: {  	s0 =	sor.u32 s1, s0  }
0xcb: {  	s0 =	sadd.s32 $0x8F2B, s0  }
0xcc: {  	[sflag:s0] =	ssyncadd.remote.s32 $0x1  }
0xcd: {  	_ =	sfence.sel $0xFFFF  }
0xce: {  	[dreg:$0x0] =	wrdreg $0xFFFFFFFF;
	(pc) =	sbr.abs _section_cstart, $3  }
0xcf: {  	[dreg:$0x1] =	wrdreg $0xFFFFFFFF  }
0xd0: {  	_ =	task.clear_ibuf [dreg:s22], $0x2FFFF;
	_ =	strace $0x9FFFFFFF  }
0xd1: {  	(tm) =	ssettm $0x7FFFFFFF  }
tec
execute0_lowered:
.L_overlay_start_1:
0x0: {  	(tag) =	ssettag $0x1  }
0x1: {  	s1 =	srdreg.scid  }
0x2: {  	s0 =	stileid.u32;
	s6 =	rddreg [dreg:$0x0]  }
0x3: {  	s2 =	rddreg [dreg:$0x1];
	s4 =	smul.u32 $0x2780, s0  }
0x4: {  	s3 =	simm.s32 $0x0;
	s15 =	simm.s32 $0x2;
	s8 =	smul.u32 $0x4F0, s0  }
0x5: {  	s16 =	simm.s32 $0x80;
	s17 =	simm.s32 $0x100;
	s9 =	smul.u32 $0x280, s0  }
0x6: {  	s18 =	simm.s32 $0x1;
	s5 =	sand.u32 $0x1, s1;
	s26 =	smul.u32 $0x50000, s0  }
0x7: {  	s19 =	simm.s32 $0x0;
	s1 =	rddreg [dreg:$0x2];
	s7 =	smul.u32 $0x27800, s5  }
0x8: {  	[smem:$0x7FF] =	sst s3;
	s31 =	sshll.u32 s0, $0x6;
	s10 =	smul.u32 $0x2800, s5  }
0x9: {  	_ =	strace $0x80000056;
	s25 =	ssub.s32 $0x2, s5;
	s5 =	sadd.s32 $0x38600, s6  }
0xa: {  	s13 =	sadd.s32 s8, s6;
	s29 =	sshrl.u32 s25, $0x1;
	s30 =	sshrl.u32 s26, $0x2  }
0xb: {  	s7 =	sadd.s32 s7, s4;
	s4 =	sadd.s32 $0x181000, s6;
	s24 =	sadd.s32 s9, s10  }
0xc: {  	s11 =	ssub.s32 s25, s29;
	s14 =	sadd.s32 s30, s2;
	s7 =	sshrl.u32 s7, $0x3  }
0xd: {  	s9 =	smax.u32 s11, $0x1;
	s12 =	sadd.s32 s7, s6;
	s7 =	sshll.u32 s24, $0x4  }
0xe: {  	s11 =	sadd.s32 $0x33600, s13;
	s13 =	sadd.s32 $0x2E600, s13;
	s28 =	sadd.s32 s7, s6  }
0xf: {  	s6 =	sor.u32 $0x1C02, s31;
	s10 =	sadd.s32 $0x1A800, s12;
	s12 =	sadd.s32 $0x177200, s12  }
0x10: {  	s14 =	sshrl.u32 s14, $0x3;
	s7 =	sadd.s32 $0x359800, s28;
	s8 =	sadd.s32 $0x3A9800, s28  }
.LBB2_1:
0x11: {  	[spmem:s14], [sflag:s6] =	dma.local [hbm:s5], $0x2800  }
0x12: {  	_ =	swait.ge [sflag:s15], $0x2800  }
0x13: {  	[sflag:s15] =	ssyncset.done $0x0  }
0x14: {  	[sflag:s15] =	ssyncadd.s32 $0xFFFFD800  }
0x15: {  	s20 =	sadd.s32 $0x0, s10;
	[bflag:$0x0] =	sbarrier.arrive $0xFFFF  }
0x16: {  	[tilespmem:s3], [sflag:$0x2] =	stream.linear.gather [hbm4b:s20+s3], $0x80, $0x38;
	[tilespmem:$0x18100] =	vst v63  }
0x17: {  	_ =	swait.ge [sflag:s15], $0x80  }
0x18: {  	[sflag:s15] =	ssyncset.done $0x0  }
0x19: {  	s31 =	sadd.s32 $0x0, s11;
	[sflag:s15] =	ssyncadd.s32 $0xFFFFFF80  }
0x1a: {  	[tilespmem:s16], [sflag:$0x2] =	stream.linear.gather [hbm4b:s31+s3], $0x80, $0x38;
	[tilespmem:$0x18100] =	vst v63  }
0x1b: {  	_ =	swait.ge [sflag:s15], $0x80  }
0x1c: {  	[sflag:s15] =	ssyncset.done $0x0  }
0x1d: {  	[sflag:s15] =	ssyncadd.s32 $0xFFFFFF80  }
0x1e: {  	[tilespmem:s17], [sflag:$0x1] =	stream.indirect.gather [hbm4b:s4+s16], $0x80, s3, s16, $0xb8;
	[tilespmem:$0x18100] =	vst v63  }
0x1f: {  	_ =	swait.ge [sflag:s18], $0x4000  }
0x20: {  	[sflag:s18] =	ssyncset.done $0x0  }
0x21: {  	[sflag:s18] =	ssyncadd.s32 $0xFFFFC000  }
0x22: {  	[spmem:s2] =	stream.indirect.scatter.add.f32 [tilespmem:s17], [sflag:$0x2], $0x80, s16, s16, $0xb8;
	[tilespmem:$0x18100] =	vst v63  }
0x23: {  	_ =	swait.ge [sflag:s15], $0x4000  }
0x24: {  	s21 =	simm.s32 $0x20;
	s20 =	simm.s32 $0x10;
	[sflag:s15] =	ssyncset.done $0x0  }
.LBB2_2:
0x25: {  	s22 =	sadd.s32 s20, s10  }
0x26: {  	[sflag:s15] =	ssyncadd.s32 $0xFFFFC000;
	s23 =	smov.u32 s21;
	s24 =	sadd.s32 $0x10, s21  }
0x27: {  	[tilespmem:s3], [sflag:$0x2] =	stream.linear.gather [hbm4b:s22+s3], $0x80, $0x38;
	[tilespmem:$0x18100] =	vst v63  }
0x28: {  	p0 =	sne.s32 s21, $0x4E0;
	_ =	swait.ge [sflag:s15], $0x80  }
0x29: {  	[sflag:s15] =	ssyncset.done $0x0  }
0x2a: {  	s21 =	sadd.s32 s20, s11;
	s20 =	smov.u32 s23;
	[sflag:s15] =	ssyncadd.s32 $0xFFFFFF80  }
0x2b: {  	[tilespmem:s16], [sflag:$0x2] =	stream.linear.gather [hbm4b:s21+s3], $0x80, $0x38;
	[tilespmem:$0x18100] =	vst v63  }
0x2c: {  	_ =	swait.ge [sflag:s15], $0x80  }
0x2d: {  	[sflag:s15] =	ssyncset.done $0x0  }
0x2e: {  	[sflag:s15] =	ssyncadd.s32 $0xFFFFFF80  }
0x2f: {  	[tilespmem:s17], [sflag:$0x1] =	stream.indirect.gather [hbm4b:s4+s16], $0x80, s3, s16, $0xb8;
	[tilespmem:$0x18100] =	vst v63  }
0x30: {  	_ =	swait.ge [sflag:s18], $0x4000  }
.Ltmp0:
0x31: {  	[sflag:s18] =	ssyncset.done $0x0;
	(pc) =	sbr.rel @p0 .LBB2_2-.Ltmp0, $4  }
0x32: {  	[sflag:s18] =	ssyncadd.s32 $0xFFFFC000  }
0x33: {  	[spmem:s2] =	stream.indirect.scatter.add.f32 [tilespmem:s17], [sflag:$0x2], $0x80, s16, s16, $0xb8;
	[tilespmem:$0x18100] =	vst v63  }
0x34: {  	_ =	swait.ge [sflag:s15], $0x4000  }
0x35: {  	s21 =	smov.u32 s24;
	[sflag:s15] =	ssyncset.done $0x0  }
0x36: {  	s21 =	sadd.s32 s20, s10;
	[sflag:s15] =	ssyncadd.s32 $0xFFFFC000  }
0x37: {  	[tilespmem:s3], [sflag:$0x2] =	stream.linear.gather [hbm4b:s21+s3], $0x80, $0x38;
	[tilespmem:$0x18100] =	vst v63  }
0x38: {  	_ =	swait.ge [sflag:s15], $0x80  }
0x39: {  	[sflag:s15] =	ssyncset.done $0x0  }
0x3a: {  	s29 =	sadd.s32 s20, s11;
	[sflag:s15] =	ssyncadd.s32 $0xFFFFFF80  }
0x3b: {  	[tilespmem:s16], [sflag:$0x2] =	stream.linear.gather [hbm4b:s29+s3], $0x80, $0x38;
	[tilespmem:$0x18100] =	vst v63  }
0x3c: {  	_ =	swait.ge [sflag:s15], $0x80  }
0x3d: {  	[sflag:s15] =	ssyncset.done $0x0  }
0x3e: {  	[sflag:s15] =	ssyncadd.s32 $0xFFFFFF80  }
0x3f: {  	[tilespmem:s17], [sflag:$0x1] =	stream.indirect.gather [hbm4b:s4+s16], $0x80, s3, s16, $0xb8;
	[tilespmem:$0x18100] =	vst v63  }
0x40: {  	_ =	swait.ge [sflag:s18], $0x4000  }
0x41: {  	[sflag:s18] =	ssyncset.done $0x0  }
0x42: {  	[sflag:s18] =	ssyncadd.s32 $0xFFFFC000  }
0x43: {  	[spmem:s2] =	stream.indirect.scatter.add.f32 [tilespmem:s17], [sflag:$0x2], $0x80, s16, s16, $0xb8;
	[tilespmem:$0x18100] =	vst v63  }
0x44: {  	_ =	swait.ge [sflag:s15], $0x4000  }
0x45: {  	[sflag:s15] =	ssyncset.done $0x0  }
0x46: {  	[sflag:s15] =	ssyncadd.s32 $0xFFFFC000  }
0x47: {  	[bflag:$0x0] =	sbarrier.arrive $0xFFFF  }
0x48: {  	[hbm:s7], [sflag:s6] =	dma.local [spmem:s14], $0x2800  }
0x49: {  	_ =	swait.ge [sflag:s15], $0x2800  }
0x4a: {  	[sflag:s15] =	ssyncset.done $0x0  }
0x4b: {  	[sflag:s15] =	ssyncadd.s32 $0xFFFFD800  }
0x4c: {  	[bflag:$0x0] =	sbarrier.arrive $0xFFFF  }
0x4d: {  	[spmem:s14], [sflag:s6] =	dma.local [hbm:s5], $0x2800  }
0x4e: {  	_ =	swait.ge [sflag:s15], $0x2800  }
0x4f: {  	[sflag:s15] =	ssyncset.done $0x0  }
0x50: {  	[sflag:s15] =	ssyncadd.s32 $0xFFFFD800  }
0x51: {  	s30 =	sadd.s32 $0x0, s12;
	[bflag:$0x0] =	sbarrier.arrive $0xFFFF  }
0x52: {  	[tilespmem:s3], [sflag:$0x2] =	stream.linear.gather [hbm4b:s30+s3], $0x80, $0x38;
	[tilespmem:$0x18100] =	vst v63  }
0x53: {  	_ =	swait.ge [sflag:s15], $0x80  }
0x54: {  	[sflag:s15] =	ssyncset.done $0x0  }
0x55: {  	s31 =	sadd.s32 $0x0, s13;
	[sflag:s15] =	ssyncadd.s32 $0xFFFFFF80  }
0x56: {  	[tilespmem:s16], [sflag:$0x2] =	stream.linear.gather [hbm4b:s31+s3], $0x80, $0x38;
	[tilespmem:$0x18100] =	vst v63  }
0x57: {  	_ =	swait.ge [sflag:s15], $0x80  }
0x58: {  	[sflag:s15] =	ssyncset.done $0x0  }
0x59: {  	[sflag:s15] =	ssyncadd.s32 $0xFFFFFF80  }
0x5a: {  	[tilespmem:s17], [sflag:$0x1] =	stream.indirect.gather [hbm4b:s4+s16], $0x80, s3, s16, $0xb8;
	[tilespmem:$0x18100] =	vst v63  }
0x5b: {  	_ =	swait.ge [sflag:s18], $0x4000  }
0x5c: {  	[sflag:s18] =	ssyncset.done $0x0  }
0x5d: {  	[sflag:s18] =	ssyncadd.s32 $0xFFFFC000  }
0x5e: {  	[spmem:s2] =	stream.indirect.scatter.add.f32 [tilespmem:s17], [sflag:$0x2], $0x80, s16, s16, $0xb8;
	[tilespmem:$0x18100] =	vst v63  }
0x5f: {  	_ =	swait.ge [sflag:s15], $0x4000  }
0x60: {  	s20 =	simm.s32 $0x10;
	s21 =	simm.s32 $0x20;
	[sflag:s15] =	ssyncset.done $0x0  }
.LBB2_4:
0x61: {  	s22 =	sadd.s32 s20, s12  }
0x62: {  	[sflag:s15] =	ssyncadd.s32 $0xFFFFC000;
	s23 =	smov.u32 s21;
	s24 =	sadd.s32 $0x10, s21  }
0x63: {  	[tilespmem:s3], [sflag:$0x2] =	stream.linear.gather [hbm4b:s22+s3], $0x80, $0x38;
	[tilespmem:$0x18100] =	vst v63  }
0x64: {  	p0 =	sne.s32 s21, $0x4E0;
	_ =	swait.ge [sflag:s15], $0x80  }
0x65: {  	[sflag:s15] =	ssyncset.done $0x0  }
0x66: {  	s21 =	sadd.s32 s20, s13;
	s20 =	smov.u32 s23;
	[sflag:s15] =	ssyncadd.s32 $0xFFFFFF80  }
0x67: {  	[tilespmem:s16], [sflag:$0x2] =	stream.linear.gather [hbm4b:s21+s3], $0x80, $0x38;
	[tilespmem:$0x18100] =	vst v63  }
0x68: {  	_ =	swait.ge [sflag:s15], $0x80  }
0x69: {  	[sflag:s15] =	ssyncset.done $0x0  }
0x6a: {  	[sflag:s15] =	ssyncadd.s32 $0xFFFFFF80  }
0x6b: {  	[tilespmem:s17], [sflag:$0x1] =	stream.indirect.gather [hbm4b:s4+s16], $0x80, s3, s16, $0xb8;
	[tilespmem:$0x18100] =	vst v63  }
0x6c: {  	_ =	swait.ge [sflag:s18], $0x4000  }
.Ltmp1:
0x6d: {  	[sflag:s18] =	ssyncset.done $0x0;
	(pc) =	sbr.rel @p0 .LBB2_4-.Ltmp1, $4  }
0x6e: {  	[sflag:s18] =	ssyncadd.s32 $0xFFFFC000  }
0x6f: {  	[spmem:s2] =	stream.indirect.scatter.add.f32 [tilespmem:s17], [sflag:$0x2], $0x80, s16, s16, $0xb8;
	[tilespmem:$0x18100] =	vst v63  }
0x70: {  	_ =	swait.ge [sflag:s15], $0x4000  }
0x71: {  	s21 =	smov.u32 s24;
	[sflag:s15] =	ssyncset.done $0x0  }
0x72: {  	s21 =	sadd.s32 s20, s12;
	[sflag:s15] =	ssyncadd.s32 $0xFFFFC000  }
0x73: {  	[tilespmem:s3], [sflag:$0x2] =	stream.linear.gather [hbm4b:s21+s3], $0x80, $0x38;
	[tilespmem:$0x18100] =	vst v63  }
0x74: {  	_ =	swait.ge [sflag:s15], $0x80  }
0x75: {  	[sflag:s15] =	ssyncset.done $0x0  }
0x76: {  	s31 =	sadd.s32 s20, s13;
	[sflag:s15] =	ssyncadd.s32 $0xFFFFFF80  }
0x77: {  	[tilespmem:s16], [sflag:$0x2] =	stream.linear.gather [hbm4b:s31+s3], $0x80, $0x38;
	[tilespmem:$0x18100] =	vst v63  }
0x78: {  	_ =	swait.ge [sflag:s15], $0x80  }
0x79: {  	[sflag:s15] =	ssyncset.done $0x0  }
0x7a: {  	[sflag:s15] =	ssyncadd.s32 $0xFFFFFF80  }
0x7b: {  	[tilespmem:s17], [sflag:$0x1] =	stream.indirect.gather [hbm4b:s4+s16], $0x80, s3, s16, $0xb8;
	[tilespmem:$0x18100] =	vst v63  }
0x7c: {  	_ =	swait.ge [sflag:s18], $0x4000  }
0x7d: {  	[sflag:s18] =	ssyncset.done $0x0  }
0x7e: {  	[sflag:s18] =	ssyncadd.s32 $0xFFFFC000  }
0x7f: {  	[spmem:s2] =	stream.indirect.scatter.add.f32 [tilespmem:s17], [sflag:$0x2], $0x80, s16, s16, $0xb8;
	[tilespmem:$0x18100] =	vst v63  }
0x80: {  	_ =	swait.ge [sflag:s15], $0x4000  }
0x81: {  	[sflag:s15] =	ssyncset.done $0x0  }
0x82: {  	s19 =	sadd.s32 $0x1, s19;
	[sflag:s15] =	ssyncadd.s32 $0xFFFFC000  }
0x83: {  	p0 =	sne.s32 s19, s9;
	[bflag:$0x0] =	sbarrier.arrive $0xFFFF  }
0x84: {  	[hbm:s8], [sflag:s6] =	dma.local [spmem:s14], $0x2800  }
.Ltmp2:
0x85: {  	_ =	swait.ge [sflag:s15], $0x2800;
	(pc) =	sbr.rel @p0 .LBB2_1-.Ltmp2, $3  }
0x86: {  	[sflag:s15] =	ssyncset.done $0x0  }
0x87: {  	[sflag:s15] =	ssyncadd.s32 $0xFFFFD800  }
0x88: {  	[bflag:$0x0] =	sbarrier.arrive $0xFFFF;
	_ =	sdelay $0x1  }
0x89: {  	_ =	sfence.sel $0x180000  }
0x8a: {  	[bflag:$0x0] =	sbarrier.arrive $0xFFFF  }
0x8b: {  	p0 =	sne.s32 s0, $0x0;
	_ =	strace $0x90000056  }
0x8c: {  	s0 =	sadd.s32 @!p0 $0x100000, s1;
	[bflag:$0x2] =	sbarrier.arrive $0xFFFF  }
0x8d: {  	[sflag:s0] =	ssyncadd.tile.s32 @!p0 $0x1;
	_ =	shalt  }
.Lfunc_end2:
_tile_overlayer_lowered:
.L_overlay_start_2:
0x8e: {  	(tag) =	ssettag $0x2  }
0x8f: {  	s0 =	rddreg [dreg:$0x0];
	s2 =	stileid.u32  }
0x90: {  	s1 =	rddreg [dreg:$0x1];
	p0 =	sne.s32 s2, $0x0  }
0x91: {  	s3 =	rddreg [dreg:$0x2];
	[bflag:$0x3] =	sbarrier.arrive $0xFFFF;
	s2 =	simm.s32 @!p0 $0x1C02  }
0x92: {  	[timem:s3], [sflag:s2] =	dma.local @!p0 [hbm:s0], s1  }
0x93: {  	s0 =	simm.s32 @!p0 $0x2  }
0x94: {  	_ =	swait.ge @!p0 [sflag:s0], s1  }
0x95: {  	s1 =	ssub.s32 @!p0 $0x0, s1;
	[sflag:s0] =	ssyncset.done @!p0 $0x0  }
0x96: {  	[sflag:s0] =	ssyncadd.s32 @!p0 s1  }
0x97: {  	[bflag:$0x3] =	sbarrier.arrive $0xFFFF  }
0x98: {  	_ =	shalt  }

</sc_bundles>
